<compile_context>
chip_gen: v7x
topology: tpu7x:2x2x1
jax: 0.10.2.dev20260603
libtpu: 0.0.44.dev20260713+nightly
codegen_flags: <defaults>
</compile_context>

<pallas_src>
import functools

import jax
import jax.numpy as jnp
from jax import lax
from jax.experimental import pallas as pl
from jax.experimental.pallas import tpu as pltpu
from jax.experimental.pallas import tpu_sc as plsc

N_NODES = 10000
N_EDGES = 320000
CH = 128
ROW = 144
BR = 2000
NC = 2
NS = 16
NW = NC * NS
EPW = N_EDGES // NW
EB = 80
NB = EPW // EB
ZC = 16
NCHUNK = N_NODES // ZC



def _dense0_body(x_ref, w_ref, ase_ref, ade_ref, hx_ref, ad_ref):
    h = jnp.dot(x_ref[...], w_ref[...], preferred_element_type=jnp.float32)
    hx_ref[:, :CH] = h
    hx_ref[:, CH:] = jnp.dot(h, ase_ref[...], preferred_element_type=jnp.float32)
    ad_ref[...] = jnp.dot(h, ade_ref[...], preferred_element_type=jnp.float32)


def _dense0(x, W, AsE, AdE):
    return pl.pallas_call(
        _dense0_body,
        grid=(N_NODES // BR,),
        in_specs=[
            pl.BlockSpec((BR, CH), lambda i: (i, 0)),
            pl.BlockSpec((CH, CH), lambda i: (0, 0)),
            pl.BlockSpec((CH, 16), lambda i: (0, 0)),
            pl.BlockSpec((CH, 16), lambda i: (0, 0)),
        ],
        out_specs=[
            pl.BlockSpec((BR, ROW), lambda i: (i, 0)),
            pl.BlockSpec((BR, 16), lambda i: (i, 0)),
        ],
        out_shape=[
            jax.ShapeDtypeStruct((N_NODES, ROW), jnp.float32),
            jax.ShapeDtypeStruct((N_NODES, 16), jnp.float32),
        ],
    )(x, W, AsE, AdE)


def _combine_body(acc_ref, b_ref, exp_ref, w_ref, ase_ref, ade_ref, hx_ref, ad_ref):
    s = acc_ref[0] + acc_ref[1]
    num = s[:, :CH]
    dexp = jnp.dot(s[:, CH:], exp_ref[...], preferred_element_type=jnp.float32) + 1e-16
    xv = jnp.maximum(num / dexp + b_ref[...], 0.0)
    h = jnp.dot(xv, w_ref[...], preferred_element_type=jnp.float32)
    hx_ref[:, :CH] = h
    hx_ref[:, CH:] = jnp.dot(h, ase_ref[...], preferred_element_type=jnp.float32)
    ad_ref[...] = jnp.dot(h, ade_ref[...], preferred_element_type=jnp.float32)


def _combine(accden, b, Exp, W, AsE, AdE):
    return pl.pallas_call(
        _combine_body,
        grid=(N_NODES // BR,),
        in_specs=[
            pl.BlockSpec((NC, BR, ROW), lambda i: (0, i, 0)),
            pl.BlockSpec((1, CH), lambda i: (0, 0)),
            pl.BlockSpec((16, CH), lambda i: (0, 0)),
            pl.BlockSpec((CH, CH), lambda i: (0, 0)),
            pl.BlockSpec((CH, 16), lambda i: (0, 0)),
            pl.BlockSpec((CH, 16), lambda i: (0, 0)),
        ],
        out_specs=[
            pl.BlockSpec((BR, ROW), lambda i: (i, 0)),
            pl.BlockSpec((BR, 16), lambda i: (i, 0)),
        ],
        out_shape=[
            jax.ShapeDtypeStruct((N_NODES, ROW), jnp.float32),
            jax.ShapeDtypeStruct((N_NODES, 16), jnp.float32),
        ],
    )(accden, b, Exp, W, AsE, AdE)


def _final_body(acc_ref, b_ref, exp_ref, out_ref):
    s = acc_ref[0] + acc_ref[1]
    dexp = jnp.dot(s[:, CH:], exp_ref[...], preferred_element_type=jnp.float32) + 1e-16
    out_ref[...] = s[:, :CH] / dexp + b_ref[...]


def _final(accden, b, Exp):
    return pl.pallas_call(
        _final_body,
        grid=(N_NODES // BR,),
        in_specs=[
            pl.BlockSpec((NC, BR, ROW), lambda i: (0, i, 0)),
            pl.BlockSpec((1, CH), lambda i: (0, 0)),
            pl.BlockSpec((16, CH), lambda i: (0, 0)),
        ],
        out_specs=pl.BlockSpec((BR, CH), lambda i: (i, 0)),
        out_shape=jax.ShapeDtypeStruct((N_NODES, CH), jnp.float32),
    )(accden, b, Exp)



def _make_edge(headlane):
    mesh = plsc.VectorSubcoreMesh(core_axis_name="c", subcore_axis_name="s")

    @functools.partial(
        pl.kernel,
        out_type=jax.ShapeDtypeStruct((NC, N_NODES, ROW), jnp.float32),
        mesh=mesh,
        scratch_types=[
            pltpu.VMEM((EB,), jnp.int32),
            pltpu.VMEM((EB,), jnp.int32),
            pltpu.VMEM((EB, ROW), jnp.float32),
            pltpu.VMEM((EB, 16), jnp.float32),
            pltpu.VMEM((ZC, ROW), jnp.float32),
            pltpu.VMEM_SHARED((N_NODES, ROW), jnp.float32),
            pltpu.SemaphoreType.DMA,
            pltpu.SemaphoreType.DMA,
        ],
        compiler_params=pltpu.CompilerParams(use_tc_tiling_on_sc=False),
    )
    def k(hx, ad, srcr, dstr, out, idxs, idxd, hrows, brows, zbuf, accsh, sem1, sem2):
        cid = lax.axis_index("c")
        sid = lax.axis_index("s")
        wid = cid * NS + sid
        zv = jnp.zeros((16,), jnp.float32)
        for r in range(ZC):
            for j in range(ROW // 16):
                zbuf[r, pl.ds(16 * j, 16)] = zv

        def zchunk(t, carry):
            c = sid + NS * t

            @pl.when(c < NCHUNK)
            def _():
                pltpu.sync_copy(zbuf, accsh.at[pl.ds(c * ZC, ZC)])

            return carry

        lax.fori_loop(0, NCHUNK // NS + 1, zchunk, 0)
        plsc.subcore_barrier()
        base0 = pl.multiple_of(wid * EPW, 8)

        def blk(bi, carry):
            base = pl.multiple_of(base0 + bi * EB, 8)
            pltpu.sync_copy(srcr.at[pl.ds(base, EB)], idxs)
            pltpu.sync_copy(dstr.at[pl.ds(base, EB)], idxd)
            cp1 = pltpu.async_copy(hx.at[idxs], hrows, sem1)
            cp2 = pltpu.async_copy(ad.at[idxd], brows, sem2)
            cp1.wait()
            cp2.wait()

            def edge(e, c2):
                av = hrows[e, pl.ds(CH, 16)]
                bv = brows[e, :]
                es = av + bv
                es = jnp.where(es >= 0.0, es, es * 0.2)
                w = jnp.exp(es)
                hrows[e, pl.ds(CH, 16)] = w
                for j in range(8):
                    ws = w[headlane[j]]
                    hrows[e, pl.ds(16 * j, 16)] = hrows[e, pl.ds(16 * j, 16)] * ws
                return c2

            lax.fori_loop(0, EB, edge, 0)
            pltpu.sync_copy(hrows, accsh.at[idxd], add=True)
            return carry

        lax.fori_loop(0, NB, blk, 0)
        plsc.subcore_barrier()

        def rchunk(t, carry):
            c = sid + NS * t

            @pl.when(c < NCHUNK)
            def _():
                pltpu.sync_copy(accsh.at[pl.ds(c * ZC, ZC)], zbuf)
                pltpu.sync_copy(zbuf, out.at[cid, pl.ds(c * ZC, ZC)])

            return carry

        lax.fori_loop(0, NCHUNK // NS + 1, rchunk, 0)

    return k


_edge4 = _make_edge((0, 0, 1, 1, 2, 2, 3, 3))
_edge1 = _make_edge((0,) * 8)



def _expand_a(a):
    H, C = a.shape
    eye = jnp.eye(16, dtype=a.dtype)[:H][:, None, :]
    return (a[:, :, None] * eye).reshape(H * C, 16)


def _expand_mat(C):
    return (jnp.arange(16)[:, None] == (jnp.arange(CH)[None, :] // C)
            ).astype(jnp.float32)


def kernel(x, edge_index, W0, aS0, aD0, b0, W1, aS1, aD1, b1,
           W2, aS2, aD2, b2):
    src = edge_index[0]
    dst = edge_index[1]
    exp4 = _expand_mat(32)
    exp1 = _expand_mat(128)

    hx, ad = _dense0(x, W0, _expand_a(aS0), _expand_a(aD0))
    accden = _edge4(hx, ad, src, dst)
    hx, ad = _combine(accden, b0.reshape(1, CH), exp4, W1,
                      _expand_a(aS1), _expand_a(aD1))
    accden = _edge4(hx, ad, src, dst)
    hx, ad = _combine(accden, b1.reshape(1, CH), exp4, W2,
                      _expand_a(aS2), _expand_a(aD2))
    accden = _edge1(hx, ad, src, dst)
    return _final(accden, b2.reshape(1, CH), exp1)

# --- scband reference (transcript-rebuilt; emitter-appended) ---
"""Pipeline reference for scband-gat-multi-layer-51153060495544 (READ-ONLY COPY).

The authoritative reference and input builder live on the scoring server;
editing this copy changes nothing except your own understanding.
"""

import jax, jax.numpy as jnp
import numpy as np

N = 10000
E = 320000
IN = 128
HID = 32
HEADS = 4
OUT = 128


def gat_conv(x, src, dst, W, a_src, a_dst, b, heads, out_ch):
    n = x.shape[0]
    h = (x @ W).reshape(n, heads, out_ch)
    alpha_s = (h * a_src[None, :, :]).sum(-1)  # [N, H]
    alpha_d = (h * a_dst[None, :, :]).sum(-1)  # [N, H]
    e = jax.nn.leaky_relu(alpha_s[src] + alpha_d[dst], 0.2)  # [E, H]
    emax = jax.ops.segment_max(e, dst, num_segments=n)
    emax = jnp.where(jnp.isfinite(emax), emax, 0.0)
    ee = jnp.exp(e - emax[dst])
    denom = jax.ops.segment_sum(ee, dst, num_segments=n)
    alpha = ee / (denom[dst] + 1e-16)
    out = jax.ops.segment_sum(h[src] * alpha[:, :, None], dst, num_segments=n)
    return out.reshape(n, heads * out_ch) + b


def setup_inputs(seed: int = 0):
    key = jax.random.key(seed)
    ks = jax.random.split(key, 16)
    x = jax.random.normal(ks[0], (N, IN), dtype=jnp.float32)
    edge_index = jax.random.randint(ks[1], (2, E), 0, N, dtype=jnp.int32)
    W0 = jax.random.normal(ks[2], (IN, HEADS * HID), dtype=jnp.float32) * 0.1
    aS0 = jax.random.normal(ks[3], (HEADS, HID), dtype=jnp.float32) * 0.1
    aD0 = jax.random.normal(ks[4], (HEADS, HID), dtype=jnp.float32) * 0.1
    b0 = jnp.zeros((HEADS * HID,), dtype=jnp.float32)
    W1 = jax.random.normal(ks[5], (HEADS * HID, HEADS * HID), dtype=jnp.float32) * 0.1
    aS1 = jax.random.normal(ks[6], (HEADS, HID), dtype=jnp.float32) * 0.1
    aD1 = jax.random.normal(ks[7], (HEADS, HID), dtype=jnp.float32) * 0.1
    b1 = jnp.zeros((HEADS * HID,), dtype=jnp.float32)
    W2 = jax.random.normal(ks[8], (HEADS * HID, OUT), dtype=jnp.float32) * 0.1
    aS2 = jax.random.normal(ks[9], (1, OUT), dtype=jnp.float32) * 0.1
    aD2 = jax.random.normal(ks[10], (1, OUT), dtype=jnp.float32) * 0.1
    b2 = jnp.zeros((OUT,), dtype=jnp.float32)
    return {"x": x, "edge_index": edge_index,
            "W0": W0, "aS0": aS0, "aD0": aD0, "b0": b0,
            "W1": W1, "aS1": aS1, "aD1": aD1, "b1": b1,
            "W2": W2, "aS2": aS2, "aD2": aD2, "b2": b2}


def reference(x, edge_index, W0, aS0, aD0, b0, W1, aS1, aD1, b1, W2, aS2, aD2, b2):
    src = edge_index[0]
    dst = edge_index[1]
    h = jax.nn.relu(gat_conv(x, src, dst, W0, aS0, aD0, b0, HEADS, HID))
    # dropout p=0.0 -> identity
    h = jax.nn.relu(gat_conv(h, src, dst, W1, aS1, aD1, b1, HEADS, HID))
    out = gat_conv(h, src, dst, W2, aS2, aD2, b2, 1, OUT)
    return out

if __name__ == "__main__":
    import jax
    _d = setup_inputs()
    print(jax.jit(kernel)(*tuple(_d.values())))

</pallas_src>

<mosaic_0001>
#map = affine_map<(d0, d1) -> (0, 0)>
#map1 = affine_map<(d0, d1) -> (0)>
#map2 = affine_map<(d0, d1) -> (0, 0, 0)>
module attributes {stable_mosaic.version = 14 : i64} {
  func.func @k(%arg0: i32, %arg1: i32, %arg2: memref<10000x144xf32, #tpu.memory_space<hbm>>, %arg3: memref<10000x16xf32, #tpu.memory_space<hbm>>, %arg4: memref<320000xi32, #tpu.memory_space<hbm>>, %arg5: memref<320000xi32, #tpu.memory_space<hbm>>, %arg6: memref<2x10000x144xf32, #tpu.memory_space<hbm>>, %arg7: memref<80xi32, #tpu.memory_space<vmem>>, %arg8: memref<80xi32, #tpu.memory_space<vmem>>, %arg9: memref<80x144xf32, #tpu.memory_space<vmem>>, %arg10: memref<80x16xf32, #tpu.memory_space<vmem>>, %arg11: memref<16x144xf32, #tpu.memory_space<vmem>>, %arg12: memref<10000x144xf32, #tpu.memory_space<vmem_shared>>, %arg13: memref<!tpu.dma_semaphore, #tpu.memory_space<semaphore_mem>>, %arg14: memref<!tpu.dma_semaphore, #tpu.memory_space<semaphore_mem>>) attributes {dimension_semantics = [#tpu.dimension_semantics<core_parallel>, #tpu.dimension_semantics<subcore_parallel>], iteration_bounds = array<i64: 2, 16>, scalar_prefetch = 0 : i64, scratch_operands = 8 : i64, tpu.core_type = #tpu.core_type<sc_vector_subcore>, window_params = [{transform_indices = #map}, {transform_indices = #map}, {transform_indices = #map1}, {transform_indices = #map1}, {transform_indices = #map2}]} {
    %mul3A = arith.constant 16 : i32
    %mul3A_0 = arith.muli %arg0, %mul3A : i32
    %add3A = arith.addi %mul3A_0, %arg1 : i32
    %broadcast_in_dim3A = arith.constant 0.000000e+00 : f32
    %broadcast_in_dim3A_1 = vector.broadcast %broadcast_in_dim3A : f32 to vector<16xf32>
    %swap3A = arith.constant 0 : i32
    %swap3A_2 = arith.index_cast %swap3A : i32 to index
    %swap3A_3 = arith.constant 0 : index
    %swap3A_4 = tpu.vector_load %arg11[%swap3A_2, %swap3A_3] {strides = array<i32>} : memref<16x144xf32, #tpu.memory_space<vmem>>, vector<1x16xf32>,
    %swap3A_5 = vector.shape_cast %swap3A_4 : vector<1x16xf32> to vector<16xf32>
    %swap3A_6 = vector.shape_cast %broadcast_in_dim3A_1 : vector<16xf32> to vector<1x16xf32>
    tpu.vector_store %arg11[%swap3A_2, %swap3A_3], %swap3A_6 {strides = array<i32>} : memref<16x144xf32, #tpu.memory_space<vmem>>, vector<1x16xf32>,
    %swap3A_7 = arith.constant 0 : i32
    %swap3A_8 = arith.index_cast %swap3A_7 : i32 to index
    %swap3A_9 = arith.constant 16 : index
    %swap3A_10 = tpu.vector_load %arg11[%swap3A_8, %swap3A_9] {strides = array<i32>} : memref<16x144xf32, #tpu.memory_space<vmem>>, vector<1x16xf32>,
    %swap3A_11 = vector.shape_cast %swap3A_10 : vector<1x16xf32> to vector<16xf32>
    %swap3A_12 = vector.shape_cast %broadcast_in_dim3A_1 : vector<16xf32> to vector<1x16xf32>
    tpu.vector_store %arg11[%swap3A_8, %swap3A_9], %swap3A_12 {strides = array<i32>} : memref<16x144xf32, #tpu.memory_space<vmem>>, vector<1x16xf32>,
    %swap3A_13 = arith.constant 0 : i32
    %swap3A_14 = arith.index_cast %swap3A_13 : i32 to index
    %swap3A_15 = arith.constant 32 : index
    %swap3A_16 = tpu.vector_load %arg11[%swap3A_14, %swap3A_15] {strides = array<i32>} : memref<16x144xf32, #tpu.memory_space<vmem>>, vector<1x16xf32>,
    %swap3A_17 = vector.shape_cast %swap3A_16 : vector<1x16xf32> to vector<16xf32>
    %swap3A_18 = vector.shape_cast %broadcast_in_dim3A_1 : vector<16xf32> to vector<1x16xf32>
    tpu.vector_store %arg11[%swap3A_14, %swap3A_15], %swap3A_18 {strides = array<i32>} : memref<16x144xf32, #tpu.memory_space<vmem>>, vector<1x16xf32>,
    %swap3A_19 = arith.constant 0 : i32
    %swap3A_20 = arith.index_cast %swap3A_19 : i32 to index
    %swap3A_21 = arith.constant 48 : index
    %swap3A_22 = tpu.vector_load %arg11[%swap3A_20, %swap3A_21] {strides = array<i32>} : memref<16x144xf32, #tpu.memory_space<vmem>>, vector<1x16xf32>,
    %swap3A_23 = vector.shape_cast %swap3A_22 : vector<1x16xf32> to vector<16xf32>
    %swap3A_24 = vector.shape_cast %broadcast_in_dim3A_1 : vector<16xf32> to vector<1x16xf32>
    tpu.vector_store %arg11[%swap3A_20, %swap3A_21], %swap3A_24 {strides = array<i32>} : memref<16x144xf32, #tpu.memory_space<vmem>>, vector<1x16xf32>,
    %swap3A_25 = arith.constant 0 : i32
    %swap3A_26 = arith.index_cast %swap3A_25 : i32 to index
    %swap3A_27 = arith.constant 64 : index
    %swap3A_28 = tpu.vector_load %arg11[%swap3A_26, %swap3A_27] {strides = array<i32>} : memref<16x144xf32, #tpu.memory_space<vmem>>, vector<1x16xf32>,
    %swap3A_29 = vector.shape_cast %swap3A_28 : vector<1x16xf32> to vector<16xf32>
    %swap3A_30 = vector.shape_cast %broadcast_in_dim3A_1 : vector<16xf32> to vector<1x16xf32>
    tpu.vector_store %arg11[%swap3A_26, %swap3A_27], %swap3A_30 {strides = array<i32>} : memref<16x144xf32, #tpu.memory_space<vmem>>, vector<1x16xf32>,
    %swap3A_31 = arith.constant 0 : i32
    %swap3A_32 = arith.index_cast %swap3A_31 : i32 to index
    %swap3A_33 = arith.constant 80 : index
    %swap3A_34 = tpu.vector_load %arg11[%swap3A_32, %swap3A_33] {strides = array<i32>} : memref<16x144xf32, #tpu.memory_space<vmem>>, vector<1x16xf32>,
    %swap3A_35 = vector.shape_cast %swap3A_34 : vector<1x16xf32> to vector<16xf32>
    %swap3A_36 = vector.shape_cast %broadcast_in_dim3A_1 : vector<16xf32> to vector<1x16xf32>
    tpu.vector_store %arg11[%swap3A_32, %swap3A_33], %swap3A_36 {strides = array<i32>} : memref<16x144xf32, #tpu.memory_space<vmem>>, vector<1x16xf32>,
    %swap3A_37 = arith.constant 0 : i32
    %swap3A_38 = arith.index_cast %swap3A_37 : i32 to index
    %swap3A_39 = arith.constant 96 : index
    %swap3A_40 = tpu.vector_load %arg11[%swap3A_38, %swap3A_39] {strides = array<i32>} : memref<16x144xf32, #tpu.memory_space<vmem>>, vector<1x16xf32>,
    %swap3A_41 = vector.shape_cast %swap3A_40 : vector<1x16xf32> to vector<16xf32>
    %swap3A_42 = vector.shape_cast %broadcast_in_dim3A_1 : vector<16xf32> to vector<1x16xf32>
    tpu.vector_store %arg11[%swap3A_38, %swap3A_39], %swap3A_42 {strides = array<i32>} : memref<16x144xf32, #tpu.memory_space<vmem>>, vector<1x16xf32>,
    %swap3A_43 = arith.constant 0 : i32
    %swap3A_44 = arith.index_cast %swap3A_43 : i32 to index
    %swap3A_45 = arith.constant 112 : index
    %swap3A_46 = tpu.vector_load %arg11[%swap3A_44, %swap3A_45] {strides = array<i32>} : memref<16x144xf32, #tpu.memory_space<vmem>>, vector<1x16xf32>,
    %swap3A_47 = vector.shape_cast %swap3A_46 : vector<1x16xf32> to vector<16xf32>
    %swap3A_48 = vector.shape_cast %broadcast_in_dim3A_1 : vector<16xf32> to vector<1x16xf32>
    tpu.vector_store %arg11[%swap3A_44, %swap3A_45], %swap3A_48 {strides = array<i32>} : memref<16x144xf32, #tpu.memory_space<vmem>>, vector<1x16xf32>,
    %swap3A_49 = arith.constant 0 : i32
    %swap3A_50 = arith.index_cast %swap3A_49 : i32 to index
    %swap3A_51 = arith.constant 128 : index
    %swap3A_52 = tpu.vector_load %arg11[%swap3A_50, %swap3A_51] {strides = array<i32>} : memref<16x144xf32, #tpu.memory_space<vmem>>, vector<1x16xf32>,
    %swap3A_53 = vector.shape_cast %swap3A_52 : vector<1x16xf32> to vector<16xf32>
    %swap3A_54 = vector.shape_cast %broadcast_in_dim3A_1 : vector<16xf32> to vector<1x16xf32>
    tpu.vector_store %arg11[%swap3A_50, %swap3A_51], %swap3A_54 {strides = array<i32>} : memref<16x144xf32, #tpu.memory_space<vmem>>, vector<1x16xf32>,
    %swap3A_55 = arith.constant 1 : i32
    %swap3A_56 = arith.index_cast %swap3A_55 : i32 to index
    %swap3A_57 = arith.constant 0 : index
    %swap3A_58 = tpu.vector_load %arg11[%swap3A_56, %swap3A_57] {strides = array<i32>} : memref<16x144xf32, #tpu.memory_space<vmem>>, vector<1x16xf32>,
    %swap3A_59 = vector.shape_cast %swap3A_58 : vector<1x16xf32> to vector<16xf32>
    %swap3A_60 = vector.shape_cast %broadcast_in_dim3A_1 : vector<16xf32> to vector<1x16xf32>
    tpu.vector_store %arg11[%swap3A_56, %swap3A_57], %swap3A_60 {strides = array<i32>} : memref<16x144xf32, #tpu.memory_space<vmem>>, vector<1x16xf32>,
    %swap3A_61 = arith.constant 1 : i32
    %swap3A_62 = arith.index_cast %swap3A_61 : i32 to index
    %swap3A_63 = arith.constant 16 : index
    %swap3A_64 = tpu.vector_load %arg11[%swap3A_62, %swap3A_63] {strides = array<i32>} : memref<16x144xf32, #tpu.memory_space<vmem>>, vector<1x16xf32>,
    %swap3A_65 = vector.shape_cast %swap3A_64 : vector<1x16xf32> to vector<16xf32>
    %swap3A_66 = vector.shape_cast %broadcast_in_dim3A_1 : vector<16xf32> to vector<1x16xf32>
    tpu.vector_store %arg11[%swap3A_62, %swap3A_63], %swap3A_66 {strides = array<i32>} : memref<16x144xf32, #tpu.memory_space<vmem>>, vector<1x16xf32>,
    %swap3A_67 = arith.constant 1 : i32
    %swap3A_68 = arith.index_cast %swap3A_67 : i32 to index
    %swap3A_69 = arith.constant 32 : index
    %swap3A_70 = tpu.vector_load %arg11[%swap3A_68, %swap3A_69] {strides = array<i32>} : memref<16x144xf32, #tpu.memory_space<vmem>>, vector<1x16xf32>,
    %swap3A_71 = vector.shape_cast %swap3A_70 : vector<1x16xf32> to vector<16xf32>
    %swap3A_72 = vector.shape_cast %broadcast_in_dim3A_1 : vector<16xf32> to vector<1x16xf32>
    tpu.vector_store %arg11[%swap3A_68, %swap3A_69], %swap3A_72 {strides = array<i32>} : memref<16x144xf32, #tpu.memory_space<vmem>>, vector<1x16xf32>,
    %swap3A_73 = arith.constant 1 : i32
    %swap3A_74 = arith.index_cast %swap3A_73 : i32 to index
    %swap3A_75 = arith.constant 48 : index
    %swap3A_76 = tpu.vector_load %arg11[%swap3A_74, %swap3A_75] {strides = array<i32>} : memref<16x144xf32, #tpu.memory_space<vmem>>, vector<1x16xf32>,
    %swap3A_77 = vector.shape_cast %swap3A_76 : vector<1x16xf32> to vector<16xf32>
    %swap3A_78 = vector.shape_cast %broadcast_in_dim3A_1 : vector<16xf32> to vector<1x16xf32>
    tpu.vector_store %arg11[%swap3A_74, %swap3A_75], %swap3A_78 {strides = array<i32>} : memref<16x144xf32, #tpu.memory_space<vmem>>, vector<1x16xf32>,
    %swap3A_79 = arith.constant 1 : i32
    %swap3A_80 = arith.index_cast %swap3A_79 : i32 to index
    %swap3A_81 = arith.constant 64 : index
    %swap3A_82 = tpu.vector_load %arg11[%swap3A_80, %swap3A_81] {strides = array<i32>} : memref<16x144xf32, #tpu.memory_space<vmem>>, vector<1x16xf32>,
    %swap3A_83 = vector.shape_cast %swap3A_82 : vector<1x16xf32> to vector<16xf32>
    %swap3A_84 = vector.shape_cast %broadcast_in_dim3A_1 : vector<16xf32> to vector<1x16xf32>
    tpu.vector_store %arg11[%swap3A_80, %swap3A_81], %swap3A_84 {strides = array<i32>} : memref<16x144xf32, #tpu.memory_space<vmem>>, vector<1x16xf32>,
    %swap3A_85 = arith.constant 1 : i32
    %swap3A_86 = arith.index_cast %swap3A_85 : i32 to index
    %swap3A_87 = arith.constant 80 : index
    %swap3A_88 = tpu.vector_load %arg11[%swap3A_86, %swap3A_87] {strides = array<i32>} : memref<16x144xf32, #tpu.memory_space<vmem>>, vector<1x16xf32>,
    %swap3A_89 = vector.shape_cast %swap3A_88 : vector<1x16xf32> to vector<16xf32>
    %swap3A_90 = vector.shape_cast %broadcast_in_dim3A_1 : vector<16xf32> to vector<1x16xf32>
    tpu.vector_store %arg11[%swap3A_86, %swap3A_87], %swap3A_90 {strides = array<i32>} : memref<16x144xf32, #tpu.memory_space<vmem>>, vector<1x16xf32>,
    %swap3A_91 = arith.constant 1 : i32
    %swap3A_92 = arith.index_cast %swap3A_91 : i32 to index
    %swap3A_93 = arith.constant 96 : index
    %swap3A_94 = tpu.vector_load %arg11[%swap3A_92, %swap3A_93] {strides = array<i32>} : memref<16x144xf32, #tpu.memory_space<vmem>>, vector<1x16xf32>,
    %swap3A_95 = vector.shape_cast %swap3A_94 : vector<1x16xf32> to vector<16xf32>
    %swap3A_96 = vector.shape_cast %broadcast_in_dim3A_1 : vector<16xf32> to vector<1x16xf32>
    tpu.vector_store %arg11[%swap3A_92, %swap3A_93], %swap3A_96 {strides = array<i32>} : memref<16x144xf32, #tpu.memory_space<vmem>>, vector<1x16xf32>,
    %swap3A_97 = arith.constant 1 : i32
    %swap3A_98 = arith.index_cast %swap3A_97 : i32 to index
    %swap3A_99 = arith.constant 112 : index
    %swap3A_100 = tpu.vector_load %arg11[%swap3A_98, %swap3A_99] {strides = array<i32>} : memref<16x144xf32, #tpu.memory_space<vmem>>, vector<1x16xf32>,
    %swap3A_101 = vector.shape_cast %swap3A_100 : vector<1x16xf32> to vector<16xf32>
    %swap3A_102 = vector.shape_cast %broadcast_in_dim3A_1 : vector<16xf32> to vector<1x16xf32>
    tpu.vector_store %arg11[%swap3A_98, %swap3A_99], %swap3A_102 {strides = array<i32>} : memref<16x144xf32, #tpu.memory_space<vmem>>, vector<1x16xf32>,
    %swap3A_103 = arith.constant 1 : i32
    %swap3A_104 = arith.index_cast %swap3A_103 : i32 to index
    %swap3A_105 = arith.constant 128 : index
    %swap3A_106 = tpu.vector_load %arg11[%swap3A_104, %swap3A_105] {strides = array<i32>} : memref<16x144xf32, #tpu.memory_space<vmem>>, vector<1x16xf32>,
    %swap3A_107 = vector.shape_cast %swap3A_106 : vector<1x16xf32> to vector<16xf32>
    %swap3A_108 = vector.shape_cast %broadcast_in_dim3A_1 : vector<16xf32> to vector<1x16xf32>
    tpu.vector_store %arg11[%swap3A_104, %swap3A_105], %swap3A_108 {strides = array<i32>} : memref<16x144xf32, #tpu.memory_space<vmem>>, vector<1x16xf32>,
    %swap3A_109 = arith.constant 2 : i32
    %swap3A_110 = arith.index_cast %swap3A_109 : i32 to index
    %swap3A_111 = arith.constant 0 : index
    %swap3A_112 = tpu.vector_load %arg11[%swap3A_110, %swap3A_111] {strides = array<i32>} : memref<16x144xf32, #tpu.memory_space<vmem>>, vector<1x16xf32>,
    %swap3A_113 = vector.shape_cast %swap3A_112 : vector<1x16xf32> to vector<16xf32>
    %swap3A_114 = vector.shape_cast %broadcast_in_dim3A_1 : vector<16xf32> to vector<1x16xf32>
    tpu.vector_store %arg11[%swap3A_110, %swap3A_111], %swap3A_114 {strides = array<i32>} : memref<16x144xf32, #tpu.memory_space<vmem>>, vector<1x16xf32>,
    %swap3A_115 = arith.constant 2 : i32
    %swap3A_116 = arith.index_cast %swap3A_115 : i32 to index
    %swap3A_117 = arith.constant 16 : index
    %swap3A_118 = tpu.vector_load %arg11[%swap3A_116, %swap3A_117] {strides = array<i32>} : memref<16x144xf32, #tpu.memory_space<vmem>>, vector<1x16xf32>,
    %swap3A_119 = vector.shape_cast %swap3A_118 : vector<1x16xf32> to vector<16xf32>
    %swap3A_120 = vector.shape_cast %broadcast_in_dim3A_1 : vector<16xf32> to vector<1x16xf32>
    tpu.vector_store %arg11[%swap3A_116, %swap3A_117], %swap3A_120 {strides = array<i32>} : memref<16x144xf32, #tpu.memory_space<vmem>>, vector<1x16xf32>,
    %swap3A_121 = arith.constant 2 : i32
    %swap3A_122 = arith.index_cast %swap3A_121 : i32 to index
    %swap3A_123 = arith.constant 32 : index
    %swap3A_124 = tpu.vector_load %arg11[%swap3A_122, %swap3A_123] {strides = array<i32>} : memref<16x144xf32, #tpu.memory_space<vmem>>, vector<1x16xf32>,
    %swap3A_125 = vector.shape_cast %swap3A_124 : vector<1x16xf32> to vector<16xf32>
    %swap3A_126 = vector.shape_cast %broadcast_in_dim3A_1 : vector<16xf32> to vector<1x16xf32>
    tpu.vector_store %arg11[%swap3A_122, %swap3A_123], %swap3A_126 {strides = array<i32>} : memref<16x144xf32, #tpu.memory_space<vmem>>, vector<1x16xf32>,
    %swap3A_127 = arith.constant 2 : i32
    %swap3A_128 = arith.index_cast %swap3A_127 : i32 to index
    %swap3A_129 = arith.constant 48 : index
    %swap3A_130 = tpu.vector_load %arg11[%swap3A_128, %swap3A_129] {strides = array<i32>} : memref<16x144xf32, #tpu.memory_space<vmem>>, vector<1x16xf32>,
    %swap3A_131 = vector.shape_cast %swap3A_130 : vector<1x16xf32> to vector<16xf32>
    %swap3A_132 = vector.shape_cast %broadcast_in_dim3A_1 : vector<16xf32> to vector<1x16xf32>
    tpu.vector_store %arg11[%swap3A_128, %swap3A_129], %swap3A_132 {strides = array<i32>} : memref<16x144xf32, #tpu.memory_space<vmem>>, vector<1x16xf32>,
    %swap3A_133 = arith.constant 2 : i32
    %swap3A_134 = arith.index_cast %swap3A_133 : i32 to index
    %swap3A_135 = arith.constant 64 : index
    %swap3A_136 = tpu.vector_load %arg11[%swap3A_134, %swap3A_135] {strides = array<i32>} : memref<16x144xf32, #tpu.memory_space<vmem>>, vector<1x16xf32>,
    %swap3A_137 = vector.shape_cast %swap3A_136 : vector<1x16xf32> to vector<16xf32>
    %swap3A_138 = vector.shape_cast %broadcast_in_dim3A_1 : vector<16xf32> to vector<1x16xf32>
    tpu.vector_store %arg11[%swap3A_134, %swap3A_135], %swap3A_138 {strides = array<i32>} : memref<16x144xf32, #tpu.memory_space<vmem>>, vector<1x16xf32>,
    %swap3A_139 = arith.constant 2 : i32
    %swap3A_140 = arith.index_cast %swap3A_139 : i32 to index
    %swap3A_141 = arith.constant 80 : index
    %swap3A_142 = tpu.vector_load %arg11[%swap3A_140, %swap3A_141] {strides = array<i32>} : memref<16x144xf32, #tpu.memory_space<vmem>>, vector<1x16xf32>,
    %swap3A_143 = vector.shape_cast %swap3A_142 : vector<1x16xf32> to vector<16xf32>
    %swap3A_144 = vector.shape_cast %broadcast_in_dim3A_1 : vector<16xf32> to vector<1x16xf32>
    tpu.vector_store %arg11[%swap3A_140, %swap3A_141], %swap3A_144 {strides = array<i32>} : memref<16x144xf32, #tpu.memory_space<vmem>>, vector<1x16xf32>,
    %swap3A_145 = arith.constant 2 : i32
    %swap3A_146 = arith.index_cast %swap3A_145 : i32 to index
    %swap3A_147 = arith.constant 96 : index
    %swap3A_148 = tpu.vector_load %arg11[%swap3A_146, %swap3A_147] {strides = array<i32>} : memref<16x144xf32, #tpu.memory_space<vmem>>, vector<1x16xf32>,
    %swap3A_149 = vector.shape_cast %swap3A_148 : vector<1x16xf32> to vector<16xf32>
    %swap3A_150 = vector.shape_cast %broadcast_in_dim3A_1 : vector<16xf32> to vector<1x16xf32>
    tpu.vector_store %arg11[%swap3A_146, %swap3A_147], %swap3A_150 {strides = array<i32>} : memref<16x144xf32, #tpu.memory_space<vmem>>, vector<1x16xf32>,
    %swap3A_151 = arith.constant 2 : i32
    %swap3A_152 = arith.index_cast %swap3A_151 : i32 to index
    %swap3A_153 = arith.constant 112 : index
    %swap3A_154 = tpu.vector_load %arg11[%swap3A_152, %swap3A_153] {strides = array<i32>} : memref<16x144xf32, #tpu.memory_space<vmem>>, vector<1x16xf32>,
    %swap3A_155 = vector.shape_cast %swap3A_154 : vector<1x16xf32> to vector<16xf32>
    %swap3A_156 = vector.shape_cast %broadcast_in_dim3A_1 : vector<16xf32> to vector<1x16xf32>
    tpu.vector_store %arg11[%swap3A_152, %swap3A_153], %swap3A_156 {strides = array<i32>} : memref<16x144xf32, #tpu.memory_space<vmem>>, vector<1x16xf32>,
    %swap3A_157 = arith.constant 2 : i32
    %swap3A_158 = arith.index_cast %swap3A_157 : i32 to index
    %swap3A_159 = arith.constant 128 : index
    %swap3A_160 = tpu.vector_load %arg11[%swap3A_158, %swap3A_159] {strides = array<i32>} : memref<16x144xf32, #tpu.memory_space<vmem>>, vector<1x16xf32>,
    %swap3A_161 = vector.shape_cast %swap3A_160 : vector<1x16xf32> to vector<16xf32>
    %swap3A_162 = vector.shape_cast %broadcast_in_dim3A_1 : vector<16xf32> to vector<1x16xf32>
    tpu.vector_store %arg11[%swap3A_158, %swap3A_159], %swap3A_162 {strides = array<i32>} : memref<16x144xf32, #tpu.memory_space<vmem>>, vector<1x16xf32>,
    %swap3A_163 = arith.constant 3 : i32
    %swap3A_164 = arith.index_cast %swap3A_163 : i32 to index
    %swap3A_165 = arith.constant 0 : index
    %swap3A_166 = tpu.vector_load %arg11[%swap3A_164, %swap3A_165] {strides = array<i32>} : memref<16x144xf32, #tpu.memory_space<vmem>>, vector<1x16xf32>,
    %swap3A_167 = vector.shape_cast %swap3A_166 : vector<1x16xf32> to vector<16xf32>
    %swap3A_168 = vector.shape_cast %broadcast_in_dim3A_1 : vector<16xf32> to vector<1x16xf32>
    tpu.vector_store %arg11[%swap3A_164, %swap3A_165], %swap3A_168 {strides = array<i32>} : memref<16x144xf32, #tpu.memory_space<vmem>>, vector<1x16xf32>,
    %swap3A_169 = arith.constant 3 : i32
    %swap3A_170 = arith.index_cast %swap3A_169 : i32 to index
    %swap3A_171 = arith.constant 16 : index
    %swap3A_172 = tpu.vector_load %arg11[%swap3A_170, %swap3A_171] {strides = array<i32>} : memref<16x144xf32, #tpu.memory_space<vmem>>, vector<1x16xf32>,
    %swap3A_173 = vector.shape_cast %swap3A_172 : vector<1x16xf32> to vector<16xf32>
    %swap3A_174 = vector.shape_cast %broadcast_in_dim3A_1 : vector<16xf32> to vector<1x16xf32>
    tpu.vector_store %arg11[%swap3A_170, %swap3A_171], %swap3A_174 {strides = array<i32>} : memref<16x144xf32, #tpu.memory_space<vmem>>, vector<1x16xf32>,
    %swap3A_175 = arith.constant 3 : i32
    %swap3A_176 = arith.index_cast %swap3A_175 : i32 to index
    %swap3A_177 = arith.constant 32 : index
    %swap3A_178 = tpu.vector_load %arg11[%swap3A_176, %swap3A_177] {strides = array<i32>} : memref<16x144xf32, #tpu.memory_space<vmem>>, vector<1x16xf32>,
    %swap3A_179 = vector.shape_cast %swap3A_178 : vector<1x16xf32> to vector<16xf32>
    %swap3A_180 = vector.shape_cast %broadcast_in_dim3A_1 : vector<16xf32> to vector<1x16xf32>
    tpu.vector_store %arg11[%swap3A_176, %swap3A_177], %swap3A_180 {strides = array<i32>} : memref<16x144xf32, #tpu.memory_space<vmem>>, vector<1x16xf32>,
    %swap3A_181 = arith.constant 3 : i32
    %swap3A_182 = arith.index_cast %swap3A_181 : i32 to index
    %swap3A_183 = arith.constant 48 : index
    %swap3A_184 = tpu.vector_load %arg11[%swap3A_182, %swap3A_183] {strides = array<i32>} : memref<16x144xf32, #tpu.memory_space<vmem>>, vector<1x16xf32>,
    %swap3A_185 = vector.shape_cast %swap3A_184 : vector<1x16xf32> to vector<16xf32>
    %swap3A_186 = vector.shape_cast %broadcast_in_dim3A_1 : vector<16xf32> to vector<1x16xf32>
    tpu.vector_store %arg11[%swap3A_182, %swap3A_183], %swap3A_186 {strides = array<i32>} : memref<16x144xf32, #tpu.memory_space<vmem>>, vector<1x16xf32>,
    %swap3A_187 = arith.constant 3 : i32
    %swap3A_188 = arith.index_cast %swap3A_187 : i32 to index
    %swap3A_189 = arith.constant 64 : index
    %swap3A_190 = tpu.vector_load %arg11[%swap3A_188, %swap3A_189] {strides = array<i32>} : memref<16x144xf32, #tpu.memory_space<vmem>>, vector<1x16xf32>,
    %swap3A_191 = vector.shape_cast %swap3A_190 : vector<1x16xf32> to vector<16xf32>
    %swap3A_192 = vector.shape_cast %broadcast_in_dim3A_1 : vector<16xf32> to vector<1x16xf32>
    tpu.vector_store %arg11[%swap3A_188, %swap3A_189], %swap3A_192 {strides = array<i32>} : memref<16x144xf32, #tpu.memory_space<vmem>>, vector<1x16xf32>,
    %swap3A_193 = arith.constant 3 : i32
    %swap3A_194 = arith.index_cast %swap3A_193 : i32 to index
    %swap3A_195 = arith.constant 80 : index
    %swap3A_196 = tpu.vector_load %arg11[%swap3A_194, %swap3A_195] {strides = array<i32>} : memref<16x144xf32, #tpu.memory_space<vmem>>, vector<1x16xf32>,
    %swap3A_197 = vector.shape_cast %swap3A_196 : vector<1x16xf32> to vector<16xf32>
    %swap3A_198 = vector.shape_cast %broadcast_in_dim3A_1 : vector<16xf32> to vector<1x16xf32>
    tpu.vector_store %arg11[%swap3A_194, %swap3A_195], %swap3A_198 {strides = array<i32>} : memref<16x144xf32, #tpu.memory_space<vmem>>, vector<1x16xf32>,
    %swap3A_199 = arith.constant 3 : i32
    %swap3A_200 = arith.index_cast %swap3A_199 : i32 to index
    %swap3A_201 = arith.constant 96 : index
    %swap3A_202 = tpu.vector_load %arg11[%swap3A_200, %swap3A_201] {strides = array<i32>} : memref<16x144xf32, #tpu.memory_space<vmem>>, vector<1x16xf32>,
    %swap3A_203 = vector.shape_cast %swap3A_202 : vector<1x16xf32> to vector<16xf32>
    %swap3A_204 = vector.shape_cast %broadcast_in_dim3A_1 : vector<16xf32> to vector<1x16xf32>
    tpu.vector_store %arg11[%swap3A_200, %swap3A_201], %swap3A_204 {strides = array<i32>} : memref<16x144xf32, #tpu.memory_space<vmem>>, vector<1x16xf32>,
    %swap3A_205 = arith.constant 3 : i32
    %swap3A_206 = arith.index_cast %swap3A_205 : i32 to index
    %swap3A_207 = arith.constant 112 : index
    %swap3A_208 = tpu.vector_load %arg11[%swap3A_206, %swap3A_207] {strides = array<i32>} : memref<16x144xf32, #tpu.memory_space<vmem>>, vector<1x16xf32>,
    %swap3A_209 = vector.shape_cast %swap3A_208 : vector<1x16xf32> to vector<16xf32>
    %swap3A_210 = vector.shape_cast %broadcast_in_dim3A_1 : vector<16xf32> to vector<1x16xf32>
    tpu.vector_store %arg11[%swap3A_206, %swap3A_207], %swap3A_210 {strides = array<i32>} : memref<16x144xf32, #tpu.memory_space<vmem>>, vector<1x16xf32>,
    %swap3A_211 = arith.constant 3 : i32
    %swap3A_212 = arith.index_cast %swap3A_211 : i32 to index
    %swap3A_213 = arith.constant 128 : index
    %swap3A_214 = tpu.vector_load %arg11[%swap3A_212, %swap3A_213] {strides = array<i32>} : memref<16x144xf32, #tpu.memory_space<vmem>>, vector<1x16xf32>,
    %swap3A_215 = vector.shape_cast %swap3A_214 : vector<1x16xf32> to vector<16xf32>
    %swap3A_216 = vector.shape_cast %broadcast_in_dim3A_1 : vector<16xf32> to vector<1x16xf32>
    tpu.vector_store %arg11[%swap3A_212, %swap3A_213], %swap3A_216 {strides = array<i32>} : memref<16x144xf32, #tpu.memory_space<vmem>>, vector<1x16xf32>,
    %swap3A_217 = arith.constant 4 : i32
    %swap3A_218 = arith.index_cast %swap3A_217 : i32 to index
    %swap3A_219 = arith.constant 0 : index
    %swap3A_220 = tpu.vector_load %arg11[%swap3A_218, %swap3A_219] {strides = array<i32>} : memref<16x144xf32, #tpu.memory_space<vmem>>, vector<1x16xf32>,
    %swap3A_221 = vector.shape_cast %swap3A_220 : vector<1x16xf32> to vector<16xf32>
    %swap3A_222 = vector.shape_cast %broadcast_in_dim3A_1 : vector<16xf32> to vector<1x16xf32>
    tpu.vector_store %arg11[%swap3A_218, %swap3A_219], %swap3A_222 {strides = array<i32>} : memref<16x144xf32, #tpu.memory_space<vmem>>, vector<1x16xf32>,
    %swap3A_223 = arith.constant 4 : i32
    %swap3A_224 = arith.index_cast %swap3A_223 : i32 to index
    %swap3A_225 = arith.constant 16 : index
    %swap3A_226 = tpu.vector_load %arg11[%swap3A_224, %swap3A_225] {strides = array<i32>} : memref<16x144xf32, #tpu.memory_space<vmem>>, vector<1x16xf32>,
    %swap3A_227 = vector.shape_cast %swap3A_226 : vector<1x16xf32> to vector<16xf32>
    %swap3A_228 = vector.shape_cast %broadcast_in_dim3A_1 : vector<16xf32> to vector<1x16xf32>
    tpu.vector_store %arg11[%swap3A_224, %swap3A_225], %swap3A_228 {strides = array<i32>} : memref<16x144xf32, #tpu.memory_space<vmem>>, vector<1x16xf32>,
    %swap3A_229 = arith.constant 4 : i32
    %swap3A_230 = arith.index_cast %swap3A_229 : i32 to index
    %swap3A_231 = arith.constant 32 : index
    %swap3A_232 = tpu.vector_load %arg11[%swap3A_230, %swap3A_231] {strides = array<i32>} : memref<16x144xf32, #tpu.memory_space<vmem>>, vector<1x16xf32>,
    %swap3A_233 = vector.shape_cast %swap3A_232 : vector<1x16xf32> to vector<16xf32>
    %swap3A_234 = vector.shape_cast %broadcast_in_dim3A_1 : vector<16xf32> to vector<1x16xf32>
    tpu.vector_store %arg11[%swap3A_230, %swap3A_231], %swap3A_234 {strides = array<i32>} : memref<16x144xf32, #tpu.memory_space<vmem>>, vector<1x16xf32>,
    %swap3A_235 = arith.constant 4 : i32
    %swap3A_236 = arith.index_cast %swap3A_235 : i32 to index
    %swap3A_237 = arith.constant 48 : index
    %swap3A_238 = tpu.vector_load %arg11[%swap3A_236, %swap3A_237] {strides = array<i32>} : memref<16x144xf32, #tpu.memory_space<vmem>>, vector<1x16xf32>,
    %swap3A_239 = vector.shape_cast %swap3A_238 : vector<1x16xf32> to vector<16xf32>
    %swap3A_240 = vector.shape_cast %broadcast_in_dim3A_1 : vector<16xf32> to vector<1x16xf32>
    tpu.vector_store %arg11[%swap3A_236, %swap3A_237], %swap3A_240 {strides = array<i32>} : memref<16x144xf32, #tpu.memory_space<vmem>>, vector<1x16xf32>,
    %swap3A_241 = arith.constant 4 : i32
    %swap3A_242 = arith.index_cast %swap3A_241 : i32 to index
    %swap3A_243 = arith.constant 64 : index
    %swap3A_244 = tpu.vector_load %arg11[%swap3A_242, %swap3A_243] {strides = array<i32>} : memref<16x144xf32, #tpu.memory_space<vmem>>, vector<1x16xf32>,
    %swap3A_245 = vector.shape_cast %swap3A_244 : vector<1x16xf32> to vector<16xf32>
    %swap3A_246 = vector.shape_cast %broadcast_in_dim3A_1 : vector<16xf32> to vector<1x16xf32>
    tpu.vector_store %arg11[%swap3A_242, %swap3A_243], %swap3A_246 {strides = array<i32>} : memref<16x144xf32, #tpu.memory_space<vmem>>, vector<1x16xf32>,
    %swap3A_247 = arith.constant 4 : i32
    %swap3A_248 = arith.index_cast %swap3A_247 : i32 to index
    %swap3A_249 = arith.constant 80 : index
    %swap3A_250 = tpu.vector_load %arg11[%swap3A_248, %swap3A_249] {strides = array<i32>} : memref<16x144xf32, #tpu.memory_space<vmem>>, vector<1x16xf32>,
    %swap3A_251 = vector.shape_cast %swap3A_250 : vector<1x16xf32> to vector<16xf32>
    %swap3A_252 = vector.shape_cast %broadcast_in_dim3A_1 : vector<16xf32> to vector<1x16xf32>
    tpu.vector_store %arg11[%swap3A_248, %swap3A_249], %swap3A_252 {strides = array<i32>} : memref<16x144xf32, #tpu.memory_space<vmem>>, vector<1x16xf32>,
    %swap3A_253 = arith.constant 4 : i32
    %swap3A_254 = arith.index_cast %swap3A_253 : i32 to index
    %swap3A_255 = arith.constant 96 : index
    %swap3A_256 = tpu.vector_load %arg11[%swap3A_254, %swap3A_255] {strides = array<i32>} : memref<16x144xf32, #tpu.memory_space<vmem>>, vector<1x16xf32>,
    %swap3A_257 = vector.shape_cast %swap3A_256 : vector<1x16xf32> to vector<16xf32>
    %swap3A_258 = vector.shape_cast %broadcast_in_dim3A_1 : vector<16xf32> to vector<1x16xf32>
    tpu.vector_store %arg11[%swap3A_254, %swap3A_255], %swap3A_258 {strides = array<i32>} : memref<16x144xf32, #tpu.memory_space<vmem>>, vector<1x16xf32>,
    %swap3A_259 = arith.constant 4 : i32
    %swap3A_260 = arith.index_cast %swap3A_259 : i32 to index
    %swap3A_261 = arith.constant 112 : index
    %swap3A_262 = tpu.vector_load %arg11[%swap3A_260, %swap3A_261] {strides = array<i32>} : memref<16x144xf32, #tpu.memory_space<vmem>>, vector<1x16xf32>,
    %swap3A_263 = vector.shape_cast %swap3A_262 : vector<1x16xf32> to vector<16xf32>
    %swap3A_264 = vector.shape_cast %broadcast_in_dim3A_1 : vector<16xf32> to vector<1x16xf32>
    tpu.vector_store %arg11[%swap3A_260, %swap3A_261], %swap3A_264 {strides = array<i32>} : memref<16x144xf32, #tpu.memory_space<vmem>>, vector<1x16xf32>,
    %swap3A_265 = arith.constant 4 : i32
    %swap3A_266 = arith.index_cast %swap3A_265 : i32 to index
    %swap3A_267 = arith.constant 128 : index
    %swap3A_268 = tpu.vector_load %arg11[%swap3A_266, %swap3A_267] {strides = array<i32>} : memref<16x144xf32, #tpu.memory_space<vmem>>, vector<1x16xf32>,
    %swap3A_269 = vector.shape_cast %swap3A_268 : vector<1x16xf32> to vector<16xf32>
    %swap3A_270 = vector.shape_cast %broadcast_in_dim3A_1 : vector<16xf32> to vector<1x16xf32>
    tpu.vector_store %arg11[%swap3A_266, %swap3A_267], %swap3A_270 {strides = array<i32>} : memref<16x144xf32, #tpu.memory_space<vmem>>, vector<1x16xf32>,
    %swap3A_271 = arith.constant 5 : i32
    %swap3A_272 = arith.index_cast %swap3A_271 : i32 to index
    %swap3A_273 = arith.constant 0 : index
    %swap3A_274 = tpu.vector_load %arg11[%swap3A_272, %swap3A_273] {strides = array<i32>} : memref<16x144xf32, #tpu.memory_space<vmem>>, vector<1x16xf32>,
    %swap3A_275 = vector.shape_cast %swap3A_274 : vector<1x16xf32> to vector<16xf32>
    %swap3A_276 = vector.shape_cast %broadcast_in_dim3A_1 : vector<16xf32> to vector<1x16xf32>
    tpu.vector_store %arg11[%swap3A_272, %swap3A_273], %swap3A_276 {strides = array<i32>} : memref<16x144xf32, #tpu.memory_space<vmem>>, vector<1x16xf32>,
    %swap3A_277 = arith.constant 5 : i32
    %swap3A_278 = arith.index_cast %swap3A_277 : i32 to index
    %swap3A_279 = arith.constant 16 : index
    %swap3A_280 = tpu.vector_load %arg11[%swap3A_278, %swap3A_279] {strides = array<i32>} : memref<16x144xf32, #tpu.memory_space<vmem>>, vector<1x16xf32>,
    %swap3A_281 = vector.shape_cast %swap3A_280 : vector<1x16xf32> to vector<16xf32>
    %swap3A_282 = vector.shape_cast %broadcast_in_dim3A_1 : vector<16xf32> to vector<1x16xf32>
    tpu.vector_store %arg11[%swap3A_278, %swap3A_279], %swap3A_282 {strides = array<i32>} : memref<16x144xf32, #tpu.memory_space<vmem>>, vector<1x16xf32>,
    %swap3A_283 = arith.constant 5 : i32
    %swap3A_284 = arith.index_cast %swap3A_283 : i32 to index
    %swap3A_285 = arith.constant 32 : index
    %swap3A_286 = tpu.vector_load %arg11[%swap3A_284, %swap3A_285] {strides = array<i32>} : memref<16x144xf32, #tpu.memory_space<vmem>>, vector<1x16xf32>,
    %swap3A_287 = vector.shape_cast %swap3A_286 : vector<1x16xf32> to vector<16xf32>
    %swap3A_288 = vector.shape_cast %broadcast_in_dim3A_1 : vector<16xf32> to vector<1x16xf32>
    tpu.vector_store %arg11[%swap3A_284, %swap3A_285], %swap3A_288 {strides = array<i32>} : memref<16x144xf32, #tpu.memory_space<vmem>>, vector<1x16xf32>,
    %swap3A_289 = arith.constant 5 : i32
    %swap3A_290 = arith.index_cast %swap3A_289 : i32 to index
    %swap3A_291 = arith.constant 48 : index
    %swap3A_292 = tpu.vector_load %arg11[%swap3A_290, %swap3A_291] {strides = array<i32>} : memref<16x144xf32, #tpu.memory_space<vmem>>, vector<1x16xf32>,
    %swap3A_293 = vector.shape_cast %swap3A_292 : vector<1x16xf32> to vector<16xf32>
    %swap3A_294 = vector.shape_cast %broadcast_in_dim3A_1 : vector<16xf32> to vector<1x16xf32>
    tpu.vector_store %arg11[%swap3A_290, %swap3A_291], %swap3A_294 {strides = array<i32>} : memref<16x144xf32, #tpu.memory_space<vmem>>, vector<1x16xf32>,
    %swap3A_295 = arith.constant 5 : i32
    %swap3A_296 = arith.index_cast %swap3A_295 : i32 to index
    %swap3A_297 = arith.constant 64 : index
    %swap3A_298 = tpu.vector_load %arg11[%swap3A_296, %swap3A_297] {strides = array<i32>} : memref<16x144xf32, #tpu.memory_space<vmem>>, vector<1x16xf32>,
    %swap3A_299 = vector.shape_cast %swap3A_298 : vector<1x16xf32> to vector<16xf32>
    %swap3A_300 = vector.shape_cast %broadcast_in_dim3A_1 : vector<16xf32> to vector<1x16xf32>
    tpu.vector_store %arg11[%swap3A_296, %swap3A_297], %swap3A_300 {strides = array<i32>} : memref<16x144xf32, #tpu.memory_space<vmem>>, vector<1x16xf32>,
    %swap3A_301 = arith.constant 5 : i32
    %swap3A_302 = arith.index_cast %swap3A_301 : i32 to index
    %swap3A_303 = arith.constant 80 : index
    %swap3A_304 = tpu.vector_load %arg11[%swap3A_302, %swap3A_303] {strides = array<i32>} : memref<16x144xf32, #tpu.memory_space<vmem>>, vector<1x16xf32>,
    %swap3A_305 = vector.shape_cast %swap3A_304 : vector<1x16xf32> to vector<16xf32>
    %swap3A_306 = vector.shape_cast %broadcast_in_dim3A_1 : vector<16xf32> to vector<1x16xf32>
    tpu.vector_store %arg11[%swap3A_302, %swap3A_303], %swap3A_306 {strides = array<i32>} : memref<16x144xf32, #tpu.memory_space<vmem>>, vector<1x16xf32>,
    %swap3A_307 = arith.constant 5 : i32
    %swap3A_308 = arith.index_cast %swap3A_307 : i32 to index
    %swap3A_309 = arith.constant 96 : index
    %swap3A_310 = tpu.vector_load %arg11[%swap3A_308, %swap3A_309] {strides = array<i32>} : memref<16x144xf32, #tpu.memory_space<vmem>>, vector<1x16xf32>,
    %swap3A_311 = vector.shape_cast %swap3A_310 : vector<1x16xf32> to vector<16xf32>
    %swap3A_312 = vector.shape_cast %broadcast_in_dim3A_1 : vector<16xf32> to vector<1x16xf32>
    tpu.vector_store %arg11[%swap3A_308, %swap3A_309], %swap3A_312 {strides = array<i32>} : memref<16x144xf32, #tpu.memory_space<vmem>>, vector<1x16xf32>,
    %swap3A_313 = arith.constant 5 : i32
    %swap3A_314 = arith.index_cast %swap3A_313 : i32 to index
    %swap3A_315 = arith.constant 112 : index
    %swap3A_316 = tpu.vector_load %arg11[%swap3A_314, %swap3A_315] {strides = array<i32>} : memref<16x144xf32, #tpu.memory_space<vmem>>, vector<1x16xf32>,
    %swap3A_317 = vector.shape_cast %swap3A_316 : vector<1x16xf32> to vector<16xf32>
    %swap3A_318 = vector.shape_cast %broadcast_in_dim3A_1 : vector<16xf32> to vector<1x16xf32>
    tpu.vector_store %arg11[%swap3A_314, %swap3A_315], %swap3A_318 {strides = array<i32>} : memref<16x144xf32, #tpu.memory_space<vmem>>, vector<1x16xf32>,
    %swap3A_319 = arith.constant 5 : i32
    %swap3A_320 = arith.index_cast %swap3A_319 : i32 to index
    %swap3A_321 = arith.constant 128 : index
    %swap3A_322 = tpu.vector_load %arg11[%swap3A_320, %swap3A_321] {strides = array<i32>} : memref<16x144xf32, #tpu.memory_space<vmem>>, vector<1x16xf32>,
    %swap3A_323 = vector.shape_cast %swap3A_322 : vector<1x16xf32> to vector<16xf32>
    %swap3A_324 = vector.shape_cast %broadcast_in_dim3A_1 : vector<16xf32> to vector<1x16xf32>
    tpu.vector_store %arg11[%swap3A_320, %swap3A_321], %swap3A_324 {strides = array<i32>} : memref<16x144xf32, #tpu.memory_space<vmem>>, vector<1x16xf32>,
    %swap3A_325 = arith.constant 6 : i32
    %swap3A_326 = arith.index_cast %swap3A_325 : i32 to index
    %swap3A_327 = arith.constant 0 : index
    %swap3A_328 = tpu.vector_load %arg11[%swap3A_326, %swap3A_327] {strides = array<i32>} : memref<16x144xf32, #tpu.memory_space<vmem>>, vector<1x16xf32>,
    %swap3A_329 = vector.shape_cast %swap3A_328 : vector<1x16xf32> to vector<16xf32>
    %swap3A_330 = vector.shape_cast %broadcast_in_dim3A_1 : vector<16xf32> to vector<1x16xf32>
    tpu.vector_store %arg11[%swap3A_326, %swap3A_327], %swap3A_330 {strides = array<i32>} : memref<16x144xf32, #tpu.memory_space<vmem>>, vector<1x16xf32>,
    %swap3A_331 = arith.constant 6 : i32
    %swap3A_332 = arith.index_cast %swap3A_331 : i32 to index
    %swap3A_333 = arith.constant 16 : index
    %swap3A_334 = tpu.vector_load %arg11[%swap3A_332, %swap3A_333] {strides = array<i32>} : memref<16x144xf32, #tpu.memory_space<vmem>>, vector<1x16xf32>,
    %swap3A_335 = vector.shape_cast %swap3A_334 : vector<1x16xf32> to vector<16xf32>
    %swap3A_336 = vector.shape_cast %broadcast_in_dim3A_1 : vector<16xf32> to vector<1x16xf32>
    tpu.vector_store %arg11[%swap3A_332, %swap3A_333], %swap3A_336 {strides = array<i32>} : memref<16x144xf32, #tpu.memory_space<vmem>>, vector<1x16xf32>,
    %swap3A_337 = arith.constant 6 : i32
    %swap3A_338 = arith.index_cast %swap3A_337 : i32 to index
    %swap3A_339 = arith.constant 32 : index
    %swap3A_340 = tpu.vector_load %arg11[%swap3A_338, %swap3A_339] {strides = array<i32>} : memref<16x144xf32, #tpu.memory_space<vmem>>, vector<1x16xf32>,
    %swap3A_341 = vector.shape_cast %swap3A_340 : vector<1x16xf32> to vector<16xf32>
    %swap3A_342 = vector.shape_cast %broadcast_in_dim3A_1 : vector<16xf32> to vector<1x16xf32>
    tpu.vector_store %arg11[%swap3A_338, %swap3A_339], %swap3A_342 {strides = array<i32>} : memref<16x144xf32, #tpu.memory_space<vmem>>, vector<1x16xf32>,
    %swap3A_343 = arith.constant 6 : i32
    %swap3A_344 = arith.index_cast %swap3A_343 : i32 to index
    %swap3A_345 = arith.constant 48 : index
    %swap3A_346 = tpu.vector_load %arg11[%swap3A_344, %swap3A_345] {strides = array<i32>} : memref<16x144xf32, #tpu.memory_space<vmem>>, vector<1x16xf32>,
    %swap3A_347 = vector.shape_cast %swap3A_346 : vector<1x16xf32> to vector<16xf32>
    %swap3A_348 = vector.shape_cast %broadcast_in_dim3A_1 : vector<16xf32> to vector<1x16xf32>
    tpu.vector_store %arg11[%swap3A_344, %swap3A_345], %swap3A_348 {strides = array<i32>} : memref<16x144xf32, #tpu.memory_space<vmem>>, vector<1x16xf32>,
    %swap3A_349 = arith.constant 6 : i32
    %swap3A_350 = arith.index_cast %swap3A_349 : i32 to index
    %swap3A_351 = arith.constant 64 : index
    %swap3A_352 = tpu.vector_load %arg11[%swap3A_350, %swap3A_351] {strides = array<i32>} : memref<16x144xf32, #tpu.memory_space<vmem>>, vector<1x16xf32>,
    %swap3A_353 = vector.shape_cast %swap3A_352 : vector<1x16xf32> to vector<16xf32>
    %swap3A_354 = vector.shape_cast %broadcast_in_dim3A_1 : vector<16xf32> to vector<1x16xf32>
    tpu.vector_store %arg11[%swap3A_350, %swap3A_351], %swap3A_354 {strides = array<i32>} : memref<16x144xf32, #tpu.memory_space<vmem>>, vector<1x16xf32>,
    %swap3A_355 = arith.constant 6 : i32
    %swap3A_356 = arith.index_cast %swap3A_355 : i32 to index
    %swap3A_357 = arith.constant 80 : index
    %swap3A_358 = tpu.vector_load %arg11[%swap3A_356, %swap3A_357] {strides = array<i32>} : memref<16x144xf32, #tpu.memory_space<vmem>>, vector<1x16xf32>,
    %swap3A_359 = vector.shape_cast %swap3A_358 : vector<1x16xf32> to vector<16xf32>
    %swap3A_360 = vector.shape_cast %broadcast_in_dim3A_1 : vector<16xf32> to vector<1x16xf32>
    tpu.vector_store %arg11[%swap3A_356, %swap3A_357], %swap3A_360 {strides = array<i32>} : memref<16x144xf32, #tpu.memory_space<vmem>>, vector<1x16xf32>,
    %swap3A_361 = arith.constant 6 : i32
    %swap3A_362 = arith.index_cast %swap3A_361 : i32 to index
    %swap3A_363 = arith.constant 96 : index
    %swap3A_364 = tpu.vector_load %arg11[%swap3A_362, %swap3A_363] {strides = array<i32>} : memref<16x144xf32, #tpu.memory_space<vmem>>, vector<1x16xf32>,
    %swap3A_365 = vector.shape_cast %swap3A_364 : vector<1x16xf32> to vector<16xf32>
    %swap3A_366 = vector.shape_cast %broadcast_in_dim3A_1 : vector<16xf32> to vector<1x16xf32>
    tpu.vector_store %arg11[%swap3A_362, %swap3A_363], %swap3A_366 {strides = array<i32>} : memref<16x144xf32, #tpu.memory_space<vmem>>, vector<1x16xf32>,
    %swap3A_367 = arith.constant 6 : i32
    %swap3A_368 = arith.index_cast %swap3A_367 : i32 to index
    %swap3A_369 = arith.constant 112 : index
    %swap3A_370 = tpu.vector_load %arg11[%swap3A_368, %swap3A_369] {strides = array<i32>} : memref<16x144xf32, #tpu.memory_space<vmem>>, vector<1x16xf32>,
    %swap3A_371 = vector.shape_cast %swap3A_370 : vector<1x16xf32> to vector<16xf32>
    %swap3A_372 = vector.shape_cast %broadcast_in_dim3A_1 : vector<16xf32> to vector<1x16xf32>
    tpu.vector_store %arg11[%swap3A_368, %swap3A_369], %swap3A_372 {strides = array<i32>} : memref<16x144xf32, #tpu.memory_space<vmem>>, vector<1x16xf32>,
    %swap3A_373 = arith.constant 6 : i32
    %swap3A_374 = arith.index_cast %swap3A_373 : i32 to index
    %swap3A_375 = arith.constant 128 : index
    %swap3A_376 = tpu.vector_load %arg11[%swap3A_374, %swap3A_375] {strides = array<i32>} : memref<16x144xf32, #tpu.memory_space<vmem>>, vector<1x16xf32>,
    %swap3A_377 = vector.shape_cast %swap3A_376 : vector<1x16xf32> to vector<16xf32>
    %swap3A_378 = vector.shape_cast %broadcast_in_dim3A_1 : vector<16xf32> to vector<1x16xf32>
    tpu.vector_store %arg11[%swap3A_374, %swap3A_375], %swap3A_378 {strides = array<i32>} : memref<16x144xf32, #tpu.memory_space<vmem>>, vector<1x16xf32>,
    %swap3A_379 = arith.constant 7 : i32
    %swap3A_380 = arith.index_cast %swap3A_379 : i32 to index
    %swap3A_381 = arith.constant 0 : index
    %swap3A_382 = tpu.vector_load %arg11[%swap3A_380, %swap3A_381] {strides = array<i32>} : memref<16x144xf32, #tpu.memory_space<vmem>>, vector<1x16xf32>,
    %swap3A_383 = vector.shape_cast %swap3A_382 : vector<1x16xf32> to vector<16xf32>
    %swap3A_384 = vector.shape_cast %broadcast_in_dim3A_1 : vector<16xf32> to vector<1x16xf32>
    tpu.vector_store %arg11[%swap3A_380, %swap3A_381], %swap3A_384 {strides = array<i32>} : memref<16x144xf32, #tpu.memory_space<vmem>>, vector<1x16xf32>,
    %swap3A_385 = arith.constant 7 : i32
    %swap3A_386 = arith.index_cast %swap3A_385 : i32 to index
    %swap3A_387 = arith.constant 16 : index
    %swap3A_388 = tpu.vector_load %arg11[%swap3A_386, %swap3A_387] {strides = array<i32>} : memref<16x144xf32, #tpu.memory_space<vmem>>, vector<1x16xf32>,
    %swap3A_389 = vector.shape_cast %swap3A_388 : vector<1x16xf32> to vector<16xf32>
    %swap3A_390 = vector.shape_cast %broadcast_in_dim3A_1 : vector<16xf32> to vector<1x16xf32>
    tpu.vector_store %arg11[%swap3A_386, %swap3A_387], %swap3A_390 {strides = array<i32>} : memref<16x144xf32, #tpu.memory_space<vmem>>, vector<1x16xf32>,
    %swap3A_391 = arith.constant 7 : i32
    %swap3A_392 = arith.index_cast %swap3A_391 : i32 to index
    %swap3A_393 = arith.constant 32 : index
    %swap3A_394 = tpu.vector_load %arg11[%swap3A_392, %swap3A_393] {strides = array<i32>} : memref<16x144xf32, #tpu.memory_space<vmem>>, vector<1x16xf32>,
    %swap3A_395 = vector.shape_cast %swap3A_394 : vector<1x16xf32> to vector<16xf32>
    %swap3A_396 = vector.shape_cast %broadcast_in_dim3A_1 : vector<16xf32> to vector<1x16xf32>
    tpu.vector_store %arg11[%swap3A_392, %swap3A_393], %swap3A_396 {strides = array<i32>} : memref<16x144xf32, #tpu.memory_space<vmem>>, vector<1x16xf32>,
    %swap3A_397 = arith.constant 7 : i32
    %swap3A_398 = arith.index_cast %swap3A_397 : i32 to index
    %swap3A_399 = arith.constant 48 : index
    %swap3A_400 = tpu.vector_load %arg11[%swap3A_398, %swap3A_399] {strides = array<i32>} : memref<16x144xf32, #tpu.memory_space<vmem>>, vector<1x16xf32>,
    %swap3A_401 = vector.shape_cast %swap3A_400 : vector<1x16xf32> to vector<16xf32>
    %swap3A_402 = vector.shape_cast %broadcast_in_dim3A_1 : vector<16xf32> to vector<1x16xf32>
    tpu.vector_store %arg11[%swap3A_398, %swap3A_399], %swap3A_402 {strides = array<i32>} : memref<16x144xf32, #tpu.memory_space<vmem>>, vector<1x16xf32>,
    %swap3A_403 = arith.constant 7 : i32
    %swap3A_404 = arith.index_cast %swap3A_403 : i32 to index
    %swap3A_405 = arith.constant 64 : index
    %swap3A_406 = tpu.vector_load %arg11[%swap3A_404, %swap3A_405] {strides = array<i32>} : memref<16x144xf32, #tpu.memory_space<vmem>>, vector<1x16xf32>,
    %swap3A_407 = vector.shape_cast %swap3A_406 : vector<1x16xf32> to vector<16xf32>
    %swap3A_408 = vector.shape_cast %broadcast_in_dim3A_1 : vector<16xf32> to vector<1x16xf32>
    tpu.vector_store %arg11[%swap3A_404, %swap3A_405], %swap3A_408 {strides = array<i32>} : memref<16x144xf32, #tpu.memory_space<vmem>>, vector<1x16xf32>,
    %swap3A_409 = arith.constant 7 : i32
    %swap3A_410 = arith.index_cast %swap3A_409 : i32 to index
    %swap3A_411 = arith.constant 80 : index
    %swap3A_412 = tpu.vector_load %arg11[%swap3A_410, %swap3A_411] {strides = array<i32>} : memref<16x144xf32, #tpu.memory_space<vmem>>, vector<1x16xf32>,
    %swap3A_413 = vector.shape_cast %swap3A_412 : vector<1x16xf32> to vector<16xf32>
    %swap3A_414 = vector.shape_cast %broadcast_in_dim3A_1 : vector<16xf32> to vector<1x16xf32>
    tpu.vector_store %arg11[%swap3A_410, %swap3A_411], %swap3A_414 {strides = array<i32>} : memref<16x144xf32, #tpu.memory_space<vmem>>, vector<1x16xf32>,
    %swap3A_415 = arith.constant 7 : i32
    %swap3A_416 = arith.index_cast %swap3A_415 : i32 to index
    %swap3A_417 = arith.constant 96 : index
    %swap3A_418 = tpu.vector_load %arg11[%swap3A_416, %swap3A_417] {strides = array<i32>} : memref<16x144xf32, #tpu.memory_space<vmem>>, vector<1x16xf32>,
    %swap3A_419 = vector.shape_cast %swap3A_418 : vector<1x16xf32> to vector<16xf32>
    %swap3A_420 = vector.shape_cast %broadcast_in_dim3A_1 : vector<16xf32> to vector<1x16xf32>
    tpu.vector_store %arg11[%swap3A_416, %swap3A_417], %swap3A_420 {strides = array<i32>} : memref<16x144xf32, #tpu.memory_space<vmem>>, vector<1x16xf32>,
    %swap3A_421 = arith.constant 7 : i32
    %swap3A_422 = arith.index_cast %swap3A_421 : i32 to index
    %swap3A_423 = arith.constant 112 : index
    %swap3A_424 = tpu.vector_load %arg11[%swap3A_422, %swap3A_423] {strides = array<i32>} : memref<16x144xf32, #tpu.memory_space<vmem>>, vector<1x16xf32>,
    %swap3A_425 = vector.shape_cast %swap3A_424 : vector<1x16xf32> to vector<16xf32>
    %swap3A_426 = vector.shape_cast %broadcast_in_dim3A_1 : vector<16xf32> to vector<1x16xf32>
    tpu.vector_store %arg11[%swap3A_422, %swap3A_423], %swap3A_426 {strides = array<i32>} : memref<16x144xf32, #tpu.memory_space<vmem>>, vector<1x16xf32>,
    %swap3A_427 = arith.constant 7 : i32
    %swap3A_428 = arith.index_cast %swap3A_427 : i32 to index
    %swap3A_429 = arith.constant 128 : index
    %swap3A_430 = tpu.vector_load %arg11[%swap3A_428, %swap3A_429] {strides = array<i32>} : memref<16x144xf32, #tpu.memory_space<vmem>>, vector<1x16xf32>,
    %swap3A_431 = vector.shape_cast %swap3A_430 : vector<1x16xf32> to vector<16xf32>
    %swap3A_432 = vector.shape_cast %broadcast_in_dim3A_1 : vector<16xf32> to vector<1x16xf32>
    tpu.vector_store %arg11[%swap3A_428, %swap3A_429], %swap3A_432 {strides = array<i32>} : memref<16x144xf32, #tpu.memory_space<vmem>>, vector<1x16xf32>,
    %swap3A_433 = arith.constant 8 : i32
    %swap3A_434 = arith.index_cast %swap3A_433 : i32 to index
    %swap3A_435 = arith.constant 0 : index
    %swap3A_436 = tpu.vector_load %arg11[%swap3A_434, %swap3A_435] {strides = array<i32>} : memref<16x144xf32, #tpu.memory_space<vmem>>, vector<1x16xf32>,
    %swap3A_437 = vector.shape_cast %swap3A_436 : vector<1x16xf32> to vector<16xf32>
    %swap3A_438 = vector.shape_cast %broadcast_in_dim3A_1 : vector<16xf32> to vector<1x16xf32>
    tpu.vector_store %arg11[%swap3A_434, %swap3A_435], %swap3A_438 {strides = array<i32>} : memref<16x144xf32, #tpu.memory_space<vmem>>, vector<1x16xf32>,
    %swap3A_439 = arith.constant 8 : i32
    %swap3A_440 = arith.index_cast %swap3A_439 : i32 to index
    %swap3A_441 = arith.constant 16 : index
    %swap3A_442 = tpu.vector_load %arg11[%swap3A_440, %swap3A_441] {strides = array<i32>} : memref<16x144xf32, #tpu.memory_space<vmem>>, vector<1x16xf32>,
    %swap3A_443 = vector.shape_cast %swap3A_442 : vector<1x16xf32> to vector<16xf32>
    %swap3A_444 = vector.shape_cast %broadcast_in_dim3A_1 : vector<16xf32> to vector<1x16xf32>
    tpu.vector_store %arg11[%swap3A_440, %swap3A_441], %swap3A_444 {strides = array<i32>} : memref<16x144xf32, #tpu.memory_space<vmem>>, vector<1x16xf32>,
    %swap3A_445 = arith.constant 8 : i32
    %swap3A_446 = arith.index_cast %swap3A_445 : i32 to index
    %swap3A_447 = arith.constant 32 : index
    %swap3A_448 = tpu.vector_load %arg11[%swap3A_446, %swap3A_447] {strides = array<i32>} : memref<16x144xf32, #tpu.memory_space<vmem>>, vector<1x16xf32>,
    %swap3A_449 = vector.shape_cast %swap3A_448 : vector<1x16xf32> to vector<16xf32>
    %swap3A_450 = vector.shape_cast %broadcast_in_dim3A_1 : vector<16xf32> to vector<1x16xf32>
    tpu.vector_store %arg11[%swap3A_446, %swap3A_447], %swap3A_450 {strides = array<i32>} : memref<16x144xf32, #tpu.memory_space<vmem>>, vector<1x16xf32>,
    %swap3A_451 = arith.constant 8 : i32
    %swap3A_452 = arith.index_cast %swap3A_451 : i32 to index
    %swap3A_453 = arith.constant 48 : index
    %swap3A_454 = tpu.vector_load %arg11[%swap3A_452, %swap3A_453] {strides = array<i32>} : memref<16x144xf32, #tpu.memory_space<vmem>>, vector<1x16xf32>,
    %swap3A_455 = vector.shape_cast %swap3A_454 : vector<1x16xf32> to vector<16xf32>
    %swap3A_456 = vector.shape_cast %broadcast_in_dim3A_1 : vector<16xf32> to vector<1x16xf32>
    tpu.vector_store %arg11[%swap3A_452, %swap3A_453], %swap3A_456 {strides = array<i32>} : memref<16x144xf32, #tpu.memory_space<vmem>>, vector<1x16xf32>,
    %swap3A_457 = arith.constant 8 : i32
    %swap3A_458 = arith.index_cast %swap3A_457 : i32 to index
    %swap3A_459 = arith.constant 64 : index
    %swap3A_460 = tpu.vector_load %arg11[%swap3A_458, %swap3A_459] {strides = array<i32>} : memref<16x144xf32, #tpu.memory_space<vmem>>, vector<1x16xf32>,
    %swap3A_461 = vector.shape_cast %swap3A_460 : vector<1x16xf32> to vector<16xf32>
    %swap3A_462 = vector.shape_cast %broadcast_in_dim3A_1 : vector<16xf32> to vector<1x16xf32>
    tpu.vector_store %arg11[%swap3A_458, %swap3A_459], %swap3A_462 {strides = array<i32>} : memref<16x144xf32, #tpu.memory_space<vmem>>, vector<1x16xf32>,
    %swap3A_463 = arith.constant 8 : i32
    %swap3A_464 = arith.index_cast %swap3A_463 : i32 to index
    %swap3A_465 = arith.constant 80 : index
    %swap3A_466 = tpu.vector_load %arg11[%swap3A_464, %swap3A_465] {strides = array<i32>} : memref<16x144xf32, #tpu.memory_space<vmem>>, vector<1x16xf32>,
    %swap3A_467 = vector.shape_cast %swap3A_466 : vector<1x16xf32> to vector<16xf32>
    %swap3A_468 = vector.shape_cast %broadcast_in_dim3A_1 : vector<16xf32> to vector<1x16xf32>
    tpu.vector_store %arg11[%swap3A_464, %swap3A_465], %swap3A_468 {strides = array<i32>} : memref<16x144xf32, #tpu.memory_space<vmem>>, vector<1x16xf32>,
    %swap3A_469 = arith.constant 8 : i32
    %swap3A_470 = arith.index_cast %swap3A_469 : i32 to index
    %swap3A_471 = arith.constant 96 : index
    %swap3A_472 = tpu.vector_load %arg11[%swap3A_470, %swap3A_471] {strides = array<i32>} : memref<16x144xf32, #tpu.memory_space<vmem>>, vector<1x16xf32>,
    %swap3A_473 = vector.shape_cast %swap3A_472 : vector<1x16xf32> to vector<16xf32>
    %swap3A_474 = vector.shape_cast %broadcast_in_dim3A_1 : vector<16xf32> to vector<1x16xf32>
    tpu.vector_store %arg11[%swap3A_470, %swap3A_471], %swap3A_474 {strides = array<i32>} : memref<16x144xf32, #tpu.memory_space<vmem>>, vector<1x16xf32>,
    %swap3A_475 = arith.constant 8 : i32
    %swap3A_476 = arith.index_cast %swap3A_475 : i32 to index
    %swap3A_477 = arith.constant 112 : index
    %swap3A_478 = tpu.vector_load %arg11[%swap3A_476, %swap3A_477] {strides = array<i32>} : memref<16x144xf32, #tpu.memory_space<vmem>>, vector<1x16xf32>,
    %swap3A_479 = vector.shape_cast %swap3A_478 : vector<1x16xf32> to vector<16xf32>
    %swap3A_480 = vector.shape_cast %broadcast_in_dim3A_1 : vector<16xf32> to vector<1x16xf32>
    tpu.vector_store %arg11[%swap3A_476, %swap3A_477], %swap3A_480 {strides = array<i32>} : memref<16x144xf32, #tpu.memory_space<vmem>>, vector<1x16xf32>,
    %swap3A_481 = arith.constant 8 : i32
    %swap3A_482 = arith.index_cast %swap3A_481 : i32 to index
    %swap3A_483 = arith.constant 128 : index
    %swap3A_484 = tpu.vector_load %arg11[%swap3A_482, %swap3A_483] {strides = array<i32>} : memref<16x144xf32, #tpu.memory_space<vmem>>, vector<1x16xf32>,
    %swap3A_485 = vector.shape_cast %swap3A_484 : vector<1x16xf32> to vector<16xf32>
    %swap3A_486 = vector.shape_cast %broadcast_in_dim3A_1 : vector<16xf32> to vector<1x16xf32>
    tpu.vector_store %arg11[%swap3A_482, %swap3A_483], %swap3A_486 {strides = array<i32>} : memref<16x144xf32, #tpu.memory_space<vmem>>, vector<1x16xf32>,
    %swap3A_487 = arith.constant 9 : i32
    %swap3A_488 = arith.index_cast %swap3A_487 : i32 to index
    %swap3A_489 = arith.constant 0 : index
    %swap3A_490 = tpu.vector_load %arg11[%swap3A_488, %swap3A_489] {strides = array<i32>} : memref<16x144xf32, #tpu.memory_space<vmem>>, vector<1x16xf32>,
    %swap3A_491 = vector.shape_cast %swap3A_490 : vector<1x16xf32> to vector<16xf32>
    %swap3A_492 = vector.shape_cast %broadcast_in_dim3A_1 : vector<16xf32> to vector<1x16xf32>
    tpu.vector_store %arg11[%swap3A_488, %swap3A_489], %swap3A_492 {strides = array<i32>} : memref<16x144xf32, #tpu.memory_space<vmem>>, vector<1x16xf32>,
    %swap3A_493 = arith.constant 9 : i32
    %swap3A_494 = arith.index_cast %swap3A_493 : i32 to index
    %swap3A_495 = arith.constant 16 : index
    %swap3A_496 = tpu.vector_load %arg11[%swap3A_494, %swap3A_495] {strides = array<i32>} : memref<16x144xf32, #tpu.memory_space<vmem>>, vector<1x16xf32>,
    %swap3A_497 = vector.shape_cast %swap3A_496 : vector<1x16xf32> to vector<16xf32>
    %swap3A_498 = vector.shape_cast %broadcast_in_dim3A_1 : vector<16xf32> to vector<1x16xf32>
    tpu.vector_store %arg11[%swap3A_494, %swap3A_495], %swap3A_498 {strides = array<i32>} : memref<16x144xf32, #tpu.memory_space<vmem>>, vector<1x16xf32>,
    %swap3A_499 = arith.constant 9 : i32
    %swap3A_500 = arith.index_cast %swap3A_499 : i32 to index
    %swap3A_501 = arith.constant 32 : index
    %swap3A_502 = tpu.vector_load %arg11[%swap3A_500, %swap3A_501] {strides = array<i32>} : memref<16x144xf32, #tpu.memory_space<vmem>>, vector<1x16xf32>,
    %swap3A_503 = vector.shape_cast %swap3A_502 : vector<1x16xf32> to vector<16xf32>
    %swap3A_504 = vector.shape_cast %broadcast_in_dim3A_1 : vector<16xf32> to vector<1x16xf32>
    tpu.vector_store %arg11[%swap3A_500, %swap3A_501], %swap3A_504 {strides = array<i32>} : memref<16x144xf32, #tpu.memory_space<vmem>>, vector<1x16xf32>,
    %swap3A_505 = arith.constant 9 : i32
    %swap3A_506 = arith.index_cast %swap3A_505 : i32 to index
    %swap3A_507 = arith.constant 48 : index
    %swap3A_508 = tpu.vector_load %arg11[%swap3A_506, %swap3A_507] {strides = array<i32>} : memref<16x144xf32, #tpu.memory_space<vmem>>, vector<1x16xf32>,
    %swap3A_509 = vector.shape_cast %swap3A_508 : vector<1x16xf32> to vector<16xf32>
    %swap3A_510 = vector.shape_cast %broadcast_in_dim3A_1 : vector<16xf32> to vector<1x16xf32>
    tpu.vector_store %arg11[%swap3A_506, %swap3A_507], %swap3A_510 {strides = array<i32>} : memref<16x144xf32, #tpu.memory_space<vmem>>, vector<1x16xf32>,
    %swap3A_511 = arith.constant 9 : i32
    %swap3A_512 = arith.index_cast %swap3A_511 : i32 to index
    %swap3A_513 = arith.constant 64 : index
    %swap3A_514 = tpu.vector_load %arg11[%swap3A_512, %swap3A_513] {strides = array<i32>} : memref<16x144xf32, #tpu.memory_space<vmem>>, vector<1x16xf32>,
    %swap3A_515 = vector.shape_cast %swap3A_514 : vector<1x16xf32> to vector<16xf32>
    %swap3A_516 = vector.shape_cast %broadcast_in_dim3A_1 : vector<16xf32> to vector<1x16xf32>
    tpu.vector_store %arg11[%swap3A_512, %swap3A_513], %swap3A_516 {strides = array<i32>} : memref<16x144xf32, #tpu.memory_space<vmem>>, vector<1x16xf32>,
    %swap3A_517 = arith.constant 9 : i32
    %swap3A_518 = arith.index_cast %swap3A_517 : i32 to index
    %swap3A_519 = arith.constant 80 : index
    %swap3A_520 = tpu.vector_load %arg11[%swap3A_518, %swap3A_519] {strides = array<i32>} : memref<16x144xf32, #tpu.memory_space<vmem>>, vector<1x16xf32>,
    %swap3A_521 = vector.shape_cast %swap3A_520 : vector<1x16xf32> to vector<16xf32>
    %swap3A_522 = vector.shape_cast %broadcast_in_dim3A_1 : vector<16xf32> to vector<1x16xf32>
    tpu.vector_store %arg11[%swap3A_518, %swap3A_519], %swap3A_522 {strides = array<i32>} : memref<16x144xf32, #tpu.memory_space<vmem>>, vector<1x16xf32>,
    %swap3A_523 = arith.constant 9 : i32
    %swap3A_524 = arith.index_cast %swap3A_523 : i32 to index
    %swap3A_525 = arith.constant 96 : index
    %swap3A_526 = tpu.vector_load %arg11[%swap3A_524, %swap3A_525] {strides = array<i32>} : memref<16x144xf32, #tpu.memory_space<vmem>>, vector<1x16xf32>,
    %swap3A_527 = vector.shape_cast %swap3A_526 : vector<1x16xf32> to vector<16xf32>
    %swap3A_528 = vector.shape_cast %broadcast_in_dim3A_1 : vector<16xf32> to vector<1x16xf32>
    tpu.vector_store %arg11[%swap3A_524, %swap3A_525], %swap3A_528 {strides = array<i32>} : memref<16x144xf32, #tpu.memory_space<vmem>>, vector<1x16xf32>,
    %swap3A_529 = arith.constant 9 : i32
    %swap3A_530 = arith.index_cast %swap3A_529 : i32 to index
    %swap3A_531 = arith.constant 112 : index
    %swap3A_532 = tpu.vector_load %arg11[%swap3A_530, %swap3A_531] {strides = array<i32>} : memref<16x144xf32, #tpu.memory_space<vmem>>, vector<1x16xf32>,
    %swap3A_533 = vector.shape_cast %swap3A_532 : vector<1x16xf32> to vector<16xf32>
    %swap3A_534 = vector.shape_cast %broadcast_in_dim3A_1 : vector<16xf32> to vector<1x16xf32>
    tpu.vector_store %arg11[%swap3A_530, %swap3A_531], %swap3A_534 {strides = array<i32>} : memref<16x144xf32, #tpu.memory_space<vmem>>, vector<1x16xf32>,
    %swap3A_535 = arith.constant 9 : i32
    %swap3A_536 = arith.index_cast %swap3A_535 : i32 to index
    %swap3A_537 = arith.constant 128 : index
    %swap3A_538 = tpu.vector_load %arg11[%swap3A_536, %swap3A_537] {strides = array<i32>} : memref<16x144xf32, #tpu.memory_space<vmem>>, vector<1x16xf32>,
    %swap3A_539 = vector.shape_cast %swap3A_538 : vector<1x16xf32> to vector<16xf32>
    %swap3A_540 = vector.shape_cast %broadcast_in_dim3A_1 : vector<16xf32> to vector<1x16xf32>
    tpu.vector_store %arg11[%swap3A_536, %swap3A_537], %swap3A_540 {strides = array<i32>} : memref<16x144xf32, #tpu.memory_space<vmem>>, vector<1x16xf32>,
    %swap3A_541 = arith.constant 10 : i32
    %swap3A_542 = arith.index_cast %swap3A_541 : i32 to index
    %swap3A_543 = arith.constant 0 : index
    %swap3A_544 = tpu.vector_load %arg11[%swap3A_542, %swap3A_543] {strides = array<i32>} : memref<16x144xf32, #tpu.memory_space<vmem>>, vector<1x16xf32>,
    %swap3A_545 = vector.shape_cast %swap3A_544 : vector<1x16xf32> to vector<16xf32>
    %swap3A_546 = vector.shape_cast %broadcast_in_dim3A_1 : vector<16xf32> to vector<1x16xf32>
    tpu.vector_store %arg11[%swap3A_542, %swap3A_543], %swap3A_546 {strides = array<i32>} : memref<16x144xf32, #tpu.memory_space<vmem>>, vector<1x16xf32>,
    %swap3A_547 = arith.constant 10 : i32
    %swap3A_548 = arith.index_cast %swap3A_547 : i32 to index
    %swap3A_549 = arith.constant 16 : index
    %swap3A_550 = tpu.vector_load %arg11[%swap3A_548, %swap3A_549] {strides = array<i32>} : memref<16x144xf32, #tpu.memory_space<vmem>>, vector<1x16xf32>,
    %swap3A_551 = vector.shape_cast %swap3A_550 : vector<1x16xf32> to vector<16xf32>
    %swap3A_552 = vector.shape_cast %broadcast_in_dim3A_1 : vector<16xf32> to vector<1x16xf32>
    tpu.vector_store %arg11[%swap3A_548, %swap3A_549], %swap3A_552 {strides = array<i32>} : memref<16x144xf32, #tpu.memory_space<vmem>>, vector<1x16xf32>,
    %swap3A_553 = arith.constant 10 : i32
    %swap3A_554 = arith.index_cast %swap3A_553 : i32 to index
    %swap3A_555 = arith.constant 32 : index
    %swap3A_556 = tpu.vector_load %arg11[%swap3A_554, %swap3A_555] {strides = array<i32>} : memref<16x144xf32, #tpu.memory_space<vmem>>, vector<1x16xf32>,
    %swap3A_557 = vector.shape_cast %swap3A_556 : vector<1x16xf32> to vector<16xf32>
    %swap3A_558 = vector.shape_cast %broadcast_in_dim3A_1 : vector<16xf32> to vector<1x16xf32>
    tpu.vector_store %arg11[%swap3A_554, %swap3A_555], %swap3A_558 {strides = array<i32>} : memref<16x144xf32, #tpu.memory_space<vmem>>, vector<1x16xf32>,
    %swap3A_559 = arith.constant 10 : i32
    %swap3A_560 = arith.index_cast %swap3A_559 : i32 to index
    %swap3A_561 = arith.constant 48 : index
    %swap3A_562 = tpu.vector_load %arg11[%swap3A_560, %swap3A_561] {strides = array<i32>} : memref<16x144xf32, #tpu.memory_space<vmem>>, vector<1x16xf32>,
    %swap3A_563 = vector.shape_cast %swap3A_562 : vector<1x16xf32> to vector<16xf32>
    %swap3A_564 = vector.shape_cast %broadcast_in_dim3A_1 : vector<16xf32> to vector<1x16xf32>
    tpu.vector_store %arg11[%swap3A_560, %swap3A_561], %swap3A_564 {strides = array<i32>} : memref<16x144xf32, #tpu.memory_space<vmem>>, vector<1x16xf32>,
    %swap3A_565 = arith.constant 10 : i32
    %swap3A_566 = arith.index_cast %swap3A_565 : i32 to index
    %swap3A_567 = arith.constant 64 : index
    %swap3A_568 = tpu.vector_load %arg11[%swap3A_566, %swap3A_567] {strides = array<i32>} : memref<16x144xf32, #tpu.memory_space<vmem>>, vector<1x16xf32>,
    %swap3A_569 = vector.shape_cast %swap3A_568 : vector<1x16xf32> to vector<16xf32>
    %swap3A_570 = vector.shape_cast %broadcast_in_dim3A_1 : vector<16xf32> to vector<1x16xf32>
    tpu.vector_store %arg11[%swap3A_566, %swap3A_567], %swap3A_570 {strides = array<i32>} : memref<16x144xf32, #tpu.memory_space<vmem>>, vector<1x16xf32>,
    %swap3A_571 = arith.constant 10 : i32
    %swap3A_572 = arith.index_cast %swap3A_571 : i32 to index
    %swap3A_573 = arith.constant 80 : index
    %swap3A_574 = tpu.vector_load %arg11[%swap3A_572, %swap3A_573] {strides = array<i32>} : memref<16x144xf32, #tpu.memory_space<vmem>>, vector<1x16xf32>,
    %swap3A_575 = vector.shape_cast %swap3A_574 : vector<1x16xf32> to vector<16xf32>
    %swap3A_576 = vector.shape_cast %broadcast_in_dim3A_1 : vector<16xf32> to vector<1x16xf32>
    tpu.vector_store %arg11[%swap3A_572, %swap3A_573], %swap3A_576 {strides = array<i32>} : memref<16x144xf32, #tpu.memory_space<vmem>>, vector<1x16xf32>,
    %swap3A_577 = arith.constant 10 : i32
    %swap3A_578 = arith.index_cast %swap3A_577 : i32 to index
    %swap3A_579 = arith.constant 96 : index
    %swap3A_580 = tpu.vector_load %arg11[%swap3A_578, %swap3A_579] {strides = array<i32>} : memref<16x144xf32, #tpu.memory_space<vmem>>, vector<1x16xf32>,
    %swap3A_581 = vector.shape_cast %swap3A_580 : vector<1x16xf32> to vector<16xf32>
    %swap3A_582 = vector.shape_cast %broadcast_in_dim3A_1 : vector<16xf32> to vector<1x16xf32>
    tpu.vector_store %arg11[%swap3A_578, %swap3A_579], %swap3A_582 {strides = array<i32>} : memref<16x144xf32, #tpu.memory_space<vmem>>, vector<1x16xf32>,
    %swap3A_583 = arith.constant 10 : i32
    %swap3A_584 = arith.index_cast %swap3A_583 : i32 to index
    %swap3A_585 = arith.constant 112 : index
    %swap3A_586 = tpu.vector_load %arg11[%swap3A_584, %swap3A_585] {strides = array<i32>} : memref<16x144xf32, #tpu.memory_space<vmem>>, vector<1x16xf32>,
    %swap3A_587 = vector.shape_cast %swap3A_586 : vector<1x16xf32> to vector<16xf32>
    %swap3A_588 = vector.shape_cast %broadcast_in_dim3A_1 : vector<16xf32> to vector<1x16xf32>
    tpu.vector_store %arg11[%swap3A_584, %swap3A_585], %swap3A_588 {strides = array<i32>} : memref<16x144xf32, #tpu.memory_space<vmem>>, vector<1x16xf32>,
    %swap3A_589 = arith.constant 10 : i32
    %swap3A_590 = arith.index_cast %swap3A_589 : i32 to index
    %swap3A_591 = arith.constant 128 : index
    %swap3A_592 = tpu.vector_load %arg11[%swap3A_590, %swap3A_591] {strides = array<i32>} : memref<16x144xf32, #tpu.memory_space<vmem>>, vector<1x16xf32>,
    %swap3A_593 = vector.shape_cast %swap3A_592 : vector<1x16xf32> to vector<16xf32>
    %swap3A_594 = vector.shape_cast %broadcast_in_dim3A_1 : vector<16xf32> to vector<1x16xf32>
    tpu.vector_store %arg11[%swap3A_590, %swap3A_591], %swap3A_594 {strides = array<i32>} : memref<16x144xf32, #tpu.memory_space<vmem>>, vector<1x16xf32>,
    %swap3A_595 = arith.constant 11 : i32
    %swap3A_596 = arith.index_cast %swap3A_595 : i32 to index
    %swap3A_597 = arith.constant 0 : index
    %swap3A_598 = tpu.vector_load %arg11[%swap3A_596, %swap3A_597] {strides = array<i32>} : memref<16x144xf32, #tpu.memory_space<vmem>>, vector<1x16xf32>,
    %swap3A_599 = vector.shape_cast %swap3A_598 : vector<1x16xf32> to vector<16xf32>
    %swap3A_600 = vector.shape_cast %broadcast_in_dim3A_1 : vector<16xf32> to vector<1x16xf32>
    tpu.vector_store %arg11[%swap3A_596, %swap3A_597], %swap3A_600 {strides = array<i32>} : memref<16x144xf32, #tpu.memory_space<vmem>>, vector<1x16xf32>,
    %swap3A_601 = arith.constant 11 : i32
    %swap3A_602 = arith.index_cast %swap3A_601 : i32 to index
    %swap3A_603 = arith.constant 16 : index
    %swap3A_604 = tpu.vector_load %arg11[%swap3A_602, %swap3A_603] {strides = array<i32>} : memref<16x144xf32, #tpu.memory_space<vmem>>, vector<1x16xf32>,
    %swap3A_605 = vector.shape_cast %swap3A_604 : vector<1x16xf32> to vector<16xf32>
    %swap3A_606 = vector.shape_cast %broadcast_in_dim3A_1 : vector<16xf32> to vector<1x16xf32>
    tpu.vector_store %arg11[%swap3A_602, %swap3A_603], %swap3A_606 {strides = array<i32>} : memref<16x144xf32, #tpu.memory_space<vmem>>, vector<1x16xf32>,
    %swap3A_607 = arith.constant 11 : i32
    %swap3A_608 = arith.index_cast %swap3A_607 : i32 to index
    %swap3A_609 = arith.constant 32 : index
    %swap3A_610 = tpu.vector_load %arg11[%swap3A_608, %swap3A_609] {strides = array<i32>} : memref<16x144xf32, #tpu.memory_space<vmem>>, vector<1x16xf32>,
    %swap3A_611 = vector.shape_cast %swap3A_610 : vector<1x16xf32> to vector<16xf32>
    %swap3A_612 = vector.shape_cast %broadcast_in_dim3A_1 : vector<16xf32> to vector<1x16xf32>
    tpu.vector_store %arg11[%swap3A_608, %swap3A_609], %swap3A_612 {strides = array<i32>} : memref<16x144xf32, #tpu.memory_space<vmem>>, vector<1x16xf32>,
    %swap3A_613 = arith.constant 11 : i32
    %swap3A_614 = arith.index_cast %swap3A_613 : i32 to index
    %swap3A_615 = arith.constant 48 : index
    %swap3A_616 = tpu.vector_load %arg11[%swap3A_614, %swap3A_615] {strides = array<i32>} : memref<16x144xf32, #tpu.memory_space<vmem>>, vector<1x16xf32>,
    %swap3A_617 = vector.shape_cast %swap3A_616 : vector<1x16xf32> to vector<16xf32>
    %swap3A_618 = vector.shape_cast %broadcast_in_dim3A_1 : vector<16xf32> to vector<1x16xf32>
    tpu.vector_store %arg11[%swap3A_614, %swap3A_615], %swap3A_618 {strides = array<i32>} : memref<16x144xf32, #tpu.memory_space<vmem>>, vector<1x16xf32>,
    %swap3A_619 = arith.constant 11 : i32
    %swap3A_620 = arith.index_cast %swap3A_619 : i32 to index
    %swap3A_621 = arith.constant 64 : index
    %swap3A_622 = tpu.vector_load %arg11[%swap3A_620, %swap3A_621] {strides = array<i32>} : memref<16x144xf32, #tpu.memory_space<vmem>>, vector<1x16xf32>,
    %swap3A_623 = vector.shape_cast %swap3A_622 : vector<1x16xf32> to vector<16xf32>
    %swap3A_624 = vector.shape_cast %broadcast_in_dim3A_1 : vector<16xf32> to vector<1x16xf32>
    tpu.vector_store %arg11[%swap3A_620, %swap3A_621], %swap3A_624 {strides = array<i32>} : memref<16x144xf32, #tpu.memory_space<vmem>>, vector<1x16xf32>,
    %swap3A_625 = arith.constant 11 : i32
    %swap3A_626 = arith.index_cast %swap3A_625 : i32 to index
    %swap3A_627 = arith.constant 80 : index
    %swap3A_628 = tpu.vector_load %arg11[%swap3A_626, %swap3A_627] {strides = array<i32>} : memref<16x144xf32, #tpu.memory_space<vmem>>, vector<1x16xf32>,
    %swap3A_629 = vector.shape_cast %swap3A_628 : vector<1x16xf32> to vector<16xf32>
    %swap3A_630 = vector.shape_cast %broadcast_in_dim3A_1 : vector<16xf32> to vector<1x16xf32>
    tpu.vector_store %arg11[%swap3A_626, %swap3A_627], %swap3A_630 {strides = array<i32>} : memref<16x144xf32, #tpu.memory_space<vmem>>, vector<1x16xf32>,
    %swap3A_631 = arith.constant 11 : i32
    %swap3A_632 = arith.index_cast %swap3A_631 : i32 to index
    %swap3A_633 = arith.constant 96 : index
    %swap3A_634 = tpu.vector_load %arg11[%swap3A_632, %swap3A_633] {strides = array<i32>} : memref<16x144xf32, #tpu.memory_space<vmem>>, vector<1x16xf32>,
    %swap3A_635 = vector.shape_cast %swap3A_634 : vector<1x16xf32> to vector<16xf32>
    %swap3A_636 = vector.shape_cast %broadcast_in_dim3A_1 : vector<16xf32> to vector<1x16xf32>
    tpu.vector_store %arg11[%swap3A_632, %swap3A_633], %swap3A_636 {strides = array<i32>} : memref<16x144xf32, #tpu.memory_space<vmem>>, vector<1x16xf32>,
    %swap3A_637 = arith.constant 11 : i32
    %swap3A_638 = arith.index_cast %swap3A_637 : i32 to index
    %swap3A_639 = arith.constant 112 : index
    %swap3A_640 = tpu.vector_load %arg11[%swap3A_638, %swap3A_639] {strides = array<i32>} : memref<16x144xf32, #tpu.memory_space<vmem>>, vector<1x16xf32>,
    %swap3A_641 = vector.shape_cast %swap3A_640 : vector<1x16xf32> to vector<16xf32>
    %swap3A_642 = vector.shape_cast %broadcast_in_dim3A_1 : vector<16xf32> to vector<1x16xf32>
    tpu.vector_store %arg11[%swap3A_638, %swap3A_639], %swap3A_642 {strides = array<i32>} : memref<16x144xf32, #tpu.memory_space<vmem>>, vector<1x16xf32>,
    %swap3A_643 = arith.constant 11 : i32
    %swap3A_644 = arith.index_cast %swap3A_643 : i32 to index
    %swap3A_645 = arith.constant 128 : index
    %swap3A_646 = tpu.vector_load %arg11[%swap3A_644, %swap3A_645] {strides = array<i32>} : memref<16x144xf32, #tpu.memory_space<vmem>>, vector<1x16xf32>,
    %swap3A_647 = vector.shape_cast %swap3A_646 : vector<1x16xf32> to vector<16xf32>
    %swap3A_648 = vector.shape_cast %broadcast_in_dim3A_1 : vector<16xf32> to vector<1x16xf32>
    tpu.vector_store %arg11[%swap3A_644, %swap3A_645], %swap3A_648 {strides = array<i32>} : memref<16x144xf32, #tpu.memory_space<vmem>>, vector<1x16xf32>,
    %swap3A_649 = arith.constant 12 : i32
    %swap3A_650 = arith.index_cast %swap3A_649 : i32 to index
    %swap3A_651 = arith.constant 0 : index
    %swap3A_652 = tpu.vector_load %arg11[%swap3A_650, %swap3A_651] {strides = array<i32>} : memref<16x144xf32, #tpu.memory_space<vmem>>, vector<1x16xf32>,
    %swap3A_653 = vector.shape_cast %swap3A_652 : vector<1x16xf32> to vector<16xf32>
    %swap3A_654 = vector.shape_cast %broadcast_in_dim3A_1 : vector<16xf32> to vector<1x16xf32>
    tpu.vector_store %arg11[%swap3A_650, %swap3A_651], %swap3A_654 {strides = array<i32>} : memref<16x144xf32, #tpu.memory_space<vmem>>, vector<1x16xf32>,
    %swap3A_655 = arith.constant 12 : i32
    %swap3A_656 = arith.index_cast %swap3A_655 : i32 to index
    %swap3A_657 = arith.constant 16 : index
    %swap3A_658 = tpu.vector_load %arg11[%swap3A_656, %swap3A_657] {strides = array<i32>} : memref<16x144xf32, #tpu.memory_space<vmem>>, vector<1x16xf32>,
    %swap3A_659 = vector.shape_cast %swap3A_658 : vector<1x16xf32> to vector<16xf32>
    %swap3A_660 = vector.shape_cast %broadcast_in_dim3A_1 : vector<16xf32> to vector<1x16xf32>
    tpu.vector_store %arg11[%swap3A_656, %swap3A_657], %swap3A_660 {strides = array<i32>} : memref<16x144xf32, #tpu.memory_space<vmem>>, vector<1x16xf32>,
    %swap3A_661 = arith.constant 12 : i32
    %swap3A_662 = arith.index_cast %swap3A_661 : i32 to index
    %swap3A_663 = arith.constant 32 : index
    %swap3A_664 = tpu.vector_load %arg11[%swap3A_662, %swap3A_663] {strides = array<i32>} : memref<16x144xf32, #tpu.memory_space<vmem>>, vector<1x16xf32>,
    %swap3A_665 = vector.shape_cast %swap3A_664 : vector<1x16xf32> to vector<16xf32>
    %swap3A_666 = vector.shape_cast %broadcast_in_dim3A_1 : vector<16xf32> to vector<1x16xf32>
    tpu.vector_store %arg11[%swap3A_662, %swap3A_663], %swap3A_666 {strides = array<i32>} : memref<16x144xf32, #tpu.memory_space<vmem>>, vector<1x16xf32>,
    %swap3A_667 = arith.constant 12 : i32
    %swap3A_668 = arith.index_cast %swap3A_667 : i32 to index
    %swap3A_669 = arith.constant 48 : index
    %swap3A_670 = tpu.vector_load %arg11[%swap3A_668, %swap3A_669] {strides = array<i32>} : memref<16x144xf32, #tpu.memory_space<vmem>>, vector<1x16xf32>,
    %swap3A_671 = vector.shape_cast %swap3A_670 : vector<1x16xf32> to vector<16xf32>
    %swap3A_672 = vector.shape_cast %broadcast_in_dim3A_1 : vector<16xf32> to vector<1x16xf32>
    tpu.vector_store %arg11[%swap3A_668, %swap3A_669], %swap3A_672 {strides = array<i32>} : memref<16x144xf32, #tpu.memory_space<vmem>>, vector<1x16xf32>,
    %swap3A_673 = arith.constant 12 : i32
    %swap3A_674 = arith.index_cast %swap3A_673 : i32 to index
    %swap3A_675 = arith.constant 64 : index
    %swap3A_676 = tpu.vector_load %arg11[%swap3A_674, %swap3A_675] {strides = array<i32>} : memref<16x144xf32, #tpu.memory_space<vmem>>, vector<1x16xf32>,
    %swap3A_677 = vector.shape_cast %swap3A_676 : vector<1x16xf32> to vector<16xf32>
    %swap3A_678 = vector.shape_cast %broadcast_in_dim3A_1 : vector<16xf32> to vector<1x16xf32>
    tpu.vector_store %arg11[%swap3A_674, %swap3A_675], %swap3A_678 {strides = array<i32>} : memref<16x144xf32, #tpu.memory_space<vmem>>, vector<1x16xf32>,
    %swap3A_679 = arith.constant 12 : i32
    %swap3A_680 = arith.index_cast %swap3A_679 : i32 to index
    %swap3A_681 = arith.constant 80 : index
    %swap3A_682 = tpu.vector_load %arg11[%swap3A_680, %swap3A_681] {strides = array<i32>} : memref<16x144xf32, #tpu.memory_space<vmem>>, vector<1x16xf32>,
    %swap3A_683 = vector.shape_cast %swap3A_682 : vector<1x16xf32> to vector<16xf32>
    %swap3A_684 = vector.shape_cast %broadcast_in_dim3A_1 : vector<16xf32> to vector<1x16xf32>
    tpu.vector_store %arg11[%swap3A_680, %swap3A_681], %swap3A_684 {strides = array<i32>} : memref<16x144xf32, #tpu.memory_space<vmem>>, vector<1x16xf32>,
    %swap3A_685 = arith.constant 12 : i32
    %swap3A_686 = arith.index_cast %swap3A_685 : i32 to index
    %swap3A_687 = arith.constant 96 : index
    %swap3A_688 = tpu.vector_load %arg11[%swap3A_686, %swap3A_687] {strides = array<i32>} : memref<16x144xf32, #tpu.memory_space<vmem>>, vector<1x16xf32>,
    %swap3A_689 = vector.shape_cast %swap3A_688 : vector<1x16xf32> to vector<16xf32>
    %swap3A_690 = vector.shape_cast %broadcast_in_dim3A_1 : vector<16xf32> to vector<1x16xf32>
    tpu.vector_store %arg11[%swap3A_686, %swap3A_687], %swap3A_690 {strides = array<i32>} : memref<16x144xf32, #tpu.memory_space<vmem>>, vector<1x16xf32>,
    %swap3A_691 = arith.constant 12 : i32
    %swap3A_692 = arith.index_cast %swap3A_691 : i32 to index
    %swap3A_693 = arith.constant 112 : index
    %swap3A_694 = tpu.vector_load %arg11[%swap3A_692, %swap3A_693] {strides = array<i32>} : memref<16x144xf32, #tpu.memory_space<vmem>>, vector<1x16xf32>,
    %swap3A_695 = vector.shape_cast %swap3A_694 : vector<1x16xf32> to vector<16xf32>
    %swap3A_696 = vector.shape_cast %broadcast_in_dim3A_1 : vector<16xf32> to vector<1x16xf32>
    tpu.vector_store %arg11[%swap3A_692, %swap3A_693], %swap3A_696 {strides = array<i32>} : memref<16x144xf32, #tpu.memory_space<vmem>>, vector<1x16xf32>,
    %swap3A_697 = arith.constant 12 : i32
    %swap3A_698 = arith.index_cast %swap3A_697 : i32 to index
    %swap3A_699 = arith.constant 128 : index
    %swap3A_700 = tpu.vector_load %arg11[%swap3A_698, %swap3A_699] {strides = array<i32>} : memref<16x144xf32, #tpu.memory_space<vmem>>, vector<1x16xf32>,
    %swap3A_701 = vector.shape_cast %swap3A_700 : vector<1x16xf32> to vector<16xf32>
    %swap3A_702 = vector.shape_cast %broadcast_in_dim3A_1 : vector<16xf32> to vector<1x16xf32>
    tpu.vector_store %arg11[%swap3A_698, %swap3A_699], %swap3A_702 {strides = array<i32>} : memref<16x144xf32, #tpu.memory_space<vmem>>, vector<1x16xf32>,
    %swap3A_703 = arith.constant 13 : i32
    %swap3A_704 = arith.index_cast %swap3A_703 : i32 to index
    %swap3A_705 = arith.constant 0 : index
    %swap3A_706 = tpu.vector_load %arg11[%swap3A_704, %swap3A_705] {strides = array<i32>} : memref<16x144xf32, #tpu.memory_space<vmem>>, vector<1x16xf32>,
    %swap3A_707 = vector.shape_cast %swap3A_706 : vector<1x16xf32> to vector<16xf32>
    %swap3A_708 = vector.shape_cast %broadcast_in_dim3A_1 : vector<16xf32> to vector<1x16xf32>
    tpu.vector_store %arg11[%swap3A_704, %swap3A_705], %swap3A_708 {strides = array<i32>} : memref<16x144xf32, #tpu.memory_space<vmem>>, vector<1x16xf32>,
    %swap3A_709 = arith.constant 13 : i32
    %swap3A_710 = arith.index_cast %swap3A_709 : i32 to index
    %swap3A_711 = arith.constant 16 : index
    %swap3A_712 = tpu.vector_load %arg11[%swap3A_710, %swap3A_711] {strides = array<i32>} : memref<16x144xf32, #tpu.memory_space<vmem>>, vector<1x16xf32>,
    %swap3A_713 = vector.shape_cast %swap3A_712 : vector<1x16xf32> to vector<16xf32>
    %swap3A_714 = vector.shape_cast %broadcast_in_dim3A_1 : vector<16xf32> to vector<1x16xf32>
    tpu.vector_store %arg11[%swap3A_710, %swap3A_711], %swap3A_714 {strides = array<i32>} : memref<16x144xf32, #tpu.memory_space<vmem>>, vector<1x16xf32>,
    %swap3A_715 = arith.constant 13 : i32
    %swap3A_716 = arith.index_cast %swap3A_715 : i32 to index
    %swap3A_717 = arith.constant 32 : index
    %swap3A_718 = tpu.vector_load %arg11[%swap3A_716, %swap3A_717] {strides = array<i32>} : memref<16x144xf32, #tpu.memory_space<vmem>>, vector<1x16xf32>,
    %swap3A_719 = vector.shape_cast %swap3A_718 : vector<1x16xf32> to vector<16xf32>
    %swap3A_720 = vector.shape_cast %broadcast_in_dim3A_1 : vector<16xf32> to vector<1x16xf32>
    tpu.vector_store %arg11[%swap3A_716, %swap3A_717], %swap3A_720 {strides = array<i32>} : memref<16x144xf32, #tpu.memory_space<vmem>>, vector<1x16xf32>,
    %swap3A_721 = arith.constant 13 : i32
    %swap3A_722 = arith.index_cast %swap3A_721 : i32 to index
    %swap3A_723 = arith.constant 48 : index
    %swap3A_724 = tpu.vector_load %arg11[%swap3A_722, %swap3A_723] {strides = array<i32>} : memref<16x144xf32, #tpu.memory_space<vmem>>, vector<1x16xf32>,
    %swap3A_725 = vector.shape_cast %swap3A_724 : vector<1x16xf32> to vector<16xf32>
    %swap3A_726 = vector.shape_cast %broadcast_in_dim3A_1 : vector<16xf32> to vector<1x16xf32>
    tpu.vector_store %arg11[%swap3A_722, %swap3A_723], %swap3A_726 {strides = array<i32>} : memref<16x144xf32, #tpu.memory_space<vmem>>, vector<1x16xf32>,
    %swap3A_727 = arith.constant 13 : i32
    %swap3A_728 = arith.index_cast %swap3A_727 : i32 to index
    %swap3A_729 = arith.constant 64 : index
    %swap3A_730 = tpu.vector_load %arg11[%swap3A_728, %swap3A_729] {strides = array<i32>} : memref<16x144xf32, #tpu.memory_space<vmem>>, vector<1x16xf32>,
    %swap3A_731 = vector.shape_cast %swap3A_730 : vector<1x16xf32> to vector<16xf32>
    %swap3A_732 = vector.shape_cast %broadcast_in_dim3A_1 : vector<16xf32> to vector<1x16xf32>
    tpu.vector_store %arg11[%swap3A_728, %swap3A_729], %swap3A_732 {strides = array<i32>} : memref<16x144xf32, #tpu.memory_space<vmem>>, vector<1x16xf32>,
    %swap3A_733 = arith.constant 13 : i32
    %swap3A_734 = arith.index_cast %swap3A_733 : i32 to index
    %swap3A_735 = arith.constant 80 : index
    %swap3A_736 = tpu.vector_load %arg11[%swap3A_734, %swap3A_735] {strides = array<i32>} : memref<16x144xf32, #tpu.memory_space<vmem>>, vector<1x16xf32>,
    %swap3A_737 = vector.shape_cast %swap3A_736 : vector<1x16xf32> to vector<16xf32>
    %swap3A_738 = vector.shape_cast %broadcast_in_dim3A_1 : vector<16xf32> to vector<1x16xf32>
    tpu.vector_store %arg11[%swap3A_734, %swap3A_735], %swap3A_738 {strides = array<i32>} : memref<16x144xf32, #tpu.memory_space<vmem>>, vector<1x16xf32>,
    %swap3A_739 = arith.constant 13 : i32
    %swap3A_740 = arith.index_cast %swap3A_739 : i32 to index
    %swap3A_741 = arith.constant 96 : index
    %swap3A_742 = tpu.vector_load %arg11[%swap3A_740, %swap3A_741] {strides = array<i32>} : memref<16x144xf32, #tpu.memory_space<vmem>>, vector<1x16xf32>,
    %swap3A_743 = vector.shape_cast %swap3A_742 : vector<1x16xf32> to vector<16xf32>
    %swap3A_744 = vector.shape_cast %broadcast_in_dim3A_1 : vector<16xf32> to vector<1x16xf32>
    tpu.vector_store %arg11[%swap3A_740, %swap3A_741], %swap3A_744 {strides = array<i32>} : memref<16x144xf32, #tpu.memory_space<vmem>>, vector<1x16xf32>,
    %swap3A_745 = arith.constant 13 : i32
    %swap3A_746 = arith.index_cast %swap3A_745 : i32 to index
    %swap3A_747 = arith.constant 112 : index
    %swap3A_748 = tpu.vector_load %arg11[%swap3A_746, %swap3A_747] {strides = array<i32>} : memref<16x144xf32, #tpu.memory_space<vmem>>, vector<1x16xf32>,
    %swap3A_749 = vector.shape_cast %swap3A_748 : vector<1x16xf32> to vector<16xf32>
    %swap3A_750 = vector.shape_cast %broadcast_in_dim3A_1 : vector<16xf32> to vector<1x16xf32>
    tpu.vector_store %arg11[%swap3A_746, %swap3A_747], %swap3A_750 {strides = array<i32>} : memref<16x144xf32, #tpu.memory_space<vmem>>, vector<1x16xf32>,
    %swap3A_751 = arith.constant 13 : i32
    %swap3A_752 = arith.index_cast %swap3A_751 : i32 to index
    %swap3A_753 = arith.constant 128 : index
    %swap3A_754 = tpu.vector_load %arg11[%swap3A_752, %swap3A_753] {strides = array<i32>} : memref<16x144xf32, #tpu.memory_space<vmem>>, vector<1x16xf32>,
    %swap3A_755 = vector.shape_cast %swap3A_754 : vector<1x16xf32> to vector<16xf32>
    %swap3A_756 = vector.shape_cast %broadcast_in_dim3A_1 : vector<16xf32> to vector<1x16xf32>
    tpu.vector_store %arg11[%swap3A_752, %swap3A_753], %swap3A_756 {strides = array<i32>} : memref<16x144xf32, #tpu.memory_space<vmem>>, vector<1x16xf32>,
    %swap3A_757 = arith.constant 14 : i32
    %swap3A_758 = arith.index_cast %swap3A_757 : i32 to index
    %swap3A_759 = arith.constant 0 : index
    %swap3A_760 = tpu.vector_load %arg11[%swap3A_758, %swap3A_759] {strides = array<i32>} : memref<16x144xf32, #tpu.memory_space<vmem>>, vector<1x16xf32>,
    %swap3A_761 = vector.shape_cast %swap3A_760 : vector<1x16xf32> to vector<16xf32>
    %swap3A_762 = vector.shape_cast %broadcast_in_dim3A_1 : vector<16xf32> to vector<1x16xf32>
    tpu.vector_store %arg11[%swap3A_758, %swap3A_759], %swap3A_762 {strides = array<i32>} : memref<16x144xf32, #tpu.memory_space<vmem>>, vector<1x16xf32>,
    %swap3A_763 = arith.constant 14 : i32
    %swap3A_764 = arith.index_cast %swap3A_763 : i32 to index
    %swap3A_765 = arith.constant 16 : index
    %swap3A_766 = tpu.vector_load %arg11[%swap3A_764, %swap3A_765] {strides = array<i32>} : memref<16x144xf32, #tpu.memory_space<vmem>>, vector<1x16xf32>,
    %swap3A_767 = vector.shape_cast %swap3A_766 : vector<1x16xf32> to vector<16xf32>
    %swap3A_768 = vector.shape_cast %broadcast_in_dim3A_1 : vector<16xf32> to vector<1x16xf32>
    tpu.vector_store %arg11[%swap3A_764, %swap3A_765], %swap3A_768 {strides = array<i32>} : memref<16x144xf32, #tpu.memory_space<vmem>>, vector<1x16xf32>,
    %swap3A_769 = arith.constant 14 : i32
    %swap3A_770 = arith.index_cast %swap3A_769 : i32 to index
    %swap3A_771 = arith.constant 32 : index
    %swap3A_772 = tpu.vector_load %arg11[%swap3A_770, %swap3A_771] {strides = array<i32>} : memref<16x144xf32, #tpu.memory_space<vmem>>, vector<1x16xf32>,
    %swap3A_773 = vector.shape_cast %swap3A_772 : vector<1x16xf32> to vector<16xf32>
    %swap3A_774 = vector.shape_cast %broadcast_in_dim3A_1 : vector<16xf32> to vector<1x16xf32>
    tpu.vector_store %arg11[%swap3A_770, %swap3A_771], %swap3A_774 {strides = array<i32>} : memref<16x144xf32, #tpu.memory_space<vmem>>, vector<1x16xf32>,
    %swap3A_775 = arith.constant 14 : i32
    %swap3A_776 = arith.index_cast %swap3A_775 : i32 to index
    %swap3A_777 = arith.constant 48 : index
    %swap3A_778 = tpu.vector_load %arg11[%swap3A_776, %swap3A_777] {strides = array<i32>} : memref<16x144xf32, #tpu.memory_space<vmem>>, vector<1x16xf32>,
    %swap3A_779 = vector.shape_cast %swap3A_778 : vector<1x16xf32> to vector<16xf32>
    %swap3A_780 = vector.shape_cast %broadcast_in_dim3A_1 : vector<16xf32> to vector<1x16xf32>
    tpu.vector_store %arg11[%swap3A_776, %swap3A_777], %swap3A_780 {strides = array<i32>} : memref<16x144xf32, #tpu.memory_space<vmem>>, vector<1x16xf32>,
    %swap3A_781 = arith.constant 14 : i32
    %swap3A_782 = arith.index_cast %swap3A_781 : i32 to index
    %swap3A_783 = arith.constant 64 : index
    %swap3A_784 = tpu.vector_load %arg11[%swap3A_782, %swap3A_783] {strides = array<i32>} : memref<16x144xf32, #tpu.memory_space<vmem>>, vector<1x16xf32>,
    %swap3A_785 = vector.shape_cast %swap3A_784 : vector<1x16xf32> to vector<16xf32>
    %swap3A_786 = vector.shape_cast %broadcast_in_dim3A_1 : vector<16xf32> to vector<1x16xf32>
    tpu.vector_store %arg11[%swap3A_782, %swap3A_783], %swap3A_786 {strides = array<i32>} : memref<16x144xf32, #tpu.memory_space<vmem>>, vector<1x16xf32>,
    %swap3A_787 = arith.constant 14 : i32
    %swap3A_788 = arith.index_cast %swap3A_787 : i32 to index
    %swap3A_789 = arith.constant 80 : index
    %swap3A_790 = tpu.vector_load %arg11[%swap3A_788, %swap3A_789] {strides = array<i32>} : memref<16x144xf32, #tpu.memory_space<vmem>>, vector<1x16xf32>,
    %swap3A_791 = vector.shape_cast %swap3A_790 : vector<1x16xf32> to vector<16xf32>
    %swap3A_792 = vector.shape_cast %broadcast_in_dim3A_1 : vector<16xf32> to vector<1x16xf32>
    tpu.vector_store %arg11[%swap3A_788, %swap3A_789], %swap3A_792 {strides = array<i32>} : memref<16x144xf32, #tpu.memory_space<vmem>>, vector<1x16xf32>,
    %swap3A_793 = arith.constant 14 : i32
    %swap3A_794 = arith.index_cast %swap3A_793 : i32 to index
    %swap3A_795 = arith.constant 96 : index
    %swap3A_796 = tpu.vector_load %arg11[%swap3A_794, %swap3A_795] {strides = array<i32>} : memref<16x144xf32, #tpu.memory_space<vmem>>, vector<1x16xf32>,
    %swap3A_797 = vector.shape_cast %swap3A_796 : vector<1x16xf32> to vector<16xf32>
    %swap3A_798 = vector.shape_cast %broadcast_in_dim3A_1 : vector<16xf32> to vector<1x16xf32>
    tpu.vector_store %arg11[%swap3A_794, %swap3A_795], %swap3A_798 {strides = array<i32>} : memref<16x144xf32, #tpu.memory_space<vmem>>, vector<1x16xf32>,
    %swap3A_799 = arith.constant 14 : i32
    %swap3A_800 = arith.index_cast %swap3A_799 : i32 to index
    %swap3A_801 = arith.constant 112 : index
    %swap3A_802 = tpu.vector_load %arg11[%swap3A_800, %swap3A_801] {strides = array<i32>} : memref<16x144xf32, #tpu.memory_space<vmem>>, vector<1x16xf32>,
    %swap3A_803 = vector.shape_cast %swap3A_802 : vector<1x16xf32> to vector<16xf32>
    %swap3A_804 = vector.shape_cast %broadcast_in_dim3A_1 : vector<16xf32> to vector<1x16xf32>
    tpu.vector_store %arg11[%swap3A_800, %swap3A_801], %swap3A_804 {strides = array<i32>} : memref<16x144xf32, #tpu.memory_space<vmem>>, vector<1x16xf32>,
    %swap3A_805 = arith.constant 14 : i32
    %swap3A_806 = arith.index_cast %swap3A_805 : i32 to index
    %swap3A_807 = arith.constant 128 : index
    %swap3A_808 = tpu.vector_load %arg11[%swap3A_806, %swap3A_807] {strides = array<i32>} : memref<16x144xf32, #tpu.memory_space<vmem>>, vector<1x16xf32>,
    %swap3A_809 = vector.shape_cast %swap3A_808 : vector<1x16xf32> to vector<16xf32>
    %swap3A_810 = vector.shape_cast %broadcast_in_dim3A_1 : vector<16xf32> to vector<1x16xf32>
    tpu.vector_store %arg11[%swap3A_806, %swap3A_807], %swap3A_810 {strides = array<i32>} : memref<16x144xf32, #tpu.memory_space<vmem>>, vector<1x16xf32>,
    %swap3A_811 = arith.constant 15 : i32
    %swap3A_812 = arith.index_cast %swap3A_811 : i32 to index
    %swap3A_813 = arith.constant 0 : index
    %swap3A_814 = tpu.vector_load %arg11[%swap3A_812, %swap3A_813] {strides = array<i32>} : memref<16x144xf32, #tpu.memory_space<vmem>>, vector<1x16xf32>,
    %swap3A_815 = vector.shape_cast %swap3A_814 : vector<1x16xf32> to vector<16xf32>
    %swap3A_816 = vector.shape_cast %broadcast_in_dim3A_1 : vector<16xf32> to vector<1x16xf32>
    tpu.vector_store %arg11[%swap3A_812, %swap3A_813], %swap3A_816 {strides = array<i32>} : memref<16x144xf32, #tpu.memory_space<vmem>>, vector<1x16xf32>,
    %swap3A_817 = arith.constant 15 : i32
    %swap3A_818 = arith.index_cast %swap3A_817 : i32 to index
    %swap3A_819 = arith.constant 16 : index
    %swap3A_820 = tpu.vector_load %arg11[%swap3A_818, %swap3A_819] {strides = array<i32>} : memref<16x144xf32, #tpu.memory_space<vmem>>, vector<1x16xf32>,
    %swap3A_821 = vector.shape_cast %swap3A_820 : vector<1x16xf32> to vector<16xf32>
    %swap3A_822 = vector.shape_cast %broadcast_in_dim3A_1 : vector<16xf32> to vector<1x16xf32>
    tpu.vector_store %arg11[%swap3A_818, %swap3A_819], %swap3A_822 {strides = array<i32>} : memref<16x144xf32, #tpu.memory_space<vmem>>, vector<1x16xf32>,
    %swap3A_823 = arith.constant 15 : i32
    %swap3A_824 = arith.index_cast %swap3A_823 : i32 to index
    %swap3A_825 = arith.constant 32 : index
    %swap3A_826 = tpu.vector_load %arg11[%swap3A_824, %swap3A_825] {strides = array<i32>} : memref<16x144xf32, #tpu.memory_space<vmem>>, vector<1x16xf32>,
    %swap3A_827 = vector.shape_cast %swap3A_826 : vector<1x16xf32> to vector<16xf32>
    %swap3A_828 = vector.shape_cast %broadcast_in_dim3A_1 : vector<16xf32> to vector<1x16xf32>
    tpu.vector_store %arg11[%swap3A_824, %swap3A_825], %swap3A_828 {strides = array<i32>} : memref<16x144xf32, #tpu.memory_space<vmem>>, vector<1x16xf32>,
    %swap3A_829 = arith.constant 15 : i32
    %swap3A_830 = arith.index_cast %swap3A_829 : i32 to index
    %swap3A_831 = arith.constant 48 : index
    %swap3A_832 = tpu.vector_load %arg11[%swap3A_830, %swap3A_831] {strides = array<i32>} : memref<16x144xf32, #tpu.memory_space<vmem>>, vector<1x16xf32>,
    %swap3A_833 = vector.shape_cast %swap3A_832 : vector<1x16xf32> to vector<16xf32>
    %swap3A_834 = vector.shape_cast %broadcast_in_dim3A_1 : vector<16xf32> to vector<1x16xf32>
    tpu.vector_store %arg11[%swap3A_830, %swap3A_831], %swap3A_834 {strides = array<i32>} : memref<16x144xf32, #tpu.memory_space<vmem>>, vector<1x16xf32>,
    %swap3A_835 = arith.constant 15 : i32
    %swap3A_836 = arith.index_cast %swap3A_835 : i32 to index
    %swap3A_837 = arith.constant 64 : index
    %swap3A_838 = tpu.vector_load %arg11[%swap3A_836, %swap3A_837] {strides = array<i32>} : memref<16x144xf32, #tpu.memory_space<vmem>>, vector<1x16xf32>,
    %swap3A_839 = vector.shape_cast %swap3A_838 : vector<1x16xf32> to vector<16xf32>
    %swap3A_840 = vector.shape_cast %broadcast_in_dim3A_1 : vector<16xf32> to vector<1x16xf32>
    tpu.vector_store %arg11[%swap3A_836, %swap3A_837], %swap3A_840 {strides = array<i32>} : memref<16x144xf32, #tpu.memory_space<vmem>>, vector<1x16xf32>,
    %swap3A_841 = arith.constant 15 : i32
    %swap3A_842 = arith.index_cast %swap3A_841 : i32 to index
    %swap3A_843 = arith.constant 80 : index
    %swap3A_844 = tpu.vector_load %arg11[%swap3A_842, %swap3A_843] {strides = array<i32>} : memref<16x144xf32, #tpu.memory_space<vmem>>, vector<1x16xf32>,
    %swap3A_845 = vector.shape_cast %swap3A_844 : vector<1x16xf32> to vector<16xf32>
    %swap3A_846 = vector.shape_cast %broadcast_in_dim3A_1 : vector<16xf32> to vector<1x16xf32>
    tpu.vector_store %arg11[%swap3A_842, %swap3A_843], %swap3A_846 {strides = array<i32>} : memref<16x144xf32, #tpu.memory_space<vmem>>, vector<1x16xf32>,
    %swap3A_847 = arith.constant 15 : i32
    %swap3A_848 = arith.index_cast %swap3A_847 : i32 to index
    %swap3A_849 = arith.constant 96 : index
    %swap3A_850 = tpu.vector_load %arg11[%swap3A_848, %swap3A_849] {strides = array<i32>} : memref<16x144xf32, #tpu.memory_space<vmem>>, vector<1x16xf32>,
    %swap3A_851 = vector.shape_cast %swap3A_850 : vector<1x16xf32> to vector<16xf32>
    %swap3A_852 = vector.shape_cast %broadcast_in_dim3A_1 : vector<16xf32> to vector<1x16xf32>
    tpu.vector_store %arg11[%swap3A_848, %swap3A_849], %swap3A_852 {strides = array<i32>} : memref<16x144xf32, #tpu.memory_space<vmem>>, vector<1x16xf32>,
    %swap3A_853 = arith.constant 15 : i32
    %swap3A_854 = arith.index_cast %swap3A_853 : i32 to index
    %swap3A_855 = arith.constant 112 : index
    %swap3A_856 = tpu.vector_load %arg11[%swap3A_854, %swap3A_855] {strides = array<i32>} : memref<16x144xf32, #tpu.memory_space<vmem>>, vector<1x16xf32>,
    %swap3A_857 = vector.shape_cast %swap3A_856 : vector<1x16xf32> to vector<16xf32>
    %swap3A_858 = vector.shape_cast %broadcast_in_dim3A_1 : vector<16xf32> to vector<1x16xf32>
    tpu.vector_store %arg11[%swap3A_854, %swap3A_855], %swap3A_858 {strides = array<i32>} : memref<16x144xf32, #tpu.memory_space<vmem>>, vector<1x16xf32>,
    %swap3A_859 = arith.constant 15 : i32
    %swap3A_860 = arith.index_cast %swap3A_859 : i32 to index
    %swap3A_861 = arith.constant 128 : index
    %swap3A_862 = tpu.vector_load %arg11[%swap3A_860, %swap3A_861] {strides = array<i32>} : memref<16x144xf32, #tpu.memory_space<vmem>>, vector<1x16xf32>,
    %swap3A_863 = vector.shape_cast %swap3A_862 : vector<1x16xf32> to vector<16xf32>
    %swap3A_864 = vector.shape_cast %broadcast_in_dim3A_1 : vector<16xf32> to vector<1x16xf32>
    tpu.vector_store %arg11[%swap3A_860, %swap3A_861], %swap3A_864 {strides = array<i32>} : memref<16x144xf32, #tpu.memory_space<vmem>>, vector<1x16xf32>,
    %scan3A = arith.constant 0 : i32
    %scan3A_865 = arith.constant 0 : i32
    %scan3A_866 = arith.constant 40 : i32
    %scan3A_867 = arith.addi %scan3A_865, %scan3A_866 : i32
    %scan3A_868 = arith.constant 1 : i32
    scf.for %scan3A_885 = %scan3A_865 to %scan3A_867 step %scan3A_868  : i32 {
      %mul3A_886 = arith.constant 16 : i32
      %mul3A_887 = arith.muli %mul3A_886, %scan3A_885 : i32
      %add3A_888 = arith.addi %arg1, %mul3A_887 : i32
      %lt3A = arith.constant 625 : i32
      %lt3A_889 = arith.cmpi slt, %add3A_888, %lt3A : i32
      %convert_element_type3A = arith.extui %lt3A_889 : i1 to i32
      %cond3A = arith.constant 0 : i32
      %cond3A_890 = arith.cmpi ne, %convert_element_type3A, %cond3A : i32
      scf.if %cond3A_890 {
        %mul3A_891 = arith.constant 16 : i32
        %mul3A_892 = arith.muli %add3A_888, %mul3A_891 : i32
        "tpu.region"() ({
          %run_scoped3A = tpu.sem_alloc : memref<!tpu.dma_semaphore, #tpu.memory_space<semaphore_mem>>
          %dma_start3A = arith.constant 0 : i32
          %dma_start3A_893 = tpu.memref_slice %arg12[%mul3A_892, %dma_start3A] : memref<10000x144xf32, #tpu.memory_space<vmem_shared>> -> memref<16x144xf32, #tpu.memory_space<vmem_shared>>
          %dma_start3A_894 = arith.constant 0 : i32
          %dma_start3A_895 = tpu.memref_slice %arg12[%mul3A_892, %dma_start3A_894] : memref<10000x144xf32, #tpu.memory_space<vmem_shared>> -> memref<16x144xf32, #tpu.memory_space<vmem_shared>>
          tpu.enqueue_dma source(%arg11 : memref<16x144xf32, #tpu.memory_space<vmem>>) target(%dma_start3A_895 : memref<16x144xf32, #tpu.memory_space<vmem_shared>>) target_semaphore(%run_scoped3A : memref<!tpu.dma_semaphore, #tpu.memory_space<semaphore_mem>>)
          %dma_wait3A = arith.constant 0 : i32
          %dma_wait3A_896 = tpu.memref_slice %arg12[%mul3A_892, %dma_wait3A] : memref<10000x144xf32, #tpu.memory_space<vmem_shared>> -> memref<16x144xf32, #tpu.memory_space<vmem_shared>>
          %dma_wait3A_897 = arith.constant 0 : i32
          %dma_wait3A_898 = tpu.memref_slice %arg12[%mul3A_892, %dma_wait3A_897] : memref<10000x144xf32, #tpu.memory_space<vmem_shared>> -> memref<16x144xf32, #tpu.memory_space<vmem_shared>>
          tpu.wait_dma2 semaphore(%run_scoped3A : memref<!tpu.dma_semaphore, #tpu.memory_space<semaphore_mem>>) src(%arg11 : memref<16x144xf32, #tpu.memory_space<vmem>>) dst(%dma_wait3A_898 : memref<16x144xf32, #tpu.memory_space<vmem_shared>>)
          tpu.yield
        }) : () -> ()
      } else {
      }
    }
    %scan3A_869 = arith.constant 40 : i32
    %barrier3A = arith.constant 0 : index
    tpu.barrier barrier_id(%barrier3A)
    %mul3A_870 = arith.constant 10000 : i32
    %mul3A_871 = arith.muli %add3A, %mul3A_870 : i32
    %multiple_of3A = tpu.assume_multiple %mul3A_871, 8 : i32
    %scan3A_872 = arith.constant 0 : i32
    %scan3A_873 = arith.constant 0 : i32
    %scan3A_874 = arith.constant 125 : i32
    %scan3A_875 = arith.addi %scan3A_873, %scan3A_874 : i32
    %scan3A_876 = arith.constant 1 : i32
    scf.for %scan3A_885 = %scan3A_873 to %scan3A_875 step %scan3A_876  : i32 {
      %mul3A_886 = arith.constant 80 : i32
      %mul3A_887 = arith.muli %scan3A_885, %mul3A_886 : i32
      %add3A_888 = arith.addi %multiple_of3A, %mul3A_887 : i32
      %multiple_of3A_889 = tpu.assume_multiple %add3A_888, 8 : i32
      "tpu.region"() ({
        %run_scoped3A = tpu.sem_alloc : memref<!tpu.dma_semaphore, #tpu.memory_space<semaphore_mem>>
        %dma_start3A_906 = tpu.memref_slice %arg4[%multiple_of3A_889] : memref<320000xi32, #tpu.memory_space<hbm>> -> memref<80xi32, #tpu.memory_space<hbm>>
        %dma_start3A_907 = tpu.memref_slice %arg4[%multiple_of3A_889] : memref<320000xi32, #tpu.memory_space<hbm>> -> memref<80xi32, #tpu.memory_space<hbm>>
        tpu.enqueue_dma source(%dma_start3A_907 : memref<80xi32, #tpu.memory_space<hbm>>) target(%arg7 : memref<80xi32, #tpu.memory_space<vmem>>) target_semaphore(%run_scoped3A : memref<!tpu.dma_semaphore, #tpu.memory_space<semaphore_mem>>)
        %dma_wait3A_908 = tpu.memref_slice %arg4[%multiple_of3A_889] : memref<320000xi32, #tpu.memory_space<hbm>> -> memref<80xi32, #tpu.memory_space<hbm>>
        %dma_wait3A_909 = tpu.memref_slice %arg4[%multiple_of3A_889] : memref<320000xi32, #tpu.memory_space<hbm>> -> memref<80xi32, #tpu.memory_space<hbm>>
        tpu.wait_dma2 semaphore(%run_scoped3A : memref<!tpu.dma_semaphore, #tpu.memory_space<semaphore_mem>>) src(%dma_wait3A_909 : memref<80xi32, #tpu.memory_space<hbm>>) dst(%arg7 : memref<80xi32, #tpu.memory_space<vmem>>)
        tpu.yield
      }) : () -> ()
      "tpu.region"() ({
        %run_scoped3A = tpu.sem_alloc : memref<!tpu.dma_semaphore, #tpu.memory_space<semaphore_mem>>
        %dma_start3A_906 = tpu.memref_slice %arg5[%multiple_of3A_889] : memref<320000xi32, #tpu.memory_space<hbm>> -> memref<80xi32, #tpu.memory_space<hbm>>
        %dma_start3A_907 = tpu.memref_slice %arg5[%multiple_of3A_889] : memref<320000xi32, #tpu.memory_space<hbm>> -> memref<80xi32, #tpu.memory_space<hbm>>
        tpu.enqueue_dma source(%dma_start3A_907 : memref<80xi32, #tpu.memory_space<hbm>>) target(%arg8 : memref<80xi32, #tpu.memory_space<vmem>>) target_semaphore(%run_scoped3A : memref<!tpu.dma_semaphore, #tpu.memory_space<semaphore_mem>>)
        %dma_wait3A_908 = tpu.memref_slice %arg5[%multiple_of3A_889] : memref<320000xi32, #tpu.memory_space<hbm>> -> memref<80xi32, #tpu.memory_space<hbm>>
        %dma_wait3A_909 = tpu.memref_slice %arg5[%multiple_of3A_889] : memref<320000xi32, #tpu.memory_space<hbm>> -> memref<80xi32, #tpu.memory_space<hbm>>
        tpu.wait_dma2 semaphore(%run_scoped3A : memref<!tpu.dma_semaphore, #tpu.memory_space<semaphore_mem>>) src(%dma_wait3A_909 : memref<80xi32, #tpu.memory_space<hbm>>) dst(%arg8 : memref<80xi32, #tpu.memory_space<vmem>>)
        tpu.yield
      }) : () -> ()
      %dma_start3A = arith.constant 0 : i32
      %dma_start3A_890 = arith.constant 0 : i32
      %dma_start3A_891 = tpu.memref_slice %arg2[%dma_start3A, %dma_start3A_890] : memref<10000x144xf32, #tpu.memory_space<hbm>> -> memref<10000x144xf32, #tpu.memory_space<hbm>>
      tpu.enqueue_indirect_dma source(%dma_start3A_891 : memref<10000x144xf32, #tpu.memory_space<hbm>>) target(%arg9 : memref<80x144xf32, #tpu.memory_space<vmem>>) offsets(%arg7 : memref<80xi32, #tpu.memory_space<vmem>>) semaphore(%arg13 : memref<!tpu.dma_semaphore, #tpu.memory_space<semaphore_mem>>)
      %dma_start3A_892 = arith.constant 0 : i32
      %dma_start3A_893 = arith.constant 0 : i32
      %dma_start3A_894 = tpu.memref_slice %arg3[%dma_start3A_892, %dma_start3A_893] : memref<10000x16xf32, #tpu.memory_space<hbm>> -> memref<10000x16xf32, #tpu.memory_space<hbm>>
      tpu.enqueue_indirect_dma source(%dma_start3A_894 : memref<10000x16xf32, #tpu.memory_space<hbm>>) target(%arg10 : memref<80x16xf32, #tpu.memory_space<vmem>>) offsets(%arg8 : memref<80xi32, #tpu.memory_space<vmem>>) semaphore(%arg14 : memref<!tpu.dma_semaphore, #tpu.memory_space<semaphore_mem>>)
      %dma_wait3A = arith.constant 0 : i32
      %dma_wait3A_895 = arith.constant 0 : i32
      %dma_wait3A_896 = tpu.memref_slice %arg2[%dma_wait3A, %dma_wait3A_895] : memref<10000x144xf32, #tpu.memory_space<hbm>> -> memref<10000x144xf32, #tpu.memory_space<hbm>>
      tpu.wait_indirect_dma semaphore(%arg13 : memref<!tpu.dma_semaphore, #tpu.memory_space<semaphore_mem>>) src(%dma_wait3A_896 : memref<10000x144xf32, #tpu.memory_space<hbm>>) dst(%arg9 : memref<80x144xf32, #tpu.memory_space<vmem>>)
      %dma_wait3A_897 = arith.constant 0 : i32
      %dma_wait3A_898 = arith.constant 0 : i32
      %dma_wait3A_899 = tpu.memref_slice %arg3[%dma_wait3A_897, %dma_wait3A_898] : memref<10000x16xf32, #tpu.memory_space<hbm>> -> memref<10000x16xf32, #tpu.memory_space<hbm>>
      tpu.wait_indirect_dma semaphore(%arg14 : memref<!tpu.dma_semaphore, #tpu.memory_space<semaphore_mem>>) src(%dma_wait3A_899 : memref<10000x16xf32, #tpu.memory_space<hbm>>) dst(%arg10 : memref<80x16xf32, #tpu.memory_space<vmem>>)
      %scan3A_900 = arith.constant 0 : i32
      %scan3A_901 = arith.constant 0 : i32
      %scan3A_902 = arith.constant 80 : i32
      %scan3A_903 = arith.addi %scan3A_901, %scan3A_902 : i32
      %scan3A_904 = arith.constant 1 : i32
      scf.for %scan3A_906 = %scan3A_901 to %scan3A_903 step %scan3A_904  : i32 {
        %get3A = arith.index_cast %scan3A_906 : i32 to index
        %get3A_907 = arith.constant 128 : index
        %get3A_908 = tpu.vector_load %arg9[%get3A, %get3A_907] {strides = array<i32>} : memref<80x144xf32, #tpu.memory_space<vmem>>, vector<1x16xf32>,
        %get3A_909 = vector.shape_cast %get3A_908 : vector<1x16xf32> to vector<16xf32>
        %get3A_910 = arith.index_cast %scan3A_906 : i32 to index
        %get3A_911 = arith.constant 0 : index
        %get3A_912 = tpu.vector_load %arg10[%get3A_910, %get3A_911] {strides = array<i32>} : memref<80x16xf32, #tpu.memory_space<vmem>>, vector<1x16xf32>,
        %get3A_913 = vector.shape_cast %get3A_912 : vector<1x16xf32> to vector<16xf32>
        %add3A_914 = arith.addf %get3A_909, %get3A_913 : vector<16xf32>
        %ge3A = arith.constant 0.000000e+00 : f32
        %ge3A_915 = vector.broadcast %ge3A : f32 to vector<16xf32>
        %ge3A_916 = arith.cmpf oge, %add3A_914, %ge3A_915 : vector<16xf32>
        %mul3A_917 = arith.constant 2.000000e-01 : f32
        %mul3A_918 = vector.broadcast %mul3A_917 : f32 to vector<16xf32>
        %mul3A_919 = arith.mulf %add3A_914, %mul3A_918 : vector<16xf32>
        %select_n3A = arith.select %ge3A_916, %add3A_914, %mul3A_919 : vector<16xi1>, vector<16xf32>
        %exp3A = math.exp %select_n3A : vector<16xf32>
        %swap3A_920 = arith.index_cast %scan3A_906 : i32 to index
        %swap3A_921 = arith.constant 128 : index
        %swap3A_922 = tpu.vector_load %arg9[%swap3A_920, %swap3A_921] {strides = array<i32>} : memref<80x144xf32, #tpu.memory_space<vmem>>, vector<1x16xf32>,
        %swap3A_923 = vector.shape_cast %swap3A_922 : vector<1x16xf32> to vector<16xf32>
        %swap3A_924 = vector.shape_cast %exp3A : vector<16xf32> to vector<1x16xf32>
        tpu.vector_store %arg9[%swap3A_920, %swap3A_921], %swap3A_924 {strides = array<i32>} : memref<80x144xf32, #tpu.memory_space<vmem>>, vector<1x16xf32>,
        %slice3A = vector.extract_strided_slice %exp3A {offsets = [0], sizes = [1], strides = [1]} : vector<16xf32> to vector<1xf32>
        %squeeze3A = vector.extract %slice3A[0] : f32 from vector<1xf32>
        %get3A_925 = arith.index_cast %scan3A_906 : i32 to index
        %get3A_926 = arith.constant 0 : index
        %get3A_927 = tpu.vector_load %arg9[%get3A_925, %get3A_926] {strides = array<i32>} : memref<80x144xf32, #tpu.memory_space<vmem>>, vector<1x16xf32>,
        %get3A_928 = vector.shape_cast %get3A_927 : vector<1x16xf32> to vector<16xf32>
        %mul3A_929 = vector.broadcast %squeeze3A : f32 to vector<16xf32>
        %mul3A_930 = arith.mulf %get3A_928, %mul3A_929 : vector<16xf32>
        %swap3A_931 = arith.index_cast %scan3A_906 : i32 to index
        %swap3A_932 = arith.constant 0 : index
        %swap3A_933 = tpu.vector_load %arg9[%swap3A_931, %swap3A_932] {strides = array<i32>} : memref<80x144xf32, #tpu.memory_space<vmem>>, vector<1x16xf32>,
        %swap3A_934 = vector.shape_cast %swap3A_933 : vector<1x16xf32> to vector<16xf32>
        %swap3A_935 = vector.shape_cast %mul3A_930 : vector<16xf32> to vector<1x16xf32>
        tpu.vector_store %arg9[%swap3A_931, %swap3A_932], %swap3A_935 {strides = array<i32>} : memref<80x144xf32, #tpu.memory_space<vmem>>, vector<1x16xf32>,
        %slice3A_936 = vector.extract_strided_slice %exp3A {offsets = [0], sizes = [1], strides = [1]} : vector<16xf32> to vector<1xf32>
        %squeeze3A_937 = vector.extract %slice3A_936[0] : f32 from vector<1xf32>
        %get3A_938 = arith.index_cast %scan3A_906 : i32 to index
        %get3A_939 = arith.constant 16 : index
        %get3A_940 = tpu.vector_load %arg9[%get3A_938, %get3A_939] {strides = array<i32>} : memref<80x144xf32, #tpu.memory_space<vmem>>, vector<1x16xf32>,
        %get3A_941 = vector.shape_cast %get3A_940 : vector<1x16xf32> to vector<16xf32>
        %mul3A_942 = vector.broadcast %squeeze3A_937 : f32 to vector<16xf32>
        %mul3A_943 = arith.mulf %get3A_941, %mul3A_942 : vector<16xf32>
        %swap3A_944 = arith.index_cast %scan3A_906 : i32 to index
        %swap3A_945 = arith.constant 16 : index
        %swap3A_946 = tpu.vector_load %arg9[%swap3A_944, %swap3A_945] {strides = array<i32>} : memref<80x144xf32, #tpu.memory_space<vmem>>, vector<1x16xf32>,
        %swap3A_947 = vector.shape_cast %swap3A_946 : vector<1x16xf32> to vector<16xf32>
        %swap3A_948 = vector.shape_cast %mul3A_943 : vector<16xf32> to vector<1x16xf32>
        tpu.vector_store %arg9[%swap3A_944, %swap3A_945], %swap3A_948 {strides = array<i32>} : memref<80x144xf32, #tpu.memory_space<vmem>>, vector<1x16xf32>,
        %slice3A_949 = vector.extract_strided_slice %exp3A {offsets = [1], sizes = [1], strides = [1]} : vector<16xf32> to vector<1xf32>
        %squeeze3A_950 = vector.extract %slice3A_949[0] : f32 from vector<1xf32>
        %get3A_951 = arith.index_cast %scan3A_906 : i32 to index
        %get3A_952 = arith.constant 32 : index
        %get3A_953 = tpu.vector_load %arg9[%get3A_951, %get3A_952] {strides = array<i32>} : memref<80x144xf32, #tpu.memory_space<vmem>>, vector<1x16xf32>,
        %get3A_954 = vector.shape_cast %get3A_953 : vector<1x16xf32> to vector<16xf32>
        %mul3A_955 = vector.broadcast %squeeze3A_950 : f32 to vector<16xf32>
        %mul3A_956 = arith.mulf %get3A_954, %mul3A_955 : vector<16xf32>
        %swap3A_957 = arith.index_cast %scan3A_906 : i32 to index
        %swap3A_958 = arith.constant 32 : index
        %swap3A_959 = tpu.vector_load %arg9[%swap3A_957, %swap3A_958] {strides = array<i32>} : memref<80x144xf32, #tpu.memory_space<vmem>>, vector<1x16xf32>,
        %swap3A_960 = vector.shape_cast %swap3A_959 : vector<1x16xf32> to vector<16xf32>
        %swap3A_961 = vector.shape_cast %mul3A_956 : vector<16xf32> to vector<1x16xf32>
        tpu.vector_store %arg9[%swap3A_957, %swap3A_958], %swap3A_961 {strides = array<i32>} : memref<80x144xf32, #tpu.memory_space<vmem>>, vector<1x16xf32>,
        %slice3A_962 = vector.extract_strided_slice %exp3A {offsets = [1], sizes = [1], strides = [1]} : vector<16xf32> to vector<1xf32>
        %squeeze3A_963 = vector.extract %slice3A_962[0] : f32 from vector<1xf32>
        %get3A_964 = arith.index_cast %scan3A_906 : i32 to index
        %get3A_965 = arith.constant 48 : index
        %get3A_966 = tpu.vector_load %arg9[%get3A_964, %get3A_965] {strides = array<i32>} : memref<80x144xf32, #tpu.memory_space<vmem>>, vector<1x16xf32>,
        %get3A_967 = vector.shape_cast %get3A_966 : vector<1x16xf32> to vector<16xf32>
        %mul3A_968 = vector.broadcast %squeeze3A_963 : f32 to vector<16xf32>
        %mul3A_969 = arith.mulf %get3A_967, %mul3A_968 : vector<16xf32>
        %swap3A_970 = arith.index_cast %scan3A_906 : i32 to index
        %swap3A_971 = arith.constant 48 : index
        %swap3A_972 = tpu.vector_load %arg9[%swap3A_970, %swap3A_971] {strides = array<i32>} : memref<80x144xf32, #tpu.memory_space<vmem>>, vector<1x16xf32>,
        %swap3A_973 = vector.shape_cast %swap3A_972 : vector<1x16xf32> to vector<16xf32>
        %swap3A_974 = vector.shape_cast %mul3A_969 : vector<16xf32> to vector<1x16xf32>
        tpu.vector_store %arg9[%swap3A_970, %swap3A_971], %swap3A_974 {strides = array<i32>} : memref<80x144xf32, #tpu.memory_space<vmem>>, vector<1x16xf32>,
        %slice3A_975 = vector.extract_strided_slice %exp3A {offsets = [2], sizes = [1], strides = [1]} : vector<16xf32> to vector<1xf32>
        %squeeze3A_976 = vector.extract %slice3A_975[0] : f32 from vector<1xf32>
        %get3A_977 = arith.index_cast %scan3A_906 : i32 to index
        %get3A_978 = arith.constant 64 : index
        %get3A_979 = tpu.vector_load %arg9[%get3A_977, %get3A_978] {strides = array<i32>} : memref<80x144xf32, #tpu.memory_space<vmem>>, vector<1x16xf32>,
        %get3A_980 = vector.shape_cast %get3A_979 : vector<1x16xf32> to vector<16xf32>
        %mul3A_981 = vector.broadcast %squeeze3A_976 : f32 to vector<16xf32>
        %mul3A_982 = arith.mulf %get3A_980, %mul3A_981 : vector<16xf32>
        %swap3A_983 = arith.index_cast %scan3A_906 : i32 to index
        %swap3A_984 = arith.constant 64 : index
        %swap3A_985 = tpu.vector_load %arg9[%swap3A_983, %swap3A_984] {strides = array<i32>} : memref<80x144xf32, #tpu.memory_space<vmem>>, vector<1x16xf32>,
        %swap3A_986 = vector.shape_cast %swap3A_985 : vector<1x16xf32> to vector<16xf32>
        %swap3A_987 = vector.shape_cast %mul3A_982 : vector<16xf32> to vector<1x16xf32>
        tpu.vector_store %arg9[%swap3A_983, %swap3A_984], %swap3A_987 {strides = array<i32>} : memref<80x144xf32, #tpu.memory_space<vmem>>, vector<1x16xf32>,
        %slice3A_988 = vector.extract_strided_slice %exp3A {offsets = [2], sizes = [1], strides = [1]} : vector<16xf32> to vector<1xf32>
        %squeeze3A_989 = vector.extract %slice3A_988[0] : f32 from vector<1xf32>
        %get3A_990 = arith.index_cast %scan3A_906 : i32 to index
        %get3A_991 = arith.constant 80 : index
        %get3A_992 = tpu.vector_load %arg9[%get3A_990, %get3A_991] {strides = array<i32>} : memref<80x144xf32, #tpu.memory_space<vmem>>, vector<1x16xf32>,
        %get3A_993 = vector.shape_cast %get3A_992 : vector<1x16xf32> to vector<16xf32>
        %mul3A_994 = vector.broadcast %squeeze3A_989 : f32 to vector<16xf32>
        %mul3A_995 = arith.mulf %get3A_993, %mul3A_994 : vector<16xf32>
        %swap3A_996 = arith.index_cast %scan3A_906 : i32 to index
        %swap3A_997 = arith.constant 80 : index
        %swap3A_998 = tpu.vector_load %arg9[%swap3A_996, %swap3A_997] {strides = array<i32>} : memref<80x144xf32, #tpu.memory_space<vmem>>, vector<1x16xf32>,
        %swap3A_999 = vector.shape_cast %swap3A_998 : vector<1x16xf32> to vector<16xf32>
        %swap3A_1000 = vector.shape_cast %mul3A_995 : vector<16xf32> to vector<1x16xf32>
        tpu.vector_store %arg9[%swap3A_996, %swap3A_997], %swap3A_1000 {strides = array<i32>} : memref<80x144xf32, #tpu.memory_space<vmem>>, vector<1x16xf32>,
        %slice3A_1001 = vector.extract_strided_slice %exp3A {offsets = [3], sizes = [1], strides = [1]} : vector<16xf32> to vector<1xf32>
        %squeeze3A_1002 = vector.extract %slice3A_1001[0] : f32 from vector<1xf32>
        %get3A_1003 = arith.index_cast %scan3A_906 : i32 to index
        %get3A_1004 = arith.constant 96 : index
        %get3A_1005 = tpu.vector_load %arg9[%get3A_1003, %get3A_1004] {strides = array<i32>} : memref<80x144xf32, #tpu.memory_space<vmem>>, vector<1x16xf32>,
        %get3A_1006 = vector.shape_cast %get3A_1005 : vector<1x16xf32> to vector<16xf32>
        %mul3A_1007 = vector.broadcast %squeeze3A_1002 : f32 to vector<16xf32>
        %mul3A_1008 = arith.mulf %get3A_1006, %mul3A_1007 : vector<16xf32>
        %swap3A_1009 = arith.index_cast %scan3A_906 : i32 to index
        %swap3A_1010 = arith.constant 96 : index
        %swap3A_1011 = tpu.vector_load %arg9[%swap3A_1009, %swap3A_1010] {strides = array<i32>} : memref<80x144xf32, #tpu.memory_space<vmem>>, vector<1x16xf32>,
        %swap3A_1012 = vector.shape_cast %swap3A_1011 : vector<1x16xf32> to vector<16xf32>
        %swap3A_1013 = vector.shape_cast %mul3A_1008 : vector<16xf32> to vector<1x16xf32>
        tpu.vector_store %arg9[%swap3A_1009, %swap3A_1010], %swap3A_1013 {strides = array<i32>} : memref<80x144xf32, #tpu.memory_space<vmem>>, vector<1x16xf32>,
        %slice3A_1014 = vector.extract_strided_slice %exp3A {offsets = [3], sizes = [1], strides = [1]} : vector<16xf32> to vector<1xf32>
        %squeeze3A_1015 = vector.extract %slice3A_1014[0] : f32 from vector<1xf32>
        %get3A_1016 = arith.index_cast %scan3A_906 : i32 to index
        %get3A_1017 = arith.constant 112 : index
        %get3A_1018 = tpu.vector_load %arg9[%get3A_1016, %get3A_1017] {strides = array<i32>} : memref<80x144xf32, #tpu.memory_space<vmem>>, vector<1x16xf32>,
        %get3A_1019 = vector.shape_cast %get3A_1018 : vector<1x16xf32> to vector<16xf32>
        %mul3A_1020 = vector.broadcast %squeeze3A_1015 : f32 to vector<16xf32>
        %mul3A_1021 = arith.mulf %get3A_1019, %mul3A_1020 : vector<16xf32>
        %swap3A_1022 = arith.index_cast %scan3A_906 : i32 to index
        %swap3A_1023 = arith.constant 112 : index
        %swap3A_1024 = tpu.vector_load %arg9[%swap3A_1022, %swap3A_1023] {strides = array<i32>} : memref<80x144xf32, #tpu.memory_space<vmem>>, vector<1x16xf32>,
        %swap3A_1025 = vector.shape_cast %swap3A_1024 : vector<1x16xf32> to vector<16xf32>
        %swap3A_1026 = vector.shape_cast %mul3A_1021 : vector<16xf32> to vector<1x16xf32>
        tpu.vector_store %arg9[%swap3A_1022, %swap3A_1023], %swap3A_1026 {strides = array<i32>} : memref<80x144xf32, #tpu.memory_space<vmem>>, vector<1x16xf32>,
      }
      %scan3A_905 = arith.constant 80 : i32
      "tpu.region"() ({
        %run_scoped3A = tpu.sem_alloc : memref<!tpu.dma_semaphore, #tpu.memory_space<semaphore_mem>>
        %dma_start3A_906 = arith.constant 0 : i32
        %dma_start3A_907 = arith.constant 0 : i32
        %dma_start3A_908 = tpu.memref_slice %arg12[%dma_start3A_906, %dma_start3A_907] : memref<10000x144xf32, #tpu.memory_space<vmem_shared>> -> memref<10000x144xf32, #tpu.memory_space<vmem_shared>>
        tpu.enqueue_indirect_dma source(%arg9 : memref<80x144xf32, #tpu.memory_space<vmem>>) target(%dma_start3A_908 : memref<10000x144xf32, #tpu.memory_space<vmem_shared>>) offsets(%arg8 : memref<80xi32, #tpu.memory_space<vmem>>) semaphore(%run_scoped3A : memref<!tpu.dma_semaphore, #tpu.memory_space<semaphore_mem>>) {add = true}
        %dma_wait3A_909 = arith.constant 0 : i32
        %dma_wait3A_910 = arith.constant 0 : i32
        %dma_wait3A_911 = tpu.memref_slice %arg12[%dma_wait3A_909, %dma_wait3A_910] : memref<10000x144xf32, #tpu.memory_space<vmem_shared>> -> memref<10000x144xf32, #tpu.memory_space<vmem_shared>>
        tpu.wait_indirect_dma semaphore(%run_scoped3A : memref<!tpu.dma_semaphore, #tpu.memory_space<semaphore_mem>>) src(%arg9 : memref<80x144xf32, #tpu.memory_space<vmem>>) dst(%dma_wait3A_911 : memref<10000x144xf32, #tpu.memory_space<vmem_shared>>)
        tpu.yield
      }) : () -> ()
    }
    %scan3A_877 = arith.constant 125 : i32
    %barrier3A_878 = arith.constant 0 : index
    tpu.barrier barrier_id(%barrier3A_878)
    %scan3A_879 = arith.constant 0 : i32
    %scan3A_880 = arith.constant 0 : i32
    %scan3A_881 = arith.constant 40 : i32
    %scan3A_882 = arith.addi %scan3A_880, %scan3A_881 : i32
    %scan3A_883 = arith.constant 1 : i32
    scf.for %scan3A_885 = %scan3A_880 to %scan3A_882 step %scan3A_883  : i32 {
      %mul3A_886 = arith.constant 16 : i32
      %mul3A_887 = arith.muli %mul3A_886, %scan3A_885 : i32
      %add3A_888 = arith.addi %arg1, %mul3A_887 : i32
      %lt3A = arith.constant 625 : i32
      %lt3A_889 = arith.cmpi slt, %add3A_888, %lt3A : i32
      %convert_element_type3A = arith.extui %lt3A_889 : i1 to i32
      %cond3A = arith.constant 0 : i32
      %cond3A_890 = arith.cmpi ne, %convert_element_type3A, %cond3A : i32
      scf.if %cond3A_890 {
        %mul3A_891 = arith.constant 16 : i32
        %mul3A_892 = arith.muli %add3A_888, %mul3A_891 : i32
        "tpu.region"() ({
          %run_scoped3A = tpu.sem_alloc : memref<!tpu.dma_semaphore, #tpu.memory_space<semaphore_mem>>
          %dma_start3A = arith.constant 0 : i32
          %dma_start3A_895 = tpu.memref_slice %arg12[%mul3A_892, %dma_start3A] : memref<10000x144xf32, #tpu.memory_space<vmem_shared>> -> memref<16x144xf32, #tpu.memory_space<vmem_shared>>
          %dma_start3A_896 = arith.constant 0 : i32
          %dma_start3A_897 = tpu.memref_slice %arg12[%mul3A_892, %dma_start3A_896] : memref<10000x144xf32, #tpu.memory_space<vmem_shared>> -> memref<16x144xf32, #tpu.memory_space<vmem_shared>>
          tpu.enqueue_dma source(%dma_start3A_897 : memref<16x144xf32, #tpu.memory_space<vmem_shared>>) target(%arg11 : memref<16x144xf32, #tpu.memory_space<vmem>>) target_semaphore(%run_scoped3A : memref<!tpu.dma_semaphore, #tpu.memory_space<semaphore_mem>>)
          %dma_wait3A = arith.constant 0 : i32
          %dma_wait3A_898 = tpu.memref_slice %arg12[%mul3A_892, %dma_wait3A] : memref<10000x144xf32, #tpu.memory_space<vmem_shared>> -> memref<16x144xf32, #tpu.memory_space<vmem_shared>>
          %dma_wait3A_899 = arith.constant 0 : i32
          %dma_wait3A_900 = tpu.memref_slice %arg12[%mul3A_892, %dma_wait3A_899] : memref<10000x144xf32, #tpu.memory_space<vmem_shared>> -> memref<16x144xf32, #tpu.memory_space<vmem_shared>>
          tpu.wait_dma2 semaphore(%run_scoped3A : memref<!tpu.dma_semaphore, #tpu.memory_space<semaphore_mem>>) src(%dma_wait3A_900 : memref<16x144xf32, #tpu.memory_space<vmem_shared>>) dst(%arg11 : memref<16x144xf32, #tpu.memory_space<vmem>>)
          tpu.yield
        }) : () -> ()
        %mul3A_893 = arith.constant 16 : i32
        %mul3A_894 = arith.muli %add3A_888, %mul3A_893 : i32
        "tpu.region"() ({
          %run_scoped3A = tpu.sem_alloc : memref<!tpu.dma_semaphore, #tpu.memory_space<semaphore_mem>>
          %dma_start3A = arith.constant 0 : i32
          %dma_start3A_895 = tpu.memref_slice %arg6[%arg0, %mul3A_894, %dma_start3A] : memref<2x10000x144xf32, #tpu.memory_space<hbm>> -> memref<1x16x144xf32, #tpu.memory_space<hbm>>
          %dma_start3A_896 = tpu.memref_squeeze %dma_start3A_895 : memref<1x16x144xf32, #tpu.memory_space<hbm>> -> memref<16x144xf32, #tpu.memory_space<hbm>>
          %dma_start3A_897 = arith.constant 0 : i32
          %dma_start3A_898 = tpu.memref_slice %arg6[%arg0, %mul3A_894, %dma_start3A_897] : memref<2x10000x144xf32, #tpu.memory_space<hbm>> -> memref<1x16x144xf32, #tpu.memory_space<hbm>>
          %dma_start3A_899 = tpu.memref_squeeze %dma_start3A_898 : memref<1x16x144xf32, #tpu.memory_space<hbm>> -> memref<16x144xf32, #tpu.memory_space<hbm>>
          tpu.enqueue_dma source(%arg11 : memref<16x144xf32, #tpu.memory_space<vmem>>) target(%dma_start3A_899 : memref<16x144xf32, #tpu.memory_space<hbm>>) target_semaphore(%run_scoped3A : memref<!tpu.dma_semaphore, #tpu.memory_space<semaphore_mem>>)
          %dma_wait3A = arith.constant 0 : i32
          %dma_wait3A_900 = tpu.memref_slice %arg6[%arg0, %mul3A_894, %dma_wait3A] : memref<2x10000x144xf32, #tpu.memory_space<hbm>> -> memref<1x16x144xf32, #tpu.memory_space<hbm>>
          %dma_wait3A_901 = tpu.memref_squeeze %dma_wait3A_900 : memref<1x16x144xf32, #tpu.memory_space<hbm>> -> memref<16x144xf32, #tpu.memory_space<hbm>>
          %dma_wait3A_902 = arith.constant 0 : i32
          %dma_wait3A_903 = tpu.memref_slice %arg6[%arg0, %mul3A_894, %dma_wait3A_902] : memref<2x10000x144xf32, #tpu.memory_space<hbm>> -> memref<1x16x144xf32, #tpu.memory_space<hbm>>
          %dma_wait3A_904 = tpu.memref_squeeze %dma_wait3A_903 : memref<1x16x144xf32, #tpu.memory_space<hbm>> -> memref<16x144xf32, #tpu.memory_space<hbm>>
          tpu.wait_dma2 semaphore(%run_scoped3A : memref<!tpu.dma_semaphore, #tpu.memory_space<semaphore_mem>>) src(%arg11 : memref<16x144xf32, #tpu.memory_space<vmem>>) dst(%dma_wait3A_904 : memref<16x144xf32, #tpu.memory_space<hbm>>)
          tpu.yield
        }) : () -> ()
      } else {
      }
    }
    %scan3A_884 = arith.constant 40 : i32
    return
  }
}

#map = affine_map<(d0, d1) -> (0, 0)>
#map1 = affine_map<(d0, d1) -> (0)>
#map2 = affine_map<(d0, d1) -> (0, 0, 0)>
module attributes {stable_mosaic.version = 14 : i64} {
  func.func @k(%arg0: i32, %arg1: i32, %arg2: memref<10000x144xf32, #tpu.memory_space<hbm>>, %arg3: memref<10000x16xf32, #tpu.memory_space<hbm>>, %arg4: memref<320000xi32, #tpu.memory_space<hbm>>, %arg5: memref<320000xi32, #tpu.memory_space<hbm>>, %arg6: memref<2x10000x144xf32, #tpu.memory_space<hbm>>, %arg7: memref<80xi32, #tpu.memory_space<vmem>>, %arg8: memref<80xi32, #tpu.memory_space<vmem>>, %arg9: memref<80x144xf32, #tpu.memory_space<vmem>>, %arg10: memref<80x16xf32, #tpu.memory_space<vmem>>, %arg11: memref<16x144xf32, #tpu.memory_space<vmem>>, %arg12: memref<10000x144xf32, #tpu.memory_space<vmem_shared>>, %arg13: memref<!tpu.dma_semaphore, #tpu.memory_space<semaphore_mem>>, %arg14: memref<!tpu.dma_semaphore, #tpu.memory_space<semaphore_mem>>) attributes {dimension_semantics = [#tpu.dimension_semantics<core_parallel>, #tpu.dimension_semantics<subcore_parallel>], iteration_bounds = array<i64: 2, 16>, scalar_prefetch = 0 : i64, scratch_operands = 8 : i64, tpu.core_type = #tpu.core_type<sc_vector_subcore>, window_params = [{transform_indices = #map}, {transform_indices = #map}, {transform_indices = #map1}, {transform_indices = #map1}, {transform_indices = #map2}]} {
    %mul3A = arith.constant 16 : i32
    %mul3A_0 = arith.muli %arg0, %mul3A : i32
    %add3A = arith.addi %mul3A_0, %arg1 : i32
    %broadcast_in_dim3A = arith.constant 0.000000e+00 : f32
    %broadcast_in_dim3A_1 = vector.broadcast %broadcast_in_dim3A : f32 to vector<16xf32>
    %swap3A = arith.constant 0 : i32
    %swap3A_2 = arith.index_cast %swap3A : i32 to index
    %swap3A_3 = arith.constant 0 : index
    %swap3A_4 = tpu.vector_load %arg11[%swap3A_2, %swap3A_3] {strides = array<i32>} : memref<16x144xf32, #tpu.memory_space<vmem>>, vector<1x16xf32>,
    %swap3A_5 = vector.shape_cast %swap3A_4 : vector<1x16xf32> to vector<16xf32>
    %swap3A_6 = vector.shape_cast %broadcast_in_dim3A_1 : vector<16xf32> to vector<1x16xf32>
    tpu.vector_store %arg11[%swap3A_2, %swap3A_3], %swap3A_6 {strides = array<i32>} : memref<16x144xf32, #tpu.memory_space<vmem>>, vector<1x16xf32>,
    %swap3A_7 = arith.constant 0 : i32
    %swap3A_8 = arith.index_cast %swap3A_7 : i32 to index
    %swap3A_9 = arith.constant 16 : index
    %swap3A_10 = tpu.vector_load %arg11[%swap3A_8, %swap3A_9] {strides = array<i32>} : memref<16x144xf32, #tpu.memory_space<vmem>>, vector<1x16xf32>,
    %swap3A_11 = vector.shape_cast %swap3A_10 : vector<1x16xf32> to vector<16xf32>
    %swap3A_12 = vector.shape_cast %broadcast_in_dim3A_1 : vector<16xf32> to vector<1x16xf32>
    tpu.vector_store %arg11[%swap3A_8, %swap3A_9], %swap3A_12 {strides = array<i32>} : memref<16x144xf32, #tpu.memory_space<vmem>>, vector<1x16xf32>,
    %swap3A_13 = arith.constant 0 : i32
    %swap3A_14 = arith.index_cast %swap3A_13 : i32 to index
    %swap3A_15 = arith.constant 32 : index
    %swap3A_16 = tpu.vector_load %arg11[%swap3A_14, %swap3A_15] {strides = array<i32>} : memref<16x144xf32, #tpu.memory_space<vmem>>, vector<1x16xf32>,
    %swap3A_17 = vector.shape_cast %swap3A_16 : vector<1x16xf32> to vector<16xf32>
    %swap3A_18 = vector.shape_cast %broadcast_in_dim3A_1 : vector<16xf32> to vector<1x16xf32>
    tpu.vector_store %arg11[%swap3A_14, %swap3A_15], %swap3A_18 {strides = array<i32>} : memref<16x144xf32, #tpu.memory_space<vmem>>, vector<1x16xf32>,
    %swap3A_19 = arith.constant 0 : i32
    %swap3A_20 = arith.index_cast %swap3A_19 : i32 to index
    %swap3A_21 = arith.constant 48 : index
    %swap3A_22 = tpu.vector_load %arg11[%swap3A_20, %swap3A_21] {strides = array<i32>} : memref<16x144xf32, #tpu.memory_space<vmem>>, vector<1x16xf32>,
    %swap3A_23 = vector.shape_cast %swap3A_22 : vector<1x16xf32> to vector<16xf32>
    %swap3A_24 = vector.shape_cast %broadcast_in_dim3A_1 : vector<16xf32> to vector<1x16xf32>
    tpu.vector_store %arg11[%swap3A_20, %swap3A_21], %swap3A_24 {strides = array<i32>} : memref<16x144xf32, #tpu.memory_space<vmem>>, vector<1x16xf32>,
    %swap3A_25 = arith.constant 0 : i32
    %swap3A_26 = arith.index_cast %swap3A_25 : i32 to index
    %swap3A_27 = arith.constant 64 : index
    %swap3A_28 = tpu.vector_load %arg11[%swap3A_26, %swap3A_27] {strides = array<i32>} : memref<16x144xf32, #tpu.memory_space<vmem>>, vector<1x16xf32>,
    %swap3A_29 = vector.shape_cast %swap3A_28 : vector<1x16xf32> to vector<16xf32>
    %swap3A_30 = vector.shape_cast %broadcast_in_dim3A_1 : vector<16xf32> to vector<1x16xf32>
    tpu.vector_store %arg11[%swap3A_26, %swap3A_27], %swap3A_30 {strides = array<i32>} : memref<16x144xf32, #tpu.memory_space<vmem>>, vector<1x16xf32>,
    %swap3A_31 = arith.constant 0 : i32
    %swap3A_32 = arith.index_cast %swap3A_31 : i32 to index
    %swap3A_33 = arith.constant 80 : index
    %swap3A_34 = tpu.vector_load %arg11[%swap3A_32, %swap3A_33] {strides = array<i32>} : memref<16x144xf32, #tpu.memory_space<vmem>>, vector<1x16xf32>,
    %swap3A_35 = vector.shape_cast %swap3A_34 : vector<1x16xf32> to vector<16xf32>
    %swap3A_36 = vector.shape_cast %broadcast_in_dim3A_1 : vector<16xf32> to vector<1x16xf32>
    tpu.vector_store %arg11[%swap3A_32, %swap3A_33], %swap3A_36 {strides = array<i32>} : memref<16x144xf32, #tpu.memory_space<vmem>>, vector<1x16xf32>,
    %swap3A_37 = arith.constant 0 : i32
    %swap3A_38 = arith.index_cast %swap3A_37 : i32 to index
    %swap3A_39 = arith.constant 96 : index
    %swap3A_40 = tpu.vector_load %arg11[%swap3A_38, %swap3A_39] {strides = array<i32>} : memref<16x144xf32, #tpu.memory_space<vmem>>, vector<1x16xf32>,
    %swap3A_41 = vector.shape_cast %swap3A_40 : vector<1x16xf32> to vector<16xf32>
    %swap3A_42 = vector.shape_cast %broadcast_in_dim3A_1 : vector<16xf32> to vector<1x16xf32>
    tpu.vector_store %arg11[%swap3A_38, %swap3A_39], %swap3A_42 {strides = array<i32>} : memref<16x144xf32, #tpu.memory_space<vmem>>, vector<1x16xf32>,
    %swap3A_43 = arith.constant 0 : i32
    %swap3A_44 = arith.index_cast %swap3A_43 : i32 to index
    %swap3A_45 = arith.constant 112 : index
    %swap3A_46 = tpu.vector_load %arg11[%swap3A_44, %swap3A_45] {strides = array<i32>} : memref<16x144xf32, #tpu.memory_space<vmem>>, vector<1x16xf32>,
    %swap3A_47 = vector.shape_cast %swap3A_46 : vector<1x16xf32> to vector<16xf32>
    %swap3A_48 = vector.shape_cast %broadcast_in_dim3A_1 : vector<16xf32> to vector<1x16xf32>
    tpu.vector_store %arg11[%swap3A_44, %swap3A_45], %swap3A_48 {strides = array<i32>} : memref<16x144xf32, #tpu.memory_space<vmem>>, vector<1x16xf32>,
    %swap3A_49 = arith.constant 0 : i32
    %swap3A_50 = arith.index_cast %swap3A_49 : i32 to index
    %swap3A_51 = arith.constant 128 : index
    %swap3A_52 = tpu.vector_load %arg11[%swap3A_50, %swap3A_51] {strides = array<i32>} : memref<16x144xf32, #tpu.memory_space<vmem>>, vector<1x16xf32>,
    %swap3A_53 = vector.shape_cast %swap3A_52 : vector<1x16xf32> to vector<16xf32>
    %swap3A_54 = vector.shape_cast %broadcast_in_dim3A_1 : vector<16xf32> to vector<1x16xf32>
    tpu.vector_store %arg11[%swap3A_50, %swap3A_51], %swap3A_54 {strides = array<i32>} : memref<16x144xf32, #tpu.memory_space<vmem>>, vector<1x16xf32>,
    %swap3A_55 = arith.constant 1 : i32
    %swap3A_56 = arith.index_cast %swap3A_55 : i32 to index
    %swap3A_57 = arith.constant 0 : index
    %swap3A_58 = tpu.vector_load %arg11[%swap3A_56, %swap3A_57] {strides = array<i32>} : memref<16x144xf32, #tpu.memory_space<vmem>>, vector<1x16xf32>,
    %swap3A_59 = vector.shape_cast %swap3A_58 : vector<1x16xf32> to vector<16xf32>
    %swap3A_60 = vector.shape_cast %broadcast_in_dim3A_1 : vector<16xf32> to vector<1x16xf32>
    tpu.vector_store %arg11[%swap3A_56, %swap3A_57], %swap3A_60 {strides = array<i32>} : memref<16x144xf32, #tpu.memory_space<vmem>>, vector<1x16xf32>,
    %swap3A_61 = arith.constant 1 : i32
    %swap3A_62 = arith.index_cast %swap3A_61 : i32 to index
    %swap3A_63 = arith.constant 16 : index
    %swap3A_64 = tpu.vector_load %arg11[%swap3A_62, %swap3A_63] {strides = array<i32>} : memref<16x144xf32, #tpu.memory_space<vmem>>, vector<1x16xf32>,
    %swap3A_65 = vector.shape_cast %swap3A_64 : vector<1x16xf32> to vector<16xf32>
    %swap3A_66 = vector.shape_cast %broadcast_in_dim3A_1 : vector<16xf32> to vector<1x16xf32>
    tpu.vector_store %arg11[%swap3A_62, %swap3A_63], %swap3A_66 {strides = array<i32>} : memref<16x144xf32, #tpu.memory_space<vmem>>, vector<1x16xf32>,
    %swap3A_67 = arith.constant 1 : i32
    %swap3A_68 = arith.index_cast %swap3A_67 : i32 to index
    %swap3A_69 = arith.constant 32 : index
    %swap3A_70 = tpu.vector_load %arg11[%swap3A_68, %swap3A_69] {strides = array<i32>} : memref<16x144xf32, #tpu.memory_space<vmem>>, vector<1x16xf32>,
    %swap3A_71 = vector.shape_cast %swap3A_70 : vector<1x16xf32> to vector<16xf32>
    %swap3A_72 = vector.shape_cast %broadcast_in_dim3A_1 : vector<16xf32> to vector<1x16xf32>
    tpu.vector_store %arg11[%swap3A_68, %swap3A_69], %swap3A_72 {strides = array<i32>} : memref<16x144xf32, #tpu.memory_space<vmem>>, vector<1x16xf32>,
    %swap3A_73 = arith.constant 1 : i32
    %swap3A_74 = arith.index_cast %swap3A_73 : i32 to index
    %swap3A_75 = arith.constant 48 : index
    %swap3A_76 = tpu.vector_load %arg11[%swap3A_74, %swap3A_75] {strides = array<i32>} : memref<16x144xf32, #tpu.memory_space<vmem>>, vector<1x16xf32>,
    %swap3A_77 = vector.shape_cast %swap3A_76 : vector<1x16xf32> to vector<16xf32>
    %swap3A_78 = vector.shape_cast %broadcast_in_dim3A_1 : vector<16xf32> to vector<1x16xf32>
    tpu.vector_store %arg11[%swap3A_74, %swap3A_75], %swap3A_78 {strides = array<i32>} : memref<16x144xf32, #tpu.memory_space<vmem>>, vector<1x16xf32>,
    %swap3A_79 = arith.constant 1 : i32
    %swap3A_80 = arith.index_cast %swap3A_79 : i32 to index
    %swap3A_81 = arith.constant 64 : index
    %swap3A_82 = tpu.vector_load %arg11[%swap3A_80, %swap3A_81] {strides = array<i32>} : memref<16x144xf32, #tpu.memory_space<vmem>>, vector<1x16xf32>,
    %swap3A_83 = vector.shape_cast %swap3A_82 : vector<1x16xf32> to vector<16xf32>
    %swap3A_84 = vector.shape_cast %broadcast_in_dim3A_1 : vector<16xf32> to vector<1x16xf32>
    tpu.vector_store %arg11[%swap3A_80, %swap3A_81], %swap3A_84 {strides = array<i32>} : memref<16x144xf32, #tpu.memory_space<vmem>>, vector<1x16xf32>,
    %swap3A_85 = arith.constant 1 : i32
    %swap3A_86 = arith.index_cast %swap3A_85 : i32 to index
    %swap3A_87 = arith.constant 80 : index
    %swap3A_88 = tpu.vector_load %arg11[%swap3A_86, %swap3A_87] {strides = array<i32>} : memref<16x144xf32, #tpu.memory_space<vmem>>, vector<1x16xf32>,
    %swap3A_89 = vector.shape_cast %swap3A_88 : vector<1x16xf32> to vector<16xf32>
    %swap3A_90 = vector.shape_cast %broadcast_in_dim3A_1 : vector<16xf32> to vector<1x16xf32>
    tpu.vector_store %arg11[%swap3A_86, %swap3A_87], %swap3A_90 {strides = array<i32>} : memref<16x144xf32, #tpu.memory_space<vmem>>, vector<1x16xf32>,
    %swap3A_91 = arith.constant 1 : i32
    %swap3A_92 = arith.index_cast %swap3A_91 : i32 to index
    %swap3A_93 = arith.constant 96 : index
    %swap3A_94 = tpu.vector_load %arg11[%swap3A_92, %swap3A_93] {strides = array<i32>} : memref<16x144xf32, #tpu.memory_space<vmem>>, vector<1x16xf32>,
    %swap3A_95 = vector.shape_cast %swap3A_94 : vector<1x16xf32> to vector<16xf32>
    %swap3A_96 = vector.shape_cast %broadcast_in_dim3A_1 : vector<16xf32> to vector<1x16xf32>
    tpu.vector_store %arg11[%swap3A_92, %swap3A_93], %swap3A_96 {strides = array<i32>} : memref<16x144xf32, #tpu.memory_space<vmem>>, vector<1x16xf32>,
    %swap3A_97 = arith.constant 1 : i32
    %swap3A_98 = arith.index_cast %swap3A_97 : i32 to index
    %swap3A_99 = arith.constant 112 : index
    %swap3A_100 = tpu.vector_load %arg11[%swap3A_98, %swap3A_99] {strides = array<i32>} : memref<16x144xf32, #tpu.memory_space<vmem>>, vector<1x16xf32>,
    %swap3A_101 = vector.shape_cast %swap3A_100 : vector<1x16xf32> to vector<16xf32>
    %swap3A_102 = vector.shape_cast %broadcast_in_dim3A_1 : vector<16xf32> to vector<1x16xf32>
    tpu.vector_store %arg11[%swap3A_98, %swap3A_99], %swap3A_102 {strides = array<i32>} : memref<16x144xf32, #tpu.memory_space<vmem>>, vector<1x16xf32>,
    %swap3A_103 = arith.constant 1 : i32
    %swap3A_104 = arith.index_cast %swap3A_103 : i32 to index
    %swap3A_105 = arith.constant 128 : index
    %swap3A_106 = tpu.vector_load %arg11[%swap3A_104, %swap3A_105] {strides = array<i32>} : memref<16x144xf32, #tpu.memory_space<vmem>>, vector<1x16xf32>,
    %swap3A_107 = vector.shape_cast %swap3A_106 : vector<1x16xf32> to vector<16xf32>
    %swap3A_108 = vector.shape_cast %broadcast_in_dim3A_1 : vector<16xf32> to vector<1x16xf32>
    tpu.vector_store %arg11[%swap3A_104, %swap3A_105], %swap3A_108 {strides = array<i32>} : memref<16x144xf32, #tpu.memory_space<vmem>>, vector<1x16xf32>,
    %swap3A_109 = arith.constant 2 : i32
    %swap3A_110 = arith.index_cast %swap3A_109 : i32 to index
    %swap3A_111 = arith.constant 0 : index
    %swap3A_112 = tpu.vector_load %arg11[%swap3A_110, %swap3A_111] {strides = array<i32>} : memref<16x144xf32, #tpu.memory_space<vmem>>, vector<1x16xf32>,
    %swap3A_113 = vector.shape_cast %swap3A_112 : vector<1x16xf32> to vector<16xf32>
    %swap3A_114 = vector.shape_cast %broadcast_in_dim3A_1 : vector<16xf32> to vector<1x16xf32>
    tpu.vector_store %arg11[%swap3A_110, %swap3A_111], %swap3A_114 {strides = array<i32>} : memref<16x144xf32, #tpu.memory_space<vmem>>, vector<1x16xf32>,
    %swap3A_115 = arith.constant 2 : i32
    %swap3A_116 = arith.index_cast %swap3A_115 : i32 to index
    %swap3A_117 = arith.constant 16 : index
    %swap3A_118 = tpu.vector_load %arg11[%swap3A_116, %swap3A_117] {strides = array<i32>} : memref<16x144xf32, #tpu.memory_space<vmem>>, vector<1x16xf32>,
    %swap3A_119 = vector.shape_cast %swap3A_118 : vector<1x16xf32> to vector<16xf32>
    %swap3A_120 = vector.shape_cast %broadcast_in_dim3A_1 : vector<16xf32> to vector<1x16xf32>
    tpu.vector_store %arg11[%swap3A_116, %swap3A_117], %swap3A_120 {strides = array<i32>} : memref<16x144xf32, #tpu.memory_space<vmem>>, vector<1x16xf32>,
    %swap3A_121 = arith.constant 2 : i32
    %swap3A_122 = arith.index_cast %swap3A_121 : i32 to index
    %swap3A_123 = arith.constant 32 : index
    %swap3A_124 = tpu.vector_load %arg11[%swap3A_122, %swap3A_123] {strides = array<i32>} : memref<16x144xf32, #tpu.memory_space<vmem>>, vector<1x16xf32>,
    %swap3A_125 = vector.shape_cast %swap3A_124 : vector<1x16xf32> to vector<16xf32>
    %swap3A_126 = vector.shape_cast %broadcast_in_dim3A_1 : vector<16xf32> to vector<1x16xf32>
    tpu.vector_store %arg11[%swap3A_122, %swap3A_123], %swap3A_126 {strides = array<i32>} : memref<16x144xf32, #tpu.memory_space<vmem>>, vector<1x16xf32>,
    %swap3A_127 = arith.constant 2 : i32
    %swap3A_128 = arith.index_cast %swap3A_127 : i32 to index
    %swap3A_129 = arith.constant 48 : index
    %swap3A_130 = tpu.vector_load %arg11[%swap3A_128, %swap3A_129] {strides = array<i32>} : memref<16x144xf32, #tpu.memory_space<vmem>>, vector<1x16xf32>,
    %swap3A_131 = vector.shape_cast %swap3A_130 : vector<1x16xf32> to vector<16xf32>
    %swap3A_132 = vector.shape_cast %broadcast_in_dim3A_1 : vector<16xf32> to vector<1x16xf32>
    tpu.vector_store %arg11[%swap3A_128, %swap3A_129], %swap3A_132 {strides = array<i32>} : memref<16x144xf32, #tpu.memory_space<vmem>>, vector<1x16xf32>,
    %swap3A_133 = arith.constant 2 : i32
    %swap3A_134 = arith.index_cast %swap3A_133 : i32 to index
    %swap3A_135 = arith.constant 64 : index
    %swap3A_136 = tpu.vector_load %arg11[%swap3A_134, %swap3A_135] {strides = array<i32>} : memref<16x144xf32, #tpu.memory_space<vmem>>, vector<1x16xf32>,
    %swap3A_137 = vector.shape_cast %swap3A_136 : vector<1x16xf32> to vector<16xf32>
    %swap3A_138 = vector.shape_cast %broadcast_in_dim3A_1 : vector<16xf32> to vector<1x16xf32>
    tpu.vector_store %arg11[%swap3A_134, %swap3A_135], %swap3A_138 {strides = array<i32>} : memref<16x144xf32, #tpu.memory_space<vmem>>, vector<1x16xf32>,
    %swap3A_139 = arith.constant 2 : i32
    %swap3A_140 = arith.index_cast %swap3A_139 : i32 to index
    %swap3A_141 = arith.constant 80 : index
    %swap3A_142 = tpu.vector_load %arg11[%swap3A_140, %swap3A_141] {strides = array<i32>} : memref<16x144xf32, #tpu.memory_space<vmem>>, vector<1x16xf32>,
    %swap3A_143 = vector.shape_cast %swap3A_142 : vector<1x16xf32> to vector<16xf32>
    %swap3A_144 = vector.shape_cast %broadcast_in_dim3A_1 : vector<16xf32> to vector<1x16xf32>
    tpu.vector_store %arg11[%swap3A_140, %swap3A_141], %swap3A_144 {strides = array<i32>} : memref<16x144xf32, #tpu.memory_space<vmem>>, vector<1x16xf32>,
    %swap3A_145 = arith.constant 2 : i32
    %swap3A_146 = arith.index_cast %swap3A_145 : i32 to index
    %swap3A_147 = arith.constant 96 : index
    %swap3A_148 = tpu.vector_load %arg11[%swap3A_146, %swap3A_147] {strides = array<i32>} : memref<16x144xf32, #tpu.memory_space<vmem>>, vector<1x16xf32>,
    %swap3A_149 = vector.shape_cast %swap3A_148 : vector<1x16xf32> to vector<16xf32>
    %swap3A_150 = vector.shape_cast %broadcast_in_dim3A_1 : vector<16xf32> to vector<1x16xf32>
    tpu.vector_store %arg11[%swap3A_146, %swap3A_147], %swap3A_150 {strides = array<i32>} : memref<16x144xf32, #tpu.memory_space<vmem>>, vector<1x16xf32>,
    %swap3A_151 = arith.constant 2 : i32
    %swap3A_152 = arith.index_cast %swap3A_151 : i32 to index
    %swap3A_153 = arith.constant 112 : index
    %swap3A_154 = tpu.vector_load %arg11[%swap3A_152, %swap3A_153] {strides = array<i32>} : memref<16x144xf32, #tpu.memory_space<vmem>>, vector<1x16xf32>,
    %swap3A_155 = vector.shape_cast %swap3A_154 : vector<1x16xf32> to vector<16xf32>
    %swap3A_156 = vector.shape_cast %broadcast_in_dim3A_1 : vector<16xf32> to vector<1x16xf32>
    tpu.vector_store %arg11[%swap3A_152, %swap3A_153], %swap3A_156 {strides = array<i32>} : memref<16x144xf32, #tpu.memory_space<vmem>>, vector<1x16xf32>,
    %swap3A_157 = arith.constant 2 : i32
    %swap3A_158 = arith.index_cast %swap3A_157 : i32 to index
    %swap3A_159 = arith.constant 128 : index
    %swap3A_160 = tpu.vector_load %arg11[%swap3A_158, %swap3A_159] {strides = array<i32>} : memref<16x144xf32, #tpu.memory_space<vmem>>, vector<1x16xf32>,
    %swap3A_161 = vector.shape_cast %swap3A_160 : vector<1x16xf32> to vector<16xf32>
    %swap3A_162 = vector.shape_cast %broadcast_in_dim3A_1 : vector<16xf32> to vector<1x16xf32>
    tpu.vector_store %arg11[%swap3A_158, %swap3A_159], %swap3A_162 {strides = array<i32>} : memref<16x144xf32, #tpu.memory_space<vmem>>, vector<1x16xf32>,
    %swap3A_163 = arith.constant 3 : i32
    %swap3A_164 = arith.index_cast %swap3A_163 : i32 to index
    %swap3A_165 = arith.constant 0 : index
    %swap3A_166 = tpu.vector_load %arg11[%swap3A_164, %swap3A_165] {strides = array<i32>} : memref<16x144xf32, #tpu.memory_space<vmem>>, vector<1x16xf32>,
    %swap3A_167 = vector.shape_cast %swap3A_166 : vector<1x16xf32> to vector<16xf32>
    %swap3A_168 = vector.shape_cast %broadcast_in_dim3A_1 : vector<16xf32> to vector<1x16xf32>
    tpu.vector_store %arg11[%swap3A_164, %swap3A_165], %swap3A_168 {strides = array<i32>} : memref<16x144xf32, #tpu.memory_space<vmem>>, vector<1x16xf32>,
    %swap3A_169 = arith.constant 3 : i32
    %swap3A_170 = arith.index_cast %swap3A_169 : i32 to index
    %swap3A_171 = arith.constant 16 : index
    %swap3A_172 = tpu.vector_load %arg11[%swap3A_170, %swap3A_171] {strides = array<i32>} : memref<16x144xf32, #tpu.memory_space<vmem>>, vector<1x16xf32>,
    %swap3A_173 = vector.shape_cast %swap3A_172 : vector<1x16xf32> to vector<16xf32>
    %swap3A_174 = vector.shape_cast %broadcast_in_dim3A_1 : vector<16xf32> to vector<1x16xf32>
    tpu.vector_store %arg11[%swap3A_170, %swap3A_171], %swap3A_174 {strides = array<i32>} : memref<16x144xf32, #tpu.memory_space<vmem>>, vector<1x16xf32>,
    %swap3A_175 = arith.constant 3 : i32
    %swap3A_176 = arith.index_cast %swap3A_175 : i32 to index
    %swap3A_177 = arith.constant 32 : index
    %swap3A_178 = tpu.vector_load %arg11[%swap3A_176, %swap3A_177] {strides = array<i32>} : memref<16x144xf32, #tpu.memory_space<vmem>>, vector<1x16xf32>,
    %swap3A_179 = vector.shape_cast %swap3A_178 : vector<1x16xf32> to vector<16xf32>
    %swap3A_180 = vector.shape_cast %broadcast_in_dim3A_1 : vector<16xf32> to vector<1x16xf32>
    tpu.vector_store %arg11[%swap3A_176, %swap3A_177], %swap3A_180 {strides = array<i32>} : memref<16x144xf32, #tpu.memory_space<vmem>>, vector<1x16xf32>,
    %swap3A_181 = arith.constant 3 : i32
    %swap3A_182 = arith.index_cast %swap3A_181 : i32 to index
    %swap3A_183 = arith.constant 48 : index
    %swap3A_184 = tpu.vector_load %arg11[%swap3A_182, %swap3A_183] {strides = array<i32>} : memref<16x144xf32, #tpu.memory_space<vmem>>, vector<1x16xf32>,
    %swap3A_185 = vector.shape_cast %swap3A_184 : vector<1x16xf32> to vector<16xf32>
    %swap3A_186 = vector.shape_cast %broadcast_in_dim3A_1 : vector<16xf32> to vector<1x16xf32>
    tpu.vector_store %arg11[%swap3A_182, %swap3A_183], %swap3A_186 {strides = array<i32>} : memref<16x144xf32, #tpu.memory_space<vmem>>, vector<1x16xf32>,
    %swap3A_187 = arith.constant 3 : i32
    %swap3A_188 = arith.index_cast %swap3A_187 : i32 to index
    %swap3A_189 = arith.constant 64 : index
    %swap3A_190 = tpu.vector_load %arg11[%swap3A_188, %swap3A_189] {strides = array<i32>} : memref<16x144xf32, #tpu.memory_space<vmem>>, vector<1x16xf32>,
    %swap3A_191 = vector.shape_cast %swap3A_190 : vector<1x16xf32> to vector<16xf32>
    %swap3A_192 = vector.shape_cast %broadcast_in_dim3A_1 : vector<16xf32> to vector<1x16xf32>
    tpu.vector_store %arg11[%swap3A_188, %swap3A_189], %swap3A_192 {strides = array<i32>} : memref<16x144xf32, #tpu.memory_space<vmem>>, vector<1x16xf32>,
    %swap3A_193 = arith.constant 3 : i32
    %swap3A_194 = arith.index_cast %swap3A_193 : i32 to index
    %swap3A_195 = arith.constant 80 : index
    %swap3A_196 = tpu.vector_load %arg11[%swap3A_194, %swap3A_195] {strides = array<i32>} : memref<16x144xf32, #tpu.memory_space<vmem>>, vector<1x16xf32>,
    %swap3A_197 = vector.shape_cast %swap3A_196 : vector<1x16xf32> to vector<16xf32>
    %swap3A_198 = vector.shape_cast %broadcast_in_dim3A_1 : vector<16xf32> to vector<1x16xf32>
    tpu.vector_store %arg11[%swap3A_194, %swap3A_195], %swap3A_198 {strides = array<i32>} : memref<16x144xf32, #tpu.memory_space<vmem>>, vector<1x16xf32>,
    %swap3A_199 = arith.constant 3 : i32
    %swap3A_200 = arith.index_cast %swap3A_199 : i32 to index
    %swap3A_201 = arith.constant 96 : index
    %swap3A_202 = tpu.vector_load %arg11[%swap3A_200, %swap3A_201] {strides = array<i32>} : memref<16x144xf32, #tpu.memory_space<vmem>>, vector<1x16xf32>,
    %swap3A_203 = vector.shape_cast %swap3A_202 : vector<1x16xf32> to vector<16xf32>
    %swap3A_204 = vector.shape_cast %broadcast_in_dim3A_1 : vector<16xf32> to vector<1x16xf32>
    tpu.vector_store %arg11[%swap3A_200, %swap3A_201], %swap3A_204 {strides = array<i32>} : memref<16x144xf32, #tpu.memory_space<vmem>>, vector<1x16xf32>,
    %swap3A_205 = arith.constant 3 : i32
    %swap3A_206 = arith.index_cast %swap3A_205 : i32 to index
    %swap3A_207 = arith.constant 112 : index
    %swap3A_208 = tpu.vector_load %arg11[%swap3A_206, %swap3A_207] {strides = array<i32>} : memref<16x144xf32, #tpu.memory_space<vmem>>, vector<1x16xf32>,
    %swap3A_209 = vector.shape_cast %swap3A_208 : vector<1x16xf32> to vector<16xf32>
    %swap3A_210 = vector.shape_cast %broadcast_in_dim3A_1 : vector<16xf32> to vector<1x16xf32>
    tpu.vector_store %arg11[%swap3A_206, %swap3A_207], %swap3A_210 {strides = array<i32>} : memref<16x144xf32, #tpu.memory_space<vmem>>, vector<1x16xf32>,
    %swap3A_211 = arith.constant 3 : i32
    %swap3A_212 = arith.index_cast %swap3A_211 : i32 to index
    %swap3A_213 = arith.constant 128 : index
    %swap3A_214 = tpu.vector_load %arg11[%swap3A_212, %swap3A_213] {strides = array<i32>} : memref<16x144xf32, #tpu.memory_space<vmem>>, vector<1x16xf32>,
    %swap3A_215 = vector.shape_cast %swap3A_214 : vector<1x16xf32> to vector<16xf32>
    %swap3A_216 = vector.shape_cast %broadcast_in_dim3A_1 : vector<16xf32> to vector<1x16xf32>
    tpu.vector_store %arg11[%swap3A_212, %swap3A_213], %swap3A_216 {strides = array<i32>} : memref<16x144xf32, #tpu.memory_space<vmem>>, vector<1x16xf32>,
    %swap3A_217 = arith.constant 4 : i32
    %swap3A_218 = arith.index_cast %swap3A_217 : i32 to index
    %swap3A_219 = arith.constant 0 : index
    %swap3A_220 = tpu.vector_load %arg11[%swap3A_218, %swap3A_219] {strides = array<i32>} : memref<16x144xf32, #tpu.memory_space<vmem>>, vector<1x16xf32>,
    %swap3A_221 = vector.shape_cast %swap3A_220 : vector<1x16xf32> to vector<16xf32>
    %swap3A_222 = vector.shape_cast %broadcast_in_dim3A_1 : vector<16xf32> to vector<1x16xf32>
    tpu.vector_store %arg11[%swap3A_218, %swap3A_219], %swap3A_222 {strides = array<i32>} : memref<16x144xf32, #tpu.memory_space<vmem>>, vector<1x16xf32>,
    %swap3A_223 = arith.constant 4 : i32
    %swap3A_224 = arith.index_cast %swap3A_223 : i32 to index
    %swap3A_225 = arith.constant 16 : index
    %swap3A_226 = tpu.vector_load %arg11[%swap3A_224, %swap3A_225] {strides = array<i32>} : memref<16x144xf32, #tpu.memory_space<vmem>>, vector<1x16xf32>,
    %swap3A_227 = vector.shape_cast %swap3A_226 : vector<1x16xf32> to vector<16xf32>
    %swap3A_228 = vector.shape_cast %broadcast_in_dim3A_1 : vector<16xf32> to vector<1x16xf32>
    tpu.vector_store %arg11[%swap3A_224, %swap3A_225], %swap3A_228 {strides = array<i32>} : memref<16x144xf32, #tpu.memory_space<vmem>>, vector<1x16xf32>,
    %swap3A_229 = arith.constant 4 : i32
    %swap3A_230 = arith.index_cast %swap3A_229 : i32 to index
    %swap3A_231 = arith.constant 32 : index
    %swap3A_232 = tpu.vector_load %arg11[%swap3A_230, %swap3A_231] {strides = array<i32>} : memref<16x144xf32, #tpu.memory_space<vmem>>, vector<1x16xf32>,
    %swap3A_233 = vector.shape_cast %swap3A_232 : vector<1x16xf32> to vector<16xf32>
    %swap3A_234 = vector.shape_cast %broadcast_in_dim3A_1 : vector<16xf32> to vector<1x16xf32>
    tpu.vector_store %arg11[%swap3A_230, %swap3A_231], %swap3A_234 {strides = array<i32>} : memref<16x144xf32, #tpu.memory_space<vmem>>, vector<1x16xf32>,
    %swap3A_235 = arith.constant 4 : i32
    %swap3A_236 = arith.index_cast %swap3A_235 : i32 to index
    %swap3A_237 = arith.constant 48 : index
    %swap3A_238 = tpu.vector_load %arg11[%swap3A_236, %swap3A_237] {strides = array<i32>} : memref<16x144xf32, #tpu.memory_space<vmem>>, vector<1x16xf32>,
    %swap3A_239 = vector.shape_cast %swap3A_238 : vector<1x16xf32> to vector<16xf32>
    %swap3A_240 = vector.shape_cast %broadcast_in_dim3A_1 : vector<16xf32> to vector<1x16xf32>
    tpu.vector_store %arg11[%swap3A_236, %swap3A_237], %swap3A_240 {strides = array<i32>} : memref<16x144xf32, #tpu.memory_space<vmem>>, vector<1x16xf32>,
    %swap3A_241 = arith.constant 4 : i32
    %swap3A_242 = arith.index_cast %swap3A_241 : i32 to index
    %swap3A_243 = arith.constant 64 : index
    %swap3A_244 = tpu.vector_load %arg11[%swap3A_242, %swap3A_243] {strides = array<i32>} : memref<16x144xf32, #tpu.memory_space<vmem>>, vector<1x16xf32>,
    %swap3A_245 = vector.shape_cast %swap3A_244 : vector<1x16xf32> to vector<16xf32>
    %swap3A_246 = vector.shape_cast %broadcast_in_dim3A_1 : vector<16xf32> to vector<1x16xf32>
    tpu.vector_store %arg11[%swap3A_242, %swap3A_243], %swap3A_246 {strides = array<i32>} : memref<16x144xf32, #tpu.memory_space<vmem>>, vector<1x16xf32>,
    %swap3A_247 = arith.constant 4 : i32
    %swap3A_248 = arith.index_cast %swap3A_247 : i32 to index
    %swap3A_249 = arith.constant 80 : index
    %swap3A_250 = tpu.vector_load %arg11[%swap3A_248, %swap3A_249] {strides = array<i32>} : memref<16x144xf32, #tpu.memory_space<vmem>>, vector<1x16xf32>,
    %swap3A_251 = vector.shape_cast %swap3A_250 : vector<1x16xf32> to vector<16xf32>
    %swap3A_252 = vector.shape_cast %broadcast_in_dim3A_1 : vector<16xf32> to vector<1x16xf32>
    tpu.vector_store %arg11[%swap3A_248, %swap3A_249], %swap3A_252 {strides = array<i32>} : memref<16x144xf32, #tpu.memory_space<vmem>>, vector<1x16xf32>,
    %swap3A_253 = arith.constant 4 : i32
    %swap3A_254 = arith.index_cast %swap3A_253 : i32 to index
    %swap3A_255 = arith.constant 96 : index
    %swap3A_256 = tpu.vector_load %arg11[%swap3A_254, %swap3A_255] {strides = array<i32>} : memref<16x144xf32, #tpu.memory_space<vmem>>, vector<1x16xf32>,
    %swap3A_257 = vector.shape_cast %swap3A_256 : vector<1x16xf32> to vector<16xf32>
    %swap3A_258 = vector.shape_cast %broadcast_in_dim3A_1 : vector<16xf32> to vector<1x16xf32>
    tpu.vector_store %arg11[%swap3A_254, %swap3A_255], %swap3A_258 {strides = array<i32>} : memref<16x144xf32, #tpu.memory_space<vmem>>, vector<1x16xf32>,
    %swap3A_259 = arith.constant 4 : i32
    %swap3A_260 = arith.index_cast %swap3A_259 : i32 to index
    %swap3A_261 = arith.constant 112 : index
    %swap3A_262 = tpu.vector_load %arg11[%swap3A_260, %swap3A_261] {strides = array<i32>} : memref<16x144xf32, #tpu.memory_space<vmem>>, vector<1x16xf32>,
    %swap3A_263 = vector.shape_cast %swap3A_262 : vector<1x16xf32> to vector<16xf32>
    %swap3A_264 = vector.shape_cast %broadcast_in_dim3A_1 : vector<16xf32> to vector<1x16xf32>
    tpu.vector_store %arg11[%swap3A_260, %swap3A_261], %swap3A_264 {strides = array<i32>} : memref<16x144xf32, #tpu.memory_space<vmem>>, vector<1x16xf32>,
    %swap3A_265 = arith.constant 4 : i32
    %swap3A_266 = arith.index_cast %swap3A_265 : i32 to index
    %swap3A_267 = arith.constant 128 : index
    %swap3A_268 = tpu.vector_load %arg11[%swap3A_266, %swap3A_267] {strides = array<i32>} : memref<16x144xf32, #tpu.memory_space<vmem>>, vector<1x16xf32>,
    %swap3A_269 = vector.shape_cast %swap3A_268 : vector<1x16xf32> to vector<16xf32>
    %swap3A_270 = vector.shape_cast %broadcast_in_dim3A_1 : vector<16xf32> to vector<1x16xf32>
    tpu.vector_store %arg11[%swap3A_266, %swap3A_267], %swap3A_270 {strides = array<i32>} : memref<16x144xf32, #tpu.memory_space<vmem>>, vector<1x16xf32>,
    %swap3A_271 = arith.constant 5 : i32
    %swap3A_272 = arith.index_cast %swap3A_271 : i32 to index
    %swap3A_273 = arith.constant 0 : index
    %swap3A_274 = tpu.vector_load %arg11[%swap3A_272, %swap3A_273] {strides = array<i32>} : memref<16x144xf32, #tpu.memory_space<vmem>>, vector<1x16xf32>,
    %swap3A_275 = vector.shape_cast %swap3A_274 : vector<1x16xf32> to vector<16xf32>
    %swap3A_276 = vector.shape_cast %broadcast_in_dim3A_1 : vector<16xf32> to vector<1x16xf32>
    tpu.vector_store %arg11[%swap3A_272, %swap3A_273], %swap3A_276 {strides = array<i32>} : memref<16x144xf32, #tpu.memory_space<vmem>>, vector<1x16xf32>,
    %swap3A_277 = arith.constant 5 : i32
    %swap3A_278 = arith.index_cast %swap3A_277 : i32 to index
    %swap3A_279 = arith.constant 16 : index
    %swap3A_280 = tpu.vector_load %arg11[%swap3A_278, %swap3A_279] {strides = array<i32>} : memref<16x144xf32, #tpu.memory_space<vmem>>, vector<1x16xf32>,
    %swap3A_281 = vector.shape_cast %swap3A_280 : vector<1x16xf32> to vector<16xf32>
    %swap3A_282 = vector.shape_cast %broadcast_in_dim3A_1 : vector<16xf32> to vector<1x16xf32>
    tpu.vector_store %arg11[%swap3A_278, %swap3A_279], %swap3A_282 {strides = array<i32>} : memref<16x144xf32, #tpu.memory_space<vmem>>, vector<1x16xf32>,
    %swap3A_283 = arith.constant 5 : i32
    %swap3A_284 = arith.index_cast %swap3A_283 : i32 to index
    %swap3A_285 = arith.constant 32 : index
    %swap3A_286 = tpu.vector_load %arg11[%swap3A_284, %swap3A_285] {strides = array<i32>} : memref<16x144xf32, #tpu.memory_space<vmem>>, vector<1x16xf32>,
    %swap3A_287 = vector.shape_cast %swap3A_286 : vector<1x16xf32> to vector<16xf32>
    %swap3A_288 = vector.shape_cast %broadcast_in_dim3A_1 : vector<16xf32> to vector<1x16xf32>
    tpu.vector_store %arg11[%swap3A_284, %swap3A_285], %swap3A_288 {strides = array<i32>} : memref<16x144xf32, #tpu.memory_space<vmem>>, vector<1x16xf32>,
    %swap3A_289 = arith.constant 5 : i32
    %swap3A_290 = arith.index_cast %swap3A_289 : i32 to index
    %swap3A_291 = arith.constant 48 : index
    %swap3A_292 = tpu.vector_load %arg11[%swap3A_290, %swap3A_291] {strides = array<i32>} : memref<16x144xf32, #tpu.memory_space<vmem>>, vector<1x16xf32>,
    %swap3A_293 = vector.shape_cast %swap3A_292 : vector<1x16xf32> to vector<16xf32>
    %swap3A_294 = vector.shape_cast %broadcast_in_dim3A_1 : vector<16xf32> to vector<1x16xf32>
    tpu.vector_store %arg11[%swap3A_290, %swap3A_291], %swap3A_294 {strides = array<i32>} : memref<16x144xf32, #tpu.memory_space<vmem>>, vector<1x16xf32>,
    %swap3A_295 = arith.constant 5 : i32
    %swap3A_296 = arith.index_cast %swap3A_295 : i32 to index
    %swap3A_297 = arith.constant 64 : index
    %swap3A_298 = tpu.vector_load %arg11[%swap3A_296, %swap3A_297] {strides = array<i32>} : memref<16x144xf32, #tpu.memory_space<vmem>>, vector<1x16xf32>,
    %swap3A_299 = vector.shape_cast %swap3A_298 : vector<1x16xf32> to vector<16xf32>
    %swap3A_300 = vector.shape_cast %broadcast_in_dim3A_1 : vector<16xf32> to vector<1x16xf32>
    tpu.vector_store %arg11[%swap3A_296, %swap3A_297], %swap3A_300 {strides = array<i32>} : memref<16x144xf32, #tpu.memory_space<vmem>>, vector<1x16xf32>,
    %swap3A_301 = arith.constant 5 : i32
    %swap3A_302 = arith.index_cast %swap3A_301 : i32 to index
    %swap3A_303 = arith.constant 80 : index
    %swap3A_304 = tpu.vector_load %arg11[%swap3A_302, %swap3A_303] {strides = array<i32>} : memref<16x144xf32, #tpu.memory_space<vmem>>, vector<1x16xf32>,
    %swap3A_305 = vector.shape_cast %swap3A_304 : vector<1x16xf32> to vector<16xf32>
    %swap3A_306 = vector.shape_cast %broadcast_in_dim3A_1 : vector<16xf32> to vector<1x16xf32>
    tpu.vector_store %arg11[%swap3A_302, %swap3A_303], %swap3A_306 {strides = array<i32>} : memref<16x144xf32, #tpu.memory_space<vmem>>, vector<1x16xf32>,
    %swap3A_307 = arith.constant 5 : i32
    %swap3A_308 = arith.index_cast %swap3A_307 : i32 to index
    %swap3A_309 = arith.constant 96 : index
    %swap3A_310 = tpu.vector_load %arg11[%swap3A_308, %swap3A_309] {strides = array<i32>} : memref<16x144xf32, #tpu.memory_space<vmem>>, vector<1x16xf32>,
    %swap3A_311 = vector.shape_cast %swap3A_310 : vector<1x16xf32> to vector<16xf32>
    %swap3A_312 = vector.shape_cast %broadcast_in_dim3A_1 : vector<16xf32> to vector<1x16xf32>
    tpu.vector_store %arg11[%swap3A_308, %swap3A_309], %swap3A_312 {strides = array<i32>} : memref<16x144xf32, #tpu.memory_space<vmem>>, vector<1x16xf32>,
    %swap3A_313 = arith.constant 5 : i32
    %swap3A_314 = arith.index_cast %swap3A_313 : i32 to index
    %swap3A_315 = arith.constant 112 : index
    %swap3A_316 = tpu.vector_load %arg11[%swap3A_314, %swap3A_315] {strides = array<i32>} : memref<16x144xf32, #tpu.memory_space<vmem>>, vector<1x16xf32>,
    %swap3A_317 = vector.shape_cast %swap3A_316 : vector<1x16xf32> to vector<16xf32>
    %swap3A_318 = vector.shape_cast %broadcast_in_dim3A_1 : vector<16xf32> to vector<1x16xf32>
    tpu.vector_store %arg11[%swap3A_314, %swap3A_315], %swap3A_318 {strides = array<i32>} : memref<16x144xf32, #tpu.memory_space<vmem>>, vector<1x16xf32>,
    %swap3A_319 = arith.constant 5 : i32
    %swap3A_320 = arith.index_cast %swap3A_319 : i32 to index
    %swap3A_321 = arith.constant 128 : index
    %swap3A_322 = tpu.vector_load %arg11[%swap3A_320, %swap3A_321] {strides = array<i32>} : memref<16x144xf32, #tpu.memory_space<vmem>>, vector<1x16xf32>,
    %swap3A_323 = vector.shape_cast %swap3A_322 : vector<1x16xf32> to vector<16xf32>
    %swap3A_324 = vector.shape_cast %broadcast_in_dim3A_1 : vector<16xf32> to vector<1x16xf32>
    tpu.vector_store %arg11[%swap3A_320, %swap3A_321], %swap3A_324 {strides = array<i32>} : memref<16x144xf32, #tpu.memory_space<vmem>>, vector<1x16xf32>,
    %swap3A_325 = arith.constant 6 : i32
    %swap3A_326 = arith.index_cast %swap3A_325 : i32 to index
    %swap3A_327 = arith.constant 0 : index
    %swap3A_328 = tpu.vector_load %arg11[%swap3A_326, %swap3A_327] {strides = array<i32>} : memref<16x144xf32, #tpu.memory_space<vmem>>, vector<1x16xf32>,
    %swap3A_329 = vector.shape_cast %swap3A_328 : vector<1x16xf32> to vector<16xf32>
    %swap3A_330 = vector.shape_cast %broadcast_in_dim3A_1 : vector<16xf32> to vector<1x16xf32>
    tpu.vector_store %arg11[%swap3A_326, %swap3A_327], %swap3A_330 {strides = array<i32>} : memref<16x144xf32, #tpu.memory_space<vmem>>, vector<1x16xf32>,
    %swap3A_331 = arith.constant 6 : i32
    %swap3A_332 = arith.index_cast %swap3A_331 : i32 to index
    %swap3A_333 = arith.constant 16 : index
    %swap3A_334 = tpu.vector_load %arg11[%swap3A_332, %swap3A_333] {strides = array<i32>} : memref<16x144xf32, #tpu.memory_space<vmem>>, vector<1x16xf32>,
    %swap3A_335 = vector.shape_cast %swap3A_334 : vector<1x16xf32> to vector<16xf32>
    %swap3A_336 = vector.shape_cast %broadcast_in_dim3A_1 : vector<16xf32> to vector<1x16xf32>
    tpu.vector_store %arg11[%swap3A_332, %swap3A_333], %swap3A_336 {strides = array<i32>} : memref<16x144xf32, #tpu.memory_space<vmem>>, vector<1x16xf32>,
    %swap3A_337 = arith.constant 6 : i32
    %swap3A_338 = arith.index_cast %swap3A_337 : i32 to index
    %swap3A_339 = arith.constant 32 : index
    %swap3A_340 = tpu.vector_load %arg11[%swap3A_338, %swap3A_339] {strides = array<i32>} : memref<16x144xf32, #tpu.memory_space<vmem>>, vector<1x16xf32>,
    %swap3A_341 = vector.shape_cast %swap3A_340 : vector<1x16xf32> to vector<16xf32>
    %swap3A_342 = vector.shape_cast %broadcast_in_dim3A_1 : vector<16xf32> to vector<1x16xf32>
    tpu.vector_store %arg11[%swap3A_338, %swap3A_339], %swap3A_342 {strides = array<i32>} : memref<16x144xf32, #tpu.memory_space<vmem>>, vector<1x16xf32>,
    %swap3A_343 = arith.constant 6 : i32
    %swap3A_344 = arith.index_cast %swap3A_343 : i32 to index
    %swap3A_345 = arith.constant 48 : index
    %swap3A_346 = tpu.vector_load %arg11[%swap3A_344, %swap3A_345] {strides = array<i32>} : memref<16x144xf32, #tpu.memory_space<vmem>>, vector<1x16xf32>,
    %swap3A_347 = vector.shape_cast %swap3A_346 : vector<1x16xf32> to vector<16xf32>
    %swap3A_348 = vector.shape_cast %broadcast_in_dim3A_1 : vector<16xf32> to vector<1x16xf32>
    tpu.vector_store %arg11[%swap3A_344, %swap3A_345], %swap3A_348 {strides = array<i32>} : memref<16x144xf32, #tpu.memory_space<vmem>>, vector<1x16xf32>,
    %swap3A_349 = arith.constant 6 : i32
    %swap3A_350 = arith.index_cast %swap3A_349 : i32 to index
    %swap3A_351 = arith.constant 64 : index
    %swap3A_352 = tpu.vector_load %arg11[%swap3A_350, %swap3A_351] {strides = array<i32>} : memref<16x144xf32, #tpu.memory_space<vmem>>, vector<1x16xf32>,
    %swap3A_353 = vector.shape_cast %swap3A_352 : vector<1x16xf32> to vector<16xf32>
    %swap3A_354 = vector.shape_cast %broadcast_in_dim3A_1 : vector<16xf32> to vector<1x16xf32>
    tpu.vector_store %arg11[%swap3A_350, %swap3A_351], %swap3A_354 {strides = array<i32>} : memref<16x144xf32, #tpu.memory_space<vmem>>, vector<1x16xf32>,
    %swap3A_355 = arith.constant 6 : i32
    %swap3A_356 = arith.index_cast %swap3A_355 : i32 to index
    %swap3A_357 = arith.constant 80 : index
    %swap3A_358 = tpu.vector_load %arg11[%swap3A_356, %swap3A_357] {strides = array<i32>} : memref<16x144xf32, #tpu.memory_space<vmem>>, vector<1x16xf32>,
    %swap3A_359 = vector.shape_cast %swap3A_358 : vector<1x16xf32> to vector<16xf32>
    %swap3A_360 = vector.shape_cast %broadcast_in_dim3A_1 : vector<16xf32> to vector<1x16xf32>
    tpu.vector_store %arg11[%swap3A_356, %swap3A_357], %swap3A_360 {strides = array<i32>} : memref<16x144xf32, #tpu.memory_space<vmem>>, vector<1x16xf32>,
    %swap3A_361 = arith.constant 6 : i32
    %swap3A_362 = arith.index_cast %swap3A_361 : i32 to index
    %swap3A_363 = arith.constant 96 : index
    %swap3A_364 = tpu.vector_load %arg11[%swap3A_362, %swap3A_363] {strides = array<i32>} : memref<16x144xf32, #tpu.memory_space<vmem>>, vector<1x16xf32>,
    %swap3A_365 = vector.shape_cast %swap3A_364 : vector<1x16xf32> to vector<16xf32>
    %swap3A_366 = vector.shape_cast %broadcast_in_dim3A_1 : vector<16xf32> to vector<1x16xf32>
    tpu.vector_store %arg11[%swap3A_362, %swap3A_363], %swap3A_366 {strides = array<i32>} : memref<16x144xf32, #tpu.memory_space<vmem>>, vector<1x16xf32>,
    %swap3A_367 = arith.constant 6 : i32
    %swap3A_368 = arith.index_cast %swap3A_367 : i32 to index
    %swap3A_369 = arith.constant 112 : index
    %swap3A_370 = tpu.vector_load %arg11[%swap3A_368, %swap3A_369] {strides = array<i32>} : memref<16x144xf32, #tpu.memory_space<vmem>>, vector<1x16xf32>,
    %swap3A_371 = vector.shape_cast %swap3A_370 : vector<1x16xf32> to vector<16xf32>
    %swap3A_372 = vector.shape_cast %broadcast_in_dim3A_1 : vector<16xf32> to vector<1x16xf32>
    tpu.vector_store %arg11[%swap3A_368, %swap3A_369], %swap3A_372 {strides = array<i32>} : memref<16x144xf32, #tpu.memory_space<vmem>>, vector<1x16xf32>,
    %swap3A_373 = arith.constant 6 : i32
    %swap3A_374 = arith.index_cast %swap3A_373 : i32 to index
    %swap3A_375 = arith.constant 128 : index
    %swap3A_376 = tpu.vector_load %arg11[%swap3A_374, %swap3A_375] {strides = array<i32>} : memref<16x144xf32, #tpu.memory_space<vmem>>, vector<1x16xf32>,
    %swap3A_377 = vector.shape_cast %swap3A_376 : vector<1x16xf32> to vector<16xf32>
    %swap3A_378 = vector.shape_cast %broadcast_in_dim3A_1 : vector<16xf32> to vector<1x16xf32>
    tpu.vector_store %arg11[%swap3A_374, %swap3A_375], %swap3A_378 {strides = array<i32>} : memref<16x144xf32, #tpu.memory_space<vmem>>, vector<1x16xf32>,
    %swap3A_379 = arith.constant 7 : i32
    %swap3A_380 = arith.index_cast %swap3A_379 : i32 to index
    %swap3A_381 = arith.constant 0 : index
    %swap3A_382 = tpu.vector_load %arg11[%swap3A_380, %swap3A_381] {strides = array<i32>} : memref<16x144xf32, #tpu.memory_space<vmem>>, vector<1x16xf32>,
    %swap3A_383 = vector.shape_cast %swap3A_382 : vector<1x16xf32> to vector<16xf32>
    %swap3A_384 = vector.shape_cast %broadcast_in_dim3A_1 : vector<16xf32> to vector<1x16xf32>
    tpu.vector_store %arg11[%swap3A_380, %swap3A_381], %swap3A_384 {strides = array<i32>} : memref<16x144xf32, #tpu.memory_space<vmem>>, vector<1x16xf32>,
    %swap3A_385 = arith.constant 7 : i32
    %swap3A_386 = arith.index_cast %swap3A_385 : i32 to index
    %swap3A_387 = arith.constant 16 : index
    %swap3A_388 = tpu.vector_load %arg11[%swap3A_386, %swap3A_387] {strides = array<i32>} : memref<16x144xf32, #tpu.memory_space<vmem>>, vector<1x16xf32>,
    %swap3A_389 = vector.shape_cast %swap3A_388 : vector<1x16xf32> to vector<16xf32>
    %swap3A_390 = vector.shape_cast %broadcast_in_dim3A_1 : vector<16xf32> to vector<1x16xf32>
    tpu.vector_store %arg11[%swap3A_386, %swap3A_387], %swap3A_390 {strides = array<i32>} : memref<16x144xf32, #tpu.memory_space<vmem>>, vector<1x16xf32>,
    %swap3A_391 = arith.constant 7 : i32
    %swap3A_392 = arith.index_cast %swap3A_391 : i32 to index
    %swap3A_393 = arith.constant 32 : index
    %swap3A_394 = tpu.vector_load %arg11[%swap3A_392, %swap3A_393] {strides = array<i32>} : memref<16x144xf32, #tpu.memory_space<vmem>>, vector<1x16xf32>,
    %swap3A_395 = vector.shape_cast %swap3A_394 : vector<1x16xf32> to vector<16xf32>
    %swap3A_396 = vector.shape_cast %broadcast_in_dim3A_1 : vector<16xf32> to vector<1x16xf32>
    tpu.vector_store %arg11[%swap3A_392, %swap3A_393], %swap3A_396 {strides = array<i32>} : memref<16x144xf32, #tpu.memory_space<vmem>>, vector<1x16xf32>,
    %swap3A_397 = arith.constant 7 : i32
    %swap3A_398 = arith.index_cast %swap3A_397 : i32 to index
    %swap3A_399 = arith.constant 48 : index
    %swap3A_400 = tpu.vector_load %arg11[%swap3A_398, %swap3A_399] {strides = array<i32>} : memref<16x144xf32, #tpu.memory_space<vmem>>, vector<1x16xf32>,
    %swap3A_401 = vector.shape_cast %swap3A_400 : vector<1x16xf32> to vector<16xf32>
    %swap3A_402 = vector.shape_cast %broadcast_in_dim3A_1 : vector<16xf32> to vector<1x16xf32>
    tpu.vector_store %arg11[%swap3A_398, %swap3A_399], %swap3A_402 {strides = array<i32>} : memref<16x144xf32, #tpu.memory_space<vmem>>, vector<1x16xf32>,
    %swap3A_403 = arith.constant 7 : i32
    %swap3A_404 = arith.index_cast %swap3A_403 : i32 to index
    %swap3A_405 = arith.constant 64 : index
    %swap3A_406 = tpu.vector_load %arg11[%swap3A_404, %swap3A_405] {strides = array<i32>} : memref<16x144xf32, #tpu.memory_space<vmem>>, vector<1x16xf32>,
    %swap3A_407 = vector.shape_cast %swap3A_406 : vector<1x16xf32> to vector<16xf32>
    %swap3A_408 = vector.shape_cast %broadcast_in_dim3A_1 : vector<16xf32> to vector<1x16xf32>
    tpu.vector_store %arg11[%swap3A_404, %swap3A_405], %swap3A_408 {strides = array<i32>} : memref<16x144xf32, #tpu.memory_space<vmem>>, vector<1x16xf32>,
    %swap3A_409 = arith.constant 7 : i32
    %swap3A_410 = arith.index_cast %swap3A_409 : i32 to index
    %swap3A_411 = arith.constant 80 : index
    %swap3A_412 = tpu.vector_load %arg11[%swap3A_410, %swap3A_411] {strides = array<i32>} : memref<16x144xf32, #tpu.memory_space<vmem>>, vector<1x16xf32>,
    %swap3A_413 = vector.shape_cast %swap3A_412 : vector<1x16xf32> to vector<16xf32>
    %swap3A_414 = vector.shape_cast %broadcast_in_dim3A_1 : vector<16xf32> to vector<1x16xf32>
    tpu.vector_store %arg11[%swap3A_410, %swap3A_411], %swap3A_414 {strides = array<i32>} : memref<16x144xf32, #tpu.memory_space<vmem>>, vector<1x16xf32>,
    %swap3A_415 = arith.constant 7 : i32
    %swap3A_416 = arith.index_cast %swap3A_415 : i32 to index
    %swap3A_417 = arith.constant 96 : index
    %swap3A_418 = tpu.vector_load %arg11[%swap3A_416, %swap3A_417] {strides = array<i32>} : memref<16x144xf32, #tpu.memory_space<vmem>>, vector<1x16xf32>,
    %swap3A_419 = vector.shape_cast %swap3A_418 : vector<1x16xf32> to vector<16xf32>
    %swap3A_420 = vector.shape_cast %broadcast_in_dim3A_1 : vector<16xf32> to vector<1x16xf32>
    tpu.vector_store %arg11[%swap3A_416, %swap3A_417], %swap3A_420 {strides = array<i32>} : memref<16x144xf32, #tpu.memory_space<vmem>>, vector<1x16xf32>,
    %swap3A_421 = arith.constant 7 : i32
    %swap3A_422 = arith.index_cast %swap3A_421 : i32 to index
    %swap3A_423 = arith.constant 112 : index
    %swap3A_424 = tpu.vector_load %arg11[%swap3A_422, %swap3A_423] {strides = array<i32>} : memref<16x144xf32, #tpu.memory_space<vmem>>, vector<1x16xf32>,
    %swap3A_425 = vector.shape_cast %swap3A_424 : vector<1x16xf32> to vector<16xf32>
    %swap3A_426 = vector.shape_cast %broadcast_in_dim3A_1 : vector<16xf32> to vector<1x16xf32>
    tpu.vector_store %arg11[%swap3A_422, %swap3A_423], %swap3A_426 {strides = array<i32>} : memref<16x144xf32, #tpu.memory_space<vmem>>, vector<1x16xf32>,
    %swap3A_427 = arith.constant 7 : i32
    %swap3A_428 = arith.index_cast %swap3A_427 : i32 to index
    %swap3A_429 = arith.constant 128 : index
    %swap3A_430 = tpu.vector_load %arg11[%swap3A_428, %swap3A_429] {strides = array<i32>} : memref<16x144xf32, #tpu.memory_space<vmem>>, vector<1x16xf32>,
    %swap3A_431 = vector.shape_cast %swap3A_430 : vector<1x16xf32> to vector<16xf32>
    %swap3A_432 = vector.shape_cast %broadcast_in_dim3A_1 : vector<16xf32> to vector<1x16xf32>
    tpu.vector_store %arg11[%swap3A_428, %swap3A_429], %swap3A_432 {strides = array<i32>} : memref<16x144xf32, #tpu.memory_space<vmem>>, vector<1x16xf32>,
    %swap3A_433 = arith.constant 8 : i32
    %swap3A_434 = arith.index_cast %swap3A_433 : i32 to index
    %swap3A_435 = arith.constant 0 : index
    %swap3A_436 = tpu.vector_load %arg11[%swap3A_434, %swap3A_435] {strides = array<i32>} : memref<16x144xf32, #tpu.memory_space<vmem>>, vector<1x16xf32>,
    %swap3A_437 = vector.shape_cast %swap3A_436 : vector<1x16xf32> to vector<16xf32>
    %swap3A_438 = vector.shape_cast %broadcast_in_dim3A_1 : vector<16xf32> to vector<1x16xf32>
    tpu.vector_store %arg11[%swap3A_434, %swap3A_435], %swap3A_438 {strides = array<i32>} : memref<16x144xf32, #tpu.memory_space<vmem>>, vector<1x16xf32>,
    %swap3A_439 = arith.constant 8 : i32
    %swap3A_440 = arith.index_cast %swap3A_439 : i32 to index
    %swap3A_441 = arith.constant 16 : index
    %swap3A_442 = tpu.vector_load %arg11[%swap3A_440, %swap3A_441] {strides = array<i32>} : memref<16x144xf32, #tpu.memory_space<vmem>>, vector<1x16xf32>,
    %swap3A_443 = vector.shape_cast %swap3A_442 : vector<1x16xf32> to vector<16xf32>
    %swap3A_444 = vector.shape_cast %broadcast_in_dim3A_1 : vector<16xf32> to vector<1x16xf32>
    tpu.vector_store %arg11[%swap3A_440, %swap3A_441], %swap3A_444 {strides = array<i32>} : memref<16x144xf32, #tpu.memory_space<vmem>>, vector<1x16xf32>,
    %swap3A_445 = arith.constant 8 : i32
    %swap3A_446 = arith.index_cast %swap3A_445 : i32 to index
    %swap3A_447 = arith.constant 32 : index
    %swap3A_448 = tpu.vector_load %arg11[%swap3A_446, %swap3A_447] {strides = array<i32>} : memref<16x144xf32, #tpu.memory_space<vmem>>, vector<1x16xf32>,
    %swap3A_449 = vector.shape_cast %swap3A_448 : vector<1x16xf32> to vector<16xf32>
    %swap3A_450 = vector.shape_cast %broadcast_in_dim3A_1 : vector<16xf32> to vector<1x16xf32>
    tpu.vector_store %arg11[%swap3A_446, %swap3A_447], %swap3A_450 {strides = array<i32>} : memref<16x144xf32, #tpu.memory_space<vmem>>, vector<1x16xf32>,
    %swap3A_451 = arith.constant 8 : i32
    %swap3A_452 = arith.index_cast %swap3A_451 : i32 to index
    %swap3A_453 = arith.constant 48 : index
    %swap3A_454 = tpu.vector_load %arg11[%swap3A_452, %swap3A_453] {strides = array<i32>} : memref<16x144xf32, #tpu.memory_space<vmem>>, vector<1x16xf32>,
    %swap3A_455 = vector.shape_cast %swap3A_454 : vector<1x16xf32> to vector<16xf32>
    %swap3A_456 = vector.shape_cast %broadcast_in_dim3A_1 : vector<16xf32> to vector<1x16xf32>
    tpu.vector_store %arg11[%swap3A_452, %swap3A_453], %swap3A_456 {strides = array<i32>} : memref<16x144xf32, #tpu.memory_space<vmem>>, vector<1x16xf32>,
    %swap3A_457 = arith.constant 8 : i32
    %swap3A_458 = arith.index_cast %swap3A_457 : i32 to index
    %swap3A_459 = arith.constant 64 : index
    %swap3A_460 = tpu.vector_load %arg11[%swap3A_458, %swap3A_459] {strides = array<i32>} : memref<16x144xf32, #tpu.memory_space<vmem>>, vector<1x16xf32>,
    %swap3A_461 = vector.shape_cast %swap3A_460 : vector<1x16xf32> to vector<16xf32>
    %swap3A_462 = vector.shape_cast %broadcast_in_dim3A_1 : vector<16xf32> to vector<1x16xf32>
    tpu.vector_store %arg11[%swap3A_458, %swap3A_459], %swap3A_462 {strides = array<i32>} : memref<16x144xf32, #tpu.memory_space<vmem>>, vector<1x16xf32>,
    %swap3A_463 = arith.constant 8 : i32
    %swap3A_464 = arith.index_cast %swap3A_463 : i32 to index
    %swap3A_465 = arith.constant 80 : index
    %swap3A_466 = tpu.vector_load %arg11[%swap3A_464, %swap3A_465] {strides = array<i32>} : memref<16x144xf32, #tpu.memory_space<vmem>>, vector<1x16xf32>,
    %swap3A_467 = vector.shape_cast %swap3A_466 : vector<1x16xf32> to vector<16xf32>
    %swap3A_468 = vector.shape_cast %broadcast_in_dim3A_1 : vector<16xf32> to vector<1x16xf32>
    tpu.vector_store %arg11[%swap3A_464, %swap3A_465], %swap3A_468 {strides = array<i32>} : memref<16x144xf32, #tpu.memory_space<vmem>>, vector<1x16xf32>,
    %swap3A_469 = arith.constant 8 : i32
    %swap3A_470 = arith.index_cast %swap3A_469 : i32 to index
    %swap3A_471 = arith.constant 96 : index
    %swap3A_472 = tpu.vector_load %arg11[%swap3A_470, %swap3A_471] {strides = array<i32>} : memref<16x144xf32, #tpu.memory_space<vmem>>, vector<1x16xf32>,
    %swap3A_473 = vector.shape_cast %swap3A_472 : vector<1x16xf32> to vector<16xf32>
    %swap3A_474 = vector.shape_cast %broadcast_in_dim3A_1 : vector<16xf32> to vector<1x16xf32>
    tpu.vector_store %arg11[%swap3A_470, %swap3A_471], %swap3A_474 {strides = array<i32>} : memref<16x144xf32, #tpu.memory_space<vmem>>, vector<1x16xf32>,
    %swap3A_475 = arith.constant 8 : i32
    %swap3A_476 = arith.index_cast %swap3A_475 : i32 to index
    %swap3A_477 = arith.constant 112 : index
    %swap3A_478 = tpu.vector_load %arg11[%swap3A_476, %swap3A_477] {strides = array<i32>} : memref<16x144xf32, #tpu.memory_space<vmem>>, vector<1x16xf32>,
    %swap3A_479 = vector.shape_cast %swap3A_478 : vector<1x16xf32> to vector<16xf32>
    %swap3A_480 = vector.shape_cast %broadcast_in_dim3A_1 : vector<16xf32> to vector<1x16xf32>
    tpu.vector_store %arg11[%swap3A_476, %swap3A_477], %swap3A_480 {strides = array<i32>} : memref<16x144xf32, #tpu.memory_space<vmem>>, vector<1x16xf32>,
    %swap3A_481 = arith.constant 8 : i32
    %swap3A_482 = arith.index_cast %swap3A_481 : i32 to index
    %swap3A_483 = arith.constant 128 : index
    %swap3A_484 = tpu.vector_load %arg11[%swap3A_482, %swap3A_483] {strides = array<i32>} : memref<16x144xf32, #tpu.memory_space<vmem>>, vector<1x16xf32>,
    %swap3A_485 = vector.shape_cast %swap3A_484 : vector<1x16xf32> to vector<16xf32>
    %swap3A_486 = vector.shape_cast %broadcast_in_dim3A_1 : vector<16xf32> to vector<1x16xf32>
    tpu.vector_store %arg11[%swap3A_482, %swap3A_483], %swap3A_486 {strides = array<i32>} : memref<16x144xf32, #tpu.memory_space<vmem>>, vector<1x16xf32>,
    %swap3A_487 = arith.constant 9 : i32
    %swap3A_488 = arith.index_cast %swap3A_487 : i32 to index
    %swap3A_489 = arith.constant 0 : index
    %swap3A_490 = tpu.vector_load %arg11[%swap3A_488, %swap3A_489] {strides = array<i32>} : memref<16x144xf32, #tpu.memory_space<vmem>>, vector<1x16xf32>,
    %swap3A_491 = vector.shape_cast %swap3A_490 : vector<1x16xf32> to vector<16xf32>
    %swap3A_492 = vector.shape_cast %broadcast_in_dim3A_1 : vector<16xf32> to vector<1x16xf32>
    tpu.vector_store %arg11[%swap3A_488, %swap3A_489], %swap3A_492 {strides = array<i32>} : memref<16x144xf32, #tpu.memory_space<vmem>>, vector<1x16xf32>,
    %swap3A_493 = arith.constant 9 : i32
    %swap3A_494 = arith.index_cast %swap3A_493 : i32 to index
    %swap3A_495 = arith.constant 16 : index
    %swap3A_496 = tpu.vector_load %arg11[%swap3A_494, %swap3A_495] {strides = array<i32>} : memref<16x144xf32, #tpu.memory_space<vmem>>, vector<1x16xf32>,
    %swap3A_497 = vector.shape_cast %swap3A_496 : vector<1x16xf32> to vector<16xf32>
    %swap3A_498 = vector.shape_cast %broadcast_in_dim3A_1 : vector<16xf32> to vector<1x16xf32>
    tpu.vector_store %arg11[%swap3A_494, %swap3A_495], %swap3A_498 {strides = array<i32>} : memref<16x144xf32, #tpu.memory_space<vmem>>, vector<1x16xf32>,
    %swap3A_499 = arith.constant 9 : i32
    %swap3A_500 = arith.index_cast %swap3A_499 : i32 to index
    %swap3A_501 = arith.constant 32 : index
    %swap3A_502 = tpu.vector_load %arg11[%swap3A_500, %swap3A_501] {strides = array<i32>} : memref<16x144xf32, #tpu.memory_space<vmem>>, vector<1x16xf32>,
    %swap3A_503 = vector.shape_cast %swap3A_502 : vector<1x16xf32> to vector<16xf32>
    %swap3A_504 = vector.shape_cast %broadcast_in_dim3A_1 : vector<16xf32> to vector<1x16xf32>
    tpu.vector_store %arg11[%swap3A_500, %swap3A_501], %swap3A_504 {strides = array<i32>} : memref<16x144xf32, #tpu.memory_space<vmem>>, vector<1x16xf32>,
    %swap3A_505 = arith.constant 9 : i32
    %swap3A_506 = arith.index_cast %swap3A_505 : i32 to index
    %swap3A_507 = arith.constant 48 : index
    %swap3A_508 = tpu.vector_load %arg11[%swap3A_506, %swap3A_507] {strides = array<i32>} : memref<16x144xf32, #tpu.memory_space<vmem>>, vector<1x16xf32>,
    %swap3A_509 = vector.shape_cast %swap3A_508 : vector<1x16xf32> to vector<16xf32>
    %swap3A_510 = vector.shape_cast %broadcast_in_dim3A_1 : vector<16xf32> to vector<1x16xf32>
    tpu.vector_store %arg11[%swap3A_506, %swap3A_507], %swap3A_510 {strides = array<i32>} : memref<16x144xf32, #tpu.memory_space<vmem>>, vector<1x16xf32>,
    %swap3A_511 = arith.constant 9 : i32
    %swap3A_512 = arith.index_cast %swap3A_511 : i32 to index
    %swap3A_513 = arith.constant 64 : index
    %swap3A_514 = tpu.vector_load %arg11[%swap3A_512, %swap3A_513] {strides = array<i32>} : memref<16x144xf32, #tpu.memory_space<vmem>>, vector<1x16xf32>,
    %swap3A_515 = vector.shape_cast %swap3A_514 : vector<1x16xf32> to vector<16xf32>
    %swap3A_516 = vector.shape_cast %broadcast_in_dim3A_1 : vector<16xf32> to vector<1x16xf32>
    tpu.vector_store %arg11[%swap3A_512, %swap3A_513], %swap3A_516 {strides = array<i32>} : memref<16x144xf32, #tpu.memory_space<vmem>>, vector<1x16xf32>,
    %swap3A_517 = arith.constant 9 : i32
    %swap3A_518 = arith.index_cast %swap3A_517 : i32 to index
    %swap3A_519 = arith.constant 80 : index
    %swap3A_520 = tpu.vector_load %arg11[%swap3A_518, %swap3A_519] {strides = array<i32>} : memref<16x144xf32, #tpu.memory_space<vmem>>, vector<1x16xf32>,
    %swap3A_521 = vector.shape_cast %swap3A_520 : vector<1x16xf32> to vector<16xf32>
    %swap3A_522 = vector.shape_cast %broadcast_in_dim3A_1 : vector<16xf32> to vector<1x16xf32>
    tpu.vector_store %arg11[%swap3A_518, %swap3A_519], %swap3A_522 {strides = array<i32>} : memref<16x144xf32, #tpu.memory_space<vmem>>, vector<1x16xf32>,
    %swap3A_523 = arith.constant 9 : i32
    %swap3A_524 = arith.index_cast %swap3A_523 : i32 to index
    %swap3A_525 = arith.constant 96 : index
    %swap3A_526 = tpu.vector_load %arg11[%swap3A_524, %swap3A_525] {strides = array<i32>} : memref<16x144xf32, #tpu.memory_space<vmem>>, vector<1x16xf32>,
    %swap3A_527 = vector.shape_cast %swap3A_526 : vector<1x16xf32> to vector<16xf32>
    %swap3A_528 = vector.shape_cast %broadcast_in_dim3A_1 : vector<16xf32> to vector<1x16xf32>
    tpu.vector_store %arg11[%swap3A_524, %swap3A_525], %swap3A_528 {strides = array<i32>} : memref<16x144xf32, #tpu.memory_space<vmem>>, vector<1x16xf32>,
    %swap3A_529 = arith.constant 9 : i32
    %swap3A_530 = arith.index_cast %swap3A_529 : i32 to index
    %swap3A_531 = arith.constant 112 : index
    %swap3A_532 = tpu.vector_load %arg11[%swap3A_530, %swap3A_531] {strides = array<i32>} : memref<16x144xf32, #tpu.memory_space<vmem>>, vector<1x16xf32>,
    %swap3A_533 = vector.shape_cast %swap3A_532 : vector<1x16xf32> to vector<16xf32>
    %swap3A_534 = vector.shape_cast %broadcast_in_dim3A_1 : vector<16xf32> to vector<1x16xf32>
    tpu.vector_store %arg11[%swap3A_530, %swap3A_531], %swap3A_534 {strides = array<i32>} : memref<16x144xf32, #tpu.memory_space<vmem>>, vector<1x16xf32>,
    %swap3A_535 = arith.constant 9 : i32
    %swap3A_536 = arith.index_cast %swap3A_535 : i32 to index
    %swap3A_537 = arith.constant 128 : index
    %swap3A_538 = tpu.vector_load %arg11[%swap3A_536, %swap3A_537] {strides = array<i32>} : memref<16x144xf32, #tpu.memory_space<vmem>>, vector<1x16xf32>,
    %swap3A_539 = vector.shape_cast %swap3A_538 : vector<1x16xf32> to vector<16xf32>
    %swap3A_540 = vector.shape_cast %broadcast_in_dim3A_1 : vector<16xf32> to vector<1x16xf32>
    tpu.vector_store %arg11[%swap3A_536, %swap3A_537], %swap3A_540 {strides = array<i32>} : memref<16x144xf32, #tpu.memory_space<vmem>>, vector<1x16xf32>,
    %swap3A_541 = arith.constant 10 : i32
    %swap3A_542 = arith.index_cast %swap3A_541 : i32 to index
    %swap3A_543 = arith.constant 0 : index
    %swap3A_544 = tpu.vector_load %arg11[%swap3A_542, %swap3A_543] {strides = array<i32>} : memref<16x144xf32, #tpu.memory_space<vmem>>, vector<1x16xf32>,
    %swap3A_545 = vector.shape_cast %swap3A_544 : vector<1x16xf32> to vector<16xf32>
    %swap3A_546 = vector.shape_cast %broadcast_in_dim3A_1 : vector<16xf32> to vector<1x16xf32>
    tpu.vector_store %arg11[%swap3A_542, %swap3A_543], %swap3A_546 {strides = array<i32>} : memref<16x144xf32, #tpu.memory_space<vmem>>, vector<1x16xf32>,
    %swap3A_547 = arith.constant 10 : i32
    %swap3A_548 = arith.index_cast %swap3A_547 : i32 to index
    %swap3A_549 = arith.constant 16 : index
    %swap3A_550 = tpu.vector_load %arg11[%swap3A_548, %swap3A_549] {strides = array<i32>} : memref<16x144xf32, #tpu.memory_space<vmem>>, vector<1x16xf32>,
    %swap3A_551 = vector.shape_cast %swap3A_550 : vector<1x16xf32> to vector<16xf32>
    %swap3A_552 = vector.shape_cast %broadcast_in_dim3A_1 : vector<16xf32> to vector<1x16xf32>
    tpu.vector_store %arg11[%swap3A_548, %swap3A_549], %swap3A_552 {strides = array<i32>} : memref<16x144xf32, #tpu.memory_space<vmem>>, vector<1x16xf32>,
    %swap3A_553 = arith.constant 10 : i32
    %swap3A_554 = arith.index_cast %swap3A_553 : i32 to index
    %swap3A_555 = arith.constant 32 : index
    %swap3A_556 = tpu.vector_load %arg11[%swap3A_554, %swap3A_555] {strides = array<i32>} : memref<16x144xf32, #tpu.memory_space<vmem>>, vector<1x16xf32>,
    %swap3A_557 = vector.shape_cast %swap3A_556 : vector<1x16xf32> to vector<16xf32>
    %swap3A_558 = vector.shape_cast %broadcast_in_dim3A_1 : vector<16xf32> to vector<1x16xf32>
    tpu.vector_store %arg11[%swap3A_554, %swap3A_555], %swap3A_558 {strides = array<i32>} : memref<16x144xf32, #tpu.memory_space<vmem>>, vector<1x16xf32>,
    %swap3A_559 = arith.constant 10 : i32
    %swap3A_560 = arith.index_cast %swap3A_559 : i32 to index
    %swap3A_561 = arith.constant 48 : index
    %swap3A_562 = tpu.vector_load %arg11[%swap3A_560, %swap3A_561] {strides = array<i32>} : memref<16x144xf32, #tpu.memory_space<vmem>>, vector<1x16xf32>,
    %swap3A_563 = vector.shape_cast %swap3A_562 : vector<1x16xf32> to vector<16xf32>
    %swap3A_564 = vector.shape_cast %broadcast_in_dim3A_1 : vector<16xf32> to vector<1x16xf32>
    tpu.vector_store %arg11[%swap3A_560, %swap3A_561], %swap3A_564 {strides = array<i32>} : memref<16x144xf32, #tpu.memory_space<vmem>>, vector<1x16xf32>,
    %swap3A_565 = arith.constant 10 : i32
    %swap3A_566 = arith.index_cast %swap3A_565 : i32 to index
    %swap3A_567 = arith.constant 64 : index
    %swap3A_568 = tpu.vector_load %arg11[%swap3A_566, %swap3A_567] {strides = array<i32>} : memref<16x144xf32, #tpu.memory_space<vmem>>, vector<1x16xf32>,
    %swap3A_569 = vector.shape_cast %swap3A_568 : vector<1x16xf32> to vector<16xf32>
    %swap3A_570 = vector.shape_cast %broadcast_in_dim3A_1 : vector<16xf32> to vector<1x16xf32>
    tpu.vector_store %arg11[%swap3A_566, %swap3A_567], %swap3A_570 {strides = array<i32>} : memref<16x144xf32, #tpu.memory_space<vmem>>, vector<1x16xf32>,
    %swap3A_571 = arith.constant 10 : i32
    %swap3A_572 = arith.index_cast %swap3A_571 : i32 to index
    %swap3A_573 = arith.constant 80 : index
    %swap3A_574 = tpu.vector_load %arg11[%swap3A_572, %swap3A_573] {strides = array<i32>} : memref<16x144xf32, #tpu.memory_space<vmem>>, vector<1x16xf32>,
    %swap3A_575 = vector.shape_cast %swap3A_574 : vector<1x16xf32> to vector<16xf32>
    %swap3A_576 = vector.shape_cast %broadcast_in_dim3A_1 : vector<16xf32> to vector<1x16xf32>
    tpu.vector_store %arg11[%swap3A_572, %swap3A_573], %swap3A_576 {strides = array<i32>} : memref<16x144xf32, #tpu.memory_space<vmem>>, vector<1x16xf32>,
    %swap3A_577 = arith.constant 10 : i32
    %swap3A_578 = arith.index_cast %swap3A_577 : i32 to index
    %swap3A_579 = arith.constant 96 : index
    %swap3A_580 = tpu.vector_load %arg11[%swap3A_578, %swap3A_579] {strides = array<i32>} : memref<16x144xf32, #tpu.memory_space<vmem>>, vector<1x16xf32>,
    %swap3A_581 = vector.shape_cast %swap3A_580 : vector<1x16xf32> to vector<16xf32>
    %swap3A_582 = vector.shape_cast %broadcast_in_dim3A_1 : vector<16xf32> to vector<1x16xf32>
    tpu.vector_store %arg11[%swap3A_578, %swap3A_579], %swap3A_582 {strides = array<i32>} : memref<16x144xf32, #tpu.memory_space<vmem>>, vector<1x16xf32>,
    %swap3A_583 = arith.constant 10 : i32
    %swap3A_584 = arith.index_cast %swap3A_583 : i32 to index
    %swap3A_585 = arith.constant 112 : index
    %swap3A_586 = tpu.vector_load %arg11[%swap3A_584, %swap3A_585] {strides = array<i32>} : memref<16x144xf32, #tpu.memory_space<vmem>>, vector<1x16xf32>,
    %swap3A_587 = vector.shape_cast %swap3A_586 : vector<1x16xf32> to vector<16xf32>
    %swap3A_588 = vector.shape_cast %broadcast_in_dim3A_1 : vector<16xf32> to vector<1x16xf32>
    tpu.vector_store %arg11[%swap3A_584, %swap3A_585], %swap3A_588 {strides = array<i32>} : memref<16x144xf32, #tpu.memory_space<vmem>>, vector<1x16xf32>,
    %swap3A_589 = arith.constant 10 : i32
    %swap3A_590 = arith.index_cast %swap3A_589 : i32 to index
    %swap3A_591 = arith.constant 128 : index
    %swap3A_592 = tpu.vector_load %arg11[%swap3A_590, %swap3A_591] {strides = array<i32>} : memref<16x144xf32, #tpu.memory_space<vmem>>, vector<1x16xf32>,
    %swap3A_593 = vector.shape_cast %swap3A_592 : vector<1x16xf32> to vector<16xf32>
    %swap3A_594 = vector.shape_cast %broadcast_in_dim3A_1 : vector<16xf32> to vector<1x16xf32>
    tpu.vector_store %arg11[%swap3A_590, %swap3A_591], %swap3A_594 {strides = array<i32>} : memref<16x144xf32, #tpu.memory_space<vmem>>, vector<1x16xf32>,
    %swap3A_595 = arith.constant 11 : i32
    %swap3A_596 = arith.index_cast %swap3A_595 : i32 to index
    %swap3A_597 = arith.constant 0 : index
    %swap3A_598 = tpu.vector_load %arg11[%swap3A_596, %swap3A_597] {strides = array<i32>} : memref<16x144xf32, #tpu.memory_space<vmem>>, vector<1x16xf32>,
    %swap3A_599 = vector.shape_cast %swap3A_598 : vector<1x16xf32> to vector<16xf32>
    %swap3A_600 = vector.shape_cast %broadcast_in_dim3A_1 : vector<16xf32> to vector<1x16xf32>
    tpu.vector_store %arg11[%swap3A_596, %swap3A_597], %swap3A_600 {strides = array<i32>} : memref<16x144xf32, #tpu.memory_space<vmem>>, vector<1x16xf32>,
    %swap3A_601 = arith.constant 11 : i32
    %swap3A_602 = arith.index_cast %swap3A_601 : i32 to index
    %swap3A_603 = arith.constant 16 : index
    %swap3A_604 = tpu.vector_load %arg11[%swap3A_602, %swap3A_603] {strides = array<i32>} : memref<16x144xf32, #tpu.memory_space<vmem>>, vector<1x16xf32>,
    %swap3A_605 = vector.shape_cast %swap3A_604 : vector<1x16xf32> to vector<16xf32>
    %swap3A_606 = vector.shape_cast %broadcast_in_dim3A_1 : vector<16xf32> to vector<1x16xf32>
    tpu.vector_store %arg11[%swap3A_602, %swap3A_603], %swap3A_606 {strides = array<i32>} : memref<16x144xf32, #tpu.memory_space<vmem>>, vector<1x16xf32>,
    %swap3A_607 = arith.constant 11 : i32
    %swap3A_608 = arith.index_cast %swap3A_607 : i32 to index
    %swap3A_609 = arith.constant 32 : index
    %swap3A_610 = tpu.vector_load %arg11[%swap3A_608, %swap3A_609] {strides = array<i32>} : memref<16x144xf32, #tpu.memory_space<vmem>>, vector<1x16xf32>,
    %swap3A_611 = vector.shape_cast %swap3A_610 : vector<1x16xf32> to vector<16xf32>
    %swap3A_612 = vector.shape_cast %broadcast_in_dim3A_1 : vector<16xf32> to vector<1x16xf32>
    tpu.vector_store %arg11[%swap3A_608, %swap3A_609], %swap3A_612 {strides = array<i32>} : memref<16x144xf32, #tpu.memory_space<vmem>>, vector<1x16xf32>,
    %swap3A_613 = arith.constant 11 : i32
    %swap3A_614 = arith.index_cast %swap3A_613 : i32 to index
    %swap3A_615 = arith.constant 48 : index
    %swap3A_616 = tpu.vector_load %arg11[%swap3A_614, %swap3A_615] {strides = array<i32>} : memref<16x144xf32, #tpu.memory_space<vmem>>, vector<1x16xf32>,
    %swap3A_617 = vector.shape_cast %swap3A_616 : vector<1x16xf32> to vector<16xf32>
    %swap3A_618 = vector.shape_cast %broadcast_in_dim3A_1 : vector<16xf32> to vector<1x16xf32>
    tpu.vector_store %arg11[%swap3A_614, %swap3A_615], %swap3A_618 {strides = array<i32>} : memref<16x144xf32, #tpu.memory_space<vmem>>, vector<1x16xf32>,
    %swap3A_619 = arith.constant 11 : i32
    %swap3A_620 = arith.index_cast %swap3A_619 : i32 to index
    %swap3A_621 = arith.constant 64 : index
    %swap3A_622 = tpu.vector_load %arg11[%swap3A_620, %swap3A_621] {strides = array<i32>} : memref<16x144xf32, #tpu.memory_space<vmem>>, vector<1x16xf32>,
    %swap3A_623 = vector.shape_cast %swap3A_622 : vector<1x16xf32> to vector<16xf32>
    %swap3A_624 = vector.shape_cast %broadcast_in_dim3A_1 : vector<16xf32> to vector<1x16xf32>
    tpu.vector_store %arg11[%swap3A_620, %swap3A_621], %swap3A_624 {strides = array<i32>} : memref<16x144xf32, #tpu.memory_space<vmem>>, vector<1x16xf32>,
    %swap3A_625 = arith.constant 11 : i32
    %swap3A_626 = arith.index_cast %swap3A_625 : i32 to index
    %swap3A_627 = arith.constant 80 : index
    %swap3A_628 = tpu.vector_load %arg11[%swap3A_626, %swap3A_627] {strides = array<i32>} : memref<16x144xf32, #tpu.memory_space<vmem>>, vector<1x16xf32>,
    %swap3A_629 = vector.shape_cast %swap3A_628 : vector<1x16xf32> to vector<16xf32>
    %swap3A_630 = vector.shape_cast %broadcast_in_dim3A_1 : vector<16xf32> to vector<1x16xf32>
    tpu.vector_store %arg11[%swap3A_626, %swap3A_627], %swap3A_630 {strides = array<i32>} : memref<16x144xf32, #tpu.memory_space<vmem>>, vector<1x16xf32>,
    %swap3A_631 = arith.constant 11 : i32
    %swap3A_632 = arith.index_cast %swap3A_631 : i32 to index
    %swap3A_633 = arith.constant 96 : index
    %swap3A_634 = tpu.vector_load %arg11[%swap3A_632, %swap3A_633] {strides = array<i32>} : memref<16x144xf32, #tpu.memory_space<vmem>>, vector<1x16xf32>,
    %swap3A_635 = vector.shape_cast %swap3A_634 : vector<1x16xf32> to vector<16xf32>
    %swap3A_636 = vector.shape_cast %broadcast_in_dim3A_1 : vector<16xf32> to vector<1x16xf32>
    tpu.vector_store %arg11[%swap3A_632, %swap3A_633], %swap3A_636 {strides = array<i32>} : memref<16x144xf32, #tpu.memory_space<vmem>>, vector<1x16xf32>,
    %swap3A_637 = arith.constant 11 : i32
    %swap3A_638 = arith.index_cast %swap3A_637 : i32 to index
    %swap3A_639 = arith.constant 112 : index
    %swap3A_640 = tpu.vector_load %arg11[%swap3A_638, %swap3A_639] {strides = array<i32>} : memref<16x144xf32, #tpu.memory_space<vmem>>, vector<1x16xf32>,
    %swap3A_641 = vector.shape_cast %swap3A_640 : vector<1x16xf32> to vector<16xf32>
    %swap3A_642 = vector.shape_cast %broadcast_in_dim3A_1 : vector<16xf32> to vector<1x16xf32>
    tpu.vector_store %arg11[%swap3A_638, %swap3A_639], %swap3A_642 {strides = array<i32>} : memref<16x144xf32, #tpu.memory_space<vmem>>, vector<1x16xf32>,
    %swap3A_643 = arith.constant 11 : i32
    %swap3A_644 = arith.index_cast %swap3A_643 : i32 to index
    %swap3A_645 = arith.constant 128 : index
    %swap3A_646 = tpu.vector_load %arg11[%swap3A_644, %swap3A_645] {strides = array<i32>} : memref<16x144xf32, #tpu.memory_space<vmem>>, vector<1x16xf32>,
    %swap3A_647 = vector.shape_cast %swap3A_646 : vector<1x16xf32> to vector<16xf32>
    %swap3A_648 = vector.shape_cast %broadcast_in_dim3A_1 : vector<16xf32> to vector<1x16xf32>
    tpu.vector_store %arg11[%swap3A_644, %swap3A_645], %swap3A_648 {strides = array<i32>} : memref<16x144xf32, #tpu.memory_space<vmem>>, vector<1x16xf32>,
    %swap3A_649 = arith.constant 12 : i32
    %swap3A_650 = arith.index_cast %swap3A_649 : i32 to index
    %swap3A_651 = arith.constant 0 : index
    %swap3A_652 = tpu.vector_load %arg11[%swap3A_650, %swap3A_651] {strides = array<i32>} : memref<16x144xf32, #tpu.memory_space<vmem>>, vector<1x16xf32>,
    %swap3A_653 = vector.shape_cast %swap3A_652 : vector<1x16xf32> to vector<16xf32>
    %swap3A_654 = vector.shape_cast %broadcast_in_dim3A_1 : vector<16xf32> to vector<1x16xf32>
    tpu.vector_store %arg11[%swap3A_650, %swap3A_651], %swap3A_654 {strides = array<i32>} : memref<16x144xf32, #tpu.memory_space<vmem>>, vector<1x16xf32>,
    %swap3A_655 = arith.constant 12 : i32
    %swap3A_656 = arith.index_cast %swap3A_655 : i32 to index
    %swap3A_657 = arith.constant 16 : index
    %swap3A_658 = tpu.vector_load %arg11[%swap3A_656, %swap3A_657] {strides = array<i32>} : memref<16x144xf32, #tpu.memory_space<vmem>>, vector<1x16xf32>,
    %swap3A_659 = vector.shape_cast %swap3A_658 : vector<1x16xf32> to vector<16xf32>
    %swap3A_660 = vector.shape_cast %broadcast_in_dim3A_1 : vector<16xf32> to vector<1x16xf32>
    tpu.vector_store %arg11[%swap3A_656, %swap3A_657], %swap3A_660 {strides = array<i32>} : memref<16x144xf32, #tpu.memory_space<vmem>>, vector<1x16xf32>,
    %swap3A_661 = arith.constant 12 : i32
    %swap3A_662 = arith.index_cast %swap3A_661 : i32 to index
    %swap3A_663 = arith.constant 32 : index
    %swap3A_664 = tpu.vector_load %arg11[%swap3A_662, %swap3A_663] {strides = array<i32>} : memref<16x144xf32, #tpu.memory_space<vmem>>, vector<1x16xf32>,
    %swap3A_665 = vector.shape_cast %swap3A_664 : vector<1x16xf32> to vector<16xf32>
    %swap3A_666 = vector.shape_cast %broadcast_in_dim3A_1 : vector<16xf32> to vector<1x16xf32>
    tpu.vector_store %arg11[%swap3A_662, %swap3A_663], %swap3A_666 {strides = array<i32>} : memref<16x144xf32, #tpu.memory_space<vmem>>, vector<1x16xf32>,
    %swap3A_667 = arith.constant 12 : i32
    %swap3A_668 = arith.index_cast %swap3A_667 : i32 to index
    %swap3A_669 = arith.constant 48 : index
    %swap3A_670 = tpu.vector_load %arg11[%swap3A_668, %swap3A_669] {strides = array<i32>} : memref<16x144xf32, #tpu.memory_space<vmem>>, vector<1x16xf32>,
    %swap3A_671 = vector.shape_cast %swap3A_670 : vector<1x16xf32> to vector<16xf32>
    %swap3A_672 = vector.shape_cast %broadcast_in_dim3A_1 : vector<16xf32> to vector<1x16xf32>
    tpu.vector_store %arg11[%swap3A_668, %swap3A_669], %swap3A_672 {strides = array<i32>} : memref<16x144xf32, #tpu.memory_space<vmem>>, vector<1x16xf32>,
    %swap3A_673 = arith.constant 12 : i32
    %swap3A_674 = arith.index_cast %swap3A_673 : i32 to index
    %swap3A_675 = arith.constant 64 : index
    %swap3A_676 = tpu.vector_load %arg11[%swap3A_674, %swap3A_675] {strides = array<i32>} : memref<16x144xf32, #tpu.memory_space<vmem>>, vector<1x16xf32>,
    %swap3A_677 = vector.shape_cast %swap3A_676 : vector<1x16xf32> to vector<16xf32>
    %swap3A_678 = vector.shape_cast %broadcast_in_dim3A_1 : vector<16xf32> to vector<1x16xf32>
    tpu.vector_store %arg11[%swap3A_674, %swap3A_675], %swap3A_678 {strides = array<i32>} : memref<16x144xf32, #tpu.memory_space<vmem>>, vector<1x16xf32>,
    %swap3A_679 = arith.constant 12 : i32
    %swap3A_680 = arith.index_cast %swap3A_679 : i32 to index
    %swap3A_681 = arith.constant 80 : index
    %swap3A_682 = tpu.vector_load %arg11[%swap3A_680, %swap3A_681] {strides = array<i32>} : memref<16x144xf32, #tpu.memory_space<vmem>>, vector<1x16xf32>,
    %swap3A_683 = vector.shape_cast %swap3A_682 : vector<1x16xf32> to vector<16xf32>
    %swap3A_684 = vector.shape_cast %broadcast_in_dim3A_1 : vector<16xf32> to vector<1x16xf32>
    tpu.vector_store %arg11[%swap3A_680, %swap3A_681], %swap3A_684 {strides = array<i32>} : memref<16x144xf32, #tpu.memory_space<vmem>>, vector<1x16xf32>,
    %swap3A_685 = arith.constant 12 : i32
    %swap3A_686 = arith.index_cast %swap3A_685 : i32 to index
    %swap3A_687 = arith.constant 96 : index
    %swap3A_688 = tpu.vector_load %arg11[%swap3A_686, %swap3A_687] {strides = array<i32>} : memref<16x144xf32, #tpu.memory_space<vmem>>, vector<1x16xf32>,
    %swap3A_689 = vector.shape_cast %swap3A_688 : vector<1x16xf32> to vector<16xf32>
    %swap3A_690 = vector.shape_cast %broadcast_in_dim3A_1 : vector<16xf32> to vector<1x16xf32>
    tpu.vector_store %arg11[%swap3A_686, %swap3A_687], %swap3A_690 {strides = array<i32>} : memref<16x144xf32, #tpu.memory_space<vmem>>, vector<1x16xf32>,
    %swap3A_691 = arith.constant 12 : i32
    %swap3A_692 = arith.index_cast %swap3A_691 : i32 to index
    %swap3A_693 = arith.constant 112 : index
    %swap3A_694 = tpu.vector_load %arg11[%swap3A_692, %swap3A_693] {strides = array<i32>} : memref<16x144xf32, #tpu.memory_space<vmem>>, vector<1x16xf32>,
    %swap3A_695 = vector.shape_cast %swap3A_694 : vector<1x16xf32> to vector<16xf32>
    %swap3A_696 = vector.shape_cast %broadcast_in_dim3A_1 : vector<16xf32> to vector<1x16xf32>
    tpu.vector_store %arg11[%swap3A_692, %swap3A_693], %swap3A_696 {strides = array<i32>} : memref<16x144xf32, #tpu.memory_space<vmem>>, vector<1x16xf32>,
    %swap3A_697 = arith.constant 12 : i32
    %swap3A_698 = arith.index_cast %swap3A_697 : i32 to index
    %swap3A_699 = arith.constant 128 : index
    %swap3A_700 = tpu.vector_load %arg11[%swap3A_698, %swap3A_699] {strides = array<i32>} : memref<16x144xf32, #tpu.memory_space<vmem>>, vector<1x16xf32>,
    %swap3A_701 = vector.shape_cast %swap3A_700 : vector<1x16xf32> to vector<16xf32>
    %swap3A_702 = vector.shape_cast %broadcast_in_dim3A_1 : vector<16xf32> to vector<1x16xf32>
    tpu.vector_store %arg11[%swap3A_698, %swap3A_699], %swap3A_702 {strides = array<i32>} : memref<16x144xf32, #tpu.memory_space<vmem>>, vector<1x16xf32>,
    %swap3A_703 = arith.constant 13 : i32
    %swap3A_704 = arith.index_cast %swap3A_703 : i32 to index
    %swap3A_705 = arith.constant 0 : index
    %swap3A_706 = tpu.vector_load %arg11[%swap3A_704, %swap3A_705] {strides = array<i32>} : memref<16x144xf32, #tpu.memory_space<vmem>>, vector<1x16xf32>,
    %swap3A_707 = vector.shape_cast %swap3A_706 : vector<1x16xf32> to vector<16xf32>
    %swap3A_708 = vector.shape_cast %broadcast_in_dim3A_1 : vector<16xf32> to vector<1x16xf32>
    tpu.vector_store %arg11[%swap3A_704, %swap3A_705], %swap3A_708 {strides = array<i32>} : memref<16x144xf32, #tpu.memory_space<vmem>>, vector<1x16xf32>,
    %swap3A_709 = arith.constant 13 : i32
    %swap3A_710 = arith.index_cast %swap3A_709 : i32 to index
    %swap3A_711 = arith.constant 16 : index
    %swap3A_712 = tpu.vector_load %arg11[%swap3A_710, %swap3A_711] {strides = array<i32>} : memref<16x144xf32, #tpu.memory_space<vmem>>, vector<1x16xf32>,
    %swap3A_713 = vector.shape_cast %swap3A_712 : vector<1x16xf32> to vector<16xf32>
    %swap3A_714 = vector.shape_cast %broadcast_in_dim3A_1 : vector<16xf32> to vector<1x16xf32>
    tpu.vector_store %arg11[%swap3A_710, %swap3A_711], %swap3A_714 {strides = array<i32>} : memref<16x144xf32, #tpu.memory_space<vmem>>, vector<1x16xf32>,
    %swap3A_715 = arith.constant 13 : i32
    %swap3A_716 = arith.index_cast %swap3A_715 : i32 to index
    %swap3A_717 = arith.constant 32 : index
    %swap3A_718 = tpu.vector_load %arg11[%swap3A_716, %swap3A_717] {strides = array<i32>} : memref<16x144xf32, #tpu.memory_space<vmem>>, vector<1x16xf32>,
    %swap3A_719 = vector.shape_cast %swap3A_718 : vector<1x16xf32> to vector<16xf32>
    %swap3A_720 = vector.shape_cast %broadcast_in_dim3A_1 : vector<16xf32> to vector<1x16xf32>
    tpu.vector_store %arg11[%swap3A_716, %swap3A_717], %swap3A_720 {strides = array<i32>} : memref<16x144xf32, #tpu.memory_space<vmem>>, vector<1x16xf32>,
    %swap3A_721 = arith.constant 13 : i32
    %swap3A_722 = arith.index_cast %swap3A_721 : i32 to index
    %swap3A_723 = arith.constant 48 : index
    %swap3A_724 = tpu.vector_load %arg11[%swap3A_722, %swap3A_723] {strides = array<i32>} : memref<16x144xf32, #tpu.memory_space<vmem>>, vector<1x16xf32>,
    %swap3A_725 = vector.shape_cast %swap3A_724 : vector<1x16xf32> to vector<16xf32>
    %swap3A_726 = vector.shape_cast %broadcast_in_dim3A_1 : vector<16xf32> to vector<1x16xf32>
    tpu.vector_store %arg11[%swap3A_722, %swap3A_723], %swap3A_726 {strides = array<i32>} : memref<16x144xf32, #tpu.memory_space<vmem>>, vector<1x16xf32>,
    %swap3A_727 = arith.constant 13 : i32
    %swap3A_728 = arith.index_cast %swap3A_727 : i32 to index
    %swap3A_729 = arith.constant 64 : index
    %swap3A_730 = tpu.vector_load %arg11[%swap3A_728, %swap3A_729] {strides = array<i32>} : memref<16x144xf32, #tpu.memory_space<vmem>>, vector<1x16xf32>,
    %swap3A_731 = vector.shape_cast %swap3A_730 : vector<1x16xf32> to vector<16xf32>
    %swap3A_732 = vector.shape_cast %broadcast_in_dim3A_1 : vector<16xf32> to vector<1x16xf32>
    tpu.vector_store %arg11[%swap3A_728, %swap3A_729], %swap3A_732 {strides = array<i32>} : memref<16x144xf32, #tpu.memory_space<vmem>>, vector<1x16xf32>,
    %swap3A_733 = arith.constant 13 : i32
    %swap3A_734 = arith.index_cast %swap3A_733 : i32 to index
    %swap3A_735 = arith.constant 80 : index
    %swap3A_736 = tpu.vector_load %arg11[%swap3A_734, %swap3A_735] {strides = array<i32>} : memref<16x144xf32, #tpu.memory_space<vmem>>, vector<1x16xf32>,
    %swap3A_737 = vector.shape_cast %swap3A_736 : vector<1x16xf32> to vector<16xf32>
    %swap3A_738 = vector.shape_cast %broadcast_in_dim3A_1 : vector<16xf32> to vector<1x16xf32>
    tpu.vector_store %arg11[%swap3A_734, %swap3A_735], %swap3A_738 {strides = array<i32>} : memref<16x144xf32, #tpu.memory_space<vmem>>, vector<1x16xf32>,
    %swap3A_739 = arith.constant 13 : i32
    %swap3A_740 = arith.index_cast %swap3A_739 : i32 to index
    %swap3A_741 = arith.constant 96 : index
    %swap3A_742 = tpu.vector_load %arg11[%swap3A_740, %swap3A_741] {strides = array<i32>} : memref<16x144xf32, #tpu.memory_space<vmem>>, vector<1x16xf32>,
    %swap3A_743 = vector.shape_cast %swap3A_742 : vector<1x16xf32> to vector<16xf32>
    %swap3A_744 = vector.shape_cast %broadcast_in_dim3A_1 : vector<16xf32> to vector<1x16xf32>
    tpu.vector_store %arg11[%swap3A_740, %swap3A_741], %swap3A_744 {strides = array<i32>} : memref<16x144xf32, #tpu.memory_space<vmem>>, vector<1x16xf32>,
    %swap3A_745 = arith.constant 13 : i32
    %swap3A_746 = arith.index_cast %swap3A_745 : i32 to index
    %swap3A_747 = arith.constant 112 : index
    %swap3A_748 = tpu.vector_load %arg11[%swap3A_746, %swap3A_747] {strides = array<i32>} : memref<16x144xf32, #tpu.memory_space<vmem>>, vector<1x16xf32>,
    %swap3A_749 = vector.shape_cast %swap3A_748 : vector<1x16xf32> to vector<16xf32>
    %swap3A_750 = vector.shape_cast %broadcast_in_dim3A_1 : vector<16xf32> to vector<1x16xf32>
    tpu.vector_store %arg11[%swap3A_746, %swap3A_747], %swap3A_750 {strides = array<i32>} : memref<16x144xf32, #tpu.memory_space<vmem>>, vector<1x16xf32>,
    %swap3A_751 = arith.constant 13 : i32
    %swap3A_752 = arith.index_cast %swap3A_751 : i32 to index
    %swap3A_753 = arith.constant 128 : index
    %swap3A_754 = tpu.vector_load %arg11[%swap3A_752, %swap3A_753] {strides = array<i32>} : memref<16x144xf32, #tpu.memory_space<vmem>>, vector<1x16xf32>,
    %swap3A_755 = vector.shape_cast %swap3A_754 : vector<1x16xf32> to vector<16xf32>
    %swap3A_756 = vector.shape_cast %broadcast_in_dim3A_1 : vector<16xf32> to vector<1x16xf32>
    tpu.vector_store %arg11[%swap3A_752, %swap3A_753], %swap3A_756 {strides = array<i32>} : memref<16x144xf32, #tpu.memory_space<vmem>>, vector<1x16xf32>,
    %swap3A_757 = arith.constant 14 : i32
    %swap3A_758 = arith.index_cast %swap3A_757 : i32 to index
    %swap3A_759 = arith.constant 0 : index
    %swap3A_760 = tpu.vector_load %arg11[%swap3A_758, %swap3A_759] {strides = array<i32>} : memref<16x144xf32, #tpu.memory_space<vmem>>, vector<1x16xf32>,
    %swap3A_761 = vector.shape_cast %swap3A_760 : vector<1x16xf32> to vector<16xf32>
    %swap3A_762 = vector.shape_cast %broadcast_in_dim3A_1 : vector<16xf32> to vector<1x16xf32>
    tpu.vector_store %arg11[%swap3A_758, %swap3A_759], %swap3A_762 {strides = array<i32>} : memref<16x144xf32, #tpu.memory_space<vmem>>, vector<1x16xf32>,
    %swap3A_763 = arith.constant 14 : i32
    %swap3A_764 = arith.index_cast %swap3A_763 : i32 to index
    %swap3A_765 = arith.constant 16 : index
    %swap3A_766 = tpu.vector_load %arg11[%swap3A_764, %swap3A_765] {strides = array<i32>} : memref<16x144xf32, #tpu.memory_space<vmem>>, vector<1x16xf32>,
    %swap3A_767 = vector.shape_cast %swap3A_766 : vector<1x16xf32> to vector<16xf32>
    %swap3A_768 = vector.shape_cast %broadcast_in_dim3A_1 : vector<16xf32> to vector<1x16xf32>
    tpu.vector_store %arg11[%swap3A_764, %swap3A_765], %swap3A_768 {strides = array<i32>} : memref<16x144xf32, #tpu.memory_space<vmem>>, vector<1x16xf32>,
    %swap3A_769 = arith.constant 14 : i32
    %swap3A_770 = arith.index_cast %swap3A_769 : i32 to index
    %swap3A_771 = arith.constant 32 : index
    %swap3A_772 = tpu.vector_load %arg11[%swap3A_770, %swap3A_771] {strides = array<i32>} : memref<16x144xf32, #tpu.memory_space<vmem>>, vector<1x16xf32>,
    %swap3A_773 = vector.shape_cast %swap3A_772 : vector<1x16xf32> to vector<16xf32>
    %swap3A_774 = vector.shape_cast %broadcast_in_dim3A_1 : vector<16xf32> to vector<1x16xf32>
    tpu.vector_store %arg11[%swap3A_770, %swap3A_771], %swap3A_774 {strides = array<i32>} : memref<16x144xf32, #tpu.memory_space<vmem>>, vector<1x16xf32>,
    %swap3A_775 = arith.constant 14 : i32
    %swap3A_776 = arith.index_cast %swap3A_775 : i32 to index
    %swap3A_777 = arith.constant 48 : index
    %swap3A_778 = tpu.vector_load %arg11[%swap3A_776, %swap3A_777] {strides = array<i32>} : memref<16x144xf32, #tpu.memory_space<vmem>>, vector<1x16xf32>,
    %swap3A_779 = vector.shape_cast %swap3A_778 : vector<1x16xf32> to vector<16xf32>
    %swap3A_780 = vector.shape_cast %broadcast_in_dim3A_1 : vector<16xf32> to vector<1x16xf32>
    tpu.vector_store %arg11[%swap3A_776, %swap3A_777], %swap3A_780 {strides = array<i32>} : memref<16x144xf32, #tpu.memory_space<vmem>>, vector<1x16xf32>,
    %swap3A_781 = arith.constant 14 : i32
    %swap3A_782 = arith.index_cast %swap3A_781 : i32 to index
    %swap3A_783 = arith.constant 64 : index
    %swap3A_784 = tpu.vector_load %arg11[%swap3A_782, %swap3A_783] {strides = array<i32>} : memref<16x144xf32, #tpu.memory_space<vmem>>, vector<1x16xf32>,
    %swap3A_785 = vector.shape_cast %swap3A_784 : vector<1x16xf32> to vector<16xf32>
    %swap3A_786 = vector.shape_cast %broadcast_in_dim3A_1 : vector<16xf32> to vector<1x16xf32>
    tpu.vector_store %arg11[%swap3A_782, %swap3A_783], %swap3A_786 {strides = array<i32>} : memref<16x144xf32, #tpu.memory_space<vmem>>, vector<1x16xf32>,
    %swap3A_787 = arith.constant 14 : i32
    %swap3A_788 = arith.index_cast %swap3A_787 : i32 to index
    %swap3A_789 = arith.constant 80 : index
    %swap3A_790 = tpu.vector_load %arg11[%swap3A_788, %swap3A_789] {strides = array<i32>} : memref<16x144xf32, #tpu.memory_space<vmem>>, vector<1x16xf32>,
    %swap3A_791 = vector.shape_cast %swap3A_790 : vector<1x16xf32> to vector<16xf32>
    %swap3A_792 = vector.shape_cast %broadcast_in_dim3A_1 : vector<16xf32> to vector<1x16xf32>
    tpu.vector_store %arg11[%swap3A_788, %swap3A_789], %swap3A_792 {strides = array<i32>} : memref<16x144xf32, #tpu.memory_space<vmem>>, vector<1x16xf32>,
    %swap3A_793 = arith.constant 14 : i32
    %swap3A_794 = arith.index_cast %swap3A_793 : i32 to index
    %swap3A_795 = arith.constant 96 : index
    %swap3A_796 = tpu.vector_load %arg11[%swap3A_794, %swap3A_795] {strides = array<i32>} : memref<16x144xf32, #tpu.memory_space<vmem>>, vector<1x16xf32>,
    %swap3A_797 = vector.shape_cast %swap3A_796 : vector<1x16xf32> to vector<16xf32>
    %swap3A_798 = vector.shape_cast %broadcast_in_dim3A_1 : vector<16xf32> to vector<1x16xf32>
    tpu.vector_store %arg11[%swap3A_794, %swap3A_795], %swap3A_798 {strides = array<i32>} : memref<16x144xf32, #tpu.memory_space<vmem>>, vector<1x16xf32>,
    %swap3A_799 = arith.constant 14 : i32
    %swap3A_800 = arith.index_cast %swap3A_799 : i32 to index
    %swap3A_801 = arith.constant 112 : index
    %swap3A_802 = tpu.vector_load %arg11[%swap3A_800, %swap3A_801] {strides = array<i32>} : memref<16x144xf32, #tpu.memory_space<vmem>>, vector<1x16xf32>,
    %swap3A_803 = vector.shape_cast %swap3A_802 : vector<1x16xf32> to vector<16xf32>
    %swap3A_804 = vector.shape_cast %broadcast_in_dim3A_1 : vector<16xf32> to vector<1x16xf32>
    tpu.vector_store %arg11[%swap3A_800, %swap3A_801], %swap3A_804 {strides = array<i32>} : memref<16x144xf32, #tpu.memory_space<vmem>>, vector<1x16xf32>,
    %swap3A_805 = arith.constant 14 : i32
    %swap3A_806 = arith.index_cast %swap3A_805 : i32 to index
    %swap3A_807 = arith.constant 128 : index
    %swap3A_808 = tpu.vector_load %arg11[%swap3A_806, %swap3A_807] {strides = array<i32>} : memref<16x144xf32, #tpu.memory_space<vmem>>, vector<1x16xf32>,
    %swap3A_809 = vector.shape_cast %swap3A_808 : vector<1x16xf32> to vector<16xf32>
    %swap3A_810 = vector.shape_cast %broadcast_in_dim3A_1 : vector<16xf32> to vector<1x16xf32>
    tpu.vector_store %arg11[%swap3A_806, %swap3A_807], %swap3A_810 {strides = array<i32>} : memref<16x144xf32, #tpu.memory_space<vmem>>, vector<1x16xf32>,
    %swap3A_811 = arith.constant 15 : i32
    %swap3A_812 = arith.index_cast %swap3A_811 : i32 to index
    %swap3A_813 = arith.constant 0 : index
    %swap3A_814 = tpu.vector_load %arg11[%swap3A_812, %swap3A_813] {strides = array<i32>} : memref<16x144xf32, #tpu.memory_space<vmem>>, vector<1x16xf32>,
    %swap3A_815 = vector.shape_cast %swap3A_814 : vector<1x16xf32> to vector<16xf32>
    %swap3A_816 = vector.shape_cast %broadcast_in_dim3A_1 : vector<16xf32> to vector<1x16xf32>
    tpu.vector_store %arg11[%swap3A_812, %swap3A_813], %swap3A_816 {strides = array<i32>} : memref<16x144xf32, #tpu.memory_space<vmem>>, vector<1x16xf32>,
    %swap3A_817 = arith.constant 15 : i32
    %swap3A_818 = arith.index_cast %swap3A_817 : i32 to index
    %swap3A_819 = arith.constant 16 : index
    %swap3A_820 = tpu.vector_load %arg11[%swap3A_818, %swap3A_819] {strides = array<i32>} : memref<16x144xf32, #tpu.memory_space<vmem>>, vector<1x16xf32>,
    %swap3A_821 = vector.shape_cast %swap3A_820 : vector<1x16xf32> to vector<16xf32>
    %swap3A_822 = vector.shape_cast %broadcast_in_dim3A_1 : vector<16xf32> to vector<1x16xf32>
    tpu.vector_store %arg11[%swap3A_818, %swap3A_819], %swap3A_822 {strides = array<i32>} : memref<16x144xf32, #tpu.memory_space<vmem>>, vector<1x16xf32>,
    %swap3A_823 = arith.constant 15 : i32
    %swap3A_824 = arith.index_cast %swap3A_823 : i32 to index
    %swap3A_825 = arith.constant 32 : index
    %swap3A_826 = tpu.vector_load %arg11[%swap3A_824, %swap3A_825] {strides = array<i32>} : memref<16x144xf32, #tpu.memory_space<vmem>>, vector<1x16xf32>,
    %swap3A_827 = vector.shape_cast %swap3A_826 : vector<1x16xf32> to vector<16xf32>
    %swap3A_828 = vector.shape_cast %broadcast_in_dim3A_1 : vector<16xf32> to vector<1x16xf32>
    tpu.vector_store %arg11[%swap3A_824, %swap3A_825], %swap3A_828 {strides = array<i32>} : memref<16x144xf32, #tpu.memory_space<vmem>>, vector<1x16xf32>,
    %swap3A_829 = arith.constant 15 : i32
    %swap3A_830 = arith.index_cast %swap3A_829 : i32 to index
    %swap3A_831 = arith.constant 48 : index
    %swap3A_832 = tpu.vector_load %arg11[%swap3A_830, %swap3A_831] {strides = array<i32>} : memref<16x144xf32, #tpu.memory_space<vmem>>, vector<1x16xf32>,
    %swap3A_833 = vector.shape_cast %swap3A_832 : vector<1x16xf32> to vector<16xf32>
    %swap3A_834 = vector.shape_cast %broadcast_in_dim3A_1 : vector<16xf32> to vector<1x16xf32>
    tpu.vector_store %arg11[%swap3A_830, %swap3A_831], %swap3A_834 {strides = array<i32>} : memref<16x144xf32, #tpu.memory_space<vmem>>, vector<1x16xf32>,
    %swap3A_835 = arith.constant 15 : i32
    %swap3A_836 = arith.index_cast %swap3A_835 : i32 to index
    %swap3A_837 = arith.constant 64 : index
    %swap3A_838 = tpu.vector_load %arg11[%swap3A_836, %swap3A_837] {strides = array<i32>} : memref<16x144xf32, #tpu.memory_space<vmem>>, vector<1x16xf32>,
    %swap3A_839 = vector.shape_cast %swap3A_838 : vector<1x16xf32> to vector<16xf32>
    %swap3A_840 = vector.shape_cast %broadcast_in_dim3A_1 : vector<16xf32> to vector<1x16xf32>
    tpu.vector_store %arg11[%swap3A_836, %swap3A_837], %swap3A_840 {strides = array<i32>} : memref<16x144xf32, #tpu.memory_space<vmem>>, vector<1x16xf32>,
    %swap3A_841 = arith.constant 15 : i32
    %swap3A_842 = arith.index_cast %swap3A_841 : i32 to index
    %swap3A_843 = arith.constant 80 : index
    %swap3A_844 = tpu.vector_load %arg11[%swap3A_842, %swap3A_843] {strides = array<i32>} : memref<16x144xf32, #tpu.memory_space<vmem>>, vector<1x16xf32>,
    %swap3A_845 = vector.shape_cast %swap3A_844 : vector<1x16xf32> to vector<16xf32>
    %swap3A_846 = vector.shape_cast %broadcast_in_dim3A_1 : vector<16xf32> to vector<1x16xf32>
    tpu.vector_store %arg11[%swap3A_842, %swap3A_843], %swap3A_846 {strides = array<i32>} : memref<16x144xf32, #tpu.memory_space<vmem>>, vector<1x16xf32>,
    %swap3A_847 = arith.constant 15 : i32
    %swap3A_848 = arith.index_cast %swap3A_847 : i32 to index
    %swap3A_849 = arith.constant 96 : index
    %swap3A_850 = tpu.vector_load %arg11[%swap3A_848, %swap3A_849] {strides = array<i32>} : memref<16x144xf32, #tpu.memory_space<vmem>>, vector<1x16xf32>,
    %swap3A_851 = vector.shape_cast %swap3A_850 : vector<1x16xf32> to vector<16xf32>
    %swap3A_852 = vector.shape_cast %broadcast_in_dim3A_1 : vector<16xf32> to vector<1x16xf32>
    tpu.vector_store %arg11[%swap3A_848, %swap3A_849], %swap3A_852 {strides = array<i32>} : memref<16x144xf32, #tpu.memory_space<vmem>>, vector<1x16xf32>,
    %swap3A_853 = arith.constant 15 : i32
    %swap3A_854 = arith.index_cast %swap3A_853 : i32 to index
    %swap3A_855 = arith.constant 112 : index
    %swap3A_856 = tpu.vector_load %arg11[%swap3A_854, %swap3A_855] {strides = array<i32>} : memref<16x144xf32, #tpu.memory_space<vmem>>, vector<1x16xf32>,
    %swap3A_857 = vector.shape_cast %swap3A_856 : vector<1x16xf32> to vector<16xf32>
    %swap3A_858 = vector.shape_cast %broadcast_in_dim3A_1 : vector<16xf32> to vector<1x16xf32>
    tpu.vector_store %arg11[%swap3A_854, %swap3A_855], %swap3A_858 {strides = array<i32>} : memref<16x144xf32, #tpu.memory_space<vmem>>, vector<1x16xf32>,
    %swap3A_859 = arith.constant 15 : i32
    %swap3A_860 = arith.index_cast %swap3A_859 : i32 to index
    %swap3A_861 = arith.constant 128 : index
    %swap3A_862 = tpu.vector_load %arg11[%swap3A_860, %swap3A_861] {strides = array<i32>} : memref<16x144xf32, #tpu.memory_space<vmem>>, vector<1x16xf32>,
    %swap3A_863 = vector.shape_cast %swap3A_862 : vector<1x16xf32> to vector<16xf32>
    %swap3A_864 = vector.shape_cast %broadcast_in_dim3A_1 : vector<16xf32> to vector<1x16xf32>
    tpu.vector_store %arg11[%swap3A_860, %swap3A_861], %swap3A_864 {strides = array<i32>} : memref<16x144xf32, #tpu.memory_space<vmem>>, vector<1x16xf32>,
    %scan3A = arith.constant 0 : i32
    %scan3A_865 = arith.constant 0 : i32
    %scan3A_866 = arith.constant 40 : i32
    %scan3A_867 = arith.addi %scan3A_865, %scan3A_866 : i32
    %scan3A_868 = arith.constant 1 : i32
    scf.for %scan3A_885 = %scan3A_865 to %scan3A_867 step %scan3A_868  : i32 {
      %mul3A_886 = arith.constant 16 : i32
      %mul3A_887 = arith.muli %mul3A_886, %scan3A_885 : i32
      %add3A_888 = arith.addi %arg1, %mul3A_887 : i32
      %lt3A = arith.constant 625 : i32
      %lt3A_889 = arith.cmpi slt, %add3A_888, %lt3A : i32
      %convert_element_type3A = arith.extui %lt3A_889 : i1 to i32
      %cond3A = arith.constant 0 : i32
      %cond3A_890 = arith.cmpi ne, %convert_element_type3A, %cond3A : i32
      scf.if %cond3A_890 {
        %mul3A_891 = arith.constant 16 : i32
        %mul3A_892 = arith.muli %add3A_888, %mul3A_891 : i32
        "tpu.region"() ({
          %run_scoped3A = tpu.sem_alloc : memref<!tpu.dma_semaphore, #tpu.memory_space<semaphore_mem>>
          %dma_start3A = arith.constant 0 : i32
          %dma_start3A_893 = tpu.memref_slice %arg12[%mul3A_892, %dma_start3A] : memref<10000x144xf32, #tpu.memory_space<vmem_shared>> -> memref<16x144xf32, #tpu.memory_space<vmem_shared>>
          %dma_start3A_894 = arith.constant 0 : i32
          %dma_start3A_895 = tpu.memref_slice %arg12[%mul3A_892, %dma_start3A_894] : memref<10000x144xf32, #tpu.memory_space<vmem_shared>> -> memref<16x144xf32, #tpu.memory_space<vmem_shared>>
          tpu.enqueue_dma source(%arg11 : memref<16x144xf32, #tpu.memory_space<vmem>>) target(%dma_start3A_895 : memref<16x144xf32, #tpu.memory_space<vmem_shared>>) target_semaphore(%run_scoped3A : memref<!tpu.dma_semaphore, #tpu.memory_space<semaphore_mem>>)
          %dma_wait3A = arith.constant 0 : i32
          %dma_wait3A_896 = tpu.memref_slice %arg12[%mul3A_892, %dma_wait3A] : memref<10000x144xf32, #tpu.memory_space<vmem_shared>> -> memref<16x144xf32, #tpu.memory_space<vmem_shared>>
          %dma_wait3A_897 = arith.constant 0 : i32
          %dma_wait3A_898 = tpu.memref_slice %arg12[%mul3A_892, %dma_wait3A_897] : memref<10000x144xf32, #tpu.memory_space<vmem_shared>> -> memref<16x144xf32, #tpu.memory_space<vmem_shared>>
          tpu.wait_dma2 semaphore(%run_scoped3A : memref<!tpu.dma_semaphore, #tpu.memory_space<semaphore_mem>>) src(%arg11 : memref<16x144xf32, #tpu.memory_space<vmem>>) dst(%dma_wait3A_898 : memref<16x144xf32, #tpu.memory_space<vmem_shared>>)
          tpu.yield
        }) : () -> ()
      } else {
      }
    }
    %scan3A_869 = arith.constant 40 : i32
    %barrier3A = arith.constant 0 : index
    tpu.barrier barrier_id(%barrier3A)
    %mul3A_870 = arith.constant 10000 : i32
    %mul3A_871 = arith.muli %add3A, %mul3A_870 : i32
    %multiple_of3A = tpu.assume_multiple %mul3A_871, 8 : i32
    %scan3A_872 = arith.constant 0 : i32
    %scan3A_873 = arith.constant 0 : i32
    %scan3A_874 = arith.constant 125 : i32
    %scan3A_875 = arith.addi %scan3A_873, %scan3A_874 : i32
    %scan3A_876 = arith.constant 1 : i32
    scf.for %scan3A_885 = %scan3A_873 to %scan3A_875 step %scan3A_876  : i32 {
      %mul3A_886 = arith.constant 80 : i32
      %mul3A_887 = arith.muli %scan3A_885, %mul3A_886 : i32
      %add3A_888 = arith.addi %multiple_of3A, %mul3A_887 : i32
      %multiple_of3A_889 = tpu.assume_multiple %add3A_888, 8 : i32
      "tpu.region"() ({
        %run_scoped3A = tpu.sem_alloc : memref<!tpu.dma_semaphore, #tpu.memory_space<semaphore_mem>>
        %dma_start3A_906 = tpu.memref_slice %arg4[%multiple_of3A_889] : memref<320000xi32, #tpu.memory_space<hbm>> -> memref<80xi32, #tpu.memory_space<hbm>>
        %dma_start3A_907 = tpu.memref_slice %arg4[%multiple_of3A_889] : memref<320000xi32, #tpu.memory_space<hbm>> -> memref<80xi32, #tpu.memory_space<hbm>>
        tpu.enqueue_dma source(%dma_start3A_907 : memref<80xi32, #tpu.memory_space<hbm>>) target(%arg7 : memref<80xi32, #tpu.memory_space<vmem>>) target_semaphore(%run_scoped3A : memref<!tpu.dma_semaphore, #tpu.memory_space<semaphore_mem>>)
        %dma_wait3A_908 = tpu.memref_slice %arg4[%multiple_of3A_889] : memref<320000xi32, #tpu.memory_space<hbm>> -> memref<80xi32, #tpu.memory_space<hbm>>
        %dma_wait3A_909 = tpu.memref_slice %arg4[%multiple_of3A_889] : memref<320000xi32, #tpu.memory_space<hbm>> -> memref<80xi32, #tpu.memory_space<hbm>>
        tpu.wait_dma2 semaphore(%run_scoped3A : memref<!tpu.dma_semaphore, #tpu.memory_space<semaphore_mem>>) src(%dma_wait3A_909 : memref<80xi32, #tpu.memory_space<hbm>>) dst(%arg7 : memref<80xi32, #tpu.memory_space<vmem>>)
        tpu.yield
      }) : () -> ()
      "tpu.region"() ({
        %run_scoped3A = tpu.sem_alloc : memref<!tpu.dma_semaphore, #tpu.memory_space<semaphore_mem>>
        %dma_start3A_906 = tpu.memref_slice %arg5[%multiple_of3A_889] : memref<320000xi32, #tpu.memory_space<hbm>> -> memref<80xi32, #tpu.memory_space<hbm>>
        %dma_start3A_907 = tpu.memref_slice %arg5[%multiple_of3A_889] : memref<320000xi32, #tpu.memory_space<hbm>> -> memref<80xi32, #tpu.memory_space<hbm>>
        tpu.enqueue_dma source(%dma_start3A_907 : memref<80xi32, #tpu.memory_space<hbm>>) target(%arg8 : memref<80xi32, #tpu.memory_space<vmem>>) target_semaphore(%run_scoped3A : memref<!tpu.dma_semaphore, #tpu.memory_space<semaphore_mem>>)
        %dma_wait3A_908 = tpu.memref_slice %arg5[%multiple_of3A_889] : memref<320000xi32, #tpu.memory_space<hbm>> -> memref<80xi32, #tpu.memory_space<hbm>>
        %dma_wait3A_909 = tpu.memref_slice %arg5[%multiple_of3A_889] : memref<320000xi32, #tpu.memory_space<hbm>> -> memref<80xi32, #tpu.memory_space<hbm>>
        tpu.wait_dma2 semaphore(%run_scoped3A : memref<!tpu.dma_semaphore, #tpu.memory_space<semaphore_mem>>) src(%dma_wait3A_909 : memref<80xi32, #tpu.memory_space<hbm>>) dst(%arg8 : memref<80xi32, #tpu.memory_space<vmem>>)
        tpu.yield
      }) : () -> ()
      %dma_start3A = arith.constant 0 : i32
      %dma_start3A_890 = arith.constant 0 : i32
      %dma_start3A_891 = tpu.memref_slice %arg2[%dma_start3A, %dma_start3A_890] : memref<10000x144xf32, #tpu.memory_space<hbm>> -> memref<10000x144xf32, #tpu.memory_space<hbm>>
      tpu.enqueue_indirect_dma source(%dma_start3A_891 : memref<10000x144xf32, #tpu.memory_space<hbm>>) target(%arg9 : memref<80x144xf32, #tpu.memory_space<vmem>>) offsets(%arg7 : memref<80xi32, #tpu.memory_space<vmem>>) semaphore(%arg13 : memref<!tpu.dma_semaphore, #tpu.memory_space<semaphore_mem>>)
      %dma_start3A_892 = arith.constant 0 : i32
      %dma_start3A_893 = arith.constant 0 : i32
      %dma_start3A_894 = tpu.memref_slice %arg3[%dma_start3A_892, %dma_start3A_893] : memref<10000x16xf32, #tpu.memory_space<hbm>> -> memref<10000x16xf32, #tpu.memory_space<hbm>>
      tpu.enqueue_indirect_dma source(%dma_start3A_894 : memref<10000x16xf32, #tpu.memory_space<hbm>>) target(%arg10 : memref<80x16xf32, #tpu.memory_space<vmem>>) offsets(%arg8 : memref<80xi32, #tpu.memory_space<vmem>>) semaphore(%arg14 : memref<!tpu.dma_semaphore, #tpu.memory_space<semaphore_mem>>)
      %dma_wait3A = arith.constant 0 : i32
      %dma_wait3A_895 = arith.constant 0 : i32
      %dma_wait3A_896 = tpu.memref_slice %arg2[%dma_wait3A, %dma_wait3A_895] : memref<10000x144xf32, #tpu.memory_space<hbm>> -> memref<10000x144xf32, #tpu.memory_space<hbm>>
      tpu.wait_indirect_dma semaphore(%arg13 : memref<!tpu.dma_semaphore, #tpu.memory_space<semaphore_mem>>) src(%dma_wait3A_896 : memref<10000x144xf32, #tpu.memory_space<hbm>>) dst(%arg9 : memref<80x144xf32, #tpu.memory_space<vmem>>)
      %dma_wait3A_897 = arith.constant 0 : i32
      %dma_wait3A_898 = arith.constant 0 : i32
      %dma_wait3A_899 = tpu.memref_slice %arg3[%dma_wait3A_897, %dma_wait3A_898] : memref<10000x16xf32, #tpu.memory_space<hbm>> -> memref<10000x16xf32, #tpu.memory_space<hbm>>
      tpu.wait_indirect_dma semaphore(%arg14 : memref<!tpu.dma_semaphore, #tpu.memory_space<semaphore_mem>>) src(%dma_wait3A_899 : memref<10000x16xf32, #tpu.memory_space<hbm>>) dst(%arg10 : memref<80x16xf32, #tpu.memory_space<vmem>>)
      %scan3A_900 = arith.constant 0 : i32
      %scan3A_901 = arith.constant 0 : i32
      %scan3A_902 = arith.constant 80 : i32
      %scan3A_903 = arith.addi %scan3A_901, %scan3A_902 : i32
      %scan3A_904 = arith.constant 1 : i32
      scf.for %scan3A_906 = %scan3A_901 to %scan3A_903 step %scan3A_904  : i32 {
        %get3A = arith.index_cast %scan3A_906 : i32 to index
        %get3A_907 = arith.constant 128 : index
        %get3A_908 = tpu.vector_load %arg9[%get3A, %get3A_907] {strides = array<i32>} : memref<80x144xf32, #tpu.memory_space<vmem>>, vector<1x16xf32>,
        %get3A_909 = vector.shape_cast %get3A_908 : vector<1x16xf32> to vector<16xf32>
        %get3A_910 = arith.index_cast %scan3A_906 : i32 to index
        %get3A_911 = arith.constant 0 : index
        %get3A_912 = tpu.vector_load %arg10[%get3A_910, %get3A_911] {strides = array<i32>} : memref<80x16xf32, #tpu.memory_space<vmem>>, vector<1x16xf32>,
        %get3A_913 = vector.shape_cast %get3A_912 : vector<1x16xf32> to vector<16xf32>
        %add3A_914 = arith.addf %get3A_909, %get3A_913 : vector<16xf32>
        %ge3A = arith.constant 0.000000e+00 : f32
        %ge3A_915 = vector.broadcast %ge3A : f32 to vector<16xf32>
        %ge3A_916 = arith.cmpf oge, %add3A_914, %ge3A_915 : vector<16xf32>
        %mul3A_917 = arith.constant 2.000000e-01 : f32
        %mul3A_918 = vector.broadcast %mul3A_917 : f32 to vector<16xf32>
        %mul3A_919 = arith.mulf %add3A_914, %mul3A_918 : vector<16xf32>
        %select_n3A = arith.select %ge3A_916, %add3A_914, %mul3A_919 : vector<16xi1>, vector<16xf32>
        %exp3A = math.exp %select_n3A : vector<16xf32>
        %swap3A_920 = arith.index_cast %scan3A_906 : i32 to index
        %swap3A_921 = arith.constant 128 : index
        %swap3A_922 = tpu.vector_load %arg9[%swap3A_920, %swap3A_921] {strides = array<i32>} : memref<80x144xf32, #tpu.memory_space<vmem>>, vector<1x16xf32>,
        %swap3A_923 = vector.shape_cast %swap3A_922 : vector<1x16xf32> to vector<16xf32>
        %swap3A_924 = vector.shape_cast %exp3A : vector<16xf32> to vector<1x16xf32>
        tpu.vector_store %arg9[%swap3A_920, %swap3A_921], %swap3A_924 {strides = array<i32>} : memref<80x144xf32, #tpu.memory_space<vmem>>, vector<1x16xf32>,
        %slice3A = vector.extract_strided_slice %exp3A {offsets = [0], sizes = [1], strides = [1]} : vector<16xf32> to vector<1xf32>
        %squeeze3A = vector.extract %slice3A[0] : f32 from vector<1xf32>
        %get3A_925 = arith.index_cast %scan3A_906 : i32 to index
        %get3A_926 = arith.constant 0 : index
        %get3A_927 = tpu.vector_load %arg9[%get3A_925, %get3A_926] {strides = array<i32>} : memref<80x144xf32, #tpu.memory_space<vmem>>, vector<1x16xf32>,
        %get3A_928 = vector.shape_cast %get3A_927 : vector<1x16xf32> to vector<16xf32>
        %mul3A_929 = vector.broadcast %squeeze3A : f32 to vector<16xf32>
        %mul3A_930 = arith.mulf %get3A_928, %mul3A_929 : vector<16xf32>
        %swap3A_931 = arith.index_cast %scan3A_906 : i32 to index
        %swap3A_932 = arith.constant 0 : index
        %swap3A_933 = tpu.vector_load %arg9[%swap3A_931, %swap3A_932] {strides = array<i32>} : memref<80x144xf32, #tpu.memory_space<vmem>>, vector<1x16xf32>,
        %swap3A_934 = vector.shape_cast %swap3A_933 : vector<1x16xf32> to vector<16xf32>
        %swap3A_935 = vector.shape_cast %mul3A_930 : vector<16xf32> to vector<1x16xf32>
        tpu.vector_store %arg9[%swap3A_931, %swap3A_932], %swap3A_935 {strides = array<i32>} : memref<80x144xf32, #tpu.memory_space<vmem>>, vector<1x16xf32>,
        %slice3A_936 = vector.extract_strided_slice %exp3A {offsets = [0], sizes = [1], strides = [1]} : vector<16xf32> to vector<1xf32>
        %squeeze3A_937 = vector.extract %slice3A_936[0] : f32 from vector<1xf32>
        %get3A_938 = arith.index_cast %scan3A_906 : i32 to index
        %get3A_939 = arith.constant 16 : index
        %get3A_940 = tpu.vector_load %arg9[%get3A_938, %get3A_939] {strides = array<i32>} : memref<80x144xf32, #tpu.memory_space<vmem>>, vector<1x16xf32>,
        %get3A_941 = vector.shape_cast %get3A_940 : vector<1x16xf32> to vector<16xf32>
        %mul3A_942 = vector.broadcast %squeeze3A_937 : f32 to vector<16xf32>
        %mul3A_943 = arith.mulf %get3A_941, %mul3A_942 : vector<16xf32>
        %swap3A_944 = arith.index_cast %scan3A_906 : i32 to index
        %swap3A_945 = arith.constant 16 : index
        %swap3A_946 = tpu.vector_load %arg9[%swap3A_944, %swap3A_945] {strides = array<i32>} : memref<80x144xf32, #tpu.memory_space<vmem>>, vector<1x16xf32>,
        %swap3A_947 = vector.shape_cast %swap3A_946 : vector<1x16xf32> to vector<16xf32>
        %swap3A_948 = vector.shape_cast %mul3A_943 : vector<16xf32> to vector<1x16xf32>
        tpu.vector_store %arg9[%swap3A_944, %swap3A_945], %swap3A_948 {strides = array<i32>} : memref<80x144xf32, #tpu.memory_space<vmem>>, vector<1x16xf32>,
        %slice3A_949 = vector.extract_strided_slice %exp3A {offsets = [1], sizes = [1], strides = [1]} : vector<16xf32> to vector<1xf32>
        %squeeze3A_950 = vector.extract %slice3A_949[0] : f32 from vector<1xf32>
        %get3A_951 = arith.index_cast %scan3A_906 : i32 to index
        %get3A_952 = arith.constant 32 : index
        %get3A_953 = tpu.vector_load %arg9[%get3A_951, %get3A_952] {strides = array<i32>} : memref<80x144xf32, #tpu.memory_space<vmem>>, vector<1x16xf32>,
        %get3A_954 = vector.shape_cast %get3A_953 : vector<1x16xf32> to vector<16xf32>
        %mul3A_955 = vector.broadcast %squeeze3A_950 : f32 to vector<16xf32>
        %mul3A_956 = arith.mulf %get3A_954, %mul3A_955 : vector<16xf32>
        %swap3A_957 = arith.index_cast %scan3A_906 : i32 to index
        %swap3A_958 = arith.constant 32 : index
        %swap3A_959 = tpu.vector_load %arg9[%swap3A_957, %swap3A_958] {strides = array<i32>} : memref<80x144xf32, #tpu.memory_space<vmem>>, vector<1x16xf32>,
        %swap3A_960 = vector.shape_cast %swap3A_959 : vector<1x16xf32> to vector<16xf32>
        %swap3A_961 = vector.shape_cast %mul3A_956 : vector<16xf32> to vector<1x16xf32>
        tpu.vector_store %arg9[%swap3A_957, %swap3A_958], %swap3A_961 {strides = array<i32>} : memref<80x144xf32, #tpu.memory_space<vmem>>, vector<1x16xf32>,
        %slice3A_962 = vector.extract_strided_slice %exp3A {offsets = [1], sizes = [1], strides = [1]} : vector<16xf32> to vector<1xf32>
        %squeeze3A_963 = vector.extract %slice3A_962[0] : f32 from vector<1xf32>
        %get3A_964 = arith.index_cast %scan3A_906 : i32 to index
        %get3A_965 = arith.constant 48 : index
        %get3A_966 = tpu.vector_load %arg9[%get3A_964, %get3A_965] {strides = array<i32>} : memref<80x144xf32, #tpu.memory_space<vmem>>, vector<1x16xf32>,
        %get3A_967 = vector.shape_cast %get3A_966 : vector<1x16xf32> to vector<16xf32>
        %mul3A_968 = vector.broadcast %squeeze3A_963 : f32 to vector<16xf32>
        %mul3A_969 = arith.mulf %get3A_967, %mul3A_968 : vector<16xf32>
        %swap3A_970 = arith.index_cast %scan3A_906 : i32 to index
        %swap3A_971 = arith.constant 48 : index
        %swap3A_972 = tpu.vector_load %arg9[%swap3A_970, %swap3A_971] {strides = array<i32>} : memref<80x144xf32, #tpu.memory_space<vmem>>, vector<1x16xf32>,
        %swap3A_973 = vector.shape_cast %swap3A_972 : vector<1x16xf32> to vector<16xf32>
        %swap3A_974 = vector.shape_cast %mul3A_969 : vector<16xf32> to vector<1x16xf32>
        tpu.vector_store %arg9[%swap3A_970, %swap3A_971], %swap3A_974 {strides = array<i32>} : memref<80x144xf32, #tpu.memory_space<vmem>>, vector<1x16xf32>,
        %slice3A_975 = vector.extract_strided_slice %exp3A {offsets = [2], sizes = [1], strides = [1]} : vector<16xf32> to vector<1xf32>
        %squeeze3A_976 = vector.extract %slice3A_975[0] : f32 from vector<1xf32>
        %get3A_977 = arith.index_cast %scan3A_906 : i32 to index
        %get3A_978 = arith.constant 64 : index
        %get3A_979 = tpu.vector_load %arg9[%get3A_977, %get3A_978] {strides = array<i32>} : memref<80x144xf32, #tpu.memory_space<vmem>>, vector<1x16xf32>,
        %get3A_980 = vector.shape_cast %get3A_979 : vector<1x16xf32> to vector<16xf32>
        %mul3A_981 = vector.broadcast %squeeze3A_976 : f32 to vector<16xf32>
        %mul3A_982 = arith.mulf %get3A_980, %mul3A_981 : vector<16xf32>
        %swap3A_983 = arith.index_cast %scan3A_906 : i32 to index
        %swap3A_984 = arith.constant 64 : index
        %swap3A_985 = tpu.vector_load %arg9[%swap3A_983, %swap3A_984] {strides = array<i32>} : memref<80x144xf32, #tpu.memory_space<vmem>>, vector<1x16xf32>,
        %swap3A_986 = vector.shape_cast %swap3A_985 : vector<1x16xf32> to vector<16xf32>
        %swap3A_987 = vector.shape_cast %mul3A_982 : vector<16xf32> to vector<1x16xf32>
        tpu.vector_store %arg9[%swap3A_983, %swap3A_984], %swap3A_987 {strides = array<i32>} : memref<80x144xf32, #tpu.memory_space<vmem>>, vector<1x16xf32>,
        %slice3A_988 = vector.extract_strided_slice %exp3A {offsets = [2], sizes = [1], strides = [1]} : vector<16xf32> to vector<1xf32>
        %squeeze3A_989 = vector.extract %slice3A_988[0] : f32 from vector<1xf32>
        %get3A_990 = arith.index_cast %scan3A_906 : i32 to index
        %get3A_991 = arith.constant 80 : index
        %get3A_992 = tpu.vector_load %arg9[%get3A_990, %get3A_991] {strides = array<i32>} : memref<80x144xf32, #tpu.memory_space<vmem>>, vector<1x16xf32>,
        %get3A_993 = vector.shape_cast %get3A_992 : vector<1x16xf32> to vector<16xf32>
        %mul3A_994 = vector.broadcast %squeeze3A_989 : f32 to vector<16xf32>
        %mul3A_995 = arith.mulf %get3A_993, %mul3A_994 : vector<16xf32>
        %swap3A_996 = arith.index_cast %scan3A_906 : i32 to index
        %swap3A_997 = arith.constant 80 : index
        %swap3A_998 = tpu.vector_load %arg9[%swap3A_996, %swap3A_997] {strides = array<i32>} : memref<80x144xf32, #tpu.memory_space<vmem>>, vector<1x16xf32>,
        %swap3A_999 = vector.shape_cast %swap3A_998 : vector<1x16xf32> to vector<16xf32>
        %swap3A_1000 = vector.shape_cast %mul3A_995 : vector<16xf32> to vector<1x16xf32>
        tpu.vector_store %arg9[%swap3A_996, %swap3A_997], %swap3A_1000 {strides = array<i32>} : memref<80x144xf32, #tpu.memory_space<vmem>>, vector<1x16xf32>,
        %slice3A_1001 = vector.extract_strided_slice %exp3A {offsets = [3], sizes = [1], strides = [1]} : vector<16xf32> to vector<1xf32>
        %squeeze3A_1002 = vector.extract %slice3A_1001[0] : f32 from vector<1xf32>
        %get3A_1003 = arith.index_cast %scan3A_906 : i32 to index
        %get3A_1004 = arith.constant 96 : index
        %get3A_1005 = tpu.vector_load %arg9[%get3A_1003, %get3A_1004] {strides = array<i32>} : memref<80x144xf32, #tpu.memory_space<vmem>>, vector<1x16xf32>,
        %get3A_1006 = vector.shape_cast %get3A_1005 : vector<1x16xf32> to vector<16xf32>
        %mul3A_1007 = vector.broadcast %squeeze3A_1002 : f32 to vector<16xf32>
        %mul3A_1008 = arith.mulf %get3A_1006, %mul3A_1007 : vector<16xf32>
        %swap3A_1009 = arith.index_cast %scan3A_906 : i32 to index
        %swap3A_1010 = arith.constant 96 : index
        %swap3A_1011 = tpu.vector_load %arg9[%swap3A_1009, %swap3A_1010] {strides = array<i32>} : memref<80x144xf32, #tpu.memory_space<vmem>>, vector<1x16xf32>,
        %swap3A_1012 = vector.shape_cast %swap3A_1011 : vector<1x16xf32> to vector<16xf32>
        %swap3A_1013 = vector.shape_cast %mul3A_1008 : vector<16xf32> to vector<1x16xf32>
        tpu.vector_store %arg9[%swap3A_1009, %swap3A_1010], %swap3A_1013 {strides = array<i32>} : memref<80x144xf32, #tpu.memory_space<vmem>>, vector<1x16xf32>,
        %slice3A_1014 = vector.extract_strided_slice %exp3A {offsets = [3], sizes = [1], strides = [1]} : vector<16xf32> to vector<1xf32>
        %squeeze3A_1015 = vector.extract %slice3A_1014[0] : f32 from vector<1xf32>
        %get3A_1016 = arith.index_cast %scan3A_906 : i32 to index
        %get3A_1017 = arith.constant 112 : index
        %get3A_1018 = tpu.vector_load %arg9[%get3A_1016, %get3A_1017] {strides = array<i32>} : memref<80x144xf32, #tpu.memory_space<vmem>>, vector<1x16xf32>,
        %get3A_1019 = vector.shape_cast %get3A_1018 : vector<1x16xf32> to vector<16xf32>
        %mul3A_1020 = vector.broadcast %squeeze3A_1015 : f32 to vector<16xf32>
        %mul3A_1021 = arith.mulf %get3A_1019, %mul3A_1020 : vector<16xf32>
        %swap3A_1022 = arith.index_cast %scan3A_906 : i32 to index
        %swap3A_1023 = arith.constant 112 : index
        %swap3A_1024 = tpu.vector_load %arg9[%swap3A_1022, %swap3A_1023] {strides = array<i32>} : memref<80x144xf32, #tpu.memory_space<vmem>>, vector<1x16xf32>,
        %swap3A_1025 = vector.shape_cast %swap3A_1024 : vector<1x16xf32> to vector<16xf32>
        %swap3A_1026 = vector.shape_cast %mul3A_1021 : vector<16xf32> to vector<1x16xf32>
        tpu.vector_store %arg9[%swap3A_1022, %swap3A_1023], %swap3A_1026 {strides = array<i32>} : memref<80x144xf32, #tpu.memory_space<vmem>>, vector<1x16xf32>,
      }
      %scan3A_905 = arith.constant 80 : i32
      "tpu.region"() ({
        %run_scoped3A = tpu.sem_alloc : memref<!tpu.dma_semaphore, #tpu.memory_space<semaphore_mem>>
        %dma_start3A_906 = arith.constant 0 : i32
        %dma_start3A_907 = arith.constant 0 : i32
        %dma_start3A_908 = tpu.memref_slice %arg12[%dma_start3A_906, %dma_start3A_907] : memref<10000x144xf32, #tpu.memory_space<vmem_shared>> -> memref<10000x144xf32, #tpu.memory_space<vmem_shared>>
        tpu.enqueue_indirect_dma source(%arg9 : memref<80x144xf32, #tpu.memory_space<vmem>>) target(%dma_start3A_908 : memref<10000x144xf32, #tpu.memory_space<vmem_shared>>) offsets(%arg8 : memref<80xi32, #tpu.memory_space<vmem>>) semaphore(%run_scoped3A : memref<!tpu.dma_semaphore, #tpu.memory_space<semaphore_mem>>) {add = true}
        %dma_wait3A_909 = arith.constant 0 : i32
        %dma_wait3A_910 = arith.constant 0 : i32
        %dma_wait3A_911 = tpu.memref_slice %arg12[%dma_wait3A_909, %dma_wait3A_910] : memref<10000x144xf32, #tpu.memory_space<vmem_shared>> -> memref<10000x144xf32, #tpu.memory_space<vmem_shared>>
        tpu.wait_indirect_dma semaphore(%run_scoped3A : memref<!tpu.dma_semaphore, #tpu.memory_space<semaphore_mem>>) src(%arg9 : memref<80x144xf32, #tpu.memory_space<vmem>>) dst(%dma_wait3A_911 : memref<10000x144xf32, #tpu.memory_space<vmem_shared>>)
        tpu.yield
      }) : () -> ()
    }
    %scan3A_877 = arith.constant 125 : i32
    %barrier3A_878 = arith.constant 0 : index
    tpu.barrier barrier_id(%barrier3A_878)
    %scan3A_879 = arith.constant 0 : i32
    %scan3A_880 = arith.constant 0 : i32
    %scan3A_881 = arith.constant 40 : i32
    %scan3A_882 = arith.addi %scan3A_880, %scan3A_881 : i32
    %scan3A_883 = arith.constant 1 : i32
    scf.for %scan3A_885 = %scan3A_880 to %scan3A_882 step %scan3A_883  : i32 {
      %mul3A_886 = arith.constant 16 : i32
      %mul3A_887 = arith.muli %mul3A_886, %scan3A_885 : i32
      %add3A_888 = arith.addi %arg1, %mul3A_887 : i32
      %lt3A = arith.constant 625 : i32
      %lt3A_889 = arith.cmpi slt, %add3A_888, %lt3A : i32
      %convert_element_type3A = arith.extui %lt3A_889 : i1 to i32
      %cond3A = arith.constant 0 : i32
      %cond3A_890 = arith.cmpi ne, %convert_element_type3A, %cond3A : i32
      scf.if %cond3A_890 {
        %mul3A_891 = arith.constant 16 : i32
        %mul3A_892 = arith.muli %add3A_888, %mul3A_891 : i32
        "tpu.region"() ({
          %run_scoped3A = tpu.sem_alloc : memref<!tpu.dma_semaphore, #tpu.memory_space<semaphore_mem>>
          %dma_start3A = arith.constant 0 : i32
          %dma_start3A_895 = tpu.memref_slice %arg12[%mul3A_892, %dma_start3A] : memref<10000x144xf32, #tpu.memory_space<vmem_shared>> -> memref<16x144xf32, #tpu.memory_space<vmem_shared>>
          %dma_start3A_896 = arith.constant 0 : i32
          %dma_start3A_897 = tpu.memref_slice %arg12[%mul3A_892, %dma_start3A_896] : memref<10000x144xf32, #tpu.memory_space<vmem_shared>> -> memref<16x144xf32, #tpu.memory_space<vmem_shared>>
          tpu.enqueue_dma source(%dma_start3A_897 : memref<16x144xf32, #tpu.memory_space<vmem_shared>>) target(%arg11 : memref<16x144xf32, #tpu.memory_space<vmem>>) target_semaphore(%run_scoped3A : memref<!tpu.dma_semaphore, #tpu.memory_space<semaphore_mem>>)
          %dma_wait3A = arith.constant 0 : i32
          %dma_wait3A_898 = tpu.memref_slice %arg12[%mul3A_892, %dma_wait3A] : memref<10000x144xf32, #tpu.memory_space<vmem_shared>> -> memref<16x144xf32, #tpu.memory_space<vmem_shared>>
          %dma_wait3A_899 = arith.constant 0 : i32
          %dma_wait3A_900 = tpu.memref_slice %arg12[%mul3A_892, %dma_wait3A_899] : memref<10000x144xf32, #tpu.memory_space<vmem_shared>> -> memref<16x144xf32, #tpu.memory_space<vmem_shared>>
          tpu.wait_dma2 semaphore(%run_scoped3A : memref<!tpu.dma_semaphore, #tpu.memory_space<semaphore_mem>>) src(%dma_wait3A_900 : memref<16x144xf32, #tpu.memory_space<vmem_shared>>) dst(%arg11 : memref<16x144xf32, #tpu.memory_space<vmem>>)
          tpu.yield
        }) : () -> ()
        %mul3A_893 = arith.constant 16 : i32
        %mul3A_894 = arith.muli %add3A_888, %mul3A_893 : i32
        "tpu.region"() ({
          %run_scoped3A = tpu.sem_alloc : memref<!tpu.dma_semaphore, #tpu.memory_space<semaphore_mem>>
          %dma_start3A = arith.constant 0 : i32
          %dma_start3A_895 = tpu.memref_slice %arg6[%arg0, %mul3A_894, %dma_start3A] : memref<2x10000x144xf32, #tpu.memory_space<hbm>> -> memref<1x16x144xf32, #tpu.memory_space<hbm>>
          %dma_start3A_896 = tpu.memref_squeeze %dma_start3A_895 : memref<1x16x144xf32, #tpu.memory_space<hbm>> -> memref<16x144xf32, #tpu.memory_space<hbm>>
          %dma_start3A_897 = arith.constant 0 : i32
          %dma_start3A_898 = tpu.memref_slice %arg6[%arg0, %mul3A_894, %dma_start3A_897] : memref<2x10000x144xf32, #tpu.memory_space<hbm>> -> memref<1x16x144xf32, #tpu.memory_space<hbm>>
          %dma_start3A_899 = tpu.memref_squeeze %dma_start3A_898 : memref<1x16x144xf32, #tpu.memory_space<hbm>> -> memref<16x144xf32, #tpu.memory_space<hbm>>
          tpu.enqueue_dma source(%arg11 : memref<16x144xf32, #tpu.memory_space<vmem>>) target(%dma_start3A_899 : memref<16x144xf32, #tpu.memory_space<hbm>>) target_semaphore(%run_scoped3A : memref<!tpu.dma_semaphore, #tpu.memory_space<semaphore_mem>>)
          %dma_wait3A = arith.constant 0 : i32
          %dma_wait3A_900 = tpu.memref_slice %arg6[%arg0, %mul3A_894, %dma_wait3A] : memref<2x10000x144xf32, #tpu.memory_space<hbm>> -> memref<1x16x144xf32, #tpu.memory_space<hbm>>
          %dma_wait3A_901 = tpu.memref_squeeze %dma_wait3A_900 : memref<1x16x144xf32, #tpu.memory_space<hbm>> -> memref<16x144xf32, #tpu.memory_space<hbm>>
          %dma_wait3A_902 = arith.constant 0 : i32
          %dma_wait3A_903 = tpu.memref_slice %arg6[%arg0, %mul3A_894, %dma_wait3A_902] : memref<2x10000x144xf32, #tpu.memory_space<hbm>> -> memref<1x16x144xf32, #tpu.memory_space<hbm>>
          %dma_wait3A_904 = tpu.memref_squeeze %dma_wait3A_903 : memref<1x16x144xf32, #tpu.memory_space<hbm>> -> memref<16x144xf32, #tpu.memory_space<hbm>>
          tpu.wait_dma2 semaphore(%run_scoped3A : memref<!tpu.dma_semaphore, #tpu.memory_space<semaphore_mem>>) src(%arg11 : memref<16x144xf32, #tpu.memory_space<vmem>>) dst(%dma_wait3A_904 : memref<16x144xf32, #tpu.memory_space<hbm>>)
          tpu.yield
        }) : () -> ()
      } else {
      }
    }
    %scan3A_884 = arith.constant 40 : i32
    return
  }
}

#map = affine_map<(d0, d1) -> (0, 0)>
#map1 = affine_map<(d0, d1) -> (0)>
#map2 = affine_map<(d0, d1) -> (0, 0, 0)>
module attributes {stable_mosaic.version = 14 : i64} {
  func.func @k(%arg0: i32, %arg1: i32, %arg2: memref<10000x144xf32, #tpu.memory_space<hbm>>, %arg3: memref<10000x16xf32, #tpu.memory_space<hbm>>, %arg4: memref<320000xi32, #tpu.memory_space<hbm>>, %arg5: memref<320000xi32, #tpu.memory_space<hbm>>, %arg6: memref<2x10000x144xf32, #tpu.memory_space<hbm>>, %arg7: memref<80xi32, #tpu.memory_space<vmem>>, %arg8: memref<80xi32, #tpu.memory_space<vmem>>, %arg9: memref<80x144xf32, #tpu.memory_space<vmem>>, %arg10: memref<80x16xf32, #tpu.memory_space<vmem>>, %arg11: memref<16x144xf32, #tpu.memory_space<vmem>>, %arg12: memref<10000x144xf32, #tpu.memory_space<vmem_shared>>, %arg13: memref<!tpu.dma_semaphore, #tpu.memory_space<semaphore_mem>>, %arg14: memref<!tpu.dma_semaphore, #tpu.memory_space<semaphore_mem>>) attributes {dimension_semantics = [#tpu.dimension_semantics<core_parallel>, #tpu.dimension_semantics<subcore_parallel>], iteration_bounds = array<i64: 2, 16>, scalar_prefetch = 0 : i64, scratch_operands = 8 : i64, tpu.core_type = #tpu.core_type<sc_vector_subcore>, window_params = [{transform_indices = #map}, {transform_indices = #map}, {transform_indices = #map1}, {transform_indices = #map1}, {transform_indices = #map2}]} {
    %mul3A = arith.constant 16 : i32
    %mul3A_0 = arith.muli %arg0, %mul3A : i32
    %add3A = arith.addi %mul3A_0, %arg1 : i32
    %broadcast_in_dim3A = arith.constant 0.000000e+00 : f32
    %broadcast_in_dim3A_1 = vector.broadcast %broadcast_in_dim3A : f32 to vector<16xf32>
    %swap3A = arith.constant 0 : i32
    %swap3A_2 = arith.index_cast %swap3A : i32 to index
    %swap3A_3 = arith.constant 0 : index
    %swap3A_4 = tpu.vector_load %arg11[%swap3A_2, %swap3A_3] {strides = array<i32>} : memref<16x144xf32, #tpu.memory_space<vmem>>, vector<1x16xf32>,
    %swap3A_5 = vector.shape_cast %swap3A_4 : vector<1x16xf32> to vector<16xf32>
    %swap3A_6 = vector.shape_cast %broadcast_in_dim3A_1 : vector<16xf32> to vector<1x16xf32>
    tpu.vector_store %arg11[%swap3A_2, %swap3A_3], %swap3A_6 {strides = array<i32>} : memref<16x144xf32, #tpu.memory_space<vmem>>, vector<1x16xf32>,
    %swap3A_7 = arith.constant 0 : i32
    %swap3A_8 = arith.index_cast %swap3A_7 : i32 to index
    %swap3A_9 = arith.constant 16 : index
    %swap3A_10 = tpu.vector_load %arg11[%swap3A_8, %swap3A_9] {strides = array<i32>} : memref<16x144xf32, #tpu.memory_space<vmem>>, vector<1x16xf32>,
    %swap3A_11 = vector.shape_cast %swap3A_10 : vector<1x16xf32> to vector<16xf32>
    %swap3A_12 = vector.shape_cast %broadcast_in_dim3A_1 : vector<16xf32> to vector<1x16xf32>
    tpu.vector_store %arg11[%swap3A_8, %swap3A_9], %swap3A_12 {strides = array<i32>} : memref<16x144xf32, #tpu.memory_space<vmem>>, vector<1x16xf32>,
    %swap3A_13 = arith.constant 0 : i32
    %swap3A_14 = arith.index_cast %swap3A_13 : i32 to index
    %swap3A_15 = arith.constant 32 : index
    %swap3A_16 = tpu.vector_load %arg11[%swap3A_14, %swap3A_15] {strides = array<i32>} : memref<16x144xf32, #tpu.memory_space<vmem>>, vector<1x16xf32>,
    %swap3A_17 = vector.shape_cast %swap3A_16 : vector<1x16xf32> to vector<16xf32>
    %swap3A_18 = vector.shape_cast %broadcast_in_dim3A_1 : vector<16xf32> to vector<1x16xf32>
    tpu.vector_store %arg11[%swap3A_14, %swap3A_15], %swap3A_18 {strides = array<i32>} : memref<16x144xf32, #tpu.memory_space<vmem>>, vector<1x16xf32>,
    %swap3A_19 = arith.constant 0 : i32
    %swap3A_20 = arith.index_cast %swap3A_19 : i32 to index
    %swap3A_21 = arith.constant 48 : index
    %swap3A_22 = tpu.vector_load %arg11[%swap3A_20, %swap3A_21] {strides = array<i32>} : memref<16x144xf32, #tpu.memory_space<vmem>>, vector<1x16xf32>,
    %swap3A_23 = vector.shape_cast %swap3A_22 : vector<1x16xf32> to vector<16xf32>
    %swap3A_24 = vector.shape_cast %broadcast_in_dim3A_1 : vector<16xf32> to vector<1x16xf32>
    tpu.vector_store %arg11[%swap3A_20, %swap3A_21], %swap3A_24 {strides = array<i32>} : memref<16x144xf32, #tpu.memory_space<vmem>>, vector<1x16xf32>,
    %swap3A_25 = arith.constant 0 : i32
    %swap3A_26 = arith.index_cast %swap3A_25 : i32 to index
    %swap3A_27 = arith.constant 64 : index
    %swap3A_28 = tpu.vector_load %arg11[%swap3A_26, %swap3A_27] {strides = array<i32>} : memref<16x144xf32, #tpu.memory_space<vmem>>, vector<1x16xf32>,
    %swap3A_29 = vector.shape_cast %swap3A_28 : vector<1x16xf32> to vector<16xf32>
    %swap3A_30 = vector.shape_cast %broadcast_in_dim3A_1 : vector<16xf32> to vector<1x16xf32>
    tpu.vector_store %arg11[%swap3A_26, %swap3A_27], %swap3A_30 {strides = array<i32>} : memref<16x144xf32, #tpu.memory_space<vmem>>, vector<1x16xf32>,
    %swap3A_31 = arith.constant 0 : i32
    %swap3A_32 = arith.index_cast %swap3A_31 : i32 to index
    %swap3A_33 = arith.constant 80 : index
    %swap3A_34 = tpu.vector_load %arg11[%swap3A_32, %swap3A_33] {strides = array<i32>} : memref<16x144xf32, #tpu.memory_space<vmem>>, vector<1x16xf32>,
    %swap3A_35 = vector.shape_cast %swap3A_34 : vector<1x16xf32> to vector<16xf32>
    %swap3A_36 = vector.shape_cast %broadcast_in_dim3A_1 : vector<16xf32> to vector<1x16xf32>
    tpu.vector_store %arg11[%swap3A_32, %swap3A_33], %swap3A_36 {strides = array<i32>} : memref<16x144xf32, #tpu.memory_space<vmem>>, vector<1x16xf32>,
    %swap3A_37 = arith.constant 0 : i32
    %swap3A_38 = arith.index_cast %swap3A_37 : i32 to index
    %swap3A_39 = arith.constant 96 : index
    %swap3A_40 = tpu.vector_load %arg11[%swap3A_38, %swap3A_39] {strides = array<i32>} : memref<16x144xf32, #tpu.memory_space<vmem>>, vector<1x16xf32>,
    %swap3A_41 = vector.shape_cast %swap3A_40 : vector<1x16xf32> to vector<16xf32>
    %swap3A_42 = vector.shape_cast %broadcast_in_dim3A_1 : vector<16xf32> to vector<1x16xf32>
    tpu.vector_store %arg11[%swap3A_38, %swap3A_39], %swap3A_42 {strides = array<i32>} : memref<16x144xf32, #tpu.memory_space<vmem>>, vector<1x16xf32>,
    %swap3A_43 = arith.constant 0 : i32
    %swap3A_44 = arith.index_cast %swap3A_43 : i32 to index
    %swap3A_45 = arith.constant 112 : index
    %swap3A_46 = tpu.vector_load %arg11[%swap3A_44, %swap3A_45] {strides = array<i32>} : memref<16x144xf32, #tpu.memory_space<vmem>>, vector<1x16xf32>,
    %swap3A_47 = vector.shape_cast %swap3A_46 : vector<1x16xf32> to vector<16xf32>
    %swap3A_48 = vector.shape_cast %broadcast_in_dim3A_1 : vector<16xf32> to vector<1x16xf32>
    tpu.vector_store %arg11[%swap3A_44, %swap3A_45], %swap3A_48 {strides = array<i32>} : memref<16x144xf32, #tpu.memory_space<vmem>>, vector<1x16xf32>,
    %swap3A_49 = arith.constant 0 : i32
    %swap3A_50 = arith.index_cast %swap3A_49 : i32 to index
    %swap3A_51 = arith.constant 128 : index
    %swap3A_52 = tpu.vector_load %arg11[%swap3A_50, %swap3A_51] {strides = array<i32>} : memref<16x144xf32, #tpu.memory_space<vmem>>, vector<1x16xf32>,
    %swap3A_53 = vector.shape_cast %swap3A_52 : vector<1x16xf32> to vector<16xf32>
    %swap3A_54 = vector.shape_cast %broadcast_in_dim3A_1 : vector<16xf32> to vector<1x16xf32>
    tpu.vector_store %arg11[%swap3A_50, %swap3A_51], %swap3A_54 {strides = array<i32>} : memref<16x144xf32, #tpu.memory_space<vmem>>, vector<1x16xf32>,
    %swap3A_55 = arith.constant 1 : i32
    %swap3A_56 = arith.index_cast %swap3A_55 : i32 to index
    %swap3A_57 = arith.constant 0 : index
    %swap3A_58 = tpu.vector_load %arg11[%swap3A_56, %swap3A_57] {strides = array<i32>} : memref<16x144xf32, #tpu.memory_space<vmem>>, vector<1x16xf32>,
    %swap3A_59 = vector.shape_cast %swap3A_58 : vector<1x16xf32> to vector<16xf32>
    %swap3A_60 = vector.shape_cast %broadcast_in_dim3A_1 : vector<16xf32> to vector<1x16xf32>
    tpu.vector_store %arg11[%swap3A_56, %swap3A_57], %swap3A_60 {strides = array<i32>} : memref<16x144xf32, #tpu.memory_space<vmem>>, vector<1x16xf32>,
    %swap3A_61 = arith.constant 1 : i32
    %swap3A_62 = arith.index_cast %swap3A_61 : i32 to index
    %swap3A_63 = arith.constant 16 : index
    %swap3A_64 = tpu.vector_load %arg11[%swap3A_62, %swap3A_63] {strides = array<i32>} : memref<16x144xf32, #tpu.memory_space<vmem>>, vector<1x16xf32>,
    %swap3A_65 = vector.shape_cast %swap3A_64 : vector<1x16xf32> to vector<16xf32>
    %swap3A_66 = vector.shape_cast %broadcast_in_dim3A_1 : vector<16xf32> to vector<1x16xf32>
    tpu.vector_store %arg11[%swap3A_62, %swap3A_63], %swap3A_66 {strides = array<i32>} : memref<16x144xf32, #tpu.memory_space<vmem>>, vector<1x16xf32>,
    %swap3A_67 = arith.constant 1 : i32
    %swap3A_68 = arith.index_cast %swap3A_67 : i32 to index
    %swap3A_69 = arith.constant 32 : index
    %swap3A_70 = tpu.vector_load %arg11[%swap3A_68, %swap3A_69] {strides = array<i32>} : memref<16x144xf32, #tpu.memory_space<vmem>>, vector<1x16xf32>,
    %swap3A_71 = vector.shape_cast %swap3A_70 : vector<1x16xf32> to vector<16xf32>
    %swap3A_72 = vector.shape_cast %broadcast_in_dim3A_1 : vector<16xf32> to vector<1x16xf32>
    tpu.vector_store %arg11[%swap3A_68, %swap3A_69], %swap3A_72 {strides = array<i32>} : memref<16x144xf32, #tpu.memory_space<vmem>>, vector<1x16xf32>,
    %swap3A_73 = arith.constant 1 : i32
    %swap3A_74 = arith.index_cast %swap3A_73 : i32 to index
    %swap3A_75 = arith.constant 48 : index
    %swap3A_76 = tpu.vector_load %arg11[%swap3A_74, %swap3A_75] {strides = array<i32>} : memref<16x144xf32, #tpu.memory_space<vmem>>, vector<1x16xf32>,
    %swap3A_77 = vector.shape_cast %swap3A_76 : vector<1x16xf32> to vector<16xf32>
    %swap3A_78 = vector.shape_cast %broadcast_in_dim3A_1 : vector<16xf32> to vector<1x16xf32>
    tpu.vector_store %arg11[%swap3A_74, %swap3A_75], %swap3A_78 {strides = array<i32>} : memref<16x144xf32, #tpu.memory_space<vmem>>, vector<1x16xf32>,
    %swap3A_79 = arith.constant 1 : i32
    %swap3A_80 = arith.index_cast %swap3A_79 : i32 to index
    %swap3A_81 = arith.constant 64 : index
    %swap3A_82 = tpu.vector_load %arg11[%swap3A_80, %swap3A_81] {strides = array<i32>} : memref<16x144xf32, #tpu.memory_space<vmem>>, vector<1x16xf32>,
    %swap3A_83 = vector.shape_cast %swap3A_82 : vector<1x16xf32> to vector<16xf32>
    %swap3A_84 = vector.shape_cast %broadcast_in_dim3A_1 : vector<16xf32> to vector<1x16xf32>
    tpu.vector_store %arg11[%swap3A_80, %swap3A_81], %swap3A_84 {strides = array<i32>} : memref<16x144xf32, #tpu.memory_space<vmem>>, vector<1x16xf32>,
    %swap3A_85 = arith.constant 1 : i32
    %swap3A_86 = arith.index_cast %swap3A_85 : i32 to index
    %swap3A_87 = arith.constant 80 : index
    %swap3A_88 = tpu.vector_load %arg11[%swap3A_86, %swap3A_87] {strides = array<i32>} : memref<16x144xf32, #tpu.memory_space<vmem>>, vector<1x16xf32>,
    %swap3A_89 = vector.shape_cast %swap3A_88 : vector<1x16xf32> to vector<16xf32>
    %swap3A_90 = vector.shape_cast %broadcast_in_dim3A_1 : vector<16xf32> to vector<1x16xf32>
    tpu.vector_store %arg11[%swap3A_86, %swap3A_87], %swap3A_90 {strides = array<i32>} : memref<16x144xf32, #tpu.memory_space<vmem>>, vector<1x16xf32>,
    %swap3A_91 = arith.constant 1 : i32
    %swap3A_92 = arith.index_cast %swap3A_91 : i32 to index
    %swap3A_93 = arith.constant 96 : index
    %swap3A_94 = tpu.vector_load %arg11[%swap3A_92, %swap3A_93] {strides = array<i32>} : memref<16x144xf32, #tpu.memory_space<vmem>>, vector<1x16xf32>,
    %swap3A_95 = vector.shape_cast %swap3A_94 : vector<1x16xf32> to vector<16xf32>
    %swap3A_96 = vector.shape_cast %broadcast_in_dim3A_1 : vector<16xf32> to vector<1x16xf32>
    tpu.vector_store %arg11[%swap3A_92, %swap3A_93], %swap3A_96 {strides = array<i32>} : memref<16x144xf32, #tpu.memory_space<vmem>>, vector<1x16xf32>,
    %swap3A_97 = arith.constant 1 : i32
    %swap3A_98 = arith.index_cast %swap3A_97 : i32 to index
    %swap3A_99 = arith.constant 112 : index
    %swap3A_100 = tpu.vector_load %arg11[%swap3A_98, %swap3A_99] {strides = array<i32>} : memref<16x144xf32, #tpu.memory_space<vmem>>, vector<1x16xf32>,
    %swap3A_101 = vector.shape_cast %swap3A_100 : vector<1x16xf32> to vector<16xf32>
    %swap3A_102 = vector.shape_cast %broadcast_in_dim3A_1 : vector<16xf32> to vector<1x16xf32>
    tpu.vector_store %arg11[%swap3A_98, %swap3A_99], %swap3A_102 {strides = array<i32>} : memref<16x144xf32, #tpu.memory_space<vmem>>, vector<1x16xf32>,
    %swap3A_103 = arith.constant 1 : i32
    %swap3A_104 = arith.index_cast %swap3A_103 : i32 to index
    %swap3A_105 = arith.constant 128 : index
    %swap3A_106 = tpu.vector_load %arg11[%swap3A_104, %swap3A_105] {strides = array<i32>} : memref<16x144xf32, #tpu.memory_space<vmem>>, vector<1x16xf32>,
    %swap3A_107 = vector.shape_cast %swap3A_106 : vector<1x16xf32> to vector<16xf32>
    %swap3A_108 = vector.shape_cast %broadcast_in_dim3A_1 : vector<16xf32> to vector<1x16xf32>
    tpu.vector_store %arg11[%swap3A_104, %swap3A_105], %swap3A_108 {strides = array<i32>} : memref<16x144xf32, #tpu.memory_space<vmem>>, vector<1x16xf32>,
    %swap3A_109 = arith.constant 2 : i32
    %swap3A_110 = arith.index_cast %swap3A_109 : i32 to index
    %swap3A_111 = arith.constant 0 : index
    %swap3A_112 = tpu.vector_load %arg11[%swap3A_110, %swap3A_111] {strides = array<i32>} : memref<16x144xf32, #tpu.memory_space<vmem>>, vector<1x16xf32>,
    %swap3A_113 = vector.shape_cast %swap3A_112 : vector<1x16xf32> to vector<16xf32>
    %swap3A_114 = vector.shape_cast %broadcast_in_dim3A_1 : vector<16xf32> to vector<1x16xf32>
    tpu.vector_store %arg11[%swap3A_110, %swap3A_111], %swap3A_114 {strides = array<i32>} : memref<16x144xf32, #tpu.memory_space<vmem>>, vector<1x16xf32>,
    %swap3A_115 = arith.constant 2 : i32
    %swap3A_116 = arith.index_cast %swap3A_115 : i32 to index
    %swap3A_117 = arith.constant 16 : index
    %swap3A_118 = tpu.vector_load %arg11[%swap3A_116, %swap3A_117] {strides = array<i32>} : memref<16x144xf32, #tpu.memory_space<vmem>>, vector<1x16xf32>,
    %swap3A_119 = vector.shape_cast %swap3A_118 : vector<1x16xf32> to vector<16xf32>
    %swap3A_120 = vector.shape_cast %broadcast_in_dim3A_1 : vector<16xf32> to vector<1x16xf32>
    tpu.vector_store %arg11[%swap3A_116, %swap3A_117], %swap3A_120 {strides = array<i32>} : memref<16x144xf32, #tpu.memory_space<vmem>>, vector<1x16xf32>,
    %swap3A_121 = arith.constant 2 : i32
    %swap3A_122 = arith.index_cast %swap3A_121 : i32 to index
    %swap3A_123 = arith.constant 32 : index
    %swap3A_124 = tpu.vector_load %arg11[%swap3A_122, %swap3A_123] {strides = array<i32>} : memref<16x144xf32, #tpu.memory_space<vmem>>, vector<1x16xf32>,
    %swap3A_125 = vector.shape_cast %swap3A_124 : vector<1x16xf32> to vector<16xf32>
    %swap3A_126 = vector.shape_cast %broadcast_in_dim3A_1 : vector<16xf32> to vector<1x16xf32>
    tpu.vector_store %arg11[%swap3A_122, %swap3A_123], %swap3A_126 {strides = array<i32>} : memref<16x144xf32, #tpu.memory_space<vmem>>, vector<1x16xf32>,
    %swap3A_127 = arith.constant 2 : i32
    %swap3A_128 = arith.index_cast %swap3A_127 : i32 to index
    %swap3A_129 = arith.constant 48 : index
    %swap3A_130 = tpu.vector_load %arg11[%swap3A_128, %swap3A_129] {strides = array<i32>} : memref<16x144xf32, #tpu.memory_space<vmem>>, vector<1x16xf32>,
    %swap3A_131 = vector.shape_cast %swap3A_130 : vector<1x16xf32> to vector<16xf32>
    %swap3A_132 = vector.shape_cast %broadcast_in_dim3A_1 : vector<16xf32> to vector<1x16xf32>
    tpu.vector_store %arg11[%swap3A_128, %swap3A_129], %swap3A_132 {strides = array<i32>} : memref<16x144xf32, #tpu.memory_space<vmem>>, vector<1x16xf32>,
    %swap3A_133 = arith.constant 2 : i32
    %swap3A_134 = arith.index_cast %swap3A_133 : i32 to index
    %swap3A_135 = arith.constant 64 : index
    %swap3A_136 = tpu.vector_load %arg11[%swap3A_134, %swap3A_135] {strides = array<i32>} : memref<16x144xf32, #tpu.memory_space<vmem>>, vector<1x16xf32>,
    %swap3A_137 = vector.shape_cast %swap3A_136 : vector<1x16xf32> to vector<16xf32>
    %swap3A_138 = vector.shape_cast %broadcast_in_dim3A_1 : vector<16xf32> to vector<1x16xf32>
    tpu.vector_store %arg11[%swap3A_134, %swap3A_135], %swap3A_138 {strides = array<i32>} : memref<16x144xf32, #tpu.memory_space<vmem>>, vector<1x16xf32>,
    %swap3A_139 = arith.constant 2 : i32
    %swap3A_140 = arith.index_cast %swap3A_139 : i32 to index
    %swap3A_141 = arith.constant 80 : index
    %swap3A_142 = tpu.vector_load %arg11[%swap3A_140, %swap3A_141] {strides = array<i32>} : memref<16x144xf32, #tpu.memory_space<vmem>>, vector<1x16xf32>,
    %swap3A_143 = vector.shape_cast %swap3A_142 : vector<1x16xf32> to vector<16xf32>
    %swap3A_144 = vector.shape_cast %broadcast_in_dim3A_1 : vector<16xf32> to vector<1x16xf32>
    tpu.vector_store %arg11[%swap3A_140, %swap3A_141], %swap3A_144 {strides = array<i32>} : memref<16x144xf32, #tpu.memory_space<vmem>>, vector<1x16xf32>,
    %swap3A_145 = arith.constant 2 : i32
    %swap3A_146 = arith.index_cast %swap3A_145 : i32 to index
    %swap3A_147 = arith.constant 96 : index
    %swap3A_148 = tpu.vector_load %arg11[%swap3A_146, %swap3A_147] {strides = array<i32>} : memref<16x144xf32, #tpu.memory_space<vmem>>, vector<1x16xf32>,
    %swap3A_149 = vector.shape_cast %swap3A_148 : vector<1x16xf32> to vector<16xf32>
    %swap3A_150 = vector.shape_cast %broadcast_in_dim3A_1 : vector<16xf32> to vector<1x16xf32>
    tpu.vector_store %arg11[%swap3A_146, %swap3A_147], %swap3A_150 {strides = array<i32>} : memref<16x144xf32, #tpu.memory_space<vmem>>, vector<1x16xf32>,
    %swap3A_151 = arith.constant 2 : i32
    %swap3A_152 = arith.index_cast %swap3A_151 : i32 to index
    %swap3A_153 = arith.constant 112 : index
    %swap3A_154 = tpu.vector_load %arg11[%swap3A_152, %swap3A_153] {strides = array<i32>} : memref<16x144xf32, #tpu.memory_space<vmem>>, vector<1x16xf32>,
    %swap3A_155 = vector.shape_cast %swap3A_154 : vector<1x16xf32> to vector<16xf32>
    %swap3A_156 = vector.shape_cast %broadcast_in_dim3A_1 : vector<16xf32> to vector<1x16xf32>
    tpu.vector_store %arg11[%swap3A_152, %swap3A_153], %swap3A_156 {strides = array<i32>} : memref<16x144xf32, #tpu.memory_space<vmem>>, vector<1x16xf32>,
    %swap3A_157 = arith.constant 2 : i32
    %swap3A_158 = arith.index_cast %swap3A_157 : i32 to index
    %swap3A_159 = arith.constant 128 : index
    %swap3A_160 = tpu.vector_load %arg11[%swap3A_158, %swap3A_159] {strides = array<i32>} : memref<16x144xf32, #tpu.memory_space<vmem>>, vector<1x16xf32>,
    %swap3A_161 = vector.shape_cast %swap3A_160 : vector<1x16xf32> to vector<16xf32>
    %swap3A_162 = vector.shape_cast %broadcast_in_dim3A_1 : vector<16xf32> to vector<1x16xf32>
    tpu.vector_store %arg11[%swap3A_158, %swap3A_159], %swap3A_162 {strides = array<i32>} : memref<16x144xf32, #tpu.memory_space<vmem>>, vector<1x16xf32>,
    %swap3A_163 = arith.constant 3 : i32
    %swap3A_164 = arith.index_cast %swap3A_163 : i32 to index
    %swap3A_165 = arith.constant 0 : index
    %swap3A_166 = tpu.vector_load %arg11[%swap3A_164, %swap3A_165] {strides = array<i32>} : memref<16x144xf32, #tpu.memory_space<vmem>>, vector<1x16xf32>,
    %swap3A_167 = vector.shape_cast %swap3A_166 : vector<1x16xf32> to vector<16xf32>
    %swap3A_168 = vector.shape_cast %broadcast_in_dim3A_1 : vector<16xf32> to vector<1x16xf32>
    tpu.vector_store %arg11[%swap3A_164, %swap3A_165], %swap3A_168 {strides = array<i32>} : memref<16x144xf32, #tpu.memory_space<vmem>>, vector<1x16xf32>,
    %swap3A_169 = arith.constant 3 : i32
    %swap3A_170 = arith.index_cast %swap3A_169 : i32 to index
    %swap3A_171 = arith.constant 16 : index
    %swap3A_172 = tpu.vector_load %arg11[%swap3A_170, %swap3A_171] {strides = array<i32>} : memref<16x144xf32, #tpu.memory_space<vmem>>, vector<1x16xf32>,
    %swap3A_173 = vector.shape_cast %swap3A_172 : vector<1x16xf32> to vector<16xf32>
    %swap3A_174 = vector.shape_cast %broadcast_in_dim3A_1 : vector<16xf32> to vector<1x16xf32>
    tpu.vector_store %arg11[%swap3A_170, %swap3A_171], %swap3A_174 {strides = array<i32>} : memref<16x144xf32, #tpu.memory_space<vmem>>, vector<1x16xf32>,
    %swap3A_175 = arith.constant 3 : i32
    %swap3A_176 = arith.index_cast %swap3A_175 : i32 to index
    %swap3A_177 = arith.constant 32 : index
    %swap3A_178 = tpu.vector_load %arg11[%swap3A_176, %swap3A_177] {strides = array<i32>} : memref<16x144xf32, #tpu.memory_space<vmem>>, vector<1x16xf32>,
    %swap3A_179 = vector.shape_cast %swap3A_178 : vector<1x16xf32> to vector<16xf32>
    %swap3A_180 = vector.shape_cast %broadcast_in_dim3A_1 : vector<16xf32> to vector<1x16xf32>
    tpu.vector_store %arg11[%swap3A_176, %swap3A_177], %swap3A_180 {strides = array<i32>} : memref<16x144xf32, #tpu.memory_space<vmem>>, vector<1x16xf32>,
    %swap3A_181 = arith.constant 3 : i32
    %swap3A_182 = arith.index_cast %swap3A_181 : i32 to index
    %swap3A_183 = arith.constant 48 : index
    %swap3A_184 = tpu.vector_load %arg11[%swap3A_182, %swap3A_183] {strides = array<i32>} : memref<16x144xf32, #tpu.memory_space<vmem>>, vector<1x16xf32>,
    %swap3A_185 = vector.shape_cast %swap3A_184 : vector<1x16xf32> to vector<16xf32>
    %swap3A_186 = vector.shape_cast %broadcast_in_dim3A_1 : vector<16xf32> to vector<1x16xf32>
    tpu.vector_store %arg11[%swap3A_182, %swap3A_183], %swap3A_186 {strides = array<i32>} : memref<16x144xf32, #tpu.memory_space<vmem>>, vector<1x16xf32>,
    %swap3A_187 = arith.constant 3 : i32
    %swap3A_188 = arith.index_cast %swap3A_187 : i32 to index
    %swap3A_189 = arith.constant 64 : index
    %swap3A_190 = tpu.vector_load %arg11[%swap3A_188, %swap3A_189] {strides = array<i32>} : memref<16x144xf32, #tpu.memory_space<vmem>>, vector<1x16xf32>,
    %swap3A_191 = vector.shape_cast %swap3A_190 : vector<1x16xf32> to vector<16xf32>
    %swap3A_192 = vector.shape_cast %broadcast_in_dim3A_1 : vector<16xf32> to vector<1x16xf32>
    tpu.vector_store %arg11[%swap3A_188, %swap3A_189], %swap3A_192 {strides = array<i32>} : memref<16x144xf32, #tpu.memory_space<vmem>>, vector<1x16xf32>,
    %swap3A_193 = arith.constant 3 : i32
    %swap3A_194 = arith.index_cast %swap3A_193 : i32 to index
    %swap3A_195 = arith.constant 80 : index
    %swap3A_196 = tpu.vector_load %arg11[%swap3A_194, %swap3A_195] {strides = array<i32>} : memref<16x144xf32, #tpu.memory_space<vmem>>, vector<1x16xf32>,
    %swap3A_197 = vector.shape_cast %swap3A_196 : vector<1x16xf32> to vector<16xf32>
    %swap3A_198 = vector.shape_cast %broadcast_in_dim3A_1 : vector<16xf32> to vector<1x16xf32>
    tpu.vector_store %arg11[%swap3A_194, %swap3A_195], %swap3A_198 {strides = array<i32>} : memref<16x144xf32, #tpu.memory_space<vmem>>, vector<1x16xf32>,
    %swap3A_199 = arith.constant 3 : i32
    %swap3A_200 = arith.index_cast %swap3A_199 : i32 to index
    %swap3A_201 = arith.constant 96 : index
    %swap3A_202 = tpu.vector_load %arg11[%swap3A_200, %swap3A_201] {strides = array<i32>} : memref<16x144xf32, #tpu.memory_space<vmem>>, vector<1x16xf32>,
    %swap3A_203 = vector.shape_cast %swap3A_202 : vector<1x16xf32> to vector<16xf32>
    %swap3A_204 = vector.shape_cast %broadcast_in_dim3A_1 : vector<16xf32> to vector<1x16xf32>
    tpu.vector_store %arg11[%swap3A_200, %swap3A_201], %swap3A_204 {strides = array<i32>} : memref<16x144xf32, #tpu.memory_space<vmem>>, vector<1x16xf32>,
    %swap3A_205 = arith.constant 3 : i32
    %swap3A_206 = arith.index_cast %swap3A_205 : i32 to index
    %swap3A_207 = arith.constant 112 : index
    %swap3A_208 = tpu.vector_load %arg11[%swap3A_206, %swap3A_207] {strides = array<i32>} : memref<16x144xf32, #tpu.memory_space<vmem>>, vector<1x16xf32>,
    %swap3A_209 = vector.shape_cast %swap3A_208 : vector<1x16xf32> to vector<16xf32>
    %swap3A_210 = vector.shape_cast %broadcast_in_dim3A_1 : vector<16xf32> to vector<1x16xf32>
    tpu.vector_store %arg11[%swap3A_206, %swap3A_207], %swap3A_210 {strides = array<i32>} : memref<16x144xf32, #tpu.memory_space<vmem>>, vector<1x16xf32>,
    %swap3A_211 = arith.constant 3 : i32
    %swap3A_212 = arith.index_cast %swap3A_211 : i32 to index
    %swap3A_213 = arith.constant 128 : index
    %swap3A_214 = tpu.vector_load %arg11[%swap3A_212, %swap3A_213] {strides = array<i32>} : memref<16x144xf32, #tpu.memory_space<vmem>>, vector<1x16xf32>,
    %swap3A_215 = vector.shape_cast %swap3A_214 : vector<1x16xf32> to vector<16xf32>
    %swap3A_216 = vector.shape_cast %broadcast_in_dim3A_1 : vector<16xf32> to vector<1x16xf32>
    tpu.vector_store %arg11[%swap3A_212, %swap3A_213], %swap3A_216 {strides = array<i32>} : memref<16x144xf32, #tpu.memory_space<vmem>>, vector<1x16xf32>,
    %swap3A_217 = arith.constant 4 : i32
    %swap3A_218 = arith.index_cast %swap3A_217 : i32 to index
    %swap3A_219 = arith.constant 0 : index
    %swap3A_220 = tpu.vector_load %arg11[%swap3A_218, %swap3A_219] {strides = array<i32>} : memref<16x144xf32, #tpu.memory_space<vmem>>, vector<1x16xf32>,
    %swap3A_221 = vector.shape_cast %swap3A_220 : vector<1x16xf32> to vector<16xf32>
    %swap3A_222 = vector.shape_cast %broadcast_in_dim3A_1 : vector<16xf32> to vector<1x16xf32>
    tpu.vector_store %arg11[%swap3A_218, %swap3A_219], %swap3A_222 {strides = array<i32>} : memref<16x144xf32, #tpu.memory_space<vmem>>, vector<1x16xf32>,
    %swap3A_223 = arith.constant 4 : i32
    %swap3A_224 = arith.index_cast %swap3A_223 : i32 to index
    %swap3A_225 = arith.constant 16 : index
    %swap3A_226 = tpu.vector_load %arg11[%swap3A_224, %swap3A_225] {strides = array<i32>} : memref<16x144xf32, #tpu.memory_space<vmem>>, vector<1x16xf32>,
    %swap3A_227 = vector.shape_cast %swap3A_226 : vector<1x16xf32> to vector<16xf32>
    %swap3A_228 = vector.shape_cast %broadcast_in_dim3A_1 : vector<16xf32> to vector<1x16xf32>
    tpu.vector_store %arg11[%swap3A_224, %swap3A_225], %swap3A_228 {strides = array<i32>} : memref<16x144xf32, #tpu.memory_space<vmem>>, vector<1x16xf32>,
    %swap3A_229 = arith.constant 4 : i32
    %swap3A_230 = arith.index_cast %swap3A_229 : i32 to index
    %swap3A_231 = arith.constant 32 : index
    %swap3A_232 = tpu.vector_load %arg11[%swap3A_230, %swap3A_231] {strides = array<i32>} : memref<16x144xf32, #tpu.memory_space<vmem>>, vector<1x16xf32>,
    %swap3A_233 = vector.shape_cast %swap3A_232 : vector<1x16xf32> to vector<16xf32>
    %swap3A_234 = vector.shape_cast %broadcast_in_dim3A_1 : vector<16xf32> to vector<1x16xf32>
    tpu.vector_store %arg11[%swap3A_230, %swap3A_231], %swap3A_234 {strides = array<i32>} : memref<16x144xf32, #tpu.memory_space<vmem>>, vector<1x16xf32>,
    %swap3A_235 = arith.constant 4 : i32
    %swap3A_236 = arith.index_cast %swap3A_235 : i32 to index
    %swap3A_237 = arith.constant 48 : index
    %swap3A_238 = tpu.vector_load %arg11[%swap3A_236, %swap3A_237] {strides = array<i32>} : memref<16x144xf32, #tpu.memory_space<vmem>>, vector<1x16xf32>,
    %swap3A_239 = vector.shape_cast %swap3A_238 : vector<1x16xf32> to vector<16xf32>
    %swap3A_240 = vector.shape_cast %broadcast_in_dim3A_1 : vector<16xf32> to vector<1x16xf32>
    tpu.vector_store %arg11[%swap3A_236, %swap3A_237], %swap3A_240 {strides = array<i32>} : memref<16x144xf32, #tpu.memory_space<vmem>>, vector<1x16xf32>,
    %swap3A_241 = arith.constant 4 : i32
    %swap3A_242 = arith.index_cast %swap3A_241 : i32 to index
    %swap3A_243 = arith.constant 64 : index
    %swap3A_244 = tpu.vector_load %arg11[%swap3A_242, %swap3A_243] {strides = array<i32>} : memref<16x144xf32, #tpu.memory_space<vmem>>, vector<1x16xf32>,
    %swap3A_245 = vector.shape_cast %swap3A_244 : vector<1x16xf32> to vector<16xf32>
    %swap3A_246 = vector.shape_cast %broadcast_in_dim3A_1 : vector<16xf32> to vector<1x16xf32>
    tpu.vector_store %arg11[%swap3A_242, %swap3A_243], %swap3A_246 {strides = array<i32>} : memref<16x144xf32, #tpu.memory_space<vmem>>, vector<1x16xf32>,
    %swap3A_247 = arith.constant 4 : i32
    %swap3A_248 = arith.index_cast %swap3A_247 : i32 to index
    %swap3A_249 = arith.constant 80 : index
    %swap3A_250 = tpu.vector_load %arg11[%swap3A_248, %swap3A_249] {strides = array<i32>} : memref<16x144xf32, #tpu.memory_space<vmem>>, vector<1x16xf32>,
    %swap3A_251 = vector.shape_cast %swap3A_250 : vector<1x16xf32> to vector<16xf32>
    %swap3A_252 = vector.shape_cast %broadcast_in_dim3A_1 : vector<16xf32> to vector<1x16xf32>
    tpu.vector_store %arg11[%swap3A_248, %swap3A_249], %swap3A_252 {strides = array<i32>} : memref<16x144xf32, #tpu.memory_space<vmem>>, vector<1x16xf32>,
    %swap3A_253 = arith.constant 4 : i32
    %swap3A_254 = arith.index_cast %swap3A_253 : i32 to index
    %swap3A_255 = arith.constant 96 : index
    %swap3A_256 = tpu.vector_load %arg11[%swap3A_254, %swap3A_255] {strides = array<i32>} : memref<16x144xf32, #tpu.memory_space<vmem>>, vector<1x16xf32>,
    %swap3A_257 = vector.shape_cast %swap3A_256 : vector<1x16xf32> to vector<16xf32>
    %swap3A_258 = vector.shape_cast %broadcast_in_dim3A_1 : vector<16xf32> to vector<1x16xf32>
    tpu.vector_store %arg11[%swap3A_254, %swap3A_255], %swap3A_258 {strides = array<i32>} : memref<16x144xf32, #tpu.memory_space<vmem>>, vector<1x16xf32>,
    %swap3A_259 = arith.constant 4 : i32
    %swap3A_260 = arith.index_cast %swap3A_259 : i32 to index
    %swap3A_261 = arith.constant 112 : index
    %swap3A_262 = tpu.vector_load %arg11[%swap3A_260, %swap3A_261] {strides = array<i32>} : memref<16x144xf32, #tpu.memory_space<vmem>>, vector<1x16xf32>,
    %swap3A_263 = vector.shape_cast %swap3A_262 : vector<1x16xf32> to vector<16xf32>
    %swap3A_264 = vector.shape_cast %broadcast_in_dim3A_1 : vector<16xf32> to vector<1x16xf32>
    tpu.vector_store %arg11[%swap3A_260, %swap3A_261], %swap3A_264 {strides = array<i32>} : memref<16x144xf32, #tpu.memory_space<vmem>>, vector<1x16xf32>,
    %swap3A_265 = arith.constant 4 : i32
    %swap3A_266 = arith.index_cast %swap3A_265 : i32 to index
    %swap3A_267 = arith.constant 128 : index
    %swap3A_268 = tpu.vector_load %arg11[%swap3A_266, %swap3A_267] {strides = array<i32>} : memref<16x144xf32, #tpu.memory_space<vmem>>, vector<1x16xf32>,
    %swap3A_269 = vector.shape_cast %swap3A_268 : vector<1x16xf32> to vector<16xf32>
    %swap3A_270 = vector.shape_cast %broadcast_in_dim3A_1 : vector<16xf32> to vector<1x16xf32>
    tpu.vector_store %arg11[%swap3A_266, %swap3A_267], %swap3A_270 {strides = array<i32>} : memref<16x144xf32, #tpu.memory_space<vmem>>, vector<1x16xf32>,
    %swap3A_271 = arith.constant 5 : i32
    %swap3A_272 = arith.index_cast %swap3A_271 : i32 to index
    %swap3A_273 = arith.constant 0 : index
    %swap3A_274 = tpu.vector_load %arg11[%swap3A_272, %swap3A_273] {strides = array<i32>} : memref<16x144xf32, #tpu.memory_space<vmem>>, vector<1x16xf32>,
    %swap3A_275 = vector.shape_cast %swap3A_274 : vector<1x16xf32> to vector<16xf32>
    %swap3A_276 = vector.shape_cast %broadcast_in_dim3A_1 : vector<16xf32> to vector<1x16xf32>
    tpu.vector_store %arg11[%swap3A_272, %swap3A_273], %swap3A_276 {strides = array<i32>} : memref<16x144xf32, #tpu.memory_space<vmem>>, vector<1x16xf32>,
    %swap3A_277 = arith.constant 5 : i32
    %swap3A_278 = arith.index_cast %swap3A_277 : i32 to index
    %swap3A_279 = arith.constant 16 : index
    %swap3A_280 = tpu.vector_load %arg11[%swap3A_278, %swap3A_279] {strides = array<i32>} : memref<16x144xf32, #tpu.memory_space<vmem>>, vector<1x16xf32>,
    %swap3A_281 = vector.shape_cast %swap3A_280 : vector<1x16xf32> to vector<16xf32>
    %swap3A_282 = vector.shape_cast %broadcast_in_dim3A_1 : vector<16xf32> to vector<1x16xf32>
    tpu.vector_store %arg11[%swap3A_278, %swap3A_279], %swap3A_282 {strides = array<i32>} : memref<16x144xf32, #tpu.memory_space<vmem>>, vector<1x16xf32>,
    %swap3A_283 = arith.constant 5 : i32
    %swap3A_284 = arith.index_cast %swap3A_283 : i32 to index
    %swap3A_285 = arith.constant 32 : index
    %swap3A_286 = tpu.vector_load %arg11[%swap3A_284, %swap3A_285] {strides = array<i32>} : memref<16x144xf32, #tpu.memory_space<vmem>>, vector<1x16xf32>,
    %swap3A_287 = vector.shape_cast %swap3A_286 : vector<1x16xf32> to vector<16xf32>
    %swap3A_288 = vector.shape_cast %broadcast_in_dim3A_1 : vector<16xf32> to vector<1x16xf32>
    tpu.vector_store %arg11[%swap3A_284, %swap3A_285], %swap3A_288 {strides = array<i32>} : memref<16x144xf32, #tpu.memory_space<vmem>>, vector<1x16xf32>,
    %swap3A_289 = arith.constant 5 : i32
    %swap3A_290 = arith.index_cast %swap3A_289 : i32 to index
    %swap3A_291 = arith.constant 48 : index
    %swap3A_292 = tpu.vector_load %arg11[%swap3A_290, %swap3A_291] {strides = array<i32>} : memref<16x144xf32, #tpu.memory_space<vmem>>, vector<1x16xf32>,
    %swap3A_293 = vector.shape_cast %swap3A_292 : vector<1x16xf32> to vector<16xf32>
    %swap3A_294 = vector.shape_cast %broadcast_in_dim3A_1 : vector<16xf32> to vector<1x16xf32>
    tpu.vector_store %arg11[%swap3A_290, %swap3A_291], %swap3A_294 {strides = array<i32>} : memref<16x144xf32, #tpu.memory_space<vmem>>, vector<1x16xf32>,
    %swap3A_295 = arith.constant 5 : i32
    %swap3A_296 = arith.index_cast %swap3A_295 : i32 to index
    %swap3A_297 = arith.constant 64 : index
    %swap3A_298 = tpu.vector_load %arg11[%swap3A_296, %swap3A_297] {strides = array<i32>} : memref<16x144xf32, #tpu.memory_space<vmem>>, vector<1x16xf32>,
    %swap3A_299 = vector.shape_cast %swap3A_298 : vector<1x16xf32> to vector<16xf32>
    %swap3A_300 = vector.shape_cast %broadcast_in_dim3A_1 : vector<16xf32> to vector<1x16xf32>
    tpu.vector_store %arg11[%swap3A_296, %swap3A_297], %swap3A_300 {strides = array<i32>} : memref<16x144xf32, #tpu.memory_space<vmem>>, vector<1x16xf32>,
    %swap3A_301 = arith.constant 5 : i32
    %swap3A_302 = arith.index_cast %swap3A_301 : i32 to index
    %swap3A_303 = arith.constant 80 : index
    %swap3A_304 = tpu.vector_load %arg11[%swap3A_302, %swap3A_303] {strides = array<i32>} : memref<16x144xf32, #tpu.memory_space<vmem>>, vector<1x16xf32>,
    %swap3A_305 = vector.shape_cast %swap3A_304 : vector<1x16xf32> to vector<16xf32>
    %swap3A_306 = vector.shape_cast %broadcast_in_dim3A_1 : vector<16xf32> to vector<1x16xf32>
    tpu.vector_store %arg11[%swap3A_302, %swap3A_303], %swap3A_306 {strides = array<i32>} : memref<16x144xf32, #tpu.memory_space<vmem>>, vector<1x16xf32>,
    %swap3A_307 = arith.constant 5 : i32
    %swap3A_308 = arith.index_cast %swap3A_307 : i32 to index
    %swap3A_309 = arith.constant 96 : index
    %swap3A_310 = tpu.vector_load %arg11[%swap3A_308, %swap3A_309] {strides = array<i32>} : memref<16x144xf32, #tpu.memory_space<vmem>>, vector<1x16xf32>,
    %swap3A_311 = vector.shape_cast %swap3A_310 : vector<1x16xf32> to vector<16xf32>
    %swap3A_312 = vector.shape_cast %broadcast_in_dim3A_1 : vector<16xf32> to vector<1x16xf32>
    tpu.vector_store %arg11[%swap3A_308, %swap3A_309], %swap3A_312 {strides = array<i32>} : memref<16x144xf32, #tpu.memory_space<vmem>>, vector<1x16xf32>,
    %swap3A_313 = arith.constant 5 : i32
    %swap3A_314 = arith.index_cast %swap3A_313 : i32 to index
    %swap3A_315 = arith.constant 112 : index
    %swap3A_316 = tpu.vector_load %arg11[%swap3A_314, %swap3A_315] {strides = array<i32>} : memref<16x144xf32, #tpu.memory_space<vmem>>, vector<1x16xf32>,
    %swap3A_317 = vector.shape_cast %swap3A_316 : vector<1x16xf32> to vector<16xf32>
    %swap3A_318 = vector.shape_cast %broadcast_in_dim3A_1 : vector<16xf32> to vector<1x16xf32>
    tpu.vector_store %arg11[%swap3A_314, %swap3A_315], %swap3A_318 {strides = array<i32>} : memref<16x144xf32, #tpu.memory_space<vmem>>, vector<1x16xf32>,
    %swap3A_319 = arith.constant 5 : i32
    %swap3A_320 = arith.index_cast %swap3A_319 : i32 to index
    %swap3A_321 = arith.constant 128 : index
    %swap3A_322 = tpu.vector_load %arg11[%swap3A_320, %swap3A_321] {strides = array<i32>} : memref<16x144xf32, #tpu.memory_space<vmem>>, vector<1x16xf32>,
    %swap3A_323 = vector.shape_cast %swap3A_322 : vector<1x16xf32> to vector<16xf32>
    %swap3A_324 = vector.shape_cast %broadcast_in_dim3A_1 : vector<16xf32> to vector<1x16xf32>
    tpu.vector_store %arg11[%swap3A_320, %swap3A_321], %swap3A_324 {strides = array<i32>} : memref<16x144xf32, #tpu.memory_space<vmem>>, vector<1x16xf32>,
    %swap3A_325 = arith.constant 6 : i32
    %swap3A_326 = arith.index_cast %swap3A_325 : i32 to index
    %swap3A_327 = arith.constant 0 : index
    %swap3A_328 = tpu.vector_load %arg11[%swap3A_326, %swap3A_327] {strides = array<i32>} : memref<16x144xf32, #tpu.memory_space<vmem>>, vector<1x16xf32>,
    %swap3A_329 = vector.shape_cast %swap3A_328 : vector<1x16xf32> to vector<16xf32>
    %swap3A_330 = vector.shape_cast %broadcast_in_dim3A_1 : vector<16xf32> to vector<1x16xf32>
    tpu.vector_store %arg11[%swap3A_326, %swap3A_327], %swap3A_330 {strides = array<i32>} : memref<16x144xf32, #tpu.memory_space<vmem>>, vector<1x16xf32>,
    %swap3A_331 = arith.constant 6 : i32
    %swap3A_332 = arith.index_cast %swap3A_331 : i32 to index
    %swap3A_333 = arith.constant 16 : index
    %swap3A_334 = tpu.vector_load %arg11[%swap3A_332, %swap3A_333] {strides = array<i32>} : memref<16x144xf32, #tpu.memory_space<vmem>>, vector<1x16xf32>,
    %swap3A_335 = vector.shape_cast %swap3A_334 : vector<1x16xf32> to vector<16xf32>
    %swap3A_336 = vector.shape_cast %broadcast_in_dim3A_1 : vector<16xf32> to vector<1x16xf32>
    tpu.vector_store %arg11[%swap3A_332, %swap3A_333], %swap3A_336 {strides = array<i32>} : memref<16x144xf32, #tpu.memory_space<vmem>>, vector<1x16xf32>,
    %swap3A_337 = arith.constant 6 : i32
    %swap3A_338 = arith.index_cast %swap3A_337 : i32 to index
    %swap3A_339 = arith.constant 32 : index
    %swap3A_340 = tpu.vector_load %arg11[%swap3A_338, %swap3A_339] {strides = array<i32>} : memref<16x144xf32, #tpu.memory_space<vmem>>, vector<1x16xf32>,
    %swap3A_341 = vector.shape_cast %swap3A_340 : vector<1x16xf32> to vector<16xf32>
    %swap3A_342 = vector.shape_cast %broadcast_in_dim3A_1 : vector<16xf32> to vector<1x16xf32>
    tpu.vector_store %arg11[%swap3A_338, %swap3A_339], %swap3A_342 {strides = array<i32>} : memref<16x144xf32, #tpu.memory_space<vmem>>, vector<1x16xf32>,
    %swap3A_343 = arith.constant 6 : i32
    %swap3A_344 = arith.index_cast %swap3A_343 : i32 to index
    %swap3A_345 = arith.constant 48 : index
    %swap3A_346 = tpu.vector_load %arg11[%swap3A_344, %swap3A_345] {strides = array<i32>} : memref<16x144xf32, #tpu.memory_space<vmem>>, vector<1x16xf32>,
    %swap3A_347 = vector.shape_cast %swap3A_346 : vector<1x16xf32> to vector<16xf32>
    %swap3A_348 = vector.shape_cast %broadcast_in_dim3A_1 : vector<16xf32> to vector<1x16xf32>
    tpu.vector_store %arg11[%swap3A_344, %swap3A_345], %swap3A_348 {strides = array<i32>} : memref<16x144xf32, #tpu.memory_space<vmem>>, vector<1x16xf32>,
    %swap3A_349 = arith.constant 6 : i32
    %swap3A_350 = arith.index_cast %swap3A_349 : i32 to index
    %swap3A_351 = arith.constant 64 : index
    %swap3A_352 = tpu.vector_load %arg11[%swap3A_350, %swap3A_351] {strides = array<i32>} : memref<16x144xf32, #tpu.memory_space<vmem>>, vector<1x16xf32>,
    %swap3A_353 = vector.shape_cast %swap3A_352 : vector<1x16xf32> to vector<16xf32>
    %swap3A_354 = vector.shape_cast %broadcast_in_dim3A_1 : vector<16xf32> to vector<1x16xf32>
    tpu.vector_store %arg11[%swap3A_350, %swap3A_351], %swap3A_354 {strides = array<i32>} : memref<16x144xf32, #tpu.memory_space<vmem>>, vector<1x16xf32>,
    %swap3A_355 = arith.constant 6 : i32
    %swap3A_356 = arith.index_cast %swap3A_355 : i32 to index
    %swap3A_357 = arith.constant 80 : index
    %swap3A_358 = tpu.vector_load %arg11[%swap3A_356, %swap3A_357] {strides = array<i32>} : memref<16x144xf32, #tpu.memory_space<vmem>>, vector<1x16xf32>,
    %swap3A_359 = vector.shape_cast %swap3A_358 : vector<1x16xf32> to vector<16xf32>
    %swap3A_360 = vector.shape_cast %broadcast_in_dim3A_1 : vector<16xf32> to vector<1x16xf32>
    tpu.vector_store %arg11[%swap3A_356, %swap3A_357], %swap3A_360 {strides = array<i32>} : memref<16x144xf32, #tpu.memory_space<vmem>>, vector<1x16xf32>,
    %swap3A_361 = arith.constant 6 : i32
    %swap3A_362 = arith.index_cast %swap3A_361 : i32 to index
    %swap3A_363 = arith.constant 96 : index
    %swap3A_364 = tpu.vector_load %arg11[%swap3A_362, %swap3A_363] {strides = array<i32>} : memref<16x144xf32, #tpu.memory_space<vmem>>, vector<1x16xf32>,
    %swap3A_365 = vector.shape_cast %swap3A_364 : vector<1x16xf32> to vector<16xf32>
    %swap3A_366 = vector.shape_cast %broadcast_in_dim3A_1 : vector<16xf32> to vector<1x16xf32>
    tpu.vector_store %arg11[%swap3A_362, %swap3A_363], %swap3A_366 {strides = array<i32>} : memref<16x144xf32, #tpu.memory_space<vmem>>, vector<1x16xf32>,
    %swap3A_367 = arith.constant 6 : i32
    %swap3A_368 = arith.index_cast %swap3A_367 : i32 to index
    %swap3A_369 = arith.constant 112 : index
    %swap3A_370 = tpu.vector_load %arg11[%swap3A_368, %swap3A_369] {strides = array<i32>} : memref<16x144xf32, #tpu.memory_space<vmem>>, vector<1x16xf32>,
    %swap3A_371 = vector.shape_cast %swap3A_370 : vector<1x16xf32> to vector<16xf32>
    %swap3A_372 = vector.shape_cast %broadcast_in_dim3A_1 : vector<16xf32> to vector<1x16xf32>
    tpu.vector_store %arg11[%swap3A_368, %swap3A_369], %swap3A_372 {strides = array<i32>} : memref<16x144xf32, #tpu.memory_space<vmem>>, vector<1x16xf32>,
    %swap3A_373 = arith.constant 6 : i32
    %swap3A_374 = arith.index_cast %swap3A_373 : i32 to index
    %swap3A_375 = arith.constant 128 : index
    %swap3A_376 = tpu.vector_load %arg11[%swap3A_374, %swap3A_375] {strides = array<i32>} : memref<16x144xf32, #tpu.memory_space<vmem>>, vector<1x16xf32>,
    %swap3A_377 = vector.shape_cast %swap3A_376 : vector<1x16xf32> to vector<16xf32>
    %swap3A_378 = vector.shape_cast %broadcast_in_dim3A_1 : vector<16xf32> to vector<1x16xf32>
    tpu.vector_store %arg11[%swap3A_374, %swap3A_375], %swap3A_378 {strides = array<i32>} : memref<16x144xf32, #tpu.memory_space<vmem>>, vector<1x16xf32>,
    %swap3A_379 = arith.constant 7 : i32
    %swap3A_380 = arith.index_cast %swap3A_379 : i32 to index
    %swap3A_381 = arith.constant 0 : index
    %swap3A_382 = tpu.vector_load %arg11[%swap3A_380, %swap3A_381] {strides = array<i32>} : memref<16x144xf32, #tpu.memory_space<vmem>>, vector<1x16xf32>,
    %swap3A_383 = vector.shape_cast %swap3A_382 : vector<1x16xf32> to vector<16xf32>
    %swap3A_384 = vector.shape_cast %broadcast_in_dim3A_1 : vector<16xf32> to vector<1x16xf32>
    tpu.vector_store %arg11[%swap3A_380, %swap3A_381], %swap3A_384 {strides = array<i32>} : memref<16x144xf32, #tpu.memory_space<vmem>>, vector<1x16xf32>,
    %swap3A_385 = arith.constant 7 : i32
    %swap3A_386 = arith.index_cast %swap3A_385 : i32 to index
    %swap3A_387 = arith.constant 16 : index
    %swap3A_388 = tpu.vector_load %arg11[%swap3A_386, %swap3A_387] {strides = array<i32>} : memref<16x144xf32, #tpu.memory_space<vmem>>, vector<1x16xf32>,
    %swap3A_389 = vector.shape_cast %swap3A_388 : vector<1x16xf32> to vector<16xf32>
    %swap3A_390 = vector.shape_cast %broadcast_in_dim3A_1 : vector<16xf32> to vector<1x16xf32>
    tpu.vector_store %arg11[%swap3A_386, %swap3A_387], %swap3A_390 {strides = array<i32>} : memref<16x144xf32, #tpu.memory_space<vmem>>, vector<1x16xf32>,
    %swap3A_391 = arith.constant 7 : i32
    %swap3A_392 = arith.index_cast %swap3A_391 : i32 to index
    %swap3A_393 = arith.constant 32 : index
    %swap3A_394 = tpu.vector_load %arg11[%swap3A_392, %swap3A_393] {strides = array<i32>} : memref<16x144xf32, #tpu.memory_space<vmem>>, vector<1x16xf32>,
    %swap3A_395 = vector.shape_cast %swap3A_394 : vector<1x16xf32> to vector<16xf32>
    %swap3A_396 = vector.shape_cast %broadcast_in_dim3A_1 : vector<16xf32> to vector<1x16xf32>
    tpu.vector_store %arg11[%swap3A_392, %swap3A_393], %swap3A_396 {strides = array<i32>} : memref<16x144xf32, #tpu.memory_space<vmem>>, vector<1x16xf32>,
    %swap3A_397 = arith.constant 7 : i32
    %swap3A_398 = arith.index_cast %swap3A_397 : i32 to index
    %swap3A_399 = arith.constant 48 : index
    %swap3A_400 = tpu.vector_load %arg11[%swap3A_398, %swap3A_399] {strides = array<i32>} : memref<16x144xf32, #tpu.memory_space<vmem>>, vector<1x16xf32>,
    %swap3A_401 = vector.shape_cast %swap3A_400 : vector<1x16xf32> to vector<16xf32>
    %swap3A_402 = vector.shape_cast %broadcast_in_dim3A_1 : vector<16xf32> to vector<1x16xf32>
    tpu.vector_store %arg11[%swap3A_398, %swap3A_399], %swap3A_402 {strides = array<i32>} : memref<16x144xf32, #tpu.memory_space<vmem>>, vector<1x16xf32>,
    %swap3A_403 = arith.constant 7 : i32
    %swap3A_404 = arith.index_cast %swap3A_403 : i32 to index
    %swap3A_405 = arith.constant 64 : index
    %swap3A_406 = tpu.vector_load %arg11[%swap3A_404, %swap3A_405] {strides = array<i32>} : memref<16x144xf32, #tpu.memory_space<vmem>>, vector<1x16xf32>,
    %swap3A_407 = vector.shape_cast %swap3A_406 : vector<1x16xf32> to vector<16xf32>
    %swap3A_408 = vector.shape_cast %broadcast_in_dim3A_1 : vector<16xf32> to vector<1x16xf32>
    tpu.vector_store %arg11[%swap3A_404, %swap3A_405], %swap3A_408 {strides = array<i32>} : memref<16x144xf32, #tpu.memory_space<vmem>>, vector<1x16xf32>,
    %swap3A_409 = arith.constant 7 : i32
    %swap3A_410 = arith.index_cast %swap3A_409 : i32 to index
    %swap3A_411 = arith.constant 80 : index
    %swap3A_412 = tpu.vector_load %arg11[%swap3A_410, %swap3A_411] {strides = array<i32>} : memref<16x144xf32, #tpu.memory_space<vmem>>, vector<1x16xf32>,
    %swap3A_413 = vector.shape_cast %swap3A_412 : vector<1x16xf32> to vector<16xf32>
    %swap3A_414 = vector.shape_cast %broadcast_in_dim3A_1 : vector<16xf32> to vector<1x16xf32>
    tpu.vector_store %arg11[%swap3A_410, %swap3A_411], %swap3A_414 {strides = array<i32>} : memref<16x144xf32, #tpu.memory_space<vmem>>, vector<1x16xf32>,
    %swap3A_415 = arith.constant 7 : i32
    %swap3A_416 = arith.index_cast %swap3A_415 : i32 to index
    %swap3A_417 = arith.constant 96 : index
    %swap3A_418 = tpu.vector_load %arg11[%swap3A_416, %swap3A_417] {strides = array<i32>} : memref<16x144xf32, #tpu.memory_space<vmem>>, vector<1x16xf32>,
    %swap3A_419 = vector.shape_cast %swap3A_418 : vector<1x16xf32> to vector<16xf32>
    %swap3A_420 = vector.shape_cast %broadcast_in_dim3A_1 : vector<16xf32> to vector<1x16xf32>
    tpu.vector_store %arg11[%swap3A_416, %swap3A_417], %swap3A_420 {strides = array<i32>} : memref<16x144xf32, #tpu.memory_space<vmem>>, vector<1x16xf32>,
    %swap3A_421 = arith.constant 7 : i32
    %swap3A_422 = arith.index_cast %swap3A_421 : i32 to index
    %swap3A_423 = arith.constant 112 : index
    %swap3A_424 = tpu.vector_load %arg11[%swap3A_422, %swap3A_423] {strides = array<i32>} : memref<16x144xf32, #tpu.memory_space<vmem>>, vector<1x16xf32>,
    %swap3A_425 = vector.shape_cast %swap3A_424 : vector<1x16xf32> to vector<16xf32>
    %swap3A_426 = vector.shape_cast %broadcast_in_dim3A_1 : vector<16xf32> to vector<1x16xf32>
    tpu.vector_store %arg11[%swap3A_422, %swap3A_423], %swap3A_426 {strides = array<i32>} : memref<16x144xf32, #tpu.memory_space<vmem>>, vector<1x16xf32>,
    %swap3A_427 = arith.constant 7 : i32
    %swap3A_428 = arith.index_cast %swap3A_427 : i32 to index
    %swap3A_429 = arith.constant 128 : index
    %swap3A_430 = tpu.vector_load %arg11[%swap3A_428, %swap3A_429] {strides = array<i32>} : memref<16x144xf32, #tpu.memory_space<vmem>>, vector<1x16xf32>,
    %swap3A_431 = vector.shape_cast %swap3A_430 : vector<1x16xf32> to vector<16xf32>
    %swap3A_432 = vector.shape_cast %broadcast_in_dim3A_1 : vector<16xf32> to vector<1x16xf32>
    tpu.vector_store %arg11[%swap3A_428, %swap3A_429], %swap3A_432 {strides = array<i32>} : memref<16x144xf32, #tpu.memory_space<vmem>>, vector<1x16xf32>,
    %swap3A_433 = arith.constant 8 : i32
    %swap3A_434 = arith.index_cast %swap3A_433 : i32 to index
    %swap3A_435 = arith.constant 0 : index
    %swap3A_436 = tpu.vector_load %arg11[%swap3A_434, %swap3A_435] {strides = array<i32>} : memref<16x144xf32, #tpu.memory_space<vmem>>, vector<1x16xf32>,
    %swap3A_437 = vector.shape_cast %swap3A_436 : vector<1x16xf32> to vector<16xf32>
    %swap3A_438 = vector.shape_cast %broadcast_in_dim3A_1 : vector<16xf32> to vector<1x16xf32>
    tpu.vector_store %arg11[%swap3A_434, %swap3A_435], %swap3A_438 {strides = array<i32>} : memref<16x144xf32, #tpu.memory_space<vmem>>, vector<1x16xf32>,
    %swap3A_439 = arith.constant 8 : i32
    %swap3A_440 = arith.index_cast %swap3A_439 : i32 to index
    %swap3A_441 = arith.constant 16 : index
    %swap3A_442 = tpu.vector_load %arg11[%swap3A_440, %swap3A_441] {strides = array<i32>} : memref<16x144xf32, #tpu.memory_space<vmem>>, vector<1x16xf32>,
    %swap3A_443 = vector.shape_cast %swap3A_442 : vector<1x16xf32> to vector<16xf32>
    %swap3A_444 = vector.shape_cast %broadcast_in_dim3A_1 : vector<16xf32> to vector<1x16xf32>
    tpu.vector_store %arg11[%swap3A_440, %swap3A_441], %swap3A_444 {strides = array<i32>} : memref<16x144xf32, #tpu.memory_space<vmem>>, vector<1x16xf32>,
    %swap3A_445 = arith.constant 8 : i32
    %swap3A_446 = arith.index_cast %swap3A_445 : i32 to index
    %swap3A_447 = arith.constant 32 : index
    %swap3A_448 = tpu.vector_load %arg11[%swap3A_446, %swap3A_447] {strides = array<i32>} : memref<16x144xf32, #tpu.memory_space<vmem>>, vector<1x16xf32>,
    %swap3A_449 = vector.shape_cast %swap3A_448 : vector<1x16xf32> to vector<16xf32>
    %swap3A_450 = vector.shape_cast %broadcast_in_dim3A_1 : vector<16xf32> to vector<1x16xf32>
    tpu.vector_store %arg11[%swap3A_446, %swap3A_447], %swap3A_450 {strides = array<i32>} : memref<16x144xf32, #tpu.memory_space<vmem>>, vector<1x16xf32>,
    %swap3A_451 = arith.constant 8 : i32
    %swap3A_452 = arith.index_cast %swap3A_451 : i32 to index
    %swap3A_453 = arith.constant 48 : index
    %swap3A_454 = tpu.vector_load %arg11[%swap3A_452, %swap3A_453] {strides = array<i32>} : memref<16x144xf32, #tpu.memory_space<vmem>>, vector<1x16xf32>,
    %swap3A_455 = vector.shape_cast %swap3A_454 : vector<1x16xf32> to vector<16xf32>
    %swap3A_456 = vector.shape_cast %broadcast_in_dim3A_1 : vector<16xf32> to vector<1x16xf32>
    tpu.vector_store %arg11[%swap3A_452, %swap3A_453], %swap3A_456 {strides = array<i32>} : memref<16x144xf32, #tpu.memory_space<vmem>>, vector<1x16xf32>,
    %swap3A_457 = arith.constant 8 : i32
    %swap3A_458 = arith.index_cast %swap3A_457 : i32 to index
    %swap3A_459 = arith.constant 64 : index
    %swap3A_460 = tpu.vector_load %arg11[%swap3A_458, %swap3A_459] {strides = array<i32>} : memref<16x144xf32, #tpu.memory_space<vmem>>, vector<1x16xf32>,
    %swap3A_461 = vector.shape_cast %swap3A_460 : vector<1x16xf32> to vector<16xf32>
    %swap3A_462 = vector.shape_cast %broadcast_in_dim3A_1 : vector<16xf32> to vector<1x16xf32>
    tpu.vector_store %arg11[%swap3A_458, %swap3A_459], %swap3A_462 {strides = array<i32>} : memref<16x144xf32, #tpu.memory_space<vmem>>, vector<1x16xf32>,
    %swap3A_463 = arith.constant 8 : i32
    %swap3A_464 = arith.index_cast %swap3A_463 : i32 to index
    %swap3A_465 = arith.constant 80 : index
    %swap3A_466 = tpu.vector_load %arg11[%swap3A_464, %swap3A_465] {strides = array<i32>} : memref<16x144xf32, #tpu.memory_space<vmem>>, vector<1x16xf32>,
    %swap3A_467 = vector.shape_cast %swap3A_466 : vector<1x16xf32> to vector<16xf32>
    %swap3A_468 = vector.shape_cast %broadcast_in_dim3A_1 : vector<16xf32> to vector<1x16xf32>
    tpu.vector_store %arg11[%swap3A_464, %swap3A_465], %swap3A_468 {strides = array<i32>} : memref<16x144xf32, #tpu.memory_space<vmem>>, vector<1x16xf32>,
    %swap3A_469 = arith.constant 8 : i32
    %swap3A_470 = arith.index_cast %swap3A_469 : i32 to index
    %swap3A_471 = arith.constant 96 : index
    %swap3A_472 = tpu.vector_load %arg11[%swap3A_470, %swap3A_471] {strides = array<i32>} : memref<16x144xf32, #tpu.memory_space<vmem>>, vector<1x16xf32>,
    %swap3A_473 = vector.shape_cast %swap3A_472 : vector<1x16xf32> to vector<16xf32>
    %swap3A_474 = vector.shape_cast %broadcast_in_dim3A_1 : vector<16xf32> to vector<1x16xf32>
    tpu.vector_store %arg11[%swap3A_470, %swap3A_471], %swap3A_474 {strides = array<i32>} : memref<16x144xf32, #tpu.memory_space<vmem>>, vector<1x16xf32>,
    %swap3A_475 = arith.constant 8 : i32
    %swap3A_476 = arith.index_cast %swap3A_475 : i32 to index
    %swap3A_477 = arith.constant 112 : index
    %swap3A_478 = tpu.vector_load %arg11[%swap3A_476, %swap3A_477] {strides = array<i32>} : memref<16x144xf32, #tpu.memory_space<vmem>>, vector<1x16xf32>,
    %swap3A_479 = vector.shape_cast %swap3A_478 : vector<1x16xf32> to vector<16xf32>
    %swap3A_480 = vector.shape_cast %broadcast_in_dim3A_1 : vector<16xf32> to vector<1x16xf32>
    tpu.vector_store %arg11[%swap3A_476, %swap3A_477], %swap3A_480 {strides = array<i32>} : memref<16x144xf32, #tpu.memory_space<vmem>>, vector<1x16xf32>,
    %swap3A_481 = arith.constant 8 : i32
    %swap3A_482 = arith.index_cast %swap3A_481 : i32 to index
    %swap3A_483 = arith.constant 128 : index
    %swap3A_484 = tpu.vector_load %arg11[%swap3A_482, %swap3A_483] {strides = array<i32>} : memref<16x144xf32, #tpu.memory_space<vmem>>, vector<1x16xf32>,
    %swap3A_485 = vector.shape_cast %swap3A_484 : vector<1x16xf32> to vector<16xf32>
    %swap3A_486 = vector.shape_cast %broadcast_in_dim3A_1 : vector<16xf32> to vector<1x16xf32>
    tpu.vector_store %arg11[%swap3A_482, %swap3A_483], %swap3A_486 {strides = array<i32>} : memref<16x144xf32, #tpu.memory_space<vmem>>, vector<1x16xf32>,
    %swap3A_487 = arith.constant 9 : i32
    %swap3A_488 = arith.index_cast %swap3A_487 : i32 to index
    %swap3A_489 = arith.constant 0 : index
    %swap3A_490 = tpu.vector_load %arg11[%swap3A_488, %swap3A_489] {strides = array<i32>} : memref<16x144xf32, #tpu.memory_space<vmem>>, vector<1x16xf32>,
    %swap3A_491 = vector.shape_cast %swap3A_490 : vector<1x16xf32> to vector<16xf32>
    %swap3A_492 = vector.shape_cast %broadcast_in_dim3A_1 : vector<16xf32> to vector<1x16xf32>
    tpu.vector_store %arg11[%swap3A_488, %swap3A_489], %swap3A_492 {strides = array<i32>} : memref<16x144xf32, #tpu.memory_space<vmem>>, vector<1x16xf32>,
    %swap3A_493 = arith.constant 9 : i32
    %swap3A_494 = arith.index_cast %swap3A_493 : i32 to index
    %swap3A_495 = arith.constant 16 : index
    %swap3A_496 = tpu.vector_load %arg11[%swap3A_494, %swap3A_495] {strides = array<i32>} : memref<16x144xf32, #tpu.memory_space<vmem>>, vector<1x16xf32>,
    %swap3A_497 = vector.shape_cast %swap3A_496 : vector<1x16xf32> to vector<16xf32>
    %swap3A_498 = vector.shape_cast %broadcast_in_dim3A_1 : vector<16xf32> to vector<1x16xf32>
    tpu.vector_store %arg11[%swap3A_494, %swap3A_495], %swap3A_498 {strides = array<i32>} : memref<16x144xf32, #tpu.memory_space<vmem>>, vector<1x16xf32>,
    %swap3A_499 = arith.constant 9 : i32
    %swap3A_500 = arith.index_cast %swap3A_499 : i32 to index
    %swap3A_501 = arith.constant 32 : index
    %swap3A_502 = tpu.vector_load %arg11[%swap3A_500, %swap3A_501] {strides = array<i32>} : memref<16x144xf32, #tpu.memory_space<vmem>>, vector<1x16xf32>,
    %swap3A_503 = vector.shape_cast %swap3A_502 : vector<1x16xf32> to vector<16xf32>
    %swap3A_504 = vector.shape_cast %broadcast_in_dim3A_1 : vector<16xf32> to vector<1x16xf32>
    tpu.vector_store %arg11[%swap3A_500, %swap3A_501], %swap3A_504 {strides = array<i32>} : memref<16x144xf32, #tpu.memory_space<vmem>>, vector<1x16xf32>,
    %swap3A_505 = arith.constant 9 : i32
    %swap3A_506 = arith.index_cast %swap3A_505 : i32 to index
    %swap3A_507 = arith.constant 48 : index
    %swap3A_508 = tpu.vector_load %arg11[%swap3A_506, %swap3A_507] {strides = array<i32>} : memref<16x144xf32, #tpu.memory_space<vmem>>, vector<1x16xf32>,
    %swap3A_509 = vector.shape_cast %swap3A_508 : vector<1x16xf32> to vector<16xf32>
    %swap3A_510 = vector.shape_cast %broadcast_in_dim3A_1 : vector<16xf32> to vector<1x16xf32>
    tpu.vector_store %arg11[%swap3A_506, %swap3A_507], %swap3A_510 {strides = array<i32>} : memref<16x144xf32, #tpu.memory_space<vmem>>, vector<1x16xf32>,
    %swap3A_511 = arith.constant 9 : i32
    %swap3A_512 = arith.index_cast %swap3A_511 : i32 to index
    %swap3A_513 = arith.constant 64 : index
    %swap3A_514 = tpu.vector_load %arg11[%swap3A_512, %swap3A_513] {strides = array<i32>} : memref<16x144xf32, #tpu.memory_space<vmem>>, vector<1x16xf32>,
    %swap3A_515 = vector.shape_cast %swap3A_514 : vector<1x16xf32> to vector<16xf32>
    %swap3A_516 = vector.shape_cast %broadcast_in_dim3A_1 : vector<16xf32> to vector<1x16xf32>
    tpu.vector_store %arg11[%swap3A_512, %swap3A_513], %swap3A_516 {strides = array<i32>} : memref<16x144xf32, #tpu.memory_space<vmem>>, vector<1x16xf32>,
    %swap3A_517 = arith.constant 9 : i32
    %swap3A_518 = arith.index_cast %swap3A_517 : i32 to index
    %swap3A_519 = arith.constant 80 : index
    %swap3A_520 = tpu.vector_load %arg11[%swap3A_518, %swap3A_519] {strides = array<i32>} : memref<16x144xf32, #tpu.memory_space<vmem>>, vector<1x16xf32>,
    %swap3A_521 = vector.shape_cast %swap3A_520 : vector<1x16xf32> to vector<16xf32>
    %swap3A_522 = vector.shape_cast %broadcast_in_dim3A_1 : vector<16xf32> to vector<1x16xf32>
    tpu.vector_store %arg11[%swap3A_518, %swap3A_519], %swap3A_522 {strides = array<i32>} : memref<16x144xf32, #tpu.memory_space<vmem>>, vector<1x16xf32>,
    %swap3A_523 = arith.constant 9 : i32
    %swap3A_524 = arith.index_cast %swap3A_523 : i32 to index
    %swap3A_525 = arith.constant 96 : index
    %swap3A_526 = tpu.vector_load %arg11[%swap3A_524, %swap3A_525] {strides = array<i32>} : memref<16x144xf32, #tpu.memory_space<vmem>>, vector<1x16xf32>,
    %swap3A_527 = vector.shape_cast %swap3A_526 : vector<1x16xf32> to vector<16xf32>
    %swap3A_528 = vector.shape_cast %broadcast_in_dim3A_1 : vector<16xf32> to vector<1x16xf32>
    tpu.vector_store %arg11[%swap3A_524, %swap3A_525], %swap3A_528 {strides = array<i32>} : memref<16x144xf32, #tpu.memory_space<vmem>>, vector<1x16xf32>,
    %swap3A_529 = arith.constant 9 : i32
    %swap3A_530 = arith.index_cast %swap3A_529 : i32 to index
    %swap3A_531 = arith.constant 112 : index
    %swap3A_532 = tpu.vector_load %arg11[%swap3A_530, %swap3A_531] {strides = array<i32>} : memref<16x144xf32, #tpu.memory_space<vmem>>, vector<1x16xf32>,
    %swap3A_533 = vector.shape_cast %swap3A_532 : vector<1x16xf32> to vector<16xf32>
    %swap3A_534 = vector.shape_cast %broadcast_in_dim3A_1 : vector<16xf32> to vector<1x16xf32>
    tpu.vector_store %arg11[%swap3A_530, %swap3A_531], %swap3A_534 {strides = array<i32>} : memref<16x144xf32, #tpu.memory_space<vmem>>, vector<1x16xf32>,
    %swap3A_535 = arith.constant 9 : i32
    %swap3A_536 = arith.index_cast %swap3A_535 : i32 to index
    %swap3A_537 = arith.constant 128 : index
    %swap3A_538 = tpu.vector_load %arg11[%swap3A_536, %swap3A_537] {strides = array<i32>} : memref<16x144xf32, #tpu.memory_space<vmem>>, vector<1x16xf32>,
    %swap3A_539 = vector.shape_cast %swap3A_538 : vector<1x16xf32> to vector<16xf32>
    %swap3A_540 = vector.shape_cast %broadcast_in_dim3A_1 : vector<16xf32> to vector<1x16xf32>
    tpu.vector_store %arg11[%swap3A_536, %swap3A_537], %swap3A_540 {strides = array<i32>} : memref<16x144xf32, #tpu.memory_space<vmem>>, vector<1x16xf32>,
    %swap3A_541 = arith.constant 10 : i32
    %swap3A_542 = arith.index_cast %swap3A_541 : i32 to index
    %swap3A_543 = arith.constant 0 : index
    %swap3A_544 = tpu.vector_load %arg11[%swap3A_542, %swap3A_543] {strides = array<i32>} : memref<16x144xf32, #tpu.memory_space<vmem>>, vector<1x16xf32>,
    %swap3A_545 = vector.shape_cast %swap3A_544 : vector<1x16xf32> to vector<16xf32>
    %swap3A_546 = vector.shape_cast %broadcast_in_dim3A_1 : vector<16xf32> to vector<1x16xf32>
    tpu.vector_store %arg11[%swap3A_542, %swap3A_543], %swap3A_546 {strides = array<i32>} : memref<16x144xf32, #tpu.memory_space<vmem>>, vector<1x16xf32>,
    %swap3A_547 = arith.constant 10 : i32
    %swap3A_548 = arith.index_cast %swap3A_547 : i32 to index
    %swap3A_549 = arith.constant 16 : index
    %swap3A_550 = tpu.vector_load %arg11[%swap3A_548, %swap3A_549] {strides = array<i32>} : memref<16x144xf32, #tpu.memory_space<vmem>>, vector<1x16xf32>,
    %swap3A_551 = vector.shape_cast %swap3A_550 : vector<1x16xf32> to vector<16xf32>
    %swap3A_552 = vector.shape_cast %broadcast_in_dim3A_1 : vector<16xf32> to vector<1x16xf32>
    tpu.vector_store %arg11[%swap3A_548, %swap3A_549], %swap3A_552 {strides = array<i32>} : memref<16x144xf32, #tpu.memory_space<vmem>>, vector<1x16xf32>,
    %swap3A_553 = arith.constant 10 : i32
    %swap3A_554 = arith.index_cast %swap3A_553 : i32 to index
    %swap3A_555 = arith.constant 32 : index
    %swap3A_556 = tpu.vector_load %arg11[%swap3A_554, %swap3A_555] {strides = array<i32>} : memref<16x144xf32, #tpu.memory_space<vmem>>, vector<1x16xf32>,
    %swap3A_557 = vector.shape_cast %swap3A_556 : vector<1x16xf32> to vector<16xf32>
    %swap3A_558 = vector.shape_cast %broadcast_in_dim3A_1 : vector<16xf32> to vector<1x16xf32>
    tpu.vector_store %arg11[%swap3A_554, %swap3A_555], %swap3A_558 {strides = array<i32>} : memref<16x144xf32, #tpu.memory_space<vmem>>, vector<1x16xf32>,
    %swap3A_559 = arith.constant 10 : i32
    %swap3A_560 = arith.index_cast %swap3A_559 : i32 to index
    %swap3A_561 = arith.constant 48 : index
    %swap3A_562 = tpu.vector_load %arg11[%swap3A_560, %swap3A_561] {strides = array<i32>} : memref<16x144xf32, #tpu.memory_space<vmem>>, vector<1x16xf32>,
    %swap3A_563 = vector.shape_cast %swap3A_562 : vector<1x16xf32> to vector<16xf32>
    %swap3A_564 = vector.shape_cast %broadcast_in_dim3A_1 : vector<16xf32> to vector<1x16xf32>
    tpu.vector_store %arg11[%swap3A_560, %swap3A_561], %swap3A_564 {strides = array<i32>} : memref<16x144xf32, #tpu.memory_space<vmem>>, vector<1x16xf32>,
    %swap3A_565 = arith.constant 10 : i32
    %swap3A_566 = arith.index_cast %swap3A_565 : i32 to index
    %swap3A_567 = arith.constant 64 : index
    %swap3A_568 = tpu.vector_load %arg11[%swap3A_566, %swap3A_567] {strides = array<i32>} : memref<16x144xf32, #tpu.memory_space<vmem>>, vector<1x16xf32>,
    %swap3A_569 = vector.shape_cast %swap3A_568 : vector<1x16xf32> to vector<16xf32>
    %swap3A_570 = vector.shape_cast %broadcast_in_dim3A_1 : vector<16xf32> to vector<1x16xf32>
    tpu.vector_store %arg11[%swap3A_566, %swap3A_567], %swap3A_570 {strides = array<i32>} : memref<16x144xf32, #tpu.memory_space<vmem>>, vector<1x16xf32>,
    %swap3A_571 = arith.constant 10 : i32
    %swap3A_572 = arith.index_cast %swap3A_571 : i32 to index
    %swap3A_573 = arith.constant 80 : index
    %swap3A_574 = tpu.vector_load %arg11[%swap3A_572, %swap3A_573] {strides = array<i32>} : memref<16x144xf32, #tpu.memory_space<vmem>>, vector<1x16xf32>,
    %swap3A_575 = vector.shape_cast %swap3A_574 : vector<1x16xf32> to vector<16xf32>
    %swap3A_576 = vector.shape_cast %broadcast_in_dim3A_1 : vector<16xf32> to vector<1x16xf32>
    tpu.vector_store %arg11[%swap3A_572, %swap3A_573], %swap3A_576 {strides = array<i32>} : memref<16x144xf32, #tpu.memory_space<vmem>>, vector<1x16xf32>,
    %swap3A_577 = arith.constant 10 : i32
    %swap3A_578 = arith.index_cast %swap3A_577 : i32 to index
    %swap3A_579 = arith.constant 96 : index
    %swap3A_580 = tpu.vector_load %arg11[%swap3A_578, %swap3A_579] {strides = array<i32>} : memref<16x144xf32, #tpu.memory_space<vmem>>, vector<1x16xf32>,
    %swap3A_581 = vector.shape_cast %swap3A_580 : vector<1x16xf32> to vector<16xf32>
    %swap3A_582 = vector.shape_cast %broadcast_in_dim3A_1 : vector<16xf32> to vector<1x16xf32>
    tpu.vector_store %arg11[%swap3A_578, %swap3A_579], %swap3A_582 {strides = array<i32>} : memref<16x144xf32, #tpu.memory_space<vmem>>, vector<1x16xf32>,
    %swap3A_583 = arith.constant 10 : i32
    %swap3A_584 = arith.index_cast %swap3A_583 : i32 to index
    %swap3A_585 = arith.constant 112 : index
    %swap3A_586 = tpu.vector_load %arg11[%swap3A_584, %swap3A_585] {strides = array<i32>} : memref<16x144xf32, #tpu.memory_space<vmem>>, vector<1x16xf32>,
    %swap3A_587 = vector.shape_cast %swap3A_586 : vector<1x16xf32> to vector<16xf32>
    %swap3A_588 = vector.shape_cast %broadcast_in_dim3A_1 : vector<16xf32> to vector<1x16xf32>
    tpu.vector_store %arg11[%swap3A_584, %swap3A_585], %swap3A_588 {strides = array<i32>} : memref<16x144xf32, #tpu.memory_space<vmem>>, vector<1x16xf32>,
    %swap3A_589 = arith.constant 10 : i32
    %swap3A_590 = arith.index_cast %swap3A_589 : i32 to index
    %swap3A_591 = arith.constant 128 : index
    %swap3A_592 = tpu.vector_load %arg11[%swap3A_590, %swap3A_591] {strides = array<i32>} : memref<16x144xf32, #tpu.memory_space<vmem>>, vector<1x16xf32>,
    %swap3A_593 = vector.shape_cast %swap3A_592 : vector<1x16xf32> to vector<16xf32>
    %swap3A_594 = vector.shape_cast %broadcast_in_dim3A_1 : vector<16xf32> to vector<1x16xf32>
    tpu.vector_store %arg11[%swap3A_590, %swap3A_591], %swap3A_594 {strides = array<i32>} : memref<16x144xf32, #tpu.memory_space<vmem>>, vector<1x16xf32>,
    %swap3A_595 = arith.constant 11 : i32
    %swap3A_596 = arith.index_cast %swap3A_595 : i32 to index
    %swap3A_597 = arith.constant 0 : index
    %swap3A_598 = tpu.vector_load %arg11[%swap3A_596, %swap3A_597] {strides = array<i32>} : memref<16x144xf32, #tpu.memory_space<vmem>>, vector<1x16xf32>,
    %swap3A_599 = vector.shape_cast %swap3A_598 : vector<1x16xf32> to vector<16xf32>
    %swap3A_600 = vector.shape_cast %broadcast_in_dim3A_1 : vector<16xf32> to vector<1x16xf32>
    tpu.vector_store %arg11[%swap3A_596, %swap3A_597], %swap3A_600 {strides = array<i32>} : memref<16x144xf32, #tpu.memory_space<vmem>>, vector<1x16xf32>,
    %swap3A_601 = arith.constant 11 : i32
    %swap3A_602 = arith.index_cast %swap3A_601 : i32 to index
    %swap3A_603 = arith.constant 16 : index
    %swap3A_604 = tpu.vector_load %arg11[%swap3A_602, %swap3A_603] {strides = array<i32>} : memref<16x144xf32, #tpu.memory_space<vmem>>, vector<1x16xf32>,
    %swap3A_605 = vector.shape_cast %swap3A_604 : vector<1x16xf32> to vector<16xf32>
    %swap3A_606 = vector.shape_cast %broadcast_in_dim3A_1 : vector<16xf32> to vector<1x16xf32>
    tpu.vector_store %arg11[%swap3A_602, %swap3A_603], %swap3A_606 {strides = array<i32>} : memref<16x144xf32, #tpu.memory_space<vmem>>, vector<1x16xf32>,
    %swap3A_607 = arith.constant 11 : i32
    %swap3A_608 = arith.index_cast %swap3A_607 : i32 to index
    %swap3A_609 = arith.constant 32 : index
    %swap3A_610 = tpu.vector_load %arg11[%swap3A_608, %swap3A_609] {strides = array<i32>} : memref<16x144xf32, #tpu.memory_space<vmem>>, vector<1x16xf32>,
    %swap3A_611 = vector.shape_cast %swap3A_610 : vector<1x16xf32> to vector<16xf32>
    %swap3A_612 = vector.shape_cast %broadcast_in_dim3A_1 : vector<16xf32> to vector<1x16xf32>
    tpu.vector_store %arg11[%swap3A_608, %swap3A_609], %swap3A_612 {strides = array<i32>} : memref<16x144xf32, #tpu.memory_space<vmem>>, vector<1x16xf32>,
    %swap3A_613 = arith.constant 11 : i32
    %swap3A_614 = arith.index_cast %swap3A_613 : i32 to index
    %swap3A_615 = arith.constant 48 : index
    %swap3A_616 = tpu.vector_load %arg11[%swap3A_614, %swap3A_615] {strides = array<i32>} : memref<16x144xf32, #tpu.memory_space<vmem>>, vector<1x16xf32>,
    %swap3A_617 = vector.shape_cast %swap3A_616 : vector<1x16xf32> to vector<16xf32>
    %swap3A_618 = vector.shape_cast %broadcast_in_dim3A_1 : vector<16xf32> to vector<1x16xf32>
    tpu.vector_store %arg11[%swap3A_614, %swap3A_615], %swap3A_618 {strides = array<i32>} : memref<16x144xf32, #tpu.memory_space<vmem>>, vector<1x16xf32>,
    %swap3A_619 = arith.constant 11 : i32
    %swap3A_620 = arith.index_cast %swap3A_619 : i32 to index
    %swap3A_621 = arith.constant 64 : index
    %swap3A_622 = tpu.vector_load %arg11[%swap3A_620, %swap3A_621] {strides = array<i32>} : memref<16x144xf32, #tpu.memory_space<vmem>>, vector<1x16xf32>,
    %swap3A_623 = vector.shape_cast %swap3A_622 : vector<1x16xf32> to vector<16xf32>
    %swap3A_624 = vector.shape_cast %broadcast_in_dim3A_1 : vector<16xf32> to vector<1x16xf32>
    tpu.vector_store %arg11[%swap3A_620, %swap3A_621], %swap3A_624 {strides = array<i32>} : memref<16x144xf32, #tpu.memory_space<vmem>>, vector<1x16xf32>,
    %swap3A_625 = arith.constant 11 : i32
    %swap3A_626 = arith.index_cast %swap3A_625 : i32 to index
    %swap3A_627 = arith.constant 80 : index
    %swap3A_628 = tpu.vector_load %arg11[%swap3A_626, %swap3A_627] {strides = array<i32>} : memref<16x144xf32, #tpu.memory_space<vmem>>, vector<1x16xf32>,
    %swap3A_629 = vector.shape_cast %swap3A_628 : vector<1x16xf32> to vector<16xf32>
    %swap3A_630 = vector.shape_cast %broadcast_in_dim3A_1 : vector<16xf32> to vector<1x16xf32>
    tpu.vector_store %arg11[%swap3A_626, %swap3A_627], %swap3A_630 {strides = array<i32>} : memref<16x144xf32, #tpu.memory_space<vmem>>, vector<1x16xf32>,
    %swap3A_631 = arith.constant 11 : i32
    %swap3A_632 = arith.index_cast %swap3A_631 : i32 to index
    %swap3A_633 = arith.constant 96 : index
    %swap3A_634 = tpu.vector_load %arg11[%swap3A_632, %swap3A_633] {strides = array<i32>} : memref<16x144xf32, #tpu.memory_space<vmem>>, vector<1x16xf32>,
    %swap3A_635 = vector.shape_cast %swap3A_634 : vector<1x16xf32> to vector<16xf32>
    %swap3A_636 = vector.shape_cast %broadcast_in_dim3A_1 : vector<16xf32> to vector<1x16xf32>
    tpu.vector_store %arg11[%swap3A_632, %swap3A_633], %swap3A_636 {strides = array<i32>} : memref<16x144xf32, #tpu.memory_space<vmem>>, vector<1x16xf32>,
    %swap3A_637 = arith.constant 11 : i32
    %swap3A_638 = arith.index_cast %swap3A_637 : i32 to index
    %swap3A_639 = arith.constant 112 : index
    %swap3A_640 = tpu.vector_load %arg11[%swap3A_638, %swap3A_639] {strides = array<i32>} : memref<16x144xf32, #tpu.memory_space<vmem>>, vector<1x16xf32>,
    %swap3A_641 = vector.shape_cast %swap3A_640 : vector<1x16xf32> to vector<16xf32>
    %swap3A_642 = vector.shape_cast %broadcast_in_dim3A_1 : vector<16xf32> to vector<1x16xf32>
    tpu.vector_store %arg11[%swap3A_638, %swap3A_639], %swap3A_642 {strides = array<i32>} : memref<16x144xf32, #tpu.memory_space<vmem>>, vector<1x16xf32>,
    %swap3A_643 = arith.constant 11 : i32
    %swap3A_644 = arith.index_cast %swap3A_643 : i32 to index
    %swap3A_645 = arith.constant 128 : index
    %swap3A_646 = tpu.vector_load %arg11[%swap3A_644, %swap3A_645] {strides = array<i32>} : memref<16x144xf32, #tpu.memory_space<vmem>>, vector<1x16xf32>,
    %swap3A_647 = vector.shape_cast %swap3A_646 : vector<1x16xf32> to vector<16xf32>
    %swap3A_648 = vector.shape_cast %broadcast_in_dim3A_1 : vector<16xf32> to vector<1x16xf32>
    tpu.vector_store %arg11[%swap3A_644, %swap3A_645], %swap3A_648 {strides = array<i32>} : memref<16x144xf32, #tpu.memory_space<vmem>>, vector<1x16xf32>,
    %swap3A_649 = arith.constant 12 : i32
    %swap3A_650 = arith.index_cast %swap3A_649 : i32 to index
    %swap3A_651 = arith.constant 0 : index
    %swap3A_652 = tpu.vector_load %arg11[%swap3A_650, %swap3A_651] {strides = array<i32>} : memref<16x144xf32, #tpu.memory_space<vmem>>, vector<1x16xf32>,
    %swap3A_653 = vector.shape_cast %swap3A_652 : vector<1x16xf32> to vector<16xf32>
    %swap3A_654 = vector.shape_cast %broadcast_in_dim3A_1 : vector<16xf32> to vector<1x16xf32>
    tpu.vector_store %arg11[%swap3A_650, %swap3A_651], %swap3A_654 {strides = array<i32>} : memref<16x144xf32, #tpu.memory_space<vmem>>, vector<1x16xf32>,
    %swap3A_655 = arith.constant 12 : i32
    %swap3A_656 = arith.index_cast %swap3A_655 : i32 to index
    %swap3A_657 = arith.constant 16 : index
    %swap3A_658 = tpu.vector_load %arg11[%swap3A_656, %swap3A_657] {strides = array<i32>} : memref<16x144xf32, #tpu.memory_space<vmem>>, vector<1x16xf32>,
    %swap3A_659 = vector.shape_cast %swap3A_658 : vector<1x16xf32> to vector<16xf32>
    %swap3A_660 = vector.shape_cast %broadcast_in_dim3A_1 : vector<16xf32> to vector<1x16xf32>
    tpu.vector_store %arg11[%swap3A_656, %swap3A_657], %swap3A_660 {strides = array<i32>} : memref<16x144xf32, #tpu.memory_space<vmem>>, vector<1x16xf32>,
    %swap3A_661 = arith.constant 12 : i32
    %swap3A_662 = arith.index_cast %swap3A_661 : i32 to index
    %swap3A_663 = arith.constant 32 : index
    %swap3A_664 = tpu.vector_load %arg11[%swap3A_662, %swap3A_663] {strides = array<i32>} : memref<16x144xf32, #tpu.memory_space<vmem>>, vector<1x16xf32>,
    %swap3A_665 = vector.shape_cast %swap3A_664 : vector<1x16xf32> to vector<16xf32>
    %swap3A_666 = vector.shape_cast %broadcast_in_dim3A_1 : vector<16xf32> to vector<1x16xf32>
    tpu.vector_store %arg11[%swap3A_662, %swap3A_663], %swap3A_666 {strides = array<i32>} : memref<16x144xf32, #tpu.memory_space<vmem>>, vector<1x16xf32>,
    %swap3A_667 = arith.constant 12 : i32
    %swap3A_668 = arith.index_cast %swap3A_667 : i32 to index
    %swap3A_669 = arith.constant 48 : index
    %swap3A_670 = tpu.vector_load %arg11[%swap3A_668, %swap3A_669] {strides = array<i32>} : memref<16x144xf32, #tpu.memory_space<vmem>>, vector<1x16xf32>,
    %swap3A_671 = vector.shape_cast %swap3A_670 : vector<1x16xf32> to vector<16xf32>
    %swap3A_672 = vector.shape_cast %broadcast_in_dim3A_1 : vector<16xf32> to vector<1x16xf32>
    tpu.vector_store %arg11[%swap3A_668, %swap3A_669], %swap3A_672 {strides = array<i32>} : memref<16x144xf32, #tpu.memory_space<vmem>>, vector<1x16xf32>,
    %swap3A_673 = arith.constant 12 : i32
    %swap3A_674 = arith.index_cast %swap3A_673 : i32 to index
    %swap3A_675 = arith.constant 64 : index
    %swap3A_676 = tpu.vector_load %arg11[%swap3A_674, %swap3A_675] {strides = array<i32>} : memref<16x144xf32, #tpu.memory_space<vmem>>, vector<1x16xf32>,
    %swap3A_677 = vector.shape_cast %swap3A_676 : vector<1x16xf32> to vector<16xf32>
    %swap3A_678 = vector.shape_cast %broadcast_in_dim3A_1 : vector<16xf32> to vector<1x16xf32>
    tpu.vector_store %arg11[%swap3A_674, %swap3A_675], %swap3A_678 {strides = array<i32>} : memref<16x144xf32, #tpu.memory_space<vmem>>, vector<1x16xf32>,
    %swap3A_679 = arith.constant 12 : i32
    %swap3A_680 = arith.index_cast %swap3A_679 : i32 to index
    %swap3A_681 = arith.constant 80 : index
    %swap3A_682 = tpu.vector_load %arg11[%swap3A_680, %swap3A_681] {strides = array<i32>} : memref<16x144xf32, #tpu.memory_space<vmem>>, vector<1x16xf32>,
    %swap3A_683 = vector.shape_cast %swap3A_682 : vector<1x16xf32> to vector<16xf32>
    %swap3A_684 = vector.shape_cast %broadcast_in_dim3A_1 : vector<16xf32> to vector<1x16xf32>
    tpu.vector_store %arg11[%swap3A_680, %swap3A_681], %swap3A_684 {strides = array<i32>} : memref<16x144xf32, #tpu.memory_space<vmem>>, vector<1x16xf32>,
    %swap3A_685 = arith.constant 12 : i32
    %swap3A_686 = arith.index_cast %swap3A_685 : i32 to index
    %swap3A_687 = arith.constant 96 : index
    %swap3A_688 = tpu.vector_load %arg11[%swap3A_686, %swap3A_687] {strides = array<i32>} : memref<16x144xf32, #tpu.memory_space<vmem>>, vector<1x16xf32>,
    %swap3A_689 = vector.shape_cast %swap3A_688 : vector<1x16xf32> to vector<16xf32>
    %swap3A_690 = vector.shape_cast %broadcast_in_dim3A_1 : vector<16xf32> to vector<1x16xf32>
    tpu.vector_store %arg11[%swap3A_686, %swap3A_687], %swap3A_690 {strides = array<i32>} : memref<16x144xf32, #tpu.memory_space<vmem>>, vector<1x16xf32>,
    %swap3A_691 = arith.constant 12 : i32
    %swap3A_692 = arith.index_cast %swap3A_691 : i32 to index
    %swap3A_693 = arith.constant 112 : index
    %swap3A_694 = tpu.vector_load %arg11[%swap3A_692, %swap3A_693] {strides = array<i32>} : memref<16x144xf32, #tpu.memory_space<vmem>>, vector<1x16xf32>,
    %swap3A_695 = vector.shape_cast %swap3A_694 : vector<1x16xf32> to vector<16xf32>
    %swap3A_696 = vector.shape_cast %broadcast_in_dim3A_1 : vector<16xf32> to vector<1x16xf32>
    tpu.vector_store %arg11[%swap3A_692, %swap3A_693], %swap3A_696 {strides = array<i32>} : memref<16x144xf32, #tpu.memory_space<vmem>>, vector<1x16xf32>,
    %swap3A_697 = arith.constant 12 : i32
    %swap3A_698 = arith.index_cast %swap3A_697 : i32 to index
    %swap3A_699 = arith.constant 128 : index
    %swap3A_700 = tpu.vector_load %arg11[%swap3A_698, %swap3A_699] {strides = array<i32>} : memref<16x144xf32, #tpu.memory_space<vmem>>, vector<1x16xf32>,
    %swap3A_701 = vector.shape_cast %swap3A_700 : vector<1x16xf32> to vector<16xf32>
    %swap3A_702 = vector.shape_cast %broadcast_in_dim3A_1 : vector<16xf32> to vector<1x16xf32>
    tpu.vector_store %arg11[%swap3A_698, %swap3A_699], %swap3A_702 {strides = array<i32>} : memref<16x144xf32, #tpu.memory_space<vmem>>, vector<1x16xf32>,
    %swap3A_703 = arith.constant 13 : i32
    %swap3A_704 = arith.index_cast %swap3A_703 : i32 to index
    %swap3A_705 = arith.constant 0 : index
    %swap3A_706 = tpu.vector_load %arg11[%swap3A_704, %swap3A_705] {strides = array<i32>} : memref<16x144xf32, #tpu.memory_space<vmem>>, vector<1x16xf32>,
    %swap3A_707 = vector.shape_cast %swap3A_706 : vector<1x16xf32> to vector<16xf32>
    %swap3A_708 = vector.shape_cast %broadcast_in_dim3A_1 : vector<16xf32> to vector<1x16xf32>
    tpu.vector_store %arg11[%swap3A_704, %swap3A_705], %swap3A_708 {strides = array<i32>} : memref<16x144xf32, #tpu.memory_space<vmem>>, vector<1x16xf32>,
    %swap3A_709 = arith.constant 13 : i32
    %swap3A_710 = arith.index_cast %swap3A_709 : i32 to index
    %swap3A_711 = arith.constant 16 : index
    %swap3A_712 = tpu.vector_load %arg11[%swap3A_710, %swap3A_711] {strides = array<i32>} : memref<16x144xf32, #tpu.memory_space<vmem>>, vector<1x16xf32>,
    %swap3A_713 = vector.shape_cast %swap3A_712 : vector<1x16xf32> to vector<16xf32>
    %swap3A_714 = vector.shape_cast %broadcast_in_dim3A_1 : vector<16xf32> to vector<1x16xf32>
    tpu.vector_store %arg11[%swap3A_710, %swap3A_711], %swap3A_714 {strides = array<i32>} : memref<16x144xf32, #tpu.memory_space<vmem>>, vector<1x16xf32>,
    %swap3A_715 = arith.constant 13 : i32
    %swap3A_716 = arith.index_cast %swap3A_715 : i32 to index
    %swap3A_717 = arith.constant 32 : index
    %swap3A_718 = tpu.vector_load %arg11[%swap3A_716, %swap3A_717] {strides = array<i32>} : memref<16x144xf32, #tpu.memory_space<vmem>>, vector<1x16xf32>,
    %swap3A_719 = vector.shape_cast %swap3A_718 : vector<1x16xf32> to vector<16xf32>
    %swap3A_720 = vector.shape_cast %broadcast_in_dim3A_1 : vector<16xf32> to vector<1x16xf32>
    tpu.vector_store %arg11[%swap3A_716, %swap3A_717], %swap3A_720 {strides = array<i32>} : memref<16x144xf32, #tpu.memory_space<vmem>>, vector<1x16xf32>,
    %swap3A_721 = arith.constant 13 : i32
    %swap3A_722 = arith.index_cast %swap3A_721 : i32 to index
    %swap3A_723 = arith.constant 48 : index
    %swap3A_724 = tpu.vector_load %arg11[%swap3A_722, %swap3A_723] {strides = array<i32>} : memref<16x144xf32, #tpu.memory_space<vmem>>, vector<1x16xf32>,
    %swap3A_725 = vector.shape_cast %swap3A_724 : vector<1x16xf32> to vector<16xf32>
    %swap3A_726 = vector.shape_cast %broadcast_in_dim3A_1 : vector<16xf32> to vector<1x16xf32>
    tpu.vector_store %arg11[%swap3A_722, %swap3A_723], %swap3A_726 {strides = array<i32>} : memref<16x144xf32, #tpu.memory_space<vmem>>, vector<1x16xf32>,
    %swap3A_727 = arith.constant 13 : i32
    %swap3A_728 = arith.index_cast %swap3A_727 : i32 to index
    %swap3A_729 = arith.constant 64 : index
    %swap3A_730 = tpu.vector_load %arg11[%swap3A_728, %swap3A_729] {strides = array<i32>} : memref<16x144xf32, #tpu.memory_space<vmem>>, vector<1x16xf32>,
    %swap3A_731 = vector.shape_cast %swap3A_730 : vector<1x16xf32> to vector<16xf32>
    %swap3A_732 = vector.shape_cast %broadcast_in_dim3A_1 : vector<16xf32> to vector<1x16xf32>
    tpu.vector_store %arg11[%swap3A_728, %swap3A_729], %swap3A_732 {strides = array<i32>} : memref<16x144xf32, #tpu.memory_space<vmem>>, vector<1x16xf32>,
    %swap3A_733 = arith.constant 13 : i32
    %swap3A_734 = arith.index_cast %swap3A_733 : i32 to index
    %swap3A_735 = arith.constant 80 : index
    %swap3A_736 = tpu.vector_load %arg11[%swap3A_734, %swap3A_735] {strides = array<i32>} : memref<16x144xf32, #tpu.memory_space<vmem>>, vector<1x16xf32>,
    %swap3A_737 = vector.shape_cast %swap3A_736 : vector<1x16xf32> to vector<16xf32>
    %swap3A_738 = vector.shape_cast %broadcast_in_dim3A_1 : vector<16xf32> to vector<1x16xf32>
    tpu.vector_store %arg11[%swap3A_734, %swap3A_735], %swap3A_738 {strides = array<i32>} : memref<16x144xf32, #tpu.memory_space<vmem>>, vector<1x16xf32>,
    %swap3A_739 = arith.constant 13 : i32
    %swap3A_740 = arith.index_cast %swap3A_739 : i32 to index
    %swap3A_741 = arith.constant 96 : index
    %swap3A_742 = tpu.vector_load %arg11[%swap3A_740, %swap3A_741] {strides = array<i32>} : memref<16x144xf32, #tpu.memory_space<vmem>>, vector<1x16xf32>,
    %swap3A_743 = vector.shape_cast %swap3A_742 : vector<1x16xf32> to vector<16xf32>
    %swap3A_744 = vector.shape_cast %broadcast_in_dim3A_1 : vector<16xf32> to vector<1x16xf32>
    tpu.vector_store %arg11[%swap3A_740, %swap3A_741], %swap3A_744 {strides = array<i32>} : memref<16x144xf32, #tpu.memory_space<vmem>>, vector<1x16xf32>,
    %swap3A_745 = arith.constant 13 : i32
    %swap3A_746 = arith.index_cast %swap3A_745 : i32 to index
    %swap3A_747 = arith.constant 112 : index
    %swap3A_748 = tpu.vector_load %arg11[%swap3A_746, %swap3A_747] {strides = array<i32>} : memref<16x144xf32, #tpu.memory_space<vmem>>, vector<1x16xf32>,
    %swap3A_749 = vector.shape_cast %swap3A_748 : vector<1x16xf32> to vector<16xf32>
    %swap3A_750 = vector.shape_cast %broadcast_in_dim3A_1 : vector<16xf32> to vector<1x16xf32>
    tpu.vector_store %arg11[%swap3A_746, %swap3A_747], %swap3A_750 {strides = array<i32>} : memref<16x144xf32, #tpu.memory_space<vmem>>, vector<1x16xf32>,
    %swap3A_751 = arith.constant 13 : i32
    %swap3A_752 = arith.index_cast %swap3A_751 : i32 to index
    %swap3A_753 = arith.constant 128 : index
    %swap3A_754 = tpu.vector_load %arg11[%swap3A_752, %swap3A_753] {strides = array<i32>} : memref<16x144xf32, #tpu.memory_space<vmem>>, vector<1x16xf32>,
    %swap3A_755 = vector.shape_cast %swap3A_754 : vector<1x16xf32> to vector<16xf32>
    %swap3A_756 = vector.shape_cast %broadcast_in_dim3A_1 : vector<16xf32> to vector<1x16xf32>
    tpu.vector_store %arg11[%swap3A_752, %swap3A_753], %swap3A_756 {strides = array<i32>} : memref<16x144xf32, #tpu.memory_space<vmem>>, vector<1x16xf32>,
    %swap3A_757 = arith.constant 14 : i32
    %swap3A_758 = arith.index_cast %swap3A_757 : i32 to index
    %swap3A_759 = arith.constant 0 : index
    %swap3A_760 = tpu.vector_load %arg11[%swap3A_758, %swap3A_759] {strides = array<i32>} : memref<16x144xf32, #tpu.memory_space<vmem>>, vector<1x16xf32>,
    %swap3A_761 = vector.shape_cast %swap3A_760 : vector<1x16xf32> to vector<16xf32>
    %swap3A_762 = vector.shape_cast %broadcast_in_dim3A_1 : vector<16xf32> to vector<1x16xf32>
    tpu.vector_store %arg11[%swap3A_758, %swap3A_759], %swap3A_762 {strides = array<i32>} : memref<16x144xf32, #tpu.memory_space<vmem>>, vector<1x16xf32>,
    %swap3A_763 = arith.constant 14 : i32
    %swap3A_764 = arith.index_cast %swap3A_763 : i32 to index
    %swap3A_765 = arith.constant 16 : index
    %swap3A_766 = tpu.vector_load %arg11[%swap3A_764, %swap3A_765] {strides = array<i32>} : memref<16x144xf32, #tpu.memory_space<vmem>>, vector<1x16xf32>,
    %swap3A_767 = vector.shape_cast %swap3A_766 : vector<1x16xf32> to vector<16xf32>
    %swap3A_768 = vector.shape_cast %broadcast_in_dim3A_1 : vector<16xf32> to vector<1x16xf32>
    tpu.vector_store %arg11[%swap3A_764, %swap3A_765], %swap3A_768 {strides = array<i32>} : memref<16x144xf32, #tpu.memory_space<vmem>>, vector<1x16xf32>,
    %swap3A_769 = arith.constant 14 : i32
    %swap3A_770 = arith.index_cast %swap3A_769 : i32 to index
    %swap3A_771 = arith.constant 32 : index
    %swap3A_772 = tpu.vector_load %arg11[%swap3A_770, %swap3A_771] {strides = array<i32>} : memref<16x144xf32, #tpu.memory_space<vmem>>, vector<1x16xf32>,
    %swap3A_773 = vector.shape_cast %swap3A_772 : vector<1x16xf32> to vector<16xf32>
    %swap3A_774 = vector.shape_cast %broadcast_in_dim3A_1 : vector<16xf32> to vector<1x16xf32>
    tpu.vector_store %arg11[%swap3A_770, %swap3A_771], %swap3A_774 {strides = array<i32>} : memref<16x144xf32, #tpu.memory_space<vmem>>, vector<1x16xf32>,
    %swap3A_775 = arith.constant 14 : i32
    %swap3A_776 = arith.index_cast %swap3A_775 : i32 to index
    %swap3A_777 = arith.constant 48 : index
    %swap3A_778 = tpu.vector_load %arg11[%swap3A_776, %swap3A_777] {strides = array<i32>} : memref<16x144xf32, #tpu.memory_space<vmem>>, vector<1x16xf32>,
    %swap3A_779 = vector.shape_cast %swap3A_778 : vector<1x16xf32> to vector<16xf32>
    %swap3A_780 = vector.shape_cast %broadcast_in_dim3A_1 : vector<16xf32> to vector<1x16xf32>
    tpu.vector_store %arg11[%swap3A_776, %swap3A_777], %swap3A_780 {strides = array<i32>} : memref<16x144xf32, #tpu.memory_space<vmem>>, vector<1x16xf32>,
    %swap3A_781 = arith.constant 14 : i32
    %swap3A_782 = arith.index_cast %swap3A_781 : i32 to index
    %swap3A_783 = arith.constant 64 : index
    %swap3A_784 = tpu.vector_load %arg11[%swap3A_782, %swap3A_783] {strides = array<i32>} : memref<16x144xf32, #tpu.memory_space<vmem>>, vector<1x16xf32>,
    %swap3A_785 = vector.shape_cast %swap3A_784 : vector<1x16xf32> to vector<16xf32>
    %swap3A_786 = vector.shape_cast %broadcast_in_dim3A_1 : vector<16xf32> to vector<1x16xf32>
    tpu.vector_store %arg11[%swap3A_782, %swap3A_783], %swap3A_786 {strides = array<i32>} : memref<16x144xf32, #tpu.memory_space<vmem>>, vector<1x16xf32>,
    %swap3A_787 = arith.constant 14 : i32
    %swap3A_788 = arith.index_cast %swap3A_787 : i32 to index
    %swap3A_789 = arith.constant 80 : index
    %swap3A_790 = tpu.vector_load %arg11[%swap3A_788, %swap3A_789] {strides = array<i32>} : memref<16x144xf32, #tpu.memory_space<vmem>>, vector<1x16xf32>,
    %swap3A_791 = vector.shape_cast %swap3A_790 : vector<1x16xf32> to vector<16xf32>
    %swap3A_792 = vector.shape_cast %broadcast_in_dim3A_1 : vector<16xf32> to vector<1x16xf32>
    tpu.vector_store %arg11[%swap3A_788, %swap3A_789], %swap3A_792 {strides = array<i32>} : memref<16x144xf32, #tpu.memory_space<vmem>>, vector<1x16xf32>,
    %swap3A_793 = arith.constant 14 : i32
    %swap3A_794 = arith.index_cast %swap3A_793 : i32 to index
    %swap3A_795 = arith.constant 96 : index
    %swap3A_796 = tpu.vector_load %arg11[%swap3A_794, %swap3A_795] {strides = array<i32>} : memref<16x144xf32, #tpu.memory_space<vmem>>, vector<1x16xf32>,
    %swap3A_797 = vector.shape_cast %swap3A_796 : vector<1x16xf32> to vector<16xf32>
    %swap3A_798 = vector.shape_cast %broadcast_in_dim3A_1 : vector<16xf32> to vector<1x16xf32>
    tpu.vector_store %arg11[%swap3A_794, %swap3A_795], %swap3A_798 {strides = array<i32>} : memref<16x144xf32, #tpu.memory_space<vmem>>, vector<1x16xf32>,
    %swap3A_799 = arith.constant 14 : i32
    %swap3A_800 = arith.index_cast %swap3A_799 : i32 to index
    %swap3A_801 = arith.constant 112 : index
    %swap3A_802 = tpu.vector_load %arg11[%swap3A_800, %swap3A_801] {strides = array<i32>} : memref<16x144xf32, #tpu.memory_space<vmem>>, vector<1x16xf32>,
    %swap3A_803 = vector.shape_cast %swap3A_802 : vector<1x16xf32> to vector<16xf32>
    %swap3A_804 = vector.shape_cast %broadcast_in_dim3A_1 : vector<16xf32> to vector<1x16xf32>
    tpu.vector_store %arg11[%swap3A_800, %swap3A_801], %swap3A_804 {strides = array<i32>} : memref<16x144xf32, #tpu.memory_space<vmem>>, vector<1x16xf32>,
    %swap3A_805 = arith.constant 14 : i32
    %swap3A_806 = arith.index_cast %swap3A_805 : i32 to index
    %swap3A_807 = arith.constant 128 : index
    %swap3A_808 = tpu.vector_load %arg11[%swap3A_806, %swap3A_807] {strides = array<i32>} : memref<16x144xf32, #tpu.memory_space<vmem>>, vector<1x16xf32>,
    %swap3A_809 = vector.shape_cast %swap3A_808 : vector<1x16xf32> to vector<16xf32>
    %swap3A_810 = vector.shape_cast %broadcast_in_dim3A_1 : vector<16xf32> to vector<1x16xf32>
    tpu.vector_store %arg11[%swap3A_806, %swap3A_807], %swap3A_810 {strides = array<i32>} : memref<16x144xf32, #tpu.memory_space<vmem>>, vector<1x16xf32>,
    %swap3A_811 = arith.constant 15 : i32
    %swap3A_812 = arith.index_cast %swap3A_811 : i32 to index
    %swap3A_813 = arith.constant 0 : index
    %swap3A_814 = tpu.vector_load %arg11[%swap3A_812, %swap3A_813] {strides = array<i32>} : memref<16x144xf32, #tpu.memory_space<vmem>>, vector<1x16xf32>,
    %swap3A_815 = vector.shape_cast %swap3A_814 : vector<1x16xf32> to vector<16xf32>
    %swap3A_816 = vector.shape_cast %broadcast_in_dim3A_1 : vector<16xf32> to vector<1x16xf32>
    tpu.vector_store %arg11[%swap3A_812, %swap3A_813], %swap3A_816 {strides = array<i32>} : memref<16x144xf32, #tpu.memory_space<vmem>>, vector<1x16xf32>,
    %swap3A_817 = arith.constant 15 : i32
    %swap3A_818 = arith.index_cast %swap3A_817 : i32 to index
    %swap3A_819 = arith.constant 16 : index
    %swap3A_820 = tpu.vector_load %arg11[%swap3A_818, %swap3A_819] {strides = array<i32>} : memref<16x144xf32, #tpu.memory_space<vmem>>, vector<1x16xf32>,
    %swap3A_821 = vector.shape_cast %swap3A_820 : vector<1x16xf32> to vector<16xf32>
    %swap3A_822 = vector.shape_cast %broadcast_in_dim3A_1 : vector<16xf32> to vector<1x16xf32>
    tpu.vector_store %arg11[%swap3A_818, %swap3A_819], %swap3A_822 {strides = array<i32>} : memref<16x144xf32, #tpu.memory_space<vmem>>, vector<1x16xf32>,
    %swap3A_823 = arith.constant 15 : i32
    %swap3A_824 = arith.index_cast %swap3A_823 : i32 to index
    %swap3A_825 = arith.constant 32 : index
    %swap3A_826 = tpu.vector_load %arg11[%swap3A_824, %swap3A_825] {strides = array<i32>} : memref<16x144xf32, #tpu.memory_space<vmem>>, vector<1x16xf32>,
    %swap3A_827 = vector.shape_cast %swap3A_826 : vector<1x16xf32> to vector<16xf32>
    %swap3A_828 = vector.shape_cast %broadcast_in_dim3A_1 : vector<16xf32> to vector<1x16xf32>
    tpu.vector_store %arg11[%swap3A_824, %swap3A_825], %swap3A_828 {strides = array<i32>} : memref<16x144xf32, #tpu.memory_space<vmem>>, vector<1x16xf32>,
    %swap3A_829 = arith.constant 15 : i32
    %swap3A_830 = arith.index_cast %swap3A_829 : i32 to index
    %swap3A_831 = arith.constant 48 : index
    %swap3A_832 = tpu.vector_load %arg11[%swap3A_830, %swap3A_831] {strides = array<i32>} : memref<16x144xf32, #tpu.memory_space<vmem>>, vector<1x16xf32>,
    %swap3A_833 = vector.shape_cast %swap3A_832 : vector<1x16xf32> to vector<16xf32>
    %swap3A_834 = vector.shape_cast %broadcast_in_dim3A_1 : vector<16xf32> to vector<1x16xf32>
    tpu.vector_store %arg11[%swap3A_830, %swap3A_831], %swap3A_834 {strides = array<i32>} : memref<16x144xf32, #tpu.memory_space<vmem>>, vector<1x16xf32>,
    %swap3A_835 = arith.constant 15 : i32
    %swap3A_836 = arith.index_cast %swap3A_835 : i32 to index
    %swap3A_837 = arith.constant 64 : index
    %swap3A_838 = tpu.vector_load %arg11[%swap3A_836, %swap3A_837] {strides = array<i32>} : memref<16x144xf32, #tpu.memory_space<vmem>>, vector<1x16xf32>,
    %swap3A_839 = vector.shape_cast %swap3A_838 : vector<1x16xf32> to vector<16xf32>
    %swap3A_840 = vector.shape_cast %broadcast_in_dim3A_1 : vector<16xf32> to vector<1x16xf32>
    tpu.vector_store %arg11[%swap3A_836, %swap3A_837], %swap3A_840 {strides = array<i32>} : memref<16x144xf32, #tpu.memory_space<vmem>>, vector<1x16xf32>,
    %swap3A_841 = arith.constant 15 : i32
    %swap3A_842 = arith.index_cast %swap3A_841 : i32 to index
    %swap3A_843 = arith.constant 80 : index
    %swap3A_844 = tpu.vector_load %arg11[%swap3A_842, %swap3A_843] {strides = array<i32>} : memref<16x144xf32, #tpu.memory_space<vmem>>, vector<1x16xf32>,
    %swap3A_845 = vector.shape_cast %swap3A_844 : vector<1x16xf32> to vector<16xf32>
    %swap3A_846 = vector.shape_cast %broadcast_in_dim3A_1 : vector<16xf32> to vector<1x16xf32>
    tpu.vector_store %arg11[%swap3A_842, %swap3A_843], %swap3A_846 {strides = array<i32>} : memref<16x144xf32, #tpu.memory_space<vmem>>, vector<1x16xf32>,
    %swap3A_847 = arith.constant 15 : i32
    %swap3A_848 = arith.index_cast %swap3A_847 : i32 to index
    %swap3A_849 = arith.constant 96 : index
    %swap3A_850 = tpu.vector_load %arg11[%swap3A_848, %swap3A_849] {strides = array<i32>} : memref<16x144xf32, #tpu.memory_space<vmem>>, vector<1x16xf32>,
    %swap3A_851 = vector.shape_cast %swap3A_850 : vector<1x16xf32> to vector<16xf32>
    %swap3A_852 = vector.shape_cast %broadcast_in_dim3A_1 : vector<16xf32> to vector<1x16xf32>
    tpu.vector_store %arg11[%swap3A_848, %swap3A_849], %swap3A_852 {strides = array<i32>} : memref<16x144xf32, #tpu.memory_space<vmem>>, vector<1x16xf32>,
    %swap3A_853 = arith.constant 15 : i32
    %swap3A_854 = arith.index_cast %swap3A_853 : i32 to index
    %swap3A_855 = arith.constant 112 : index
    %swap3A_856 = tpu.vector_load %arg11[%swap3A_854, %swap3A_855] {strides = array<i32>} : memref<16x144xf32, #tpu.memory_space<vmem>>, vector<1x16xf32>,
    %swap3A_857 = vector.shape_cast %swap3A_856 : vector<1x16xf32> to vector<16xf32>
    %swap3A_858 = vector.shape_cast %broadcast_in_dim3A_1 : vector<16xf32> to vector<1x16xf32>
    tpu.vector_store %arg11[%swap3A_854, %swap3A_855], %swap3A_858 {strides = array<i32>} : memref<16x144xf32, #tpu.memory_space<vmem>>, vector<1x16xf32>,
    %swap3A_859 = arith.constant 15 : i32
    %swap3A_860 = arith.index_cast %swap3A_859 : i32 to index
    %swap3A_861 = arith.constant 128 : index
    %swap3A_862 = tpu.vector_load %arg11[%swap3A_860, %swap3A_861] {strides = array<i32>} : memref<16x144xf32, #tpu.memory_space<vmem>>, vector<1x16xf32>,
    %swap3A_863 = vector.shape_cast %swap3A_862 : vector<1x16xf32> to vector<16xf32>
    %swap3A_864 = vector.shape_cast %broadcast_in_dim3A_1 : vector<16xf32> to vector<1x16xf32>
    tpu.vector_store %arg11[%swap3A_860, %swap3A_861], %swap3A_864 {strides = array<i32>} : memref<16x144xf32, #tpu.memory_space<vmem>>, vector<1x16xf32>,
    %scan3A = arith.constant 0 : i32
    %scan3A_865 = arith.constant 0 : i32
    %scan3A_866 = arith.constant 40 : i32
    %scan3A_867 = arith.addi %scan3A_865, %scan3A_866 : i32
    %scan3A_868 = arith.constant 1 : i32
    scf.for %scan3A_885 = %scan3A_865 to %scan3A_867 step %scan3A_868  : i32 {
      %mul3A_886 = arith.constant 16 : i32
      %mul3A_887 = arith.muli %mul3A_886, %scan3A_885 : i32
      %add3A_888 = arith.addi %arg1, %mul3A_887 : i32
      %lt3A = arith.constant 625 : i32
      %lt3A_889 = arith.cmpi slt, %add3A_888, %lt3A : i32
      %convert_element_type3A = arith.extui %lt3A_889 : i1 to i32
      %cond3A = arith.constant 0 : i32
      %cond3A_890 = arith.cmpi ne, %convert_element_type3A, %cond3A : i32
      scf.if %cond3A_890 {
        %mul3A_891 = arith.constant 16 : i32
        %mul3A_892 = arith.muli %add3A_888, %mul3A_891 : i32
        "tpu.region"() ({
          %run_scoped3A = tpu.sem_alloc : memref<!tpu.dma_semaphore, #tpu.memory_space<semaphore_mem>>
          %dma_start3A = arith.constant 0 : i32
          %dma_start3A_893 = tpu.memref_slice %arg12[%mul3A_892, %dma_start3A] : memref<10000x144xf32, #tpu.memory_space<vmem_shared>> -> memref<16x144xf32, #tpu.memory_space<vmem_shared>>
          %dma_start3A_894 = arith.constant 0 : i32
          %dma_start3A_895 = tpu.memref_slice %arg12[%mul3A_892, %dma_start3A_894] : memref<10000x144xf32, #tpu.memory_space<vmem_shared>> -> memref<16x144xf32, #tpu.memory_space<vmem_shared>>
          tpu.enqueue_dma source(%arg11 : memref<16x144xf32, #tpu.memory_space<vmem>>) target(%dma_start3A_895 : memref<16x144xf32, #tpu.memory_space<vmem_shared>>) target_semaphore(%run_scoped3A : memref<!tpu.dma_semaphore, #tpu.memory_space<semaphore_mem>>)
          %dma_wait3A = arith.constant 0 : i32
          %dma_wait3A_896 = tpu.memref_slice %arg12[%mul3A_892, %dma_wait3A] : memref<10000x144xf32, #tpu.memory_space<vmem_shared>> -> memref<16x144xf32, #tpu.memory_space<vmem_shared>>
          %dma_wait3A_897 = arith.constant 0 : i32
          %dma_wait3A_898 = tpu.memref_slice %arg12[%mul3A_892, %dma_wait3A_897] : memref<10000x144xf32, #tpu.memory_space<vmem_shared>> -> memref<16x144xf32, #tpu.memory_space<vmem_shared>>
          tpu.wait_dma2 semaphore(%run_scoped3A : memref<!tpu.dma_semaphore, #tpu.memory_space<semaphore_mem>>) src(%arg11 : memref<16x144xf32, #tpu.memory_space<vmem>>) dst(%dma_wait3A_898 : memref<16x144xf32, #tpu.memory_space<vmem_shared>>)
          tpu.yield
        }) : () -> ()
      } else {
      }
    }
    %scan3A_869 = arith.constant 40 : i32
    %barrier3A = arith.constant 0 : index
    tpu.barrier barrier_id(%barrier3A)
    %mul3A_870 = arith.constant 10000 : i32
    %mul3A_871 = arith.muli %add3A, %mul3A_870 : i32
    %multiple_of3A = tpu.assume_multiple %mul3A_871, 8 : i32
    %scan3A_872 = arith.constant 0 : i32
    %scan3A_873 = arith.constant 0 : i32
    %scan3A_874 = arith.constant 125 : i32
    %scan3A_875 = arith.addi %scan3A_873, %scan3A_874 : i32
    %scan3A_876 = arith.constant 1 : i32
    scf.for %scan3A_885 = %scan3A_873 to %scan3A_875 step %scan3A_876  : i32 {
      %mul3A_886 = arith.constant 80 : i32
      %mul3A_887 = arith.muli %scan3A_885, %mul3A_886 : i32
      %add3A_888 = arith.addi %multiple_of3A, %mul3A_887 : i32
      %multiple_of3A_889 = tpu.assume_multiple %add3A_888, 8 : i32
      "tpu.region"() ({
        %run_scoped3A = tpu.sem_alloc : memref<!tpu.dma_semaphore, #tpu.memory_space<semaphore_mem>>
        %dma_start3A_906 = tpu.memref_slice %arg4[%multiple_of3A_889] : memref<320000xi32, #tpu.memory_space<hbm>> -> memref<80xi32, #tpu.memory_space<hbm>>
        %dma_start3A_907 = tpu.memref_slice %arg4[%multiple_of3A_889] : memref<320000xi32, #tpu.memory_space<hbm>> -> memref<80xi32, #tpu.memory_space<hbm>>
        tpu.enqueue_dma source(%dma_start3A_907 : memref<80xi32, #tpu.memory_space<hbm>>) target(%arg7 : memref<80xi32, #tpu.memory_space<vmem>>) target_semaphore(%run_scoped3A : memref<!tpu.dma_semaphore, #tpu.memory_space<semaphore_mem>>)
        %dma_wait3A_908 = tpu.memref_slice %arg4[%multiple_of3A_889] : memref<320000xi32, #tpu.memory_space<hbm>> -> memref<80xi32, #tpu.memory_space<hbm>>
        %dma_wait3A_909 = tpu.memref_slice %arg4[%multiple_of3A_889] : memref<320000xi32, #tpu.memory_space<hbm>> -> memref<80xi32, #tpu.memory_space<hbm>>
        tpu.wait_dma2 semaphore(%run_scoped3A : memref<!tpu.dma_semaphore, #tpu.memory_space<semaphore_mem>>) src(%dma_wait3A_909 : memref<80xi32, #tpu.memory_space<hbm>>) dst(%arg7 : memref<80xi32, #tpu.memory_space<vmem>>)
        tpu.yield
      }) : () -> ()
      "tpu.region"() ({
        %run_scoped3A = tpu.sem_alloc : memref<!tpu.dma_semaphore, #tpu.memory_space<semaphore_mem>>
        %dma_start3A_906 = tpu.memref_slice %arg5[%multiple_of3A_889] : memref<320000xi32, #tpu.memory_space<hbm>> -> memref<80xi32, #tpu.memory_space<hbm>>
        %dma_start3A_907 = tpu.memref_slice %arg5[%multiple_of3A_889] : memref<320000xi32, #tpu.memory_space<hbm>> -> memref<80xi32, #tpu.memory_space<hbm>>
        tpu.enqueue_dma source(%dma_start3A_907 : memref<80xi32, #tpu.memory_space<hbm>>) target(%arg8 : memref<80xi32, #tpu.memory_space<vmem>>) target_semaphore(%run_scoped3A : memref<!tpu.dma_semaphore, #tpu.memory_space<semaphore_mem>>)
        %dma_wait3A_908 = tpu.memref_slice %arg5[%multiple_of3A_889] : memref<320000xi32, #tpu.memory_space<hbm>> -> memref<80xi32, #tpu.memory_space<hbm>>
        %dma_wait3A_909 = tpu.memref_slice %arg5[%multiple_of3A_889] : memref<320000xi32, #tpu.memory_space<hbm>> -> memref<80xi32, #tpu.memory_space<hbm>>
        tpu.wait_dma2 semaphore(%run_scoped3A : memref<!tpu.dma_semaphore, #tpu.memory_space<semaphore_mem>>) src(%dma_wait3A_909 : memref<80xi32, #tpu.memory_space<hbm>>) dst(%arg8 : memref<80xi32, #tpu.memory_space<vmem>>)
        tpu.yield
      }) : () -> ()
      %dma_start3A = arith.constant 0 : i32
      %dma_start3A_890 = arith.constant 0 : i32
      %dma_start3A_891 = tpu.memref_slice %arg2[%dma_start3A, %dma_start3A_890] : memref<10000x144xf32, #tpu.memory_space<hbm>> -> memref<10000x144xf32, #tpu.memory_space<hbm>>
      tpu.enqueue_indirect_dma source(%dma_start3A_891 : memref<10000x144xf32, #tpu.memory_space<hbm>>) target(%arg9 : memref<80x144xf32, #tpu.memory_space<vmem>>) offsets(%arg7 : memref<80xi32, #tpu.memory_space<vmem>>) semaphore(%arg13 : memref<!tpu.dma_semaphore, #tpu.memory_space<semaphore_mem>>)
      %dma_start3A_892 = arith.constant 0 : i32
      %dma_start3A_893 = arith.constant 0 : i32
      %dma_start3A_894 = tpu.memref_slice %arg3[%dma_start3A_892, %dma_start3A_893] : memref<10000x16xf32, #tpu.memory_space<hbm>> -> memref<10000x16xf32, #tpu.memory_space<hbm>>
      tpu.enqueue_indirect_dma source(%dma_start3A_894 : memref<10000x16xf32, #tpu.memory_space<hbm>>) target(%arg10 : memref<80x16xf32, #tpu.memory_space<vmem>>) offsets(%arg8 : memref<80xi32, #tpu.memory_space<vmem>>) semaphore(%arg14 : memref<!tpu.dma_semaphore, #tpu.memory_space<semaphore_mem>>)
      %dma_wait3A = arith.constant 0 : i32
      %dma_wait3A_895 = arith.constant 0 : i32
      %dma_wait3A_896 = tpu.memref_slice %arg2[%dma_wait3A, %dma_wait3A_895] : memref<10000x144xf32, #tpu.memory_space<hbm>> -> memref<10000x144xf32, #tpu.memory_space<hbm>>
      tpu.wait_indirect_dma semaphore(%arg13 : memref<!tpu.dma_semaphore, #tpu.memory_space<semaphore_mem>>) src(%dma_wait3A_896 : memref<10000x144xf32, #tpu.memory_space<hbm>>) dst(%arg9 : memref<80x144xf32, #tpu.memory_space<vmem>>)
      %dma_wait3A_897 = arith.constant 0 : i32
      %dma_wait3A_898 = arith.constant 0 : i32
      %dma_wait3A_899 = tpu.memref_slice %arg3[%dma_wait3A_897, %dma_wait3A_898] : memref<10000x16xf32, #tpu.memory_space<hbm>> -> memref<10000x16xf32, #tpu.memory_space<hbm>>
      tpu.wait_indirect_dma semaphore(%arg14 : memref<!tpu.dma_semaphore, #tpu.memory_space<semaphore_mem>>) src(%dma_wait3A_899 : memref<10000x16xf32, #tpu.memory_space<hbm>>) dst(%arg10 : memref<80x16xf32, #tpu.memory_space<vmem>>)
      %scan3A_900 = arith.constant 0 : i32
      %scan3A_901 = arith.constant 0 : i32
      %scan3A_902 = arith.constant 80 : i32
      %scan3A_903 = arith.addi %scan3A_901, %scan3A_902 : i32
      %scan3A_904 = arith.constant 1 : i32
      scf.for %scan3A_906 = %scan3A_901 to %scan3A_903 step %scan3A_904  : i32 {
        %get3A = arith.index_cast %scan3A_906 : i32 to index
        %get3A_907 = arith.constant 128 : index
        %get3A_908 = tpu.vector_load %arg9[%get3A, %get3A_907] {strides = array<i32>} : memref<80x144xf32, #tpu.memory_space<vmem>>, vector<1x16xf32>,
        %get3A_909 = vector.shape_cast %get3A_908 : vector<1x16xf32> to vector<16xf32>
        %get3A_910 = arith.index_cast %scan3A_906 : i32 to index
        %get3A_911 = arith.constant 0 : index
        %get3A_912 = tpu.vector_load %arg10[%get3A_910, %get3A_911] {strides = array<i32>} : memref<80x16xf32, #tpu.memory_space<vmem>>, vector<1x16xf32>,
        %get3A_913 = vector.shape_cast %get3A_912 : vector<1x16xf32> to vector<16xf32>
        %add3A_914 = arith.addf %get3A_909, %get3A_913 : vector<16xf32>
        %ge3A = arith.constant 0.000000e+00 : f32
        %ge3A_915 = vector.broadcast %ge3A : f32 to vector<16xf32>
        %ge3A_916 = arith.cmpf oge, %add3A_914, %ge3A_915 : vector<16xf32>
        %mul3A_917 = arith.constant 2.000000e-01 : f32
        %mul3A_918 = vector.broadcast %mul3A_917 : f32 to vector<16xf32>
        %mul3A_919 = arith.mulf %add3A_914, %mul3A_918 : vector<16xf32>
        %select_n3A = arith.select %ge3A_916, %add3A_914, %mul3A_919 : vector<16xi1>, vector<16xf32>
        %exp3A = math.exp %select_n3A : vector<16xf32>
        %swap3A_920 = arith.index_cast %scan3A_906 : i32 to index
        %swap3A_921 = arith.constant 128 : index
        %swap3A_922 = tpu.vector_load %arg9[%swap3A_920, %swap3A_921] {strides = array<i32>} : memref<80x144xf32, #tpu.memory_space<vmem>>, vector<1x16xf32>,
        %swap3A_923 = vector.shape_cast %swap3A_922 : vector<1x16xf32> to vector<16xf32>
        %swap3A_924 = vector.shape_cast %exp3A : vector<16xf32> to vector<1x16xf32>
        tpu.vector_store %arg9[%swap3A_920, %swap3A_921], %swap3A_924 {strides = array<i32>} : memref<80x144xf32, #tpu.memory_space<vmem>>, vector<1x16xf32>,
        %slice3A = vector.extract_strided_slice %exp3A {offsets = [0], sizes = [1], strides = [1]} : vector<16xf32> to vector<1xf32>
        %squeeze3A = vector.extract %slice3A[0] : f32 from vector<1xf32>
        %get3A_925 = arith.index_cast %scan3A_906 : i32 to index
        %get3A_926 = arith.constant 0 : index
        %get3A_927 = tpu.vector_load %arg9[%get3A_925, %get3A_926] {strides = array<i32>} : memref<80x144xf32, #tpu.memory_space<vmem>>, vector<1x16xf32>,
        %get3A_928 = vector.shape_cast %get3A_927 : vector<1x16xf32> to vector<16xf32>
        %mul3A_929 = vector.broadcast %squeeze3A : f32 to vector<16xf32>
        %mul3A_930 = arith.mulf %get3A_928, %mul3A_929 : vector<16xf32>
        %swap3A_931 = arith.index_cast %scan3A_906 : i32 to index
        %swap3A_932 = arith.constant 0 : index
        %swap3A_933 = tpu.vector_load %arg9[%swap3A_931, %swap3A_932] {strides = array<i32>} : memref<80x144xf32, #tpu.memory_space<vmem>>, vector<1x16xf32>,
        %swap3A_934 = vector.shape_cast %swap3A_933 : vector<1x16xf32> to vector<16xf32>
        %swap3A_935 = vector.shape_cast %mul3A_930 : vector<16xf32> to vector<1x16xf32>
        tpu.vector_store %arg9[%swap3A_931, %swap3A_932], %swap3A_935 {strides = array<i32>} : memref<80x144xf32, #tpu.memory_space<vmem>>, vector<1x16xf32>,
        %slice3A_936 = vector.extract_strided_slice %exp3A {offsets = [0], sizes = [1], strides = [1]} : vector<16xf32> to vector<1xf32>
        %squeeze3A_937 = vector.extract %slice3A_936[0] : f32 from vector<1xf32>
        %get3A_938 = arith.index_cast %scan3A_906 : i32 to index
        %get3A_939 = arith.constant 16 : index
        %get3A_940 = tpu.vector_load %arg9[%get3A_938, %get3A_939] {strides = array<i32>} : memref<80x144xf32, #tpu.memory_space<vmem>>, vector<1x16xf32>,
        %get3A_941 = vector.shape_cast %get3A_940 : vector<1x16xf32> to vector<16xf32>
        %mul3A_942 = vector.broadcast %squeeze3A_937 : f32 to vector<16xf32>
        %mul3A_943 = arith.mulf %get3A_941, %mul3A_942 : vector<16xf32>
        %swap3A_944 = arith.index_cast %scan3A_906 : i32 to index
        %swap3A_945 = arith.constant 16 : index
        %swap3A_946 = tpu.vector_load %arg9[%swap3A_944, %swap3A_945] {strides = array<i32>} : memref<80x144xf32, #tpu.memory_space<vmem>>, vector<1x16xf32>,
        %swap3A_947 = vector.shape_cast %swap3A_946 : vector<1x16xf32> to vector<16xf32>
        %swap3A_948 = vector.shape_cast %mul3A_943 : vector<16xf32> to vector<1x16xf32>
        tpu.vector_store %arg9[%swap3A_944, %swap3A_945], %swap3A_948 {strides = array<i32>} : memref<80x144xf32, #tpu.memory_space<vmem>>, vector<1x16xf32>,
        %slice3A_949 = vector.extract_strided_slice %exp3A {offsets = [0], sizes = [1], strides = [1]} : vector<16xf32> to vector<1xf32>
        %squeeze3A_950 = vector.extract %slice3A_949[0] : f32 from vector<1xf32>
        %get3A_951 = arith.index_cast %scan3A_906 : i32 to index
        %get3A_952 = arith.constant 32 : index
        %get3A_953 = tpu.vector_load %arg9[%get3A_951, %get3A_952] {strides = array<i32>} : memref<80x144xf32, #tpu.memory_space<vmem>>, vector<1x16xf32>,
        %get3A_954 = vector.shape_cast %get3A_953 : vector<1x16xf32> to vector<16xf32>
        %mul3A_955 = vector.broadcast %squeeze3A_950 : f32 to vector<16xf32>
        %mul3A_956 = arith.mulf %get3A_954, %mul3A_955 : vector<16xf32>
        %swap3A_957 = arith.index_cast %scan3A_906 : i32 to index
        %swap3A_958 = arith.constant 32 : index
        %swap3A_959 = tpu.vector_load %arg9[%swap3A_957, %swap3A_958] {strides = array<i32>} : memref<80x144xf32, #tpu.memory_space<vmem>>, vector<1x16xf32>,
        %swap3A_960 = vector.shape_cast %swap3A_959 : vector<1x16xf32> to vector<16xf32>
        %swap3A_961 = vector.shape_cast %mul3A_956 : vector<16xf32> to vector<1x16xf32>
        tpu.vector_store %arg9[%swap3A_957, %swap3A_958], %swap3A_961 {strides = array<i32>} : memref<80x144xf32, #tpu.memory_space<vmem>>, vector<1x16xf32>,
        %slice3A_962 = vector.extract_strided_slice %exp3A {offsets = [0], sizes = [1], strides = [1]} : vector<16xf32> to vector<1xf32>
        %squeeze3A_963 = vector.extract %slice3A_962[0] : f32 from vector<1xf32>
        %get3A_964 = arith.index_cast %scan3A_906 : i32 to index
        %get3A_965 = arith.constant 48 : index
        %get3A_966 = tpu.vector_load %arg9[%get3A_964, %get3A_965] {strides = array<i32>} : memref<80x144xf32, #tpu.memory_space<vmem>>, vector<1x16xf32>,
        %get3A_967 = vector.shape_cast %get3A_966 : vector<1x16xf32> to vector<16xf32>
        %mul3A_968 = vector.broadcast %squeeze3A_963 : f32 to vector<16xf32>
        %mul3A_969 = arith.mulf %get3A_967, %mul3A_968 : vector<16xf32>
        %swap3A_970 = arith.index_cast %scan3A_906 : i32 to index
        %swap3A_971 = arith.constant 48 : index
        %swap3A_972 = tpu.vector_load %arg9[%swap3A_970, %swap3A_971] {strides = array<i32>} : memref<80x144xf32, #tpu.memory_space<vmem>>, vector<1x16xf32>,
        %swap3A_973 = vector.shape_cast %swap3A_972 : vector<1x16xf32> to vector<16xf32>
        %swap3A_974 = vector.shape_cast %mul3A_969 : vector<16xf32> to vector<1x16xf32>
        tpu.vector_store %arg9[%swap3A_970, %swap3A_971], %swap3A_974 {strides = array<i32>} : memref<80x144xf32, #tpu.memory_space<vmem>>, vector<1x16xf32>,
        %slice3A_975 = vector.extract_strided_slice %exp3A {offsets = [0], sizes = [1], strides = [1]} : vector<16xf32> to vector<1xf32>
        %squeeze3A_976 = vector.extract %slice3A_975[0] : f32 from vector<1xf32>
        %get3A_977 = arith.index_cast %scan3A_906 : i32 to index
        %get3A_978 = arith.constant 64 : index
        %get3A_979 = tpu.vector_load %arg9[%get3A_977, %get3A_978] {strides = array<i32>} : memref<80x144xf32, #tpu.memory_space<vmem>>, vector<1x16xf32>,
        %get3A_980 = vector.shape_cast %get3A_979 : vector<1x16xf32> to vector<16xf32>
        %mul3A_981 = vector.broadcast %squeeze3A_976 : f32 to vector<16xf32>
        %mul3A_982 = arith.mulf %get3A_980, %mul3A_981 : vector<16xf32>
        %swap3A_983 = arith.index_cast %scan3A_906 : i32 to index
        %swap3A_984 = arith.constant 64 : index
        %swap3A_985 = tpu.vector_load %arg9[%swap3A_983, %swap3A_984] {strides = array<i32>} : memref<80x144xf32, #tpu.memory_space<vmem>>, vector<1x16xf32>,
        %swap3A_986 = vector.shape_cast %swap3A_985 : vector<1x16xf32> to vector<16xf32>
        %swap3A_987 = vector.shape_cast %mul3A_982 : vector<16xf32> to vector<1x16xf32>
        tpu.vector_store %arg9[%swap3A_983, %swap3A_984], %swap3A_987 {strides = array<i32>} : memref<80x144xf32, #tpu.memory_space<vmem>>, vector<1x16xf32>,
        %slice3A_988 = vector.extract_strided_slice %exp3A {offsets = [0], sizes = [1], strides = [1]} : vector<16xf32> to vector<1xf32>
        %squeeze3A_989 = vector.extract %slice3A_988[0] : f32 from vector<1xf32>
        %get3A_990 = arith.index_cast %scan3A_906 : i32 to index
        %get3A_991 = arith.constant 80 : index
        %get3A_992 = tpu.vector_load %arg9[%get3A_990, %get3A_991] {strides = array<i32>} : memref<80x144xf32, #tpu.memory_space<vmem>>, vector<1x16xf32>,
        %get3A_993 = vector.shape_cast %get3A_992 : vector<1x16xf32> to vector<16xf32>
        %mul3A_994 = vector.broadcast %squeeze3A_989 : f32 to vector<16xf32>
        %mul3A_995 = arith.mulf %get3A_993, %mul3A_994 : vector<16xf32>
        %swap3A_996 = arith.index_cast %scan3A_906 : i32 to index
        %swap3A_997 = arith.constant 80 : index
        %swap3A_998 = tpu.vector_load %arg9[%swap3A_996, %swap3A_997] {strides = array<i32>} : memref<80x144xf32, #tpu.memory_space<vmem>>, vector<1x16xf32>,
        %swap3A_999 = vector.shape_cast %swap3A_998 : vector<1x16xf32> to vector<16xf32>
        %swap3A_1000 = vector.shape_cast %mul3A_995 : vector<16xf32> to vector<1x16xf32>
        tpu.vector_store %arg9[%swap3A_996, %swap3A_997], %swap3A_1000 {strides = array<i32>} : memref<80x144xf32, #tpu.memory_space<vmem>>, vector<1x16xf32>,
        %slice3A_1001 = vector.extract_strided_slice %exp3A {offsets = [0], sizes = [1], strides = [1]} : vector<16xf32> to vector<1xf32>
        %squeeze3A_1002 = vector.extract %slice3A_1001[0] : f32 from vector<1xf32>
        %get3A_1003 = arith.index_cast %scan3A_906 : i32 to index
        %get3A_1004 = arith.constant 96 : index
        %get3A_1005 = tpu.vector_load %arg9[%get3A_1003, %get3A_1004] {strides = array<i32>} : memref<80x144xf32, #tpu.memory_space<vmem>>, vector<1x16xf32>,
        %get3A_1006 = vector.shape_cast %get3A_1005 : vector<1x16xf32> to vector<16xf32>
        %mul3A_1007 = vector.broadcast %squeeze3A_1002 : f32 to vector<16xf32>
        %mul3A_1008 = arith.mulf %get3A_1006, %mul3A_1007 : vector<16xf32>
        %swap3A_1009 = arith.index_cast %scan3A_906 : i32 to index
        %swap3A_1010 = arith.constant 96 : index
        %swap3A_1011 = tpu.vector_load %arg9[%swap3A_1009, %swap3A_1010] {strides = array<i32>} : memref<80x144xf32, #tpu.memory_space<vmem>>, vector<1x16xf32>,
        %swap3A_1012 = vector.shape_cast %swap3A_1011 : vector<1x16xf32> to vector<16xf32>
        %swap3A_1013 = vector.shape_cast %mul3A_1008 : vector<16xf32> to vector<1x16xf32>
        tpu.vector_store %arg9[%swap3A_1009, %swap3A_1010], %swap3A_1013 {strides = array<i32>} : memref<80x144xf32, #tpu.memory_space<vmem>>, vector<1x16xf32>,
        %slice3A_1014 = vector.extract_strided_slice %exp3A {offsets = [0], sizes = [1], strides = [1]} : vector<16xf32> to vector<1xf32>
        %squeeze3A_1015 = vector.extract %slice3A_1014[0] : f32 from vector<1xf32>
        %get3A_1016 = arith.index_cast %scan3A_906 : i32 to index
        %get3A_1017 = arith.constant 112 : index
        %get3A_1018 = tpu.vector_load %arg9[%get3A_1016, %get3A_1017] {strides = array<i32>} : memref<80x144xf32, #tpu.memory_space<vmem>>, vector<1x16xf32>,
        %get3A_1019 = vector.shape_cast %get3A_1018 : vector<1x16xf32> to vector<16xf32>
        %mul3A_1020 = vector.broadcast %squeeze3A_1015 : f32 to vector<16xf32>
        %mul3A_1021 = arith.mulf %get3A_1019, %mul3A_1020 : vector<16xf32>
        %swap3A_1022 = arith.index_cast %scan3A_906 : i32 to index
        %swap3A_1023 = arith.constant 112 : index
        %swap3A_1024 = tpu.vector_load %arg9[%swap3A_1022, %swap3A_1023] {strides = array<i32>} : memref<80x144xf32, #tpu.memory_space<vmem>>, vector<1x16xf32>,
        %swap3A_1025 = vector.shape_cast %swap3A_1024 : vector<1x16xf32> to vector<16xf32>
        %swap3A_1026 = vector.shape_cast %mul3A_1021 : vector<16xf32> to vector<1x16xf32>
        tpu.vector_store %arg9[%swap3A_1022, %swap3A_1023], %swap3A_1026 {strides = array<i32>} : memref<80x144xf32, #tpu.memory_space<vmem>>, vector<1x16xf32>,
      }
      %scan3A_905 = arith.constant 80 : i32
      "tpu.region"() ({
        %run_scoped3A = tpu.sem_alloc : memref<!tpu.dma_semaphore, #tpu.memory_space<semaphore_mem>>
        %dma_start3A_906 = arith.constant 0 : i32
        %dma_start3A_907 = arith.constant 0 : i32
        %dma_start3A_908 = tpu.memref_slice %arg12[%dma_start3A_906, %dma_start3A_907] : memref<10000x144xf32, #tpu.memory_space<vmem_shared>> -> memref<10000x144xf32, #tpu.memory_space<vmem_shared>>
        tpu.enqueue_indirect_dma source(%arg9 : memref<80x144xf32, #tpu.memory_space<vmem>>) target(%dma_start3A_908 : memref<10000x144xf32, #tpu.memory_space<vmem_shared>>) offsets(%arg8 : memref<80xi32, #tpu.memory_space<vmem>>) semaphore(%run_scoped3A : memref<!tpu.dma_semaphore, #tpu.memory_space<semaphore_mem>>) {add = true}
        %dma_wait3A_909 = arith.constant 0 : i32
        %dma_wait3A_910 = arith.constant 0 : i32
        %dma_wait3A_911 = tpu.memref_slice %arg12[%dma_wait3A_909, %dma_wait3A_910] : memref<10000x144xf32, #tpu.memory_space<vmem_shared>> -> memref<10000x144xf32, #tpu.memory_space<vmem_shared>>
        tpu.wait_indirect_dma semaphore(%run_scoped3A : memref<!tpu.dma_semaphore, #tpu.memory_space<semaphore_mem>>) src(%arg9 : memref<80x144xf32, #tpu.memory_space<vmem>>) dst(%dma_wait3A_911 : memref<10000x144xf32, #tpu.memory_space<vmem_shared>>)
        tpu.yield
      }) : () -> ()
    }
    %scan3A_877 = arith.constant 125 : i32
    %barrier3A_878 = arith.constant 0 : index
    tpu.barrier barrier_id(%barrier3A_878)
    %scan3A_879 = arith.constant 0 : i32
    %scan3A_880 = arith.constant 0 : i32
    %scan3A_881 = arith.constant 40 : i32
    %scan3A_882 = arith.addi %scan3A_880, %scan3A_881 : i32
    %scan3A_883 = arith.constant 1 : i32
    scf.for %scan3A_885 = %scan3A_880 to %scan3A_882 step %scan3A_883  : i32 {
      %mul3A_886 = arith.constant 16 : i32
      %mul3A_887 = arith.muli %mul3A_886, %scan3A_885 : i32
      %add3A_888 = arith.addi %arg1, %mul3A_887 : i32
      %lt3A = arith.constant 625 : i32
      %lt3A_889 = arith.cmpi slt, %add3A_888, %lt3A : i32
      %convert_element_type3A = arith.extui %lt3A_889 : i1 to i32
      %cond3A = arith.constant 0 : i32
      %cond3A_890 = arith.cmpi ne, %convert_element_type3A, %cond3A : i32
      scf.if %cond3A_890 {
        %mul3A_891 = arith.constant 16 : i32
        %mul3A_892 = arith.muli %add3A_888, %mul3A_891 : i32
        "tpu.region"() ({
          %run_scoped3A = tpu.sem_alloc : memref<!tpu.dma_semaphore, #tpu.memory_space<semaphore_mem>>
          %dma_start3A = arith.constant 0 : i32
          %dma_start3A_895 = tpu.memref_slice %arg12[%mul3A_892, %dma_start3A] : memref<10000x144xf32, #tpu.memory_space<vmem_shared>> -> memref<16x144xf32, #tpu.memory_space<vmem_shared>>
          %dma_start3A_896 = arith.constant 0 : i32
          %dma_start3A_897 = tpu.memref_slice %arg12[%mul3A_892, %dma_start3A_896] : memref<10000x144xf32, #tpu.memory_space<vmem_shared>> -> memref<16x144xf32, #tpu.memory_space<vmem_shared>>
          tpu.enqueue_dma source(%dma_start3A_897 : memref<16x144xf32, #tpu.memory_space<vmem_shared>>) target(%arg11 : memref<16x144xf32, #tpu.memory_space<vmem>>) target_semaphore(%run_scoped3A : memref<!tpu.dma_semaphore, #tpu.memory_space<semaphore_mem>>)
          %dma_wait3A = arith.constant 0 : i32
          %dma_wait3A_898 = tpu.memref_slice %arg12[%mul3A_892, %dma_wait3A] : memref<10000x144xf32, #tpu.memory_space<vmem_shared>> -> memref<16x144xf32, #tpu.memory_space<vmem_shared>>
          %dma_wait3A_899 = arith.constant 0 : i32
          %dma_wait3A_900 = tpu.memref_slice %arg12[%mul3A_892, %dma_wait3A_899] : memref<10000x144xf32, #tpu.memory_space<vmem_shared>> -> memref<16x144xf32, #tpu.memory_space<vmem_shared>>
          tpu.wait_dma2 semaphore(%run_scoped3A : memref<!tpu.dma_semaphore, #tpu.memory_space<semaphore_mem>>) src(%dma_wait3A_900 : memref<16x144xf32, #tpu.memory_space<vmem_shared>>) dst(%arg11 : memref<16x144xf32, #tpu.memory_space<vmem>>)
          tpu.yield
        }) : () -> ()
        %mul3A_893 = arith.constant 16 : i32
        %mul3A_894 = arith.muli %add3A_888, %mul3A_893 : i32
        "tpu.region"() ({
          %run_scoped3A = tpu.sem_alloc : memref<!tpu.dma_semaphore, #tpu.memory_space<semaphore_mem>>
          %dma_start3A = arith.constant 0 : i32
          %dma_start3A_895 = tpu.memref_slice %arg6[%arg0, %mul3A_894, %dma_start3A] : memref<2x10000x144xf32, #tpu.memory_space<hbm>> -> memref<1x16x144xf32, #tpu.memory_space<hbm>>
          %dma_start3A_896 = tpu.memref_squeeze %dma_start3A_895 : memref<1x16x144xf32, #tpu.memory_space<hbm>> -> memref<16x144xf32, #tpu.memory_space<hbm>>
          %dma_start3A_897 = arith.constant 0 : i32
          %dma_start3A_898 = tpu.memref_slice %arg6[%arg0, %mul3A_894, %dma_start3A_897] : memref<2x10000x144xf32, #tpu.memory_space<hbm>> -> memref<1x16x144xf32, #tpu.memory_space<hbm>>
          %dma_start3A_899 = tpu.memref_squeeze %dma_start3A_898 : memref<1x16x144xf32, #tpu.memory_space<hbm>> -> memref<16x144xf32, #tpu.memory_space<hbm>>
          tpu.enqueue_dma source(%arg11 : memref<16x144xf32, #tpu.memory_space<vmem>>) target(%dma_start3A_899 : memref<16x144xf32, #tpu.memory_space<hbm>>) target_semaphore(%run_scoped3A : memref<!tpu.dma_semaphore, #tpu.memory_space<semaphore_mem>>)
          %dma_wait3A = arith.constant 0 : i32
          %dma_wait3A_900 = tpu.memref_slice %arg6[%arg0, %mul3A_894, %dma_wait3A] : memref<2x10000x144xf32, #tpu.memory_space<hbm>> -> memref<1x16x144xf32, #tpu.memory_space<hbm>>
          %dma_wait3A_901 = tpu.memref_squeeze %dma_wait3A_900 : memref<1x16x144xf32, #tpu.memory_space<hbm>> -> memref<16x144xf32, #tpu.memory_space<hbm>>
          %dma_wait3A_902 = arith.constant 0 : i32
          %dma_wait3A_903 = tpu.memref_slice %arg6[%arg0, %mul3A_894, %dma_wait3A_902] : memref<2x10000x144xf32, #tpu.memory_space<hbm>> -> memref<1x16x144xf32, #tpu.memory_space<hbm>>
          %dma_wait3A_904 = tpu.memref_squeeze %dma_wait3A_903 : memref<1x16x144xf32, #tpu.memory_space<hbm>> -> memref<16x144xf32, #tpu.memory_space<hbm>>
          tpu.wait_dma2 semaphore(%run_scoped3A : memref<!tpu.dma_semaphore, #tpu.memory_space<semaphore_mem>>) src(%arg11 : memref<16x144xf32, #tpu.memory_space<vmem>>) dst(%dma_wait3A_904 : memref<16x144xf32, #tpu.memory_space<hbm>>)
          tpu.yield
        }) : () -> ()
      } else {
      }
    }
    %scan3A_884 = arith.constant 40 : i32
    return
  }
}

module attributes {stable_mosaic.version = 14 : i64} {
  func.func @_dense0_body(%arg0: i32, %arg1: memref<2000x128xf32, #tpu.memory_space<vmem>>, %arg2: memref<128x128xf32, #tpu.memory_space<vmem>>, %arg3: memref<128x16xf32, #tpu.memory_space<vmem>>, %arg4: memref<128x16xf32, #tpu.memory_space<vmem>>, %arg5: memref<2000x144xf32, #tpu.memory_space<vmem>>, %arg6: memref<2000x16xf32, #tpu.memory_space<vmem>>) attributes {dimension_semantics = [#tpu.dimension_semantics<arbitrary>], iteration_bounds = array<i64: 5>, scalar_prefetch = 0 : i64, scratch_operands = 0 : i64, tpu.core_type = #tpu.core_type<tc>, window_params = [{transform_indices = @transform_0, window_bounds = array<i64: 2000, 128>}, {pipeline_mode = #tpu.pipeline_mode<synchronous>, transform_indices = @transform_1, window_bounds = array<i64: 128, 128>}, {pipeline_mode = #tpu.pipeline_mode<synchronous>, transform_indices = @transform_2, window_bounds = array<i64: 128, 16>}, {pipeline_mode = #tpu.pipeline_mode<synchronous>, transform_indices = @transform_3, window_bounds = array<i64: 128, 16>}, {transform_indices = @transform_4, window_bounds = array<i64: 2000, 144>}, {transform_indices = @transform_5, window_bounds = array<i64: 2000, 16>}]} {
    %get3A = arith.constant 0 : index
    %get3A_0 = arith.constant 0 : index
    %get3A_1 = vector.load %arg1[%get3A, %get3A_0] : memref<2000x128xf32, #tpu.memory_space<vmem>>, vector<2000x128xf32>
    %get3A_2 = arith.constant 0 : index
    %get3A_3 = arith.constant 0 : index
    %get3A_4 = vector.load %arg2[%get3A_2, %get3A_3] : memref<128x128xf32, #tpu.memory_space<vmem>>, vector<128x128xf32>
    %dot_general3A = arith.constant dense<0.000000e+00> : vector<2000x128xf32>
    %dot_general3A_5 = tpu.matmul %get3A_1, %get3A_4, %dot_general3A {dimension_numbers = #tpu.dot_dimension_numbers<[1], [0], [0], [1], [0, 0, 1, 1], [], []>, transpose_lhs_hint = false} : vector<2000x128xf32>, vector<128x128xf32>, vector<2000x128xf32> -> vector<2000x128xf32>
    %swap3A = arith.constant 0 : index
    %swap3A_6 = arith.constant 0 : index
    %swap3A_7 = vector.load %arg5[%swap3A, %swap3A_6] : memref<2000x144xf32, #tpu.memory_space<vmem>>, vector<2000x128xf32>
    tpu.vector_store %arg5[%swap3A, %swap3A_6], %dot_general3A_5 {strides = array<i32>} : memref<2000x144xf32, #tpu.memory_space<vmem>>, vector<2000x128xf32>,
    %get3A_8 = arith.constant 0 : index
    %get3A_9 = arith.constant 0 : index
    %get3A_10 = vector.load %arg3[%get3A_8, %get3A_9] : memref<128x16xf32, #tpu.memory_space<vmem>>, vector<128x16xf32>
    %dot_general3A_11 = arith.constant dense<0.000000e+00> : vector<2000x16xf32>
    %dot_general3A_12 = tpu.matmul %dot_general3A_5, %get3A_10, %dot_general3A_11 {dimension_numbers = #tpu.dot_dimension_numbers<[1], [0], [0], [1], [0, 0, 1, 1], [], []>, transpose_lhs_hint = false} : vector<2000x128xf32>, vector<128x16xf32>, vector<2000x16xf32> -> vector<2000x16xf32>
    %swap3A_13 = arith.constant 0 : index
    %swap3A_14 = arith.constant 128 : index
    %swap3A_15 = vector.load %arg5[%swap3A_13, %swap3A_14] : memref<2000x144xf32, #tpu.memory_space<vmem>>, vector<2000x16xf32>
    tpu.vector_store %arg5[%swap3A_13, %swap3A_14], %dot_general3A_12 {strides = array<i32>} : memref<2000x144xf32, #tpu.memory_space<vmem>>, vector<2000x16xf32>,
    %get3A_16 = arith.constant 0 : index
    %get3A_17 = arith.constant 0 : index
    %get3A_18 = vector.load %arg4[%get3A_16, %get3A_17] : memref<128x16xf32, #tpu.memory_space<vmem>>, vector<128x16xf32>
    %dot_general3A_19 = arith.constant dense<0.000000e+00> : vector<2000x16xf32>
    %dot_general3A_20 = tpu.matmul %dot_general3A_5, %get3A_18, %dot_general3A_19 {dimension_numbers = #tpu.dot_dimension_numbers<[1], [0], [0], [1], [0, 0, 1, 1], [], []>, transpose_lhs_hint = false} : vector<2000x128xf32>, vector<128x16xf32>, vector<2000x16xf32> -> vector<2000x16xf32>
    %swap3A_21 = arith.constant 0 : index
    %swap3A_22 = arith.constant 0 : index
    %swap3A_23 = vector.load %arg6[%swap3A_21, %swap3A_22] : memref<2000x16xf32, #tpu.memory_space<vmem>>, vector<2000x16xf32>
    tpu.vector_store %arg6[%swap3A_21, %swap3A_22], %dot_general3A_20 {strides = array<i32>} : memref<2000x16xf32, #tpu.memory_space<vmem>>, vector<2000x16xf32>,
    return
  }
  func.func @transform_0(%arg0: i32) -> (i32, i32) {
    %c0_i32 = arith.constant 0 : i32
    %c0_i32_0 = arith.constant 0 : i32
    return %arg0, %c0_i32 : i32, i32
  }
  func.func @transform_1(%arg0: i32) -> (i32, i32) {
    %c0_i32 = arith.constant 0 : i32
    %c0_i32_0 = arith.constant 0 : i32
    %c0_i32_1 = arith.constant 0 : i32
    return %c0_i32, %c0_i32_0 : i32, i32
  }
  func.func @transform_2(%arg0: i32) -> (i32, i32) {
    %c0_i32 = arith.constant 0 : i32
    %c0_i32_0 = arith.constant 0 : i32
    %c0_i32_1 = arith.constant 0 : i32
    return %c0_i32, %c0_i32_0 : i32, i32
  }
  func.func @transform_3(%arg0: i32) -> (i32, i32) {
    %c0_i32 = arith.constant 0 : i32
    %c0_i32_0 = arith.constant 0 : i32
    %c0_i32_1 = arith.constant 0 : i32
    return %c0_i32, %c0_i32_0 : i32, i32
  }
  func.func @transform_4(%arg0: i32) -> (i32, i32) {
    %c0_i32 = arith.constant 0 : i32
    %c0_i32_0 = arith.constant 0 : i32
    return %arg0, %c0_i32 : i32, i32
  }
  func.func @transform_5(%arg0: i32) -> (i32, i32) {
    %c0_i32 = arith.constant 0 : i32
    %c0_i32_0 = arith.constant 0 : i32
    return %arg0, %c0_i32 : i32, i32
  }
}

module attributes {stable_mosaic.version = 14 : i64} {
  func.func @_combine_body(%arg0: i32, %arg1: memref<2x2000x144xf32, #tpu.memory_space<vmem>>, %arg2: memref<1x128xf32, #tpu.memory_space<vmem>>, %arg3: memref<16x128xf32, #tpu.memory_space<vmem>>, %arg4: memref<128x128xf32, #tpu.memory_space<vmem>>, %arg5: memref<128x16xf32, #tpu.memory_space<vmem>>, %arg6: memref<128x16xf32, #tpu.memory_space<vmem>>, %arg7: memref<2000x144xf32, #tpu.memory_space<vmem>>, %arg8: memref<2000x16xf32, #tpu.memory_space<vmem>>) attributes {dimension_semantics = [#tpu.dimension_semantics<arbitrary>], iteration_bounds = array<i64: 5>, scalar_prefetch = 0 : i64, scratch_operands = 0 : i64, tpu.core_type = #tpu.core_type<tc>, window_params = [{transform_indices = @transform_0, window_bounds = array<i64: 2, 2000, 144>}, {pipeline_mode = #tpu.pipeline_mode<synchronous>, transform_indices = @transform_1, window_bounds = array<i64: 1, 128>}, {pipeline_mode = #tpu.pipeline_mode<synchronous>, transform_indices = @transform_2, window_bounds = array<i64: 16, 128>}, {pipeline_mode = #tpu.pipeline_mode<synchronous>, transform_indices = @transform_3, window_bounds = array<i64: 128, 128>}, {pipeline_mode = #tpu.pipeline_mode<synchronous>, transform_indices = @transform_4, window_bounds = array<i64: 128, 16>}, {pipeline_mode = #tpu.pipeline_mode<synchronous>, transform_indices = @transform_5, window_bounds = array<i64: 128, 16>}, {transform_indices = @transform_6, window_bounds = array<i64: 2000, 144>}, {transform_indices = @transform_7, window_bounds = array<i64: 2000, 16>}]} {
    %get3A = arith.constant 0 : index
    %get3A_0 = arith.constant 0 : index
    %get3A_1 = arith.constant 0 : index
    %get3A_2 = vector.load %arg1[%get3A, %get3A_0, %get3A_1] : memref<2x2000x144xf32, #tpu.memory_space<vmem>>, vector<1x2000x144xf32>
    %get3A_3 = vector.shape_cast %get3A_2 : vector<1x2000x144xf32> to vector<2000x144xf32>
    %get3A_4 = arith.constant 1 : index
    %get3A_5 = arith.constant 0 : index
    %get3A_6 = arith.constant 0 : index
    %get3A_7 = vector.load %arg1[%get3A_4, %get3A_5, %get3A_6] : memref<2x2000x144xf32, #tpu.memory_space<vmem>>, vector<1x2000x144xf32>
    %get3A_8 = vector.shape_cast %get3A_7 : vector<1x2000x144xf32> to vector<2000x144xf32>
    %add3A = arith.addf %get3A_3, %get3A_8 : vector<2000x144xf32>
    %slice3A = vector.extract_strided_slice %add3A {offsets = [0, 0], sizes = [2000, 128], strides = [1, 1]} : vector<2000x144xf32> to vector<2000x128xf32>
    %slice3A_9 = vector.extract_strided_slice %add3A {offsets = [0, 128], sizes = [2000, 16], strides = [1, 1]} : vector<2000x144xf32> to vector<2000x16xf32>
    %get3A_10 = arith.constant 0 : index
    %get3A_11 = arith.constant 0 : index
    %get3A_12 = vector.load %arg3[%get3A_10, %get3A_11] : memref<16x128xf32, #tpu.memory_space<vmem>>, vector<16x128xf32>
    %dot_general3A = arith.constant dense<0.000000e+00> : vector<2000x128xf32>
    %dot_general3A_13 = tpu.matmul %slice3A_9, %get3A_12, %dot_general3A {dimension_numbers = #tpu.dot_dimension_numbers<[1], [0], [0], [1], [0, 0, 1, 1], [], []>, transpose_lhs_hint = false} : vector<2000x16xf32>, vector<16x128xf32>, vector<2000x128xf32> -> vector<2000x128xf32>
    %add3A_14 = arith.constant 1.000000e-16 : f32
    %add3A_15 = vector.broadcast %add3A_14 : f32 to vector<2000x128xf32>
    %add3A_16 = arith.addf %dot_general3A_13, %add3A_15 : vector<2000x128xf32>
    %div3A = arith.divf %slice3A, %add3A_16 : vector<2000x128xf32>
    %get3A_17 = arith.constant 0 : index
    %get3A_18 = arith.constant 0 : index
    %get3A_19 = vector.load %arg2[%get3A_17, %get3A_18] : memref<1x128xf32, #tpu.memory_space<vmem>>, vector<1x128xf32>
    %add3A_20 = vector.broadcast %get3A_19 : vector<1x128xf32> to vector<2000x128xf32>
    %add3A_21 = arith.addf %div3A, %add3A_20 : vector<2000x128xf32>
    %max3A = arith.constant 0.000000e+00 : f32
    %max3A_22 = vector.broadcast %max3A : f32 to vector<2000x128xf32>
    %max3A_23 = arith.maximumf %add3A_21, %max3A_22 : vector<2000x128xf32>
    %get3A_24 = arith.constant 0 : index
    %get3A_25 = arith.constant 0 : index
    %get3A_26 = vector.load %arg4[%get3A_24, %get3A_25] : memref<128x128xf32, #tpu.memory_space<vmem>>, vector<128x128xf32>
    %dot_general3A_27 = arith.constant dense<0.000000e+00> : vector<2000x128xf32>
    %dot_general3A_28 = tpu.matmul %max3A_23, %get3A_26, %dot_general3A_27 {dimension_numbers = #tpu.dot_dimension_numbers<[1], [0], [0], [1], [0, 0, 1, 1], [], []>, transpose_lhs_hint = false} : vector<2000x128xf32>, vector<128x128xf32>, vector<2000x128xf32> -> vector<2000x128xf32>
    %swap3A = arith.constant 0 : index
    %swap3A_29 = arith.constant 0 : index
    %swap3A_30 = vector.load %arg7[%swap3A, %swap3A_29] : memref<2000x144xf32, #tpu.memory_space<vmem>>, vector<2000x128xf32>
    tpu.vector_store %arg7[%swap3A, %swap3A_29], %dot_general3A_28 {strides = array<i32>} : memref<2000x144xf32, #tpu.memory_space<vmem>>, vector<2000x128xf32>,
    %get3A_31 = arith.constant 0 : index
    %get3A_32 = arith.constant 0 : index
    %get3A_33 = vector.load %arg5[%get3A_31, %get3A_32] : memref<128x16xf32, #tpu.memory_space<vmem>>, vector<128x16xf32>
    %dot_general3A_34 = arith.constant dense<0.000000e+00> : vector<2000x16xf32>
    %dot_general3A_35 = tpu.matmul %dot_general3A_28, %get3A_33, %dot_general3A_34 {dimension_numbers = #tpu.dot_dimension_numbers<[1], [0], [0], [1], [0, 0, 1, 1], [], []>, transpose_lhs_hint = false} : vector<2000x128xf32>, vector<128x16xf32>, vector<2000x16xf32> -> vector<2000x16xf32>
    %swap3A_36 = arith.constant 0 : index
    %swap3A_37 = arith.constant 128 : index
    %swap3A_38 = vector.load %arg7[%swap3A_36, %swap3A_37] : memref<2000x144xf32, #tpu.memory_space<vmem>>, vector<2000x16xf32>
    tpu.vector_store %arg7[%swap3A_36, %swap3A_37], %dot_general3A_35 {strides = array<i32>} : memref<2000x144xf32, #tpu.memory_space<vmem>>, vector<2000x16xf32>,
    %get3A_39 = arith.constant 0 : index
    %get3A_40 = arith.constant 0 : index
    %get3A_41 = vector.load %arg6[%get3A_39, %get3A_40] : memref<128x16xf32, #tpu.memory_space<vmem>>, vector<128x16xf32>
    %dot_general3A_42 = arith.constant dense<0.000000e+00> : vector<2000x16xf32>
    %dot_general3A_43 = tpu.matmul %dot_general3A_28, %get3A_41, %dot_general3A_42 {dimension_numbers = #tpu.dot_dimension_numbers<[1], [0], [0], [1], [0, 0, 1, 1], [], []>, transpose_lhs_hint = false} : vector<2000x128xf32>, vector<128x16xf32>, vector<2000x16xf32> -> vector<2000x16xf32>
    %swap3A_44 = arith.constant 0 : index
    %swap3A_45 = arith.constant 0 : index
    %swap3A_46 = vector.load %arg8[%swap3A_44, %swap3A_45] : memref<2000x16xf32, #tpu.memory_space<vmem>>, vector<2000x16xf32>
    tpu.vector_store %arg8[%swap3A_44, %swap3A_45], %dot_general3A_43 {strides = array<i32>} : memref<2000x16xf32, #tpu.memory_space<vmem>>, vector<2000x16xf32>,
    return
  }
  func.func @transform_0(%arg0: i32) -> (i32, i32, i32) {
    %c0_i32 = arith.constant 0 : i32
    %c0_i32_0 = arith.constant 0 : i32
    %c0_i32_1 = arith.constant 0 : i32
    return %c0_i32, %arg0, %c0_i32_0 : i32, i32, i32
  }
  func.func @transform_1(%arg0: i32) -> (i32, i32) {
    %c0_i32 = arith.constant 0 : i32
    %c0_i32_0 = arith.constant 0 : i32
    %c0_i32_1 = arith.constant 0 : i32
    return %c0_i32, %c0_i32_0 : i32, i32
  }
  func.func @transform_2(%arg0: i32) -> (i32, i32) {
    %c0_i32 = arith.constant 0 : i32
    %c0_i32_0 = arith.constant 0 : i32
    %c0_i32_1 = arith.constant 0 : i32
    return %c0_i32, %c0_i32_0 : i32, i32
  }
  func.func @transform_3(%arg0: i32) -> (i32, i32) {
    %c0_i32 = arith.constant 0 : i32
    %c0_i32_0 = arith.constant 0 : i32
    %c0_i32_1 = arith.constant 0 : i32
    return %c0_i32, %c0_i32_0 : i32, i32
  }
  func.func @transform_4(%arg0: i32) -> (i32, i32) {
    %c0_i32 = arith.constant 0 : i32
    %c0_i32_0 = arith.constant 0 : i32
    %c0_i32_1 = arith.constant 0 : i32
    return %c0_i32, %c0_i32_0 : i32, i32
  }
  func.func @transform_5(%arg0: i32) -> (i32, i32) {
    %c0_i32 = arith.constant 0 : i32
    %c0_i32_0 = arith.constant 0 : i32
    %c0_i32_1 = arith.constant 0 : i32
    return %c0_i32, %c0_i32_0 : i32, i32
  }
  func.func @transform_6(%arg0: i32) -> (i32, i32) {
    %c0_i32 = arith.constant 0 : i32
    %c0_i32_0 = arith.constant 0 : i32
    return %arg0, %c0_i32 : i32, i32
  }
  func.func @transform_7(%arg0: i32) -> (i32, i32) {
    %c0_i32 = arith.constant 0 : i32
    %c0_i32_0 = arith.constant 0 : i32
    return %arg0, %c0_i32 : i32, i32
  }
}

module attributes {stable_mosaic.version = 14 : i64} {
  func.func @_final_body(%arg0: i32, %arg1: memref<2x2000x144xf32, #tpu.memory_space<vmem>>, %arg2: memref<1x128xf32, #tpu.memory_space<vmem>>, %arg3: memref<16x128xf32, #tpu.memory_space<vmem>>, %arg4: memref<2000x128xf32, #tpu.memory_space<vmem>>) attributes {dimension_semantics = [#tpu.dimension_semantics<arbitrary>], iteration_bounds = array<i64: 5>, scalar_prefetch = 0 : i64, scratch_operands = 0 : i64, tpu.core_type = #tpu.core_type<tc>, window_params = [{transform_indices = @transform_0, window_bounds = array<i64: 2, 2000, 144>}, {pipeline_mode = #tpu.pipeline_mode<synchronous>, transform_indices = @transform_1, window_bounds = array<i64: 1, 128>}, {pipeline_mode = #tpu.pipeline_mode<synchronous>, transform_indices = @transform_2, window_bounds = array<i64: 16, 128>}, {transform_indices = @transform_3, window_bounds = array<i64: 2000, 128>}]} {
    %get3A = arith.constant 0 : index
    %get3A_0 = arith.constant 0 : index
    %get3A_1 = arith.constant 0 : index
    %get3A_2 = vector.load %arg1[%get3A, %get3A_0, %get3A_1] : memref<2x2000x144xf32, #tpu.memory_space<vmem>>, vector<1x2000x144xf32>
    %get3A_3 = vector.shape_cast %get3A_2 : vector<1x2000x144xf32> to vector<2000x144xf32>
    %get3A_4 = arith.constant 1 : index
    %get3A_5 = arith.constant 0 : index
    %get3A_6 = arith.constant 0 : index
    %get3A_7 = vector.load %arg1[%get3A_4, %get3A_5, %get3A_6] : memref<2x2000x144xf32, #tpu.memory_space<vmem>>, vector<1x2000x144xf32>
    %get3A_8 = vector.shape_cast %get3A_7 : vector<1x2000x144xf32> to vector<2000x144xf32>
    %add3A = arith.addf %get3A_3, %get3A_8 : vector<2000x144xf32>
    %slice3A = vector.extract_strided_slice %add3A {offsets = [0, 128], sizes = [2000, 16], strides = [1, 1]} : vector<2000x144xf32> to vector<2000x16xf32>
    %get3A_9 = arith.constant 0 : index
    %get3A_10 = arith.constant 0 : index
    %get3A_11 = vector.load %arg3[%get3A_9, %get3A_10] : memref<16x128xf32, #tpu.memory_space<vmem>>, vector<16x128xf32>
    %dot_general3A = arith.constant dense<0.000000e+00> : vector<2000x128xf32>
    %dot_general3A_12 = tpu.matmul %slice3A, %get3A_11, %dot_general3A {dimension_numbers = #tpu.dot_dimension_numbers<[1], [0], [0], [1], [0, 0, 1, 1], [], []>, transpose_lhs_hint = false} : vector<2000x16xf32>, vector<16x128xf32>, vector<2000x128xf32> -> vector<2000x128xf32>
    %add3A_13 = arith.constant 1.000000e-16 : f32
    %add3A_14 = vector.broadcast %add3A_13 : f32 to vector<2000x128xf32>
    %add3A_15 = arith.addf %dot_general3A_12, %add3A_14 : vector<2000x128xf32>
    %slice3A_16 = vector.extract_strided_slice %add3A {offsets = [0, 0], sizes = [2000, 128], strides = [1, 1]} : vector<2000x144xf32> to vector<2000x128xf32>
    %div3A = arith.divf %slice3A_16, %add3A_15 : vector<2000x128xf32>
    %get3A_17 = arith.constant 0 : index
    %get3A_18 = arith.constant 0 : index
    %get3A_19 = vector.load %arg2[%get3A_17, %get3A_18] : memref<1x128xf32, #tpu.memory_space<vmem>>, vector<1x128xf32>
    %add3A_20 = vector.broadcast %get3A_19 : vector<1x128xf32> to vector<2000x128xf32>
    %add3A_21 = arith.addf %div3A, %add3A_20 : vector<2000x128xf32>
    %swap3A = arith.constant 0 : index
    %swap3A_22 = arith.constant 0 : index
    %swap3A_23 = vector.load %arg4[%swap3A, %swap3A_22] : memref<2000x128xf32, #tpu.memory_space<vmem>>, vector<2000x128xf32>
    tpu.vector_store %arg4[%swap3A, %swap3A_22], %add3A_21 {strides = array<i32>} : memref<2000x128xf32, #tpu.memory_space<vmem>>, vector<2000x128xf32>,
    return
  }
  func.func @transform_0(%arg0: i32) -> (i32, i32, i32) {
    %c0_i32 = arith.constant 0 : i32
    %c0_i32_0 = arith.constant 0 : i32
    %c0_i32_1 = arith.constant 0 : i32
    return %c0_i32, %arg0, %c0_i32_0 : i32, i32, i32
  }
  func.func @transform_1(%arg0: i32) -> (i32, i32) {
    %c0_i32 = arith.constant 0 : i32
    %c0_i32_0 = arith.constant 0 : i32
    %c0_i32_1 = arith.constant 0 : i32
    return %c0_i32, %c0_i32_0 : i32, i32
  }
  func.func @transform_2(%arg0: i32) -> (i32, i32) {
    %c0_i32 = arith.constant 0 : i32
    %c0_i32_0 = arith.constant 0 : i32
    %c0_i32_1 = arith.constant 0 : i32
    return %c0_i32, %c0_i32_0 : i32, i32
  }
  func.func @transform_3(%arg0: i32) -> (i32, i32) {
    %c0_i32 = arith.constant 0 : i32
    %c0_i32_0 = arith.constant 0 : i32
    return %arg0, %c0_i32 : i32, i32
  }
}

</mosaic_0001>

<sc_bundles>
// kernel: kernel.12.cloned.1.call-start
scs
__scs_entry_jumppad:
0x0: {  	(pc) =	sbr.rel $0x88, $3  }
0x1: {  	(tag) =	ssettag $0x0;
	lr =	simm.s32 $0x1  }
0x2: {  	[smem:$0x3F93] =	sst lr;
	_ =	strace $0xD0000000  }
0x3: {  	_ = 	snop  }
0x4: {  	_ = 	snop  }
0x5: {  	_ = 	snop  }
0x6: {  	_ = 	snop  }
0x7: {  	_ = 	snop  }
__scs_overlays_trampoline_lowered:
0x8: {  	[smem:$0x3FA2] =	sst s0  }
0x9: {  	[smem:$0x3FA3] =	sst s1  }
0xa: {  	[smem:$0x3FA4] =	sst s2  }
0xb: {  	[smem:$0x3FA5] =	sst s3  }
0xc: {  	[smem:$0x3FA6] =	sst s4  }
0xd: {  	[smem:$0x3FA7] =	sst s5  }
0xe: {  	[smem:$0x3FA8] =	sst s6  }
0xf: {  	[smem:$0x3FA9] =	sst s7  }
0x10: {  	[smem:$0x3FAA] =	sst s8  }
0x11: {  	[smem:$0x3FAB] =	sst s9;
	s0 =	simm.s32 @!p0 $0x0  }
0x12: {  	s1 =	sld [smem:$0x3F91];
	s0 =	simm.s32 @p0 $0x1  }
0x13: {  	[smem:$0x3FAC] =	sst s0;
	s0 =	simm.s32 @!p1 $0x0  }
0x14: {  	s2 =	sld [smem:$0x3F90];
	s0 =	simm.s32 @p1 $0x1  }
0x15: {  	[smem:$0x3FAD] =	sst s0;
	s0 =	simm.s32 @!p2 $0x0  }
0x16: {  	s3 =	sld [smem:$0x3FDB];
	s0 =	simm.s32 @p2 $0x1  }
0x17: {  	s4 =	simm.s32 $0x1BF5;
	[smem:$0x3FAF] =	sst s0  }
0x18: {  	s0 =	sld [smem:$0x3F92];
	_ =	swait.ge [sflag:s4], $0x0  }
0x19: {  	s7 =	sld [smem:$0x3F93]  }
0x1a: {  	s8 =	sadd.s32 $0xFFFFE003, lr  }
0x1b: {  	s9 =	sadd.s32 $0xFFFFFEF7, lr;
	s5 =	simm.s32 $0xFFFFFFFF;
	p2 =	slt.u32 s8, $0xFFFFF086  }
0x1c: {  	p1 =	slt.u32 s9, $0xF7A;
	s5 =	simm.s32 @!p2 $0x0  }
0x1d: {  	s5 =	simm.s32 @p1 $0x1;
	p0 =	seq.s32 s7, s2  }
0x1e: {  	s7 =	smul.u32 @!p0 $0xF7A, s2;
	p2 =	seq.s32 @!p0 s5, $0x0  }
0x1f: {  	s9 =	smul.u32 $0xF7A, s1;
	s8 =	simm.s32 @!p0 $0x1BF5;
	p2 =	por !p2, p0  }
0x20: {  	[sflag:s8] =	ssyncset.s32 @!p0 $0xFFFFF086;
	s6 =	sadd.s32 @!p0 s3, s7;
	s7 =	simm.s32 @!p0 $0x108  }
0x21: {  	s3 =	sadd.s32 s3, s9;
	s6 =	sadd.s32 @!p0 $0x88, s6;
	s7 =	simm.s32 @p2 $0x1082  }
0x22: {  	[simem:s7], [sflag:s8] =	dma.local @!p0 [hbm:s6], $0xF7A  }
0x23: {  	s9 =	sor.u32 $0xD0000000, s2;
	s6 =	simm.s32 $0x108;
	_ =	swait.ge @!p0 [sflag:s8], $0x0  }
0x24: {  	s3 =	sadd.s32 $0x88, s3;
	s6 =	simm.s32 @!p1 $0x1082;
	[sflag:s4] =	ssyncset.s32 $0xFFFFF086  }
0x25: {  	[simem:s6], [sflag:s4] =	dma.local [hbm:s3], $0xF7A  }
0x26: {  	[smem:$0x3F93] =	sst s1;
	(tag) =	ssettag s2;
	_ =	strace s9  }
0x27: {  	s1 =	sld [smem:$0x3FA3]  }
0x28: {  	s2 =	sld [smem:$0x3FA4]  }
0x29: {  	s4 =	sld [smem:$0x3FA6]  }
0x2a: {  	p0 =	seq.s32 s5, $0x0;
	s5 =	sld [smem:$0x3FA7]  }
0x2b: {  	s6 =	sld [smem:$0x3FA8]  }
0x2c: {  	s7 =	sld [smem:$0x3FA9]  }
0x2d: {  	s3 =	simm.s32 $0x108;
	s8 =	sld [smem:$0x3FAA]  }
0x2e: {  	s3 =	simm.s32 @!p0 $0x1082;
	s9 =	sld [smem:$0x3FAB]  }
0x2f: {  	lr =	sadd.s32 s0, s3;
	s0 =	sld [smem:$0x3FA2]  }
0x30: {  	s3 =	sld [smem:$0x3FA5]  }
0x31: {  	[smem:$0x3FAE] =	sst s10  }
0x32: {  	s10 =	sld [smem:$0x3FAC];
	_ =	sdelay $0x3  }
0x33: {  	p0 =	seq.s32 s10, $0x1;
	s10 =	sld [smem:$0x3FAE];
	_ =	sdelay $0x3  }
0x34: {  	[smem:$0x3FAE] =	sst s10  }
0x35: {  	s10 =	sld [smem:$0x3FAD];
	_ =	sdelay $0x3  }
0x36: {  	p1 =	seq.s32 s10, $0x1;
	s10 =	sld [smem:$0x3FAE];
	_ =	sdelay $0x3  }
0x37: {  	[smem:$0x3FAE] =	sst s10  }
0x38: {  	s10 =	sld [smem:$0x3FAF]  }
0x39: {  	_ = 	snop;
	(pc) =	sbr.ind lr, $3  }
0x3a: {  	_ = 	snop  }
0x3b: {  	_ = 	snop  }
0x3c: {  	p2 =	seq.s32 s10, $0x1;
	s10 =	sld [smem:$0x3FAE]  }
0x3d: {  	_ =	shalt  }
0x3e: {  	_ =	shalt  }
0x3f: {  	_ =	shalt  }
0x40: {  	_ =	shalt  }
0x41: {  	_ =	shalt  }
0x42: {  	_ =	shalt  }
0x43: {  	_ =	shalt  }
0x44: {  	_ =	shalt  }
0x45: {  	_ =	shalt  }
0x46: {  	_ =	shalt  }
0x47: {  	_ =	shalt  }
0x48: {  	_ =	shalt  }
0x49: {  	_ =	shalt  }
0x4a: {  	_ =	shalt  }
0x4b: {  	_ =	shalt  }
0x4c: {  	_ =	shalt  }
0x4d: {  	_ =	shalt  }
0x4e: {  	_ =	shalt  }
0x4f: {  	_ =	shalt  }
0x50: {  	_ =	shalt  }
0x51: {  	_ =	shalt  }
0x52: {  	_ =	shalt  }
0x53: {  	_ =	shalt  }
0x54: {  	_ =	shalt  }
0x55: {  	_ =	shalt  }
0x56: {  	_ =	shalt  }
0x57: {  	_ =	shalt  }
0x58: {  	_ =	shalt  }
0x59: {  	_ =	shalt  }
0x5a: {  	_ =	shalt  }
0x5b: {  	_ =	shalt  }
0x5c: {  	_ =	shalt  }
0x5d: {  	_ =	shalt  }
0x5e: {  	_ =	shalt  }
0x5f: {  	_ =	shalt  }
0x60: {  	_ =	shalt  }
0x61: {  	_ =	shalt  }
0x62: {  	_ =	shalt  }
0x63: {  	_ =	shalt  }
0x64: {  	_ =	shalt  }
0x65: {  	_ =	shalt  }
0x66: {  	_ =	shalt  }
0x67: {  	_ =	shalt  }
0x68: {  	_ =	shalt  }
0x69: {  	_ =	shalt  }
0x6a: {  	_ =	shalt  }
0x6b: {  	_ =	shalt  }
0x6c: {  	_ =	shalt  }
0x6d: {  	_ =	shalt  }
0x6e: {  	_ =	shalt  }
0x6f: {  	_ =	shalt  }
0x70: {  	_ =	shalt  }
0x71: {  	_ =	shalt  }
0x72: {  	_ =	shalt  }
0x73: {  	_ =	shalt  }
0x74: {  	_ =	shalt  }
0x75: {  	_ =	shalt  }
0x76: {  	_ =	shalt  }
0x77: {  	_ =	shalt  }
0x78: {  	_ =	shalt  }
0x79: {  	_ =	shalt  }
0x7a: {  	_ =	shalt  }
0x7b: {  	_ =	shalt  }
0x7c: {  	_ =	shalt  }
0x7d: {  	_ =	shalt  }
0x7e: {  	_ =	shalt  }
0x7f: {  	_ =	shalt  }
0x80: {  	_ =	shalt  }
0x81: {  	_ =	shalt  }
0x82: {  	_ =	shalt  }
0x83: {  	_ =	shalt  }
0x84: {  	_ =	shalt  }
0x85: {  	_ =	shalt  }
0x86: {  	_ =	shalt  }
0x87: {  	_ =	shalt  }
.Lfunc_end0:
.L_simem_size_0:
called_computation.1_lowered:
.L_overlay_start_0:
0x88: {  	s2 =	sld [smem:$0x3FD9]  }
0x89: {  	s3 =	sld [smem:$0x3FFE];
	_ =	sdelay $0x1  }
0x8a: {  	s1 =	srdreg.scid  }
0x8b: {  	s0 =	sand.u32 $0x1, s1  }
0x8c: {  	s17 =	sshll.u32 s0, $0xA;
	s2 =	sadd.s32 s3, s2  }
0x8d: {  	s2 =	sadd.s32 s2, s17  }
0x8e: {  	[smem:$0x3FBA] =	sst s2  }
0x8f: {  	_ = 	snop  }
0x90: {  	s2 =	sld [smem:$0x3FD0];
	(tm) =	ssettm $0x1  }
0x91: {  	s18 =	sld [smem:$0x3FFB];
	_ =	sdelay $0x3  }
0x92: {  	_ =	strace s18  }
0x93: {  	s3 =	sld [smem:$0x3FFC];
	_ =	sdelay $0x3  }
0x94: {  	_ =	strace s3  }
0x95: {  	s3 =	sld [smem:$0x3FFD];
	_ =	sdelay $0x3  }
0x96: {  	_ =	strace s3  }
0x97: {  	_ =	strace $0x8FFFFFFF  }
0x98: {  	s19 =	sld [smem:$0x3FDB];
	_ =	sdelay $0x1  }
0x99: {  	s4 =	simm.s32 $_scs_section_size  }
0x9a: {  	s5 =	simm.s32 $_size__tile_overlayer_lowered;
	s6 =	simm.s32 $_tile_overlayer_lowered  }
0x9b: {  	s22 =	simm.s32 $0x1BFF;
	s21 =	sshll.u32 s6, $0x1;
	s3 =	sadd.s32 s4, s19  }
0x9c: {  	s7 =	simm.s32 $0x0;
	s20 =	sshll.u32 s5, $0x1;
	s5 =	sadd.s32 s21, s3  }
0x9d: {  	[timem:s7], [sflag:s22] =	dma.local [hbm:s5], s20  }
0x9e: {  	_ =	swait.ge [sflag:s22], s20  }
0x9f: {  	s4 =	ssub.s32 $0x0, s20;
	[sflag:s22] =	ssyncset.done $0x0  }
0xa0: {  	[sflag:s22] =	ssyncadd.s32 s4;
	_ =	sdelay $0x1  }
0xa1: {  	s23 =	simm.s32 $0x1B8B  }
0xa2: {  	_ =	swait.ge [sflag:s23], $0x1  }
0xa3: {  	[sflag:s23] =	ssyncset.done $0x0  }
0xa4: {  	s25 =	simm.s32 $0x1B8E;
	s24 =	sld [smem:$0x3FFE];
	[sflag:s23] =	ssyncadd.s32 $0xFFFFFFFF  }
0xa5: {  	s26 =	simm.s32 $execute0_lowered;
	[smem:$0x3FD2] =	sst s25  }
0xa6: {  	s5 =	sshll.u32 s26, $0x1;
	_ =	strace $0x80000049;
	[dreg:$0x1] =	wrdreg $0xFFFFFFFF  }
0xa7: {  	s28 =	simm.s32 $_size_execute0_lowered;
	s3 =	sadd.s32 s3, s5;
	[dreg:$0x0] =	wrdreg $0x0  }
0xa8: {  	s5 =	sshll.u32 s28, $0x1;
	[dreg:$0x2] =	wrdreg s3  }
0xa9: {  	[dreg:$0x3] =	wrdreg s5  }
0xaa: {  	[dreg:$0x4] =	wrdreg $0xC0  }
0xab: {  	_ =	task [dreg:s7], $0x5FFFF  }
0xac: {  	[dreg:$0x1] =	wrdreg $0xFFFFFFFF  }
0xad: {  	[dreg:$0x0] =	wrdreg $0x60  }
0xae: {  	[dreg:$0x2] =	wrdreg s24  }
0xaf: {  	[dreg:$0x3] =	wrdreg s2  }
0xb0: {  	[dreg:$0x4] =	wrdreg $0x3BA00  }
0xb1: {  	[dreg:$0x5] =	wrdreg $0x9  }
0xb2: {  	_ =	task.clear_ibuf [dreg:s7], $0x6FFFF;
	_ =	strace $0x90000049  }
0xb3: {  	s29 =	simm.s32 $0x9;
	_ =	strace $0x8000004B  }
0xb4: {  	_ =	swait.ge [sflag:s29], $0x1  }
0xb5: {  	[sflag:s29] =	ssyncadd.s32 $0xFFFFFFFF  }
0xb6: {  	_ =	strace $0x9000004B  }
0xb7: {  	_ =	sfence  }
0xb8: {  	s30 =	sld [smem:$0x0];
	_ =	sdelay $0x2  }
0xb9: {  	s31 =	sshll.u32 s1, $0xD;
	s1 =	sshrl.u32 s1, $0x2  }
0xba: {  	s3 =	sand.u32 $0x4000, s31;
	s1 =	sadd.s32 s1, s30  }
0xbb: {  	s0 =	sor.u32 s3, s0;
	s1 =	sshll.u32 s1, $0x11  }
0xbc: {  	s0 =	sor.u32 s1, s0  }
0xbd: {  	s0 =	sadd.s32 $0x8F2B, s0  }
0xbe: {  	[sflag:s0] =	ssyncadd.remote.s32 $0x1  }
0xbf: {  	_ =	sfence.sel $0xFFFF  }
0xc0: {  	[dreg:$0x0] =	wrdreg $0xFFFFFFFF;
	(pc) =	sbr.abs _section_cstart, $3  }
0xc1: {  	[dreg:$0x1] =	wrdreg $0xFFFFFFFF  }
0xc2: {  	_ =	task.clear_ibuf [dreg:s7], $0x2FFFF;
	_ =	strace $0x9FFFFFFF  }
0xc3: {  	(tm) =	ssettm $0x7FFFFFFF  }
tec
execute0_lowered:
.L_overlay_start_1:
0x0: {  	(tag) =	ssettag $0x1  }
0x1: {  	s8 =	rddreg [dreg:$0x0]  }
0x2: {  	s2 =	rddreg [dreg:$0x1];
	s0 =	srdreg.scid  }
0x3: {  	s3 =	rddreg [dreg:$0x2];
	s1 =	stileid.u32  }
0x4: {  	s4 =	simm.s32 $0x0;
	s14 =	simm.s32 $0xA0;
	s15 =	simm.s32 $0x2DA0  }
0x5: {  	s16 =	simm.s32 $0x1;
	s17 =	simm.s32 $0x2;
	s7 =	smul.u32 $0x900, s1  }
0x6: {  	s9 =	sand.u32 $0x1, s0;
	s0 =	rddreg [dreg:$0x3];
	s12 =	smul.u32 $0x2400, s1  }
0x7: {  	[smem:$0x7FF] =	sst s4;
	s5 =	sadd.s32 $0x2200, s8;
	s6 =	smul.u32 $0x15F900, s9  }
0x8: {  	_ =	strace $0x8000004A;
	s11 =	ssub.s32 $0x2, s9;
	s9 =	sshll.u32 s9, $0x4  }
0x9: {  	s29 =	sshrl.u32 s11, $0x1;
	s9 =	sor.u32 s1, s9;
	s31 =	sshrl.u32 s12, $0x2  }
0xa: {  	s12 =	simm.s32 $0x3;
	s10 =	sadd.s32 s7, s6;
	s6 =	sadd.s32 $0x2E200, s8  }
0xb: {  	s7 =	sadd.s32 $0x33200, s8;
	s30 =	ssub.s32 s11, s29;
	s10 =	sshrl.u32 s10, $0x3  }
0xc: {  	s13 =	sadd.s32 s10, s8;
	s8 =	smul.u32 $0x2710, s9;
	s9 =	smax.u32 s30, $0x1  }
0xd: {  	v0 =	vimm.f32 $0.0e+00;
	s10 =	sadd.s32 s31, s3;
	s11 =	sadd.s32 $0x3D000, s13;
	s13 =	simm.s32 $0x50  }
.LBB2_1:
0xe: {  	[tilespmem:$0x32A0] =	vst v0  }
0xf: {  	[tilespmem:$0x32B0] =	vst v0  }
0x10: {  	[tilespmem:$0x32C0] =	vst v0  }
0x11: {  	[tilespmem:$0x32D0] =	vst v0  }
0x12: {  	[tilespmem:$0x32E0] =	vst v0  }
0x13: {  	[tilespmem:$0x32F0] =	vst v0  }
0x14: {  	[tilespmem:$0x3300] =	vst v0  }
0x15: {  	[tilespmem:$0x3310] =	vst v0  }
0x16: {  	[tilespmem:$0x3320] =	vst v0  }
0x17: {  	[tilespmem:$0x3330] =	vst v0  }
0x18: {  	[tilespmem:$0x3340] =	vst v0  }
0x19: {  	[tilespmem:$0x3350] =	vst v0  }
0x1a: {  	[tilespmem:$0x3360] =	vst v0  }
0x1b: {  	[tilespmem:$0x3370] =	vst v0  }
0x1c: {  	[tilespmem:$0x3380] =	vst v0  }
0x1d: {  	[tilespmem:$0x3390] =	vst v0  }
0x1e: {  	[tilespmem:$0x33A0] =	vst v0  }
0x1f: {  	[tilespmem:$0x33B0] =	vst v0  }
0x20: {  	[tilespmem:$0x33C0] =	vst v0  }
0x21: {  	[tilespmem:$0x33D0] =	vst v0  }
0x22: {  	[tilespmem:$0x33E0] =	vst v0  }
0x23: {  	[tilespmem:$0x33F0] =	vst v0  }
0x24: {  	[tilespmem:$0x3400] =	vst v0  }
0x25: {  	[tilespmem:$0x3410] =	vst v0  }
0x26: {  	[tilespmem:$0x3420] =	vst v0  }
0x27: {  	[tilespmem:$0x3430] =	vst v0  }
0x28: {  	[tilespmem:$0x3440] =	vst v0  }
0x29: {  	[tilespmem:$0x3450] =	vst v0  }
0x2a: {  	[tilespmem:$0x3460] =	vst v0  }
0x2b: {  	[tilespmem:$0x3470] =	vst v0  }
0x2c: {  	[tilespmem:$0x3480] =	vst v0  }
0x2d: {  	[tilespmem:$0x3490] =	vst v0  }
0x2e: {  	[tilespmem:$0x34A0] =	vst v0  }
0x2f: {  	[tilespmem:$0x34B0] =	vst v0  }
0x30: {  	[tilespmem:$0x34C0] =	vst v0  }
0x31: {  	[tilespmem:$0x34D0] =	vst v0  }
0x32: {  	[tilespmem:$0x34E0] =	vst v0  }
0x33: {  	[tilespmem:$0x34F0] =	vst v0  }
0x34: {  	[tilespmem:$0x3500] =	vst v0  }
0x35: {  	[tilespmem:$0x3510] =	vst v0  }
0x36: {  	[tilespmem:$0x3520] =	vst v0  }
0x37: {  	[tilespmem:$0x3530] =	vst v0  }
0x38: {  	[tilespmem:$0x3540] =	vst v0  }
0x39: {  	[tilespmem:$0x3550] =	vst v0  }
0x3a: {  	[tilespmem:$0x3560] =	vst v0  }
0x3b: {  	[tilespmem:$0x3570] =	vst v0  }
0x3c: {  	[tilespmem:$0x3580] =	vst v0  }
0x3d: {  	[tilespmem:$0x3590] =	vst v0  }
0x3e: {  	[tilespmem:$0x35A0] =	vst v0  }
0x3f: {  	[tilespmem:$0x35B0] =	vst v0  }
0x40: {  	[tilespmem:$0x35C0] =	vst v0  }
0x41: {  	[tilespmem:$0x35D0] =	vst v0  }
0x42: {  	[tilespmem:$0x35E0] =	vst v0  }
0x43: {  	[tilespmem:$0x35F0] =	vst v0  }
0x44: {  	[tilespmem:$0x3600] =	vst v0  }
0x45: {  	[tilespmem:$0x3610] =	vst v0  }
0x46: {  	[tilespmem:$0x3620] =	vst v0  }
0x47: {  	[tilespmem:$0x3630] =	vst v0  }
0x48: {  	[tilespmem:$0x3640] =	vst v0  }
0x49: {  	[tilespmem:$0x3650] =	vst v0  }
0x4a: {  	[tilespmem:$0x3660] =	vst v0  }
0x4b: {  	[tilespmem:$0x3670] =	vst v0  }
0x4c: {  	[tilespmem:$0x3680] =	vst v0  }
0x4d: {  	[tilespmem:$0x3690] =	vst v0  }
0x4e: {  	[tilespmem:$0x36A0] =	vst v0  }
0x4f: {  	[tilespmem:$0x36B0] =	vst v0  }
0x50: {  	[tilespmem:$0x36C0] =	vst v0  }
0x51: {  	[tilespmem:$0x36D0] =	vst v0  }
0x52: {  	[tilespmem:$0x36E0] =	vst v0  }
0x53: {  	[tilespmem:$0x36F0] =	vst v0  }
0x54: {  	[tilespmem:$0x3700] =	vst v0  }
0x55: {  	[tilespmem:$0x3710] =	vst v0  }
0x56: {  	[tilespmem:$0x3720] =	vst v0  }
0x57: {  	[tilespmem:$0x3730] =	vst v0  }
0x58: {  	[tilespmem:$0x3740] =	vst v0  }
0x59: {  	[tilespmem:$0x3750] =	vst v0  }
0x5a: {  	[tilespmem:$0x3760] =	vst v0  }
0x5b: {  	[tilespmem:$0x3770] =	vst v0  }
0x5c: {  	[tilespmem:$0x3780] =	vst v0  }
0x5d: {  	[tilespmem:$0x3790] =	vst v0  }
0x5e: {  	[tilespmem:$0x37A0] =	vst v0  }
0x5f: {  	[tilespmem:$0x37B0] =	vst v0  }
0x60: {  	[tilespmem:$0x37C0] =	vst v0  }
0x61: {  	[tilespmem:$0x37D0] =	vst v0  }
0x62: {  	[tilespmem:$0x37E0] =	vst v0  }
0x63: {  	[tilespmem:$0x37F0] =	vst v0  }
0x64: {  	[tilespmem:$0x3800] =	vst v0  }
0x65: {  	[tilespmem:$0x3810] =	vst v0  }
0x66: {  	[tilespmem:$0x3820] =	vst v0  }
0x67: {  	[tilespmem:$0x3830] =	vst v0  }
0x68: {  	[tilespmem:$0x3840] =	vst v0  }
0x69: {  	[tilespmem:$0x3850] =	vst v0  }
0x6a: {  	[tilespmem:$0x3860] =	vst v0  }
0x6b: {  	[tilespmem:$0x3870] =	vst v0  }
0x6c: {  	[tilespmem:$0x3880] =	vst v0  }
0x6d: {  	[tilespmem:$0x3890] =	vst v0  }
0x6e: {  	[tilespmem:$0x38A0] =	vst v0  }
0x6f: {  	[tilespmem:$0x38B0] =	vst v0  }
0x70: {  	[tilespmem:$0x38C0] =	vst v0  }
0x71: {  	[tilespmem:$0x38D0] =	vst v0  }
0x72: {  	[tilespmem:$0x38E0] =	vst v0  }
0x73: {  	[tilespmem:$0x38F0] =	vst v0  }
0x74: {  	[tilespmem:$0x3900] =	vst v0  }
0x75: {  	[tilespmem:$0x3910] =	vst v0  }
0x76: {  	[tilespmem:$0x3920] =	vst v0  }
0x77: {  	[tilespmem:$0x3930] =	vst v0  }
0x78: {  	[tilespmem:$0x3940] =	vst v0  }
0x79: {  	[tilespmem:$0x3950] =	vst v0  }
0x7a: {  	[tilespmem:$0x3960] =	vst v0  }
0x7b: {  	[tilespmem:$0x3970] =	vst v0  }
0x7c: {  	[tilespmem:$0x3980] =	vst v0  }
0x7d: {  	[tilespmem:$0x3990] =	vst v0  }
0x7e: {  	[tilespmem:$0x39A0] =	vst v0  }
0x7f: {  	[tilespmem:$0x39B0] =	vst v0  }
0x80: {  	[tilespmem:$0x39C0] =	vst v0  }
0x81: {  	[tilespmem:$0x39D0] =	vst v0  }
0x82: {  	[tilespmem:$0x39E0] =	vst v0  }
0x83: {  	[tilespmem:$0x39F0] =	vst v0  }
0x84: {  	[tilespmem:$0x3A00] =	vst v0  }
0x85: {  	[tilespmem:$0x3A10] =	vst v0  }
0x86: {  	[tilespmem:$0x3A20] =	vst v0  }
0x87: {  	[tilespmem:$0x3A30] =	vst v0  }
0x88: {  	[tilespmem:$0x3A40] =	vst v0  }
0x89: {  	[tilespmem:$0x3A50] =	vst v0  }
0x8a: {  	[tilespmem:$0x3A60] =	vst v0  }
0x8b: {  	[tilespmem:$0x3A70] =	vst v0  }
0x8c: {  	[tilespmem:$0x3A80] =	vst v0  }
0x8d: {  	[tilespmem:$0x3A90] =	vst v0  }
0x8e: {  	[tilespmem:$0x3AA0] =	vst v0  }
0x8f: {  	[tilespmem:$0x3AB0] =	vst v0  }
0x90: {  	[tilespmem:$0x3AC0] =	vst v0  }
0x91: {  	[tilespmem:$0x3AD0] =	vst v0  }
0x92: {  	[tilespmem:$0x3AE0] =	vst v0  }
0x93: {  	[tilespmem:$0x3AF0] =	vst v0  }
0x94: {  	[tilespmem:$0x3B00] =	vst v0  }
0x95: {  	[tilespmem:$0x3B10] =	vst v0  }
0x96: {  	[tilespmem:$0x3B20] =	vst v0  }
0x97: {  	[tilespmem:$0x3B30] =	vst v0  }
0x98: {  	[tilespmem:$0x3B40] =	vst v0  }
0x99: {  	[tilespmem:$0x3B50] =	vst v0  }
0x9a: {  	[tilespmem:$0x3B60] =	vst v0  }
0x9b: {  	[tilespmem:$0x3B70] =	vst v0;
	s18 =	sadd.s32 $0x0, s1  }
0x9c: {  	[tilespmem:$0x3B80] =	vst v0;
	p0 =	sgt.u32 s18, $0x270  }
0x9d: {  	[tilespmem:$0x3B90] =	vst v0;
	s18 =	simm.s32 @!p0 $0x32A0;
	s21 =	simm.s32 @!p0 $0x3  }
0x9e: {  	[spmem:s10] =	stream.linear.scatter @!p0 [tilespmem:s18], [sflag:$0x3], $0x900, $0x38;
	[tilespmem:$0x19B30] =	vst v63  }
0x9f: {  	s19 =	simm.s32 $0x10;
	_ =	swait.ge @!p0 [sflag:s21], $0x900  }
0xa0: {  	s20 =	simm.s32 $0x20;
	s18 =	sadd.s32 $0x9000, s10;
	[sflag:s21] =	ssyncset.done @!p0 $0x0  }
.LBB2_2:
0xa1: {  	s22 =	sadd.s32 s19, s1;
	s19 =	smov.u32 s20;
	s20 =	sadd.s32 $0x10, s20  }
0xa2: {  	[sflag:s21] =	ssyncadd.s32 @!p0 $0xFFFFF700;
	p1 =	sne.s32 s20, $0x280  }
.Ltmp0:
0xa3: {  	p0 =	sgt.u32 s22, $0x270;
	(pc) =	sbr.rel @p1 .LBB2_2-.Ltmp0, $4  }
0xa4: {  	s22 =	simm.s32 @!p0 $0x32A0;
	s21 =	simm.s32 @!p0 $0x3  }
0xa5: {  	[spmem:s18] =	stream.linear.scatter @!p0 [tilespmem:s22], [sflag:$0x3], $0x900, $0x38;
	[tilespmem:$0x19B30] =	vst v63  }
0xa6: {  	_ =	swait.ge @!p0 [sflag:s21], $0x900  }
0xa7: {  	s18 =	sadd.s32 $0x9000, s18;
	[sflag:s21] =	ssyncset.done @!p0 $0x0  }
0xa8: {  	s19 =	sadd.s32 s19, s1  }
0xa9: {  	p1 =	sgt.u32 s19, $0x270  }
0xaa: {  	[sflag:s21] =	ssyncadd.s32 @!p0 $0xFFFFF700;
	s19 =	simm.s32 @!p1 $0x32A0;
	s20 =	simm.s32 @!p1 $0x3  }
0xab: {  	[spmem:s18] =	stream.linear.scatter @!p1 [tilespmem:s19], [sflag:$0x3], $0x900, $0x38;
	[tilespmem:$0x19B30] =	vst v63  }
0xac: {  	_ =	swait.ge @!p1 [sflag:s20], $0x900  }
0xad: {  	[sflag:s20] =	ssyncset.done @!p1 $0x0  }
0xae: {  	[sflag:s20] =	ssyncadd.s32 @!p1 $0xFFFFF700  }
0xaf: {  	s18 =	simm.s32 $0x0;
	s19 =	simm.s32 $0x0;
	[bflag:$0x0] =	sbarrier.arrive $0xFFFF  }
.LBB2_4:
0xb0: {  	s20 =	smul.u32 $0x50, s19;
	_ =	sdelay $0x1  }
0xb1: {  	s20 =	sadd.s32 s8, s20  }
0xb2: {  	s20 =	sshrl.u32 s20, $0x3  }
0xb3: {  	s21 =	sadd.s32 s7, s20  }
0xb4: {  	[tilespmem:s18], [sflag:$0x3] =	stream.linear.gather [hbm4b:s21+s18], $0x50, $0x38;
	[tilespmem:$0x19B30] =	vst v63  }
0xb5: {  	_ =	swait.ge [sflag:s12], $0x50  }
0xb6: {  	[sflag:s12] =	ssyncset.done $0x0  }
0xb7: {  	s20 =	sadd.s32 s2, s20;
	[sflag:s12] =	ssyncadd.s32 $0xFFFFFFB0  }
0xb8: {  	[tilespmem:s13], [sflag:$0x3] =	stream.linear.gather [hbm4b:s20+s18], $0x50, $0x38;
	[tilespmem:$0x19B30] =	vst v63  }
0xb9: {  	_ =	swait.ge [sflag:s12], $0x50  }
0xba: {  	[sflag:s12] =	ssyncset.done $0x0  }
0xbb: {  	[sflag:s12] =	ssyncadd.s32 $0xFFFFFFB0  }
0xbc: {  	[tilespmem:s14], [sflag:$0x1] =	stream.indirect.gather [hbm4b:s5+s13], $0x90, s18, s13, $0xb8;
	[tilespmem:$0x19B30] =	vst v63  }
0xbd: {  	_ = 	snop  }
0xbe: {  	[tilespmem:s15], [sflag:$0x2] =	stream.indirect.gather [hbm4b:s6+s13], $0x10, s13, s13, $0xb8;
	[tilespmem:$0x19B30] =	vst v63  }
0xbf: {  	_ =	swait.ge [sflag:s16], $0x2D00  }
0xc0: {  	[sflag:s16] =	ssyncset.done $0x0  }
0xc1: {  	[sflag:s16] =	ssyncadd.s32 $0xFFFFD300  }
0xc2: {  	_ =	swait.ge [sflag:s17], $0x500  }
0xc3: {  	[sflag:s17] =	ssyncset.done $0x0  }
0xc4: {  	s20 =	simm.s32 $0xE0;
	[sflag:s17] =	ssyncadd.s32 $0xFFFFFB00  }
0xc5: {  	s23 =	simm.s32 $0x0;
	s22 =	simm.s32 $0x40;
	s21 =	simm.s32 $0xE0;
	v1 =	vld [tilespmem:s20+$0x40]  }
.LBB2_5:
0xc6: {  	p0 =	sne.s32 s22, $0x13C0;
	v2 =	vld [tilespmem:s23+$0x2DA0];
	_ =	sdelay $0x4  }
0xc7: {  	v1 =	vadd.f32 v2, v1;
	_ =	sdelay $0x1  }
0xc8: {  	v2 =	vmul.f32 $2.000000030e-01, v1  }
0xc9: {  	vm0 =	vge.f32 v1, $0.0e+00  }
0xca: {  	v1 =	vsel vm0, v1, v2  }
0xcb: {  	v1 =	vmul.f32 $1.442695020e+00, v1;
	_ =	sdelay $0x1  }
0xcc: {  	(erf) = vpow2.f32 v1;
	_ =	sdelay $0x2  }
0xcd: {  	v1 =	vld [tilespmem:s20+$0xFFFFFFF0]  }
0xce: {  	v2 =	vld [tilespmem:s20+$0x30]  }
0xcf: {  	v3 =	vld [tilespmem:s20+$0x20]  }
0xd0: {  	v4 =	vld [tilespmem:s20+$0x10]  }
0xd1: {  	v5 =	vld [tilespmem:s20+$0x0]  }
0xd2: {  	v6 =	vld [tilespmem:s20+$0xFFFFFFE0]  }
0xd3: {  	v7 =	vld [tilespmem:s20+$0xFFFFFFD0];
	v8 =	vpop (erf)  }
0xd4: {  	[tilespmem:s20+$0x40] =	vst v8;
	v9 =	vld [tilespmem:s20+$0xFFFFFFC0];
	v10 =	vbroadcast v8, $0x2;
	v11 =	vbroadcast v8, $0x3  }
0xd5: {  	v12 =	vbroadcast v8, $0x0;
	v8 =	vbroadcast v8, $0x1  }
0xd6: {  	v3 =	vmul.f32 v3, v11;
	v2 =	vmul.f32 v2, v11  }
0xd7: {  	v5 =	vmul.f32 v5, v10;
	v4 =	vmul.f32 v4, v10  }
0xd8: {  	v1 =	vmul.f32 v1, v8;
	v6 =	vmul.f32 v8, v6;
	[tilespmem:s20+$0x30] =	vst v2  }
0xd9: {  	v7 =	vmul.f32 v12, v7;
	v2 =	vmul.f32 v12, v9;
	[tilespmem:s20+$0x20] =	vst v3  }
0xda: {  	[tilespmem:s20+$0x10] =	vst v4  }
.Ltmp1:
0xdb: {  	[tilespmem:s20+$0x0] =	vst v5;
	(pc) =	sbr.rel @p0 .LBB2_5-.Ltmp1, $4  }
0xdc: {  	[tilespmem:s20+$0xFFFFFFF0] =	vst v1  }
0xdd: {  	[tilespmem:s20+$0xFFFFFFE0] =	vst v6  }
0xde: {  	s20 =	sadd.s32 $0x90, s20;
	[tilespmem:s21+$0xFFFFFFD0] =	vst v7  }
0xdf: {  	s23 =	sshra.s32 s22, $0x2;
	s22 =	sadd.s32 $0x40, s22;
	v1 =	vld [tilespmem:s20+$0x40];
	[tilespmem:s21+$0xFFFFFFC0] =	vst v2;
	s21 =	smov.u32 s20  }
0xe0: {  	v2 =	vld [tilespmem:s23+$0x2DA0];
	_ =	sdelay $0x4  }
0xe1: {  	v1 =	vadd.f32 v2, v1;
	_ =	sdelay $0x1  }
0xe2: {  	v2 =	vmul.f32 $2.000000030e-01, v1  }
0xe3: {  	vm0 =	vge.f32 v1, $0.0e+00  }
0xe4: {  	v1 =	vsel vm0, v1, v2  }
0xe5: {  	v1 =	vmul.f32 $1.442695020e+00, v1;
	_ =	sdelay $0x1  }
0xe6: {  	(erf) = vpow2.f32 v1;
	_ =	sdelay $0x6  }
0xe7: {  	v1 =	vld [tilespmem:s20+$0x30]  }
0xe8: {  	v2 =	vld [tilespmem:s20+$0x20]  }
0xe9: {  	v3 =	vld [tilespmem:s20+$0x10];
	v4 =	vpop (erf)  }
0xea: {  	v7 =	vld [tilespmem:s20+$0xFFFFFFF0];
	v6 =	vbroadcast v4, $0x3  }
0xeb: {  	v5 =	vld [tilespmem:s20+$0x0]  }
0xec: {  	v8 =	vld [tilespmem:s20+$0xFFFFFFE0];
	v9 =	vbroadcast v4, $0x2;
	v1 =	vmul.f32 v1, v6  }
0xed: {  	v10 =	vld [tilespmem:s20+$0xFFFFFFD0];
	[tilespmem:s20+$0x40] =	vst v4;
	v11 =	vbroadcast v4, $0x1;
	v2 =	vmul.f32 v2, v6  }
0xee: {  	v62 =	vld [tilespmem:s20+$0xFFFFFFC0];
	v3 =	vmul.f32 v3, v9;
	[tilespmem:s20+$0x30] =	vst v1  }
0xef: {  	v63 =	vmul.f32 v7, v11;
	[tilespmem:s20+$0x20] =	vst v2  }
0xf0: {  	v1 =	vmul.f32 v5, v9;
	v2 =	vbroadcast v4, $0x0;
	[tilespmem:s20+$0x10] =	vst v3  }
0xf1: {  	v3 =	vmul.f32 v11, v8;
	[tilespmem:s20+$0xFFFFFFF0] =	vst v63  }
0xf2: {  	[tilespmem:s20+$0x0] =	vst v1;
	v1 =	vmul.f32 v2, v10  }
0xf3: {  	s19 =	sadd.s32 $0x1, s19;
	v2 =	vmul.f32 v2, v62;
	[tilespmem:s20+$0xFFFFFFE0] =	vst v3  }
0xf4: {  	p0 =	sne.s32 s19, $0x7D;
	[tilespmem:s21+$0xFFFFFFD0] =	vst v1  }
.Ltmp2:
0xf5: {  	[tilespmem:s21+$0xFFFFFFC0] =	vst v2;
	(pc) =	sbr.rel @p0 .LBB2_4-.Ltmp2, $4  }
0xf6: {  	[spmem:s3] =	stream.indirect.scatter.add.f32 [tilespmem:s14], [sflag:$0x3], $0x90, s13, s13, $0xb8;
	[tilespmem:$0x19B30] =	vst v63  }
0xf7: {  	_ =	swait.ge [sflag:s12], $0x2D00  }
0xf8: {  	[sflag:s12] =	ssyncset.done $0x0  }
0xf9: {  	[sflag:s12] =	ssyncadd.s32 $0xFFFFD300  }
0xfa: {  	s18 =	sadd.s32 $0x0, s1  }
0xfb: {  	[bflag:$0x0] =	sbarrier.arrive $0xFFFF;
	p0 =	sgt.u32 s18, $0x270  }
0xfc: {  	s18 =	simm.s32 @!p0 $0x32A0;
	s20 =	simm.s32 @!p0 $0x4;
	p0 =	por p0, p0  }
0xfd: {  	[tilespmem:s18], [sflag:$0x4] =	stream.linear.gather @!p0 [spmem:s10], $0x900, $0x38;
	[tilespmem:$0x19B30] =	vst v63  }
0xfe: {  	_ =	swait.ge @!p0 [sflag:s20], $0x900  }
0xff: {  	s31 =	sadd.s32 $0x10, s1;
	[sflag:s20] =	ssyncset.done @!p0 $0x0  }
0x100: {  	s21 =	simm.s32 @!p0 $0x3;
	[sflag:s20] =	ssyncadd.s32 @!p0 $0xFFFFF700;
	s20 =	simm.s32 @!p0 $0x0  }
0x101: {  	[hbm4b:s11+s20] =	stream.linear.scatter @!p0 [tilespmem:s18], [sflag:$0x3], $0x900, $0x38;
	[tilespmem:$0x19B30] =	vst v63  }
0x102: {  	s19 =	simm.s32 $0x20;
	p1 =	sgt.u32 s31, $0x270;
	_ =	swait.ge @!p0 [sflag:s21], $0x900  }
0x103: {  	s18 =	sadd.s32 $0x1200, s11;
	s20 =	sadd.s32 $0x9000, s10;
	[sflag:s21] =	ssyncset.done @!p0 $0x0  }
.LBB2_8:
0x104: {  	s22 =	simm.s32 @!p1 $0x32A0;
	s23 =	simm.s32 @!p1 $0x4;
	[sflag:s21] =	ssyncadd.s32 @!p0 $0xFFFFF700  }
0x105: {  	s24 =	smov.u32 s19;
	p0 =	por p1, p1;
	s19 =	sadd.s32 $0x10, s19  }
0x106: {  	[tilespmem:s22], [sflag:$0x4] =	stream.linear.gather @!p0 [spmem:s20], $0x900, $0x38;
	[tilespmem:$0x19B30] =	vst v63  }
0x107: {  	p2 =	sne.s32 s19, $0x280;
	_ =	swait.ge @!p0 [sflag:s23], $0x900  }
.Ltmp3:
0x108: {  	[sflag:s23] =	ssyncset.done @!p0 $0x0;
	(pc) =	sbr.rel @p2 .LBB2_8-.Ltmp3, $4  }
0x109: {  	s21 =	simm.s32 @!p0 $0x3;
	[sflag:s23] =	ssyncadd.s32 @!p0 $0xFFFFF700;
	s23 =	simm.s32 @!p0 $0x0  }
0x10a: {  	[hbm4b:s18+s23] =	stream.linear.scatter @!p0 [tilespmem:s22], [sflag:$0x3], $0x900, $0x38;
	[tilespmem:$0x19B30] =	vst v63  }
0x10b: {  	s22 =	sadd.s32 s24, s1;
	s18 =	sadd.s32 $0x1200, s18;
	_ =	swait.ge @!p0 [sflag:s21], $0x900  }
0x10c: {  	s20 =	sadd.s32 $0x9000, s20;
	p1 =	sgt.u32 s22, $0x270;
	[sflag:s21] =	ssyncset.done @!p0 $0x0  }
0x10d: {  	s19 =	simm.s32 @!p1 $0x32A0  }
0x10e: {  	s22 =	simm.s32 @!p1 $0x4;
	[sflag:s21] =	ssyncadd.s32 @!p0 $0xFFFFF700;
	p0 =	por p1, p1  }
0x10f: {  	[tilespmem:s19], [sflag:$0x4] =	stream.linear.gather @!p0 [spmem:s20], $0x900, $0x38;
	[tilespmem:$0x19B30] =	vst v63  }
0x110: {  	s4 =	sadd.s32 $0x1, s4;
	_ =	swait.ge @!p0 [sflag:s22], $0x900  }
0x111: {  	s20 =	simm.s32 @!p0 $0x0;
	p1 =	sne.s32 s4, s9;
	[sflag:s22] =	ssyncset.done @!p0 $0x0  }
.Ltmp4:
0x112: {  	s21 =	simm.s32 @!p0 $0x3;
	[sflag:s22] =	ssyncadd.s32 @!p0 $0xFFFFF700;
	(pc) =	sbr.rel @p1 .LBB2_1-.Ltmp4, $4  }
0x113: {  	[hbm4b:s18+s20] =	stream.linear.scatter @!p0 [tilespmem:s19], [sflag:$0x3], $0x900, $0x38;
	[tilespmem:$0x19B30] =	vst v63  }
0x114: {  	_ =	swait.ge @!p0 [sflag:s21], $0x900  }
0x115: {  	[sflag:s21] =	ssyncset.done @!p0 $0x0  }
0x116: {  	[sflag:s21] =	ssyncadd.s32 @!p0 $0xFFFFF700  }
0x117: {  	_ =	sfence.sel $0x180000  }
0x118: {  	[bflag:$0x0] =	sbarrier.arrive $0xFFFF  }
0x119: {  	p0 =	sne.s32 s1, $0x0;
	_ =	strace $0x9000004A  }
0x11a: {  	s0 =	sadd.s32 @!p0 $0x100000, s0;
	[bflag:$0x2] =	sbarrier.arrive $0xFFFF  }
0x11b: {  	[sflag:s0] =	ssyncadd.tile.s32 @!p0 $0x1;
	_ =	shalt  }
.Lfunc_end2:
_tile_overlayer_lowered:
.L_overlay_start_2:
0x11c: {  	(tag) =	ssettag $0x2  }
0x11d: {  	s0 =	rddreg [dreg:$0x0];
	s2 =	stileid.u32  }
0x11e: {  	s1 =	rddreg [dreg:$0x1];
	p0 =	sne.s32 s2, $0x0  }
0x11f: {  	s3 =	rddreg [dreg:$0x2];
	[bflag:$0x3] =	sbarrier.arrive $0xFFFF;
	s2 =	simm.s32 @!p0 $0x1C03  }
0x120: {  	[timem:s3], [sflag:s2] =	dma.local @!p0 [hbm:s0], s1  }
0x121: {  	s0 =	simm.s32 @!p0 $0x3  }
0x122: {  	_ =	swait.ge @!p0 [sflag:s0], s1  }
0x123: {  	s1 =	ssub.s32 @!p0 $0x0, s1;
	[sflag:s0] =	ssyncset.done @!p0 $0x0  }
0x124: {  	[sflag:s0] =	ssyncadd.s32 @!p0 s1  }
0x125: {  	[bflag:$0x3] =	sbarrier.arrive $0xFFFF  }
0x126: {  	_ =	shalt  }

// kernel: kernel.15.cloned.1.call-start
scs
__scs_entry_jumppad:
0x0: {  	(pc) =	sbr.rel $0x88, $3  }
0x1: {  	(tag) =	ssettag $0x0;
	lr =	simm.s32 $0x1  }
0x2: {  	[smem:$0x3F93] =	sst lr;
	_ =	strace $0xD0000000  }
0x3: {  	_ = 	snop  }
0x4: {  	_ = 	snop  }
0x5: {  	_ = 	snop  }
0x6: {  	_ = 	snop  }
0x7: {  	_ = 	snop  }
__scs_overlays_trampoline_lowered:
0x8: {  	[smem:$0x3FA2] =	sst s0  }
0x9: {  	[smem:$0x3FA3] =	sst s1  }
0xa: {  	[smem:$0x3FA4] =	sst s2  }
0xb: {  	[smem:$0x3FA5] =	sst s3  }
0xc: {  	[smem:$0x3FA6] =	sst s4  }
0xd: {  	[smem:$0x3FA7] =	sst s5  }
0xe: {  	[smem:$0x3FA8] =	sst s6  }
0xf: {  	[smem:$0x3FA9] =	sst s7  }
0x10: {  	[smem:$0x3FAA] =	sst s8  }
0x11: {  	[smem:$0x3FAB] =	sst s9;
	s0 =	simm.s32 @!p0 $0x0  }
0x12: {  	s1 =	sld [smem:$0x3F91];
	s0 =	simm.s32 @p0 $0x1  }
0x13: {  	[smem:$0x3FAC] =	sst s0;
	s0 =	simm.s32 @!p1 $0x0  }
0x14: {  	s2 =	sld [smem:$0x3F90];
	s0 =	simm.s32 @p1 $0x1  }
0x15: {  	[smem:$0x3FAD] =	sst s0;
	s0 =	simm.s32 @!p2 $0x0  }
0x16: {  	s3 =	sld [smem:$0x3FDB];
	s0 =	simm.s32 @p2 $0x1  }
0x17: {  	s4 =	simm.s32 $0x1BF5;
	[smem:$0x3FAF] =	sst s0  }
0x18: {  	s0 =	sld [smem:$0x3F92];
	_ =	swait.ge [sflag:s4], $0x0  }
0x19: {  	s7 =	sld [smem:$0x3F93]  }
0x1a: {  	s8 =	sadd.s32 $0xFFFFE003, lr  }
0x1b: {  	s9 =	sadd.s32 $0xFFFFFEF7, lr;
	s5 =	simm.s32 $0xFFFFFFFF;
	p2 =	slt.u32 s8, $0xFFFFF086  }
0x1c: {  	p1 =	slt.u32 s9, $0xF7A;
	s5 =	simm.s32 @!p2 $0x0  }
0x1d: {  	s5 =	simm.s32 @p1 $0x1;
	p0 =	seq.s32 s7, s2  }
0x1e: {  	s7 =	smul.u32 @!p0 $0xF7A, s2;
	p2 =	seq.s32 @!p0 s5, $0x0  }
0x1f: {  	s9 =	smul.u32 $0xF7A, s1;
	s8 =	simm.s32 @!p0 $0x1BF5;
	p2 =	por !p2, p0  }
0x20: {  	[sflag:s8] =	ssyncset.s32 @!p0 $0xFFFFF086;
	s6 =	sadd.s32 @!p0 s3, s7;
	s7 =	simm.s32 @!p0 $0x108  }
0x21: {  	s3 =	sadd.s32 s3, s9;
	s6 =	sadd.s32 @!p0 $0x88, s6;
	s7 =	simm.s32 @p2 $0x1082  }
0x22: {  	[simem:s7], [sflag:s8] =	dma.local @!p0 [hbm:s6], $0xF7A  }
0x23: {  	s9 =	sor.u32 $0xD0000000, s2;
	s6 =	simm.s32 $0x108;
	_ =	swait.ge @!p0 [sflag:s8], $0x0  }
0x24: {  	s3 =	sadd.s32 $0x88, s3;
	s6 =	simm.s32 @!p1 $0x1082;
	[sflag:s4] =	ssyncset.s32 $0xFFFFF086  }
0x25: {  	[simem:s6], [sflag:s4] =	dma.local [hbm:s3], $0xF7A  }
0x26: {  	[smem:$0x3F93] =	sst s1;
	(tag) =	ssettag s2;
	_ =	strace s9  }
0x27: {  	s1 =	sld [smem:$0x3FA3]  }
0x28: {  	s2 =	sld [smem:$0x3FA4]  }
0x29: {  	s4 =	sld [smem:$0x3FA6]  }
0x2a: {  	p0 =	seq.s32 s5, $0x0;
	s5 =	sld [smem:$0x3FA7]  }
0x2b: {  	s6 =	sld [smem:$0x3FA8]  }
0x2c: {  	s7 =	sld [smem:$0x3FA9]  }
0x2d: {  	s3 =	simm.s32 $0x108;
	s8 =	sld [smem:$0x3FAA]  }
0x2e: {  	s3 =	simm.s32 @!p0 $0x1082;
	s9 =	sld [smem:$0x3FAB]  }
0x2f: {  	lr =	sadd.s32 s0, s3;
	s0 =	sld [smem:$0x3FA2]  }
0x30: {  	s3 =	sld [smem:$0x3FA5]  }
0x31: {  	[smem:$0x3FAE] =	sst s10  }
0x32: {  	s10 =	sld [smem:$0x3FAC];
	_ =	sdelay $0x3  }
0x33: {  	p0 =	seq.s32 s10, $0x1;
	s10 =	sld [smem:$0x3FAE];
	_ =	sdelay $0x3  }
0x34: {  	[smem:$0x3FAE] =	sst s10  }
0x35: {  	s10 =	sld [smem:$0x3FAD];
	_ =	sdelay $0x3  }
0x36: {  	p1 =	seq.s32 s10, $0x1;
	s10 =	sld [smem:$0x3FAE];
	_ =	sdelay $0x3  }
0x37: {  	[smem:$0x3FAE] =	sst s10  }
0x38: {  	s10 =	sld [smem:$0x3FAF]  }
0x39: {  	_ = 	snop;
	(pc) =	sbr.ind lr, $3  }
0x3a: {  	_ = 	snop  }
0x3b: {  	_ = 	snop  }
0x3c: {  	p2 =	seq.s32 s10, $0x1;
	s10 =	sld [smem:$0x3FAE]  }
0x3d: {  	_ =	shalt  }
0x3e: {  	_ =	shalt  }
0x3f: {  	_ =	shalt  }
0x40: {  	_ =	shalt  }
0x41: {  	_ =	shalt  }
0x42: {  	_ =	shalt  }
0x43: {  	_ =	shalt  }
0x44: {  	_ =	shalt  }
0x45: {  	_ =	shalt  }
0x46: {  	_ =	shalt  }
0x47: {  	_ =	shalt  }
0x48: {  	_ =	shalt  }
0x49: {  	_ =	shalt  }
0x4a: {  	_ =	shalt  }
0x4b: {  	_ =	shalt  }
0x4c: {  	_ =	shalt  }
0x4d: {  	_ =	shalt  }
0x4e: {  	_ =	shalt  }
0x4f: {  	_ =	shalt  }
0x50: {  	_ =	shalt  }
0x51: {  	_ =	shalt  }
0x52: {  	_ =	shalt  }
0x53: {  	_ =	shalt  }
0x54: {  	_ =	shalt  }
0x55: {  	_ =	shalt  }
0x56: {  	_ =	shalt  }
0x57: {  	_ =	shalt  }
0x58: {  	_ =	shalt  }
0x59: {  	_ =	shalt  }
0x5a: {  	_ =	shalt  }
0x5b: {  	_ =	shalt  }
0x5c: {  	_ =	shalt  }
0x5d: {  	_ =	shalt  }
0x5e: {  	_ =	shalt  }
0x5f: {  	_ =	shalt  }
0x60: {  	_ =	shalt  }
0x61: {  	_ =	shalt  }
0x62: {  	_ =	shalt  }
0x63: {  	_ =	shalt  }
0x64: {  	_ =	shalt  }
0x65: {  	_ =	shalt  }
0x66: {  	_ =	shalt  }
0x67: {  	_ =	shalt  }
0x68: {  	_ =	shalt  }
0x69: {  	_ =	shalt  }
0x6a: {  	_ =	shalt  }
0x6b: {  	_ =	shalt  }
0x6c: {  	_ =	shalt  }
0x6d: {  	_ =	shalt  }
0x6e: {  	_ =	shalt  }
0x6f: {  	_ =	shalt  }
0x70: {  	_ =	shalt  }
0x71: {  	_ =	shalt  }
0x72: {  	_ =	shalt  }
0x73: {  	_ =	shalt  }
0x74: {  	_ =	shalt  }
0x75: {  	_ =	shalt  }
0x76: {  	_ =	shalt  }
0x77: {  	_ =	shalt  }
0x78: {  	_ =	shalt  }
0x79: {  	_ =	shalt  }
0x7a: {  	_ =	shalt  }
0x7b: {  	_ =	shalt  }
0x7c: {  	_ =	shalt  }
0x7d: {  	_ =	shalt  }
0x7e: {  	_ =	shalt  }
0x7f: {  	_ =	shalt  }
0x80: {  	_ =	shalt  }
0x81: {  	_ =	shalt  }
0x82: {  	_ =	shalt  }
0x83: {  	_ =	shalt  }
0x84: {  	_ =	shalt  }
0x85: {  	_ =	shalt  }
0x86: {  	_ =	shalt  }
0x87: {  	_ =	shalt  }
.Lfunc_end0:
.L_simem_size_0:
called_computation.2_lowered:
.L_overlay_start_0:
0x88: {  	s2 =	sld [smem:$0x3FD9]  }
0x89: {  	s3 =	sld [smem:$0x3FFE];
	_ =	sdelay $0x1  }
0x8a: {  	s1 =	srdreg.scid  }
0x8b: {  	s0 =	sand.u32 $0x1, s1  }
0x8c: {  	s17 =	sshll.u32 s0, $0xA;
	s2 =	sadd.s32 s3, s2  }
0x8d: {  	s2 =	sadd.s32 s2, s17  }
0x8e: {  	[smem:$0x3FBA] =	sst s2  }
0x8f: {  	_ = 	snop  }
0x90: {  	s2 =	sld [smem:$0x3FD0];
	(tm) =	ssettm $0x1  }
0x91: {  	s18 =	sld [smem:$0x3FFB];
	_ =	sdelay $0x3  }
0x92: {  	_ =	strace s18  }
0x93: {  	s3 =	sld [smem:$0x3FFC];
	_ =	sdelay $0x3  }
0x94: {  	_ =	strace s3  }
0x95: {  	s3 =	sld [smem:$0x3FFD];
	_ =	sdelay $0x3  }
0x96: {  	_ =	strace s3  }
0x97: {  	_ =	strace $0x8FFFFFFF  }
0x98: {  	s19 =	sld [smem:$0x3FDB];
	_ =	sdelay $0x1  }
0x99: {  	s4 =	simm.s32 $_scs_section_size  }
0x9a: {  	s5 =	simm.s32 $_size__tile_overlayer_lowered;
	s6 =	simm.s32 $_tile_overlayer_lowered  }
0x9b: {  	s22 =	simm.s32 $0x1BFF;
	s21 =	sshll.u32 s6, $0x1;
	s3 =	sadd.s32 s4, s19  }
0x9c: {  	s7 =	simm.s32 $0x0;
	s20 =	sshll.u32 s5, $0x1;
	s5 =	sadd.s32 s21, s3  }
0x9d: {  	[timem:s7], [sflag:s22] =	dma.local [hbm:s5], s20  }
0x9e: {  	_ =	swait.ge [sflag:s22], s20  }
0x9f: {  	s4 =	ssub.s32 $0x0, s20;
	[sflag:s22] =	ssyncset.done $0x0  }
0xa0: {  	[sflag:s22] =	ssyncadd.s32 s4;
	_ =	sdelay $0x1  }
0xa1: {  	s23 =	simm.s32 $0x1B8B  }
0xa2: {  	_ =	swait.ge [sflag:s23], $0x1  }
0xa3: {  	[sflag:s23] =	ssyncset.done $0x0  }
0xa4: {  	s25 =	simm.s32 $0x1B8E;
	s24 =	sld [smem:$0x3FFE];
	[sflag:s23] =	ssyncadd.s32 $0xFFFFFFFF  }
0xa5: {  	s26 =	simm.s32 $execute0_lowered;
	[smem:$0x3FD2] =	sst s25  }
0xa6: {  	s5 =	sshll.u32 s26, $0x1;
	_ =	strace $0x8000004C;
	[dreg:$0x1] =	wrdreg $0xFFFFFFFF  }
0xa7: {  	s28 =	simm.s32 $_size_execute0_lowered;
	s3 =	sadd.s32 s3, s5;
	[dreg:$0x0] =	wrdreg $0x0  }
0xa8: {  	s5 =	sshll.u32 s28, $0x1;
	[dreg:$0x2] =	wrdreg s3  }
0xa9: {  	[dreg:$0x3] =	wrdreg s5  }
0xaa: {  	[dreg:$0x4] =	wrdreg $0xC0  }
0xab: {  	_ =	task [dreg:s7], $0x5FFFF  }
0xac: {  	[dreg:$0x1] =	wrdreg $0xFFFFFFFF  }
0xad: {  	[dreg:$0x0] =	wrdreg $0x60  }
0xae: {  	[dreg:$0x2] =	wrdreg s24  }
0xaf: {  	[dreg:$0x3] =	wrdreg s2  }
0xb0: {  	[dreg:$0x4] =	wrdreg $0x3BA00  }
0xb1: {  	[dreg:$0x5] =	wrdreg $0x9  }
0xb2: {  	_ =	task.clear_ibuf [dreg:s7], $0x6FFFF;
	_ =	strace $0x9000004C  }
0xb3: {  	s29 =	simm.s32 $0x9;
	_ =	strace $0x8000004E  }
0xb4: {  	_ =	swait.ge [sflag:s29], $0x1  }
0xb5: {  	[sflag:s29] =	ssyncadd.s32 $0xFFFFFFFF  }
0xb6: {  	_ =	strace $0x9000004E  }
0xb7: {  	_ =	sfence  }
0xb8: {  	s30 =	sld [smem:$0x0];
	_ =	sdelay $0x2  }
0xb9: {  	s31 =	sshll.u32 s1, $0xD;
	s1 =	sshrl.u32 s1, $0x2  }
0xba: {  	s3 =	sand.u32 $0x4000, s31;
	s1 =	sadd.s32 s1, s30  }
0xbb: {  	s0 =	sor.u32 s3, s0;
	s1 =	sshll.u32 s1, $0x11  }
0xbc: {  	s0 =	sor.u32 s1, s0  }
0xbd: {  	s0 =	sadd.s32 $0x8F2B, s0  }
0xbe: {  	[sflag:s0] =	ssyncadd.remote.s32 $0x1  }
0xbf: {  	_ =	sfence.sel $0xFFFF  }
0xc0: {  	[dreg:$0x0] =	wrdreg $0xFFFFFFFF;
	(pc) =	sbr.abs _section_cstart, $3  }
0xc1: {  	[dreg:$0x1] =	wrdreg $0xFFFFFFFF  }
0xc2: {  	_ =	task.clear_ibuf [dreg:s7], $0x2FFFF;
	_ =	strace $0x9FFFFFFF  }
0xc3: {  	(tm) =	ssettm $0x7FFFFFFF  }
tec
execute0_lowered:
.L_overlay_start_1:
0x0: {  	(tag) =	ssettag $0x1  }
0x1: {  	s8 =	rddreg [dreg:$0x0]  }
0x2: {  	s2 =	rddreg [dreg:$0x1];
	s0 =	srdreg.scid  }
0x3: {  	s3 =	rddreg [dreg:$0x2];
	s1 =	stileid.u32  }
0x4: {  	s4 =	simm.s32 $0x0;
	s14 =	simm.s32 $0xA0;
	s15 =	simm.s32 $0x2DA0  }
0x5: {  	s16 =	simm.s32 $0x1;
	s17 =	simm.s32 $0x2;
	s7 =	smul.u32 $0x900, s1  }
0x6: {  	s9 =	sand.u32 $0x1, s0;
	s0 =	rddreg [dreg:$0x3];
	s12 =	smul.u32 $0x2400, s1  }
0x7: {  	[smem:$0x7FF] =	sst s4;
	s5 =	sadd.s32 $0x2200, s8;
	s6 =	smul.u32 $0x15F900, s9  }
0x8: {  	_ =	strace $0x8000004D;
	s11 =	ssub.s32 $0x2, s9;
	s9 =	sshll.u32 s9, $0x4  }
0x9: {  	s29 =	sshrl.u32 s11, $0x1;
	s9 =	sor.u32 s1, s9;
	s31 =	sshrl.u32 s12, $0x2  }
0xa: {  	s12 =	simm.s32 $0x3;
	s10 =	sadd.s32 s7, s6;
	s6 =	sadd.s32 $0x2E200, s8  }
0xb: {  	s7 =	sadd.s32 $0x33200, s8;
	s30 =	ssub.s32 s11, s29;
	s10 =	sshrl.u32 s10, $0x3  }
0xc: {  	s13 =	sadd.s32 s10, s8;
	s8 =	smul.u32 $0x2710, s9;
	s9 =	smax.u32 s30, $0x1  }
0xd: {  	v0 =	vimm.f32 $0.0e+00;
	s10 =	sadd.s32 s31, s3;
	s11 =	sadd.s32 $0x3D000, s13;
	s13 =	simm.s32 $0x50  }
.LBB2_1:
0xe: {  	[tilespmem:$0x32A0] =	vst v0  }
0xf: {  	[tilespmem:$0x32B0] =	vst v0  }
0x10: {  	[tilespmem:$0x32C0] =	vst v0  }
0x11: {  	[tilespmem:$0x32D0] =	vst v0  }
0x12: {  	[tilespmem:$0x32E0] =	vst v0  }
0x13: {  	[tilespmem:$0x32F0] =	vst v0  }
0x14: {  	[tilespmem:$0x3300] =	vst v0  }
0x15: {  	[tilespmem:$0x3310] =	vst v0  }
0x16: {  	[tilespmem:$0x3320] =	vst v0  }
0x17: {  	[tilespmem:$0x3330] =	vst v0  }
0x18: {  	[tilespmem:$0x3340] =	vst v0  }
0x19: {  	[tilespmem:$0x3350] =	vst v0  }
0x1a: {  	[tilespmem:$0x3360] =	vst v0  }
0x1b: {  	[tilespmem:$0x3370] =	vst v0  }
0x1c: {  	[tilespmem:$0x3380] =	vst v0  }
0x1d: {  	[tilespmem:$0x3390] =	vst v0  }
0x1e: {  	[tilespmem:$0x33A0] =	vst v0  }
0x1f: {  	[tilespmem:$0x33B0] =	vst v0  }
0x20: {  	[tilespmem:$0x33C0] =	vst v0  }
0x21: {  	[tilespmem:$0x33D0] =	vst v0  }
0x22: {  	[tilespmem:$0x33E0] =	vst v0  }
0x23: {  	[tilespmem:$0x33F0] =	vst v0  }
0x24: {  	[tilespmem:$0x3400] =	vst v0  }
0x25: {  	[tilespmem:$0x3410] =	vst v0  }
0x26: {  	[tilespmem:$0x3420] =	vst v0  }
0x27: {  	[tilespmem:$0x3430] =	vst v0  }
0x28: {  	[tilespmem:$0x3440] =	vst v0  }
0x29: {  	[tilespmem:$0x3450] =	vst v0  }
0x2a: {  	[tilespmem:$0x3460] =	vst v0  }
0x2b: {  	[tilespmem:$0x3470] =	vst v0  }
0x2c: {  	[tilespmem:$0x3480] =	vst v0  }
0x2d: {  	[tilespmem:$0x3490] =	vst v0  }
0x2e: {  	[tilespmem:$0x34A0] =	vst v0  }
0x2f: {  	[tilespmem:$0x34B0] =	vst v0  }
0x30: {  	[tilespmem:$0x34C0] =	vst v0  }
0x31: {  	[tilespmem:$0x34D0] =	vst v0  }
0x32: {  	[tilespmem:$0x34E0] =	vst v0  }
0x33: {  	[tilespmem:$0x34F0] =	vst v0  }
0x34: {  	[tilespmem:$0x3500] =	vst v0  }
0x35: {  	[tilespmem:$0x3510] =	vst v0  }
0x36: {  	[tilespmem:$0x3520] =	vst v0  }
0x37: {  	[tilespmem:$0x3530] =	vst v0  }
0x38: {  	[tilespmem:$0x3540] =	vst v0  }
0x39: {  	[tilespmem:$0x3550] =	vst v0  }
0x3a: {  	[tilespmem:$0x3560] =	vst v0  }
0x3b: {  	[tilespmem:$0x3570] =	vst v0  }
0x3c: {  	[tilespmem:$0x3580] =	vst v0  }
0x3d: {  	[tilespmem:$0x3590] =	vst v0  }
0x3e: {  	[tilespmem:$0x35A0] =	vst v0  }
0x3f: {  	[tilespmem:$0x35B0] =	vst v0  }
0x40: {  	[tilespmem:$0x35C0] =	vst v0  }
0x41: {  	[tilespmem:$0x35D0] =	vst v0  }
0x42: {  	[tilespmem:$0x35E0] =	vst v0  }
0x43: {  	[tilespmem:$0x35F0] =	vst v0  }
0x44: {  	[tilespmem:$0x3600] =	vst v0  }
0x45: {  	[tilespmem:$0x3610] =	vst v0  }
0x46: {  	[tilespmem:$0x3620] =	vst v0  }
0x47: {  	[tilespmem:$0x3630] =	vst v0  }
0x48: {  	[tilespmem:$0x3640] =	vst v0  }
0x49: {  	[tilespmem:$0x3650] =	vst v0  }
0x4a: {  	[tilespmem:$0x3660] =	vst v0  }
0x4b: {  	[tilespmem:$0x3670] =	vst v0  }
0x4c: {  	[tilespmem:$0x3680] =	vst v0  }
0x4d: {  	[tilespmem:$0x3690] =	vst v0  }
0x4e: {  	[tilespmem:$0x36A0] =	vst v0  }
0x4f: {  	[tilespmem:$0x36B0] =	vst v0  }
0x50: {  	[tilespmem:$0x36C0] =	vst v0  }
0x51: {  	[tilespmem:$0x36D0] =	vst v0  }
0x52: {  	[tilespmem:$0x36E0] =	vst v0  }
0x53: {  	[tilespmem:$0x36F0] =	vst v0  }
0x54: {  	[tilespmem:$0x3700] =	vst v0  }
0x55: {  	[tilespmem:$0x3710] =	vst v0  }
0x56: {  	[tilespmem:$0x3720] =	vst v0  }
0x57: {  	[tilespmem:$0x3730] =	vst v0  }
0x58: {  	[tilespmem:$0x3740] =	vst v0  }
0x59: {  	[tilespmem:$0x3750] =	vst v0  }
0x5a: {  	[tilespmem:$0x3760] =	vst v0  }
0x5b: {  	[tilespmem:$0x3770] =	vst v0  }
0x5c: {  	[tilespmem:$0x3780] =	vst v0  }
0x5d: {  	[tilespmem:$0x3790] =	vst v0  }
0x5e: {  	[tilespmem:$0x37A0] =	vst v0  }
0x5f: {  	[tilespmem:$0x37B0] =	vst v0  }
0x60: {  	[tilespmem:$0x37C0] =	vst v0  }
0x61: {  	[tilespmem:$0x37D0] =	vst v0  }
0x62: {  	[tilespmem:$0x37E0] =	vst v0  }
0x63: {  	[tilespmem:$0x37F0] =	vst v0  }
0x64: {  	[tilespmem:$0x3800] =	vst v0  }
0x65: {  	[tilespmem:$0x3810] =	vst v0  }
0x66: {  	[tilespmem:$0x3820] =	vst v0  }
0x67: {  	[tilespmem:$0x3830] =	vst v0  }
0x68: {  	[tilespmem:$0x3840] =	vst v0  }
0x69: {  	[tilespmem:$0x3850] =	vst v0  }
0x6a: {  	[tilespmem:$0x3860] =	vst v0  }
0x6b: {  	[tilespmem:$0x3870] =	vst v0  }
0x6c: {  	[tilespmem:$0x3880] =	vst v0  }
0x6d: {  	[tilespmem:$0x3890] =	vst v0  }
0x6e: {  	[tilespmem:$0x38A0] =	vst v0  }
0x6f: {  	[tilespmem:$0x38B0] =	vst v0  }
0x70: {  	[tilespmem:$0x38C0] =	vst v0  }
0x71: {  	[tilespmem:$0x38D0] =	vst v0  }
0x72: {  	[tilespmem:$0x38E0] =	vst v0  }
0x73: {  	[tilespmem:$0x38F0] =	vst v0  }
0x74: {  	[tilespmem:$0x3900] =	vst v0  }
0x75: {  	[tilespmem:$0x3910] =	vst v0  }
0x76: {  	[tilespmem:$0x3920] =	vst v0  }
0x77: {  	[tilespmem:$0x3930] =	vst v0  }
0x78: {  	[tilespmem:$0x3940] =	vst v0  }
0x79: {  	[tilespmem:$0x3950] =	vst v0  }
0x7a: {  	[tilespmem:$0x3960] =	vst v0  }
0x7b: {  	[tilespmem:$0x3970] =	vst v0  }
0x7c: {  	[tilespmem:$0x3980] =	vst v0  }
0x7d: {  	[tilespmem:$0x3990] =	vst v0  }
0x7e: {  	[tilespmem:$0x39A0] =	vst v0  }
0x7f: {  	[tilespmem:$0x39B0] =	vst v0  }
0x80: {  	[tilespmem:$0x39C0] =	vst v0  }
0x81: {  	[tilespmem:$0x39D0] =	vst v0  }
0x82: {  	[tilespmem:$0x39E0] =	vst v0  }
0x83: {  	[tilespmem:$0x39F0] =	vst v0  }
0x84: {  	[tilespmem:$0x3A00] =	vst v0  }
0x85: {  	[tilespmem:$0x3A10] =	vst v0  }
0x86: {  	[tilespmem:$0x3A20] =	vst v0  }
0x87: {  	[tilespmem:$0x3A30] =	vst v0  }
0x88: {  	[tilespmem:$0x3A40] =	vst v0  }
0x89: {  	[tilespmem:$0x3A50] =	vst v0  }
0x8a: {  	[tilespmem:$0x3A60] =	vst v0  }
0x8b: {  	[tilespmem:$0x3A70] =	vst v0  }
0x8c: {  	[tilespmem:$0x3A80] =	vst v0  }
0x8d: {  	[tilespmem:$0x3A90] =	vst v0  }
0x8e: {  	[tilespmem:$0x3AA0] =	vst v0  }
0x8f: {  	[tilespmem:$0x3AB0] =	vst v0  }
0x90: {  	[tilespmem:$0x3AC0] =	vst v0  }
0x91: {  	[tilespmem:$0x3AD0] =	vst v0  }
0x92: {  	[tilespmem:$0x3AE0] =	vst v0  }
0x93: {  	[tilespmem:$0x3AF0] =	vst v0  }
0x94: {  	[tilespmem:$0x3B00] =	vst v0  }
0x95: {  	[tilespmem:$0x3B10] =	vst v0  }
0x96: {  	[tilespmem:$0x3B20] =	vst v0  }
0x97: {  	[tilespmem:$0x3B30] =	vst v0  }
0x98: {  	[tilespmem:$0x3B40] =	vst v0  }
0x99: {  	[tilespmem:$0x3B50] =	vst v0  }
0x9a: {  	[tilespmem:$0x3B60] =	vst v0  }
0x9b: {  	[tilespmem:$0x3B70] =	vst v0;
	s18 =	sadd.s32 $0x0, s1  }
0x9c: {  	[tilespmem:$0x3B80] =	vst v0;
	p0 =	sgt.u32 s18, $0x270  }
0x9d: {  	[tilespmem:$0x3B90] =	vst v0;
	s18 =	simm.s32 @!p0 $0x32A0;
	s21 =	simm.s32 @!p0 $0x3  }
0x9e: {  	[spmem:s10] =	stream.linear.scatter @!p0 [tilespmem:s18], [sflag:$0x3], $0x900, $0x38;
	[tilespmem:$0x19B30] =	vst v63  }
0x9f: {  	s19 =	simm.s32 $0x10;
	_ =	swait.ge @!p0 [sflag:s21], $0x900  }
0xa0: {  	s20 =	simm.s32 $0x20;
	s18 =	sadd.s32 $0x9000, s10;
	[sflag:s21] =	ssyncset.done @!p0 $0x0  }
.LBB2_2:
0xa1: {  	s22 =	sadd.s32 s19, s1;
	s19 =	smov.u32 s20;
	s20 =	sadd.s32 $0x10, s20  }
0xa2: {  	[sflag:s21] =	ssyncadd.s32 @!p0 $0xFFFFF700;
	p1 =	sne.s32 s20, $0x280  }
.Ltmp0:
0xa3: {  	p0 =	sgt.u32 s22, $0x270;
	(pc) =	sbr.rel @p1 .LBB2_2-.Ltmp0, $4  }
0xa4: {  	s22 =	simm.s32 @!p0 $0x32A0;
	s21 =	simm.s32 @!p0 $0x3  }
0xa5: {  	[spmem:s18] =	stream.linear.scatter @!p0 [tilespmem:s22], [sflag:$0x3], $0x900, $0x38;
	[tilespmem:$0x19B30] =	vst v63  }
0xa6: {  	_ =	swait.ge @!p0 [sflag:s21], $0x900  }
0xa7: {  	s18 =	sadd.s32 $0x9000, s18;
	[sflag:s21] =	ssyncset.done @!p0 $0x0  }
0xa8: {  	s19 =	sadd.s32 s19, s1  }
0xa9: {  	p1 =	sgt.u32 s19, $0x270  }
0xaa: {  	[sflag:s21] =	ssyncadd.s32 @!p0 $0xFFFFF700;
	s19 =	simm.s32 @!p1 $0x32A0;
	s20 =	simm.s32 @!p1 $0x3  }
0xab: {  	[spmem:s18] =	stream.linear.scatter @!p1 [tilespmem:s19], [sflag:$0x3], $0x900, $0x38;
	[tilespmem:$0x19B30] =	vst v63  }
0xac: {  	_ =	swait.ge @!p1 [sflag:s20], $0x900  }
0xad: {  	[sflag:s20] =	ssyncset.done @!p1 $0x0  }
0xae: {  	[sflag:s20] =	ssyncadd.s32 @!p1 $0xFFFFF700  }
0xaf: {  	s18 =	simm.s32 $0x0;
	s19 =	simm.s32 $0x0;
	[bflag:$0x0] =	sbarrier.arrive $0xFFFF  }
.LBB2_4:
0xb0: {  	s20 =	smul.u32 $0x50, s19;
	_ =	sdelay $0x1  }
0xb1: {  	s20 =	sadd.s32 s8, s20  }
0xb2: {  	s20 =	sshrl.u32 s20, $0x3  }
0xb3: {  	s21 =	sadd.s32 s7, s20  }
0xb4: {  	[tilespmem:s18], [sflag:$0x3] =	stream.linear.gather [hbm4b:s21+s18], $0x50, $0x38;
	[tilespmem:$0x19B30] =	vst v63  }
0xb5: {  	_ =	swait.ge [sflag:s12], $0x50  }
0xb6: {  	[sflag:s12] =	ssyncset.done $0x0  }
0xb7: {  	s20 =	sadd.s32 s2, s20;
	[sflag:s12] =	ssyncadd.s32 $0xFFFFFFB0  }
0xb8: {  	[tilespmem:s13], [sflag:$0x3] =	stream.linear.gather [hbm4b:s20+s18], $0x50, $0x38;
	[tilespmem:$0x19B30] =	vst v63  }
0xb9: {  	_ =	swait.ge [sflag:s12], $0x50  }
0xba: {  	[sflag:s12] =	ssyncset.done $0x0  }
0xbb: {  	[sflag:s12] =	ssyncadd.s32 $0xFFFFFFB0  }
0xbc: {  	[tilespmem:s14], [sflag:$0x1] =	stream.indirect.gather [hbm4b:s5+s13], $0x90, s18, s13, $0xb8;
	[tilespmem:$0x19B30] =	vst v63  }
0xbd: {  	_ = 	snop  }
0xbe: {  	[tilespmem:s15], [sflag:$0x2] =	stream.indirect.gather [hbm4b:s6+s13], $0x10, s13, s13, $0xb8;
	[tilespmem:$0x19B30] =	vst v63  }
0xbf: {  	_ =	swait.ge [sflag:s16], $0x2D00  }
0xc0: {  	[sflag:s16] =	ssyncset.done $0x0  }
0xc1: {  	[sflag:s16] =	ssyncadd.s32 $0xFFFFD300  }
0xc2: {  	_ =	swait.ge [sflag:s17], $0x500  }
0xc3: {  	[sflag:s17] =	ssyncset.done $0x0  }
0xc4: {  	s20 =	simm.s32 $0xE0;
	[sflag:s17] =	ssyncadd.s32 $0xFFFFFB00  }
0xc5: {  	s23 =	simm.s32 $0x0;
	s22 =	simm.s32 $0x40;
	s21 =	simm.s32 $0xE0;
	v1 =	vld [tilespmem:s20+$0x40]  }
.LBB2_5:
0xc6: {  	p0 =	sne.s32 s22, $0x13C0;
	v2 =	vld [tilespmem:s23+$0x2DA0];
	_ =	sdelay $0x4  }
0xc7: {  	v1 =	vadd.f32 v2, v1;
	_ =	sdelay $0x1  }
0xc8: {  	v2 =	vmul.f32 $2.000000030e-01, v1  }
0xc9: {  	vm0 =	vge.f32 v1, $0.0e+00  }
0xca: {  	v1 =	vsel vm0, v1, v2  }
0xcb: {  	v1 =	vmul.f32 $1.442695020e+00, v1;
	_ =	sdelay $0x1  }
0xcc: {  	(erf) = vpow2.f32 v1;
	_ =	sdelay $0x2  }
0xcd: {  	v1 =	vld [tilespmem:s20+$0xFFFFFFF0]  }
0xce: {  	v2 =	vld [tilespmem:s20+$0x30]  }
0xcf: {  	v3 =	vld [tilespmem:s20+$0x20]  }
0xd0: {  	v4 =	vld [tilespmem:s20+$0x10]  }
0xd1: {  	v5 =	vld [tilespmem:s20+$0x0]  }
0xd2: {  	v6 =	vld [tilespmem:s20+$0xFFFFFFE0]  }
0xd3: {  	v7 =	vld [tilespmem:s20+$0xFFFFFFD0];
	v8 =	vpop (erf)  }
0xd4: {  	[tilespmem:s20+$0x40] =	vst v8;
	v9 =	vld [tilespmem:s20+$0xFFFFFFC0];
	v8 =	vbroadcast v8, $0x0;
	_ =	sdelay $0x1  }
0xd5: {  	v3 =	vmul.f32 v3, v8;
	v2 =	vmul.f32 v2, v8  }
0xd6: {  	v5 =	vmul.f32 v5, v8;
	v4 =	vmul.f32 v4, v8  }
0xd7: {  	v1 =	vmul.f32 v1, v8;
	v6 =	vmul.f32 v8, v6;
	[tilespmem:s20+$0x30] =	vst v2  }
0xd8: {  	v7 =	vmul.f32 v8, v7;
	v2 =	vmul.f32 v8, v9;
	[tilespmem:s20+$0x20] =	vst v3  }
0xd9: {  	[tilespmem:s20+$0x10] =	vst v4  }
.Ltmp1:
0xda: {  	[tilespmem:s20+$0x0] =	vst v5;
	(pc) =	sbr.rel @p0 .LBB2_5-.Ltmp1, $4  }
0xdb: {  	[tilespmem:s20+$0xFFFFFFF0] =	vst v1  }
0xdc: {  	[tilespmem:s20+$0xFFFFFFE0] =	vst v6  }
0xdd: {  	s20 =	sadd.s32 $0x90, s20;
	[tilespmem:s21+$0xFFFFFFD0] =	vst v7  }
0xde: {  	s23 =	sshra.s32 s22, $0x2;
	s22 =	sadd.s32 $0x40, s22;
	v1 =	vld [tilespmem:s20+$0x40];
	[tilespmem:s21+$0xFFFFFFC0] =	vst v2;
	s21 =	smov.u32 s20  }
0xdf: {  	v2 =	vld [tilespmem:s23+$0x2DA0];
	_ =	sdelay $0x4  }
0xe0: {  	v1 =	vadd.f32 v2, v1;
	_ =	sdelay $0x1  }
0xe1: {  	v2 =	vmul.f32 $2.000000030e-01, v1  }
0xe2: {  	vm0 =	vge.f32 v1, $0.0e+00  }
0xe3: {  	v1 =	vsel vm0, v1, v2  }
0xe4: {  	v1 =	vmul.f32 $1.442695020e+00, v1;
	_ =	sdelay $0x1  }
0xe5: {  	(erf) = vpow2.f32 v1;
	_ =	sdelay $0x6  }
0xe6: {  	v1 =	vld [tilespmem:s20+$0x30]  }
0xe7: {  	v2 =	vld [tilespmem:s20+$0x20]  }
0xe8: {  	v3 =	vld [tilespmem:s20+$0x10];
	v4 =	vpop (erf)  }
0xe9: {  	v5 =	vld [tilespmem:s20+$0x0];
	v6 =	vbroadcast v4, $0x0  }
0xea: {  	v7 =	vld [tilespmem:s20+$0xFFFFFFF0]  }
0xeb: {  	v8 =	vld [tilespmem:s20+$0xFFFFFFE0];
	v1 =	vmul.f32 v1, v6  }
0xec: {  	v9 =	vld [tilespmem:s20+$0xFFFFFFD0];
	[tilespmem:s20+$0x40] =	vst v4;
	v2 =	vmul.f32 v2, v6  }
0xed: {  	v63 =	vld [tilespmem:s20+$0xFFFFFFC0];
	v3 =	vmul.f32 v3, v6;
	[tilespmem:s20+$0x30] =	vst v1  }
0xee: {  	v1 =	vmul.f32 v5, v6;
	[tilespmem:s20+$0x20] =	vst v2  }
0xef: {  	v2 =	vmul.f32 v7, v6;
	[tilespmem:s20+$0x10] =	vst v3  }
0xf0: {  	v3 =	vmul.f32 v6, v8;
	[tilespmem:s20+$0x0] =	vst v1  }
0xf1: {  	v1 =	vmul.f32 v6, v9;
	[tilespmem:s20+$0xFFFFFFF0] =	vst v2  }
0xf2: {  	s19 =	sadd.s32 $0x1, s19;
	v2 =	vmul.f32 v6, v63;
	[tilespmem:s20+$0xFFFFFFE0] =	vst v3  }
0xf3: {  	p0 =	sne.s32 s19, $0x7D;
	[tilespmem:s21+$0xFFFFFFD0] =	vst v1  }
.Ltmp2:
0xf4: {  	[tilespmem:s21+$0xFFFFFFC0] =	vst v2;
	(pc) =	sbr.rel @p0 .LBB2_4-.Ltmp2, $4  }
0xf5: {  	[spmem:s3] =	stream.indirect.scatter.add.f32 [tilespmem:s14], [sflag:$0x3], $0x90, s13, s13, $0xb8;
	[tilespmem:$0x19B30] =	vst v63  }
0xf6: {  	_ =	swait.ge [sflag:s12], $0x2D00  }
0xf7: {  	[sflag:s12] =	ssyncset.done $0x0  }
0xf8: {  	[sflag:s12] =	ssyncadd.s32 $0xFFFFD300  }
0xf9: {  	s18 =	sadd.s32 $0x0, s1  }
0xfa: {  	[bflag:$0x0] =	sbarrier.arrive $0xFFFF;
	p0 =	sgt.u32 s18, $0x270  }
0xfb: {  	s18 =	simm.s32 @!p0 $0x32A0;
	s20 =	simm.s32 @!p0 $0x4;
	p0 =	por p0, p0  }
0xfc: {  	[tilespmem:s18], [sflag:$0x4] =	stream.linear.gather @!p0 [spmem:s10], $0x900, $0x38;
	[tilespmem:$0x19B30] =	vst v63  }
0xfd: {  	_ =	swait.ge @!p0 [sflag:s20], $0x900  }
0xfe: {  	s31 =	sadd.s32 $0x10, s1;
	[sflag:s20] =	ssyncset.done @!p0 $0x0  }
0xff: {  	s21 =	simm.s32 @!p0 $0x3;
	[sflag:s20] =	ssyncadd.s32 @!p0 $0xFFFFF700;
	s20 =	simm.s32 @!p0 $0x0  }
0x100: {  	[hbm4b:s11+s20] =	stream.linear.scatter @!p0 [tilespmem:s18], [sflag:$0x3], $0x900, $0x38;
	[tilespmem:$0x19B30] =	vst v63  }
0x101: {  	s19 =	simm.s32 $0x20;
	p1 =	sgt.u32 s31, $0x270;
	_ =	swait.ge @!p0 [sflag:s21], $0x900  }
0x102: {  	s18 =	sadd.s32 $0x1200, s11;
	s20 =	sadd.s32 $0x9000, s10;
	[sflag:s21] =	ssyncset.done @!p0 $0x0  }
.LBB2_8:
0x103: {  	s22 =	simm.s32 @!p1 $0x32A0;
	s23 =	simm.s32 @!p1 $0x4;
	[sflag:s21] =	ssyncadd.s32 @!p0 $0xFFFFF700  }
0x104: {  	s24 =	smov.u32 s19;
	p0 =	por p1, p1;
	s19 =	sadd.s32 $0x10, s19  }
0x105: {  	[tilespmem:s22], [sflag:$0x4] =	stream.linear.gather @!p0 [spmem:s20], $0x900, $0x38;
	[tilespmem:$0x19B30] =	vst v63  }
0x106: {  	p2 =	sne.s32 s19, $0x280;
	_ =	swait.ge @!p0 [sflag:s23], $0x900  }
.Ltmp3:
0x107: {  	[sflag:s23] =	ssyncset.done @!p0 $0x0;
	(pc) =	sbr.rel @p2 .LBB2_8-.Ltmp3, $4  }
0x108: {  	s21 =	simm.s32 @!p0 $0x3;
	[sflag:s23] =	ssyncadd.s32 @!p0 $0xFFFFF700;
	s23 =	simm.s32 @!p0 $0x0  }
0x109: {  	[hbm4b:s18+s23] =	stream.linear.scatter @!p0 [tilespmem:s22], [sflag:$0x3], $0x900, $0x38;
	[tilespmem:$0x19B30] =	vst v63  }
0x10a: {  	s22 =	sadd.s32 s24, s1;
	s18 =	sadd.s32 $0x1200, s18;
	_ =	swait.ge @!p0 [sflag:s21], $0x900  }
0x10b: {  	s20 =	sadd.s32 $0x9000, s20;
	p1 =	sgt.u32 s22, $0x270;
	[sflag:s21] =	ssyncset.done @!p0 $0x0  }
0x10c: {  	s19 =	simm.s32 @!p1 $0x32A0  }
0x10d: {  	s22 =	simm.s32 @!p1 $0x4;
	[sflag:s21] =	ssyncadd.s32 @!p0 $0xFFFFF700;
	p0 =	por p1, p1  }
0x10e: {  	[tilespmem:s19], [sflag:$0x4] =	stream.linear.gather @!p0 [spmem:s20], $0x900, $0x38;
	[tilespmem:$0x19B30] =	vst v63  }
0x10f: {  	s4 =	sadd.s32 $0x1, s4;
	_ =	swait.ge @!p0 [sflag:s22], $0x900  }
0x110: {  	s20 =	simm.s32 @!p0 $0x0;
	p1 =	sne.s32 s4, s9;
	[sflag:s22] =	ssyncset.done @!p0 $0x0  }
.Ltmp4:
0x111: {  	s21 =	simm.s32 @!p0 $0x3;
	[sflag:s22] =	ssyncadd.s32 @!p0 $0xFFFFF700;
	(pc) =	sbr.rel @p1 .LBB2_1-.Ltmp4, $4  }
0x112: {  	[hbm4b:s18+s20] =	stream.linear.scatter @!p0 [tilespmem:s19], [sflag:$0x3], $0x900, $0x38;
	[tilespmem:$0x19B30] =	vst v63  }
0x113: {  	_ =	swait.ge @!p0 [sflag:s21], $0x900  }
0x114: {  	[sflag:s21] =	ssyncset.done @!p0 $0x0  }
0x115: {  	[sflag:s21] =	ssyncadd.s32 @!p0 $0xFFFFF700  }
0x116: {  	_ =	sfence.sel $0x180000  }
0x117: {  	[bflag:$0x0] =	sbarrier.arrive $0xFFFF  }
0x118: {  	p0 =	sne.s32 s1, $0x0;
	_ =	strace $0x9000004D  }
0x119: {  	s0 =	sadd.s32 @!p0 $0x100000, s0;
	[bflag:$0x2] =	sbarrier.arrive $0xFFFF  }
0x11a: {  	[sflag:s0] =	ssyncadd.tile.s32 @!p0 $0x1;
	_ =	shalt  }
.Lfunc_end2:
_tile_overlayer_lowered:
.L_overlay_start_2:
0x11b: {  	(tag) =	ssettag $0x2  }
0x11c: {  	s0 =	rddreg [dreg:$0x0];
	s2 =	stileid.u32  }
0x11d: {  	s1 =	rddreg [dreg:$0x1];
	p0 =	sne.s32 s2, $0x0  }
0x11e: {  	s3 =	rddreg [dreg:$0x2];
	[bflag:$0x3] =	sbarrier.arrive $0xFFFF;
	s2 =	simm.s32 @!p0 $0x1C03  }
0x11f: {  	[timem:s3], [sflag:s2] =	dma.local @!p0 [hbm:s0], s1  }
0x120: {  	s0 =	simm.s32 @!p0 $0x3  }
0x121: {  	_ =	swait.ge @!p0 [sflag:s0], s1  }
0x122: {  	s1 =	ssub.s32 @!p0 $0x0, s1;
	[sflag:s0] =	ssyncset.done @!p0 $0x0  }
0x123: {  	[sflag:s0] =	ssyncadd.s32 @!p0 s1  }
0x124: {  	[bflag:$0x3] =	sbarrier.arrive $0xFFFF  }
0x125: {  	_ =	shalt  }

// kernel: kernel.9.cloned.1.call-start
scs
__scs_entry_jumppad:
0x0: {  	(pc) =	sbr.rel $0x88, $3  }
0x1: {  	(tag) =	ssettag $0x0;
	lr =	simm.s32 $0x1  }
0x2: {  	[smem:$0x3F93] =	sst lr;
	_ =	strace $0xD0000000  }
0x3: {  	_ = 	snop  }
0x4: {  	_ = 	snop  }
0x5: {  	_ = 	snop  }
0x6: {  	_ = 	snop  }
0x7: {  	_ = 	snop  }
__scs_overlays_trampoline_lowered:
0x8: {  	[smem:$0x3FA2] =	sst s0  }
0x9: {  	[smem:$0x3FA3] =	sst s1  }
0xa: {  	[smem:$0x3FA4] =	sst s2  }
0xb: {  	[smem:$0x3FA5] =	sst s3  }
0xc: {  	[smem:$0x3FA6] =	sst s4  }
0xd: {  	[smem:$0x3FA7] =	sst s5  }
0xe: {  	[smem:$0x3FA8] =	sst s6  }
0xf: {  	[smem:$0x3FA9] =	sst s7  }
0x10: {  	[smem:$0x3FAA] =	sst s8  }
0x11: {  	[smem:$0x3FAB] =	sst s9;
	s0 =	simm.s32 @!p0 $0x0  }
0x12: {  	s1 =	sld [smem:$0x3F91];
	s0 =	simm.s32 @p0 $0x1  }
0x13: {  	[smem:$0x3FAC] =	sst s0;
	s0 =	simm.s32 @!p1 $0x0  }
0x14: {  	s2 =	sld [smem:$0x3F90];
	s0 =	simm.s32 @p1 $0x1  }
0x15: {  	[smem:$0x3FAD] =	sst s0;
	s0 =	simm.s32 @!p2 $0x0  }
0x16: {  	s3 =	sld [smem:$0x3FDB];
	s0 =	simm.s32 @p2 $0x1  }
0x17: {  	s4 =	simm.s32 $0x1BF5;
	[smem:$0x3FAF] =	sst s0  }
0x18: {  	s0 =	sld [smem:$0x3F92];
	_ =	swait.ge [sflag:s4], $0x0  }
0x19: {  	s7 =	sld [smem:$0x3F93]  }
0x1a: {  	s8 =	sadd.s32 $0xFFFFE003, lr  }
0x1b: {  	s9 =	sadd.s32 $0xFFFFFEF7, lr;
	s5 =	simm.s32 $0xFFFFFFFF;
	p2 =	slt.u32 s8, $0xFFFFF086  }
0x1c: {  	p1 =	slt.u32 s9, $0xF7A;
	s5 =	simm.s32 @!p2 $0x0  }
0x1d: {  	s5 =	simm.s32 @p1 $0x1;
	p0 =	seq.s32 s7, s2  }
0x1e: {  	s7 =	smul.u32 @!p0 $0xF7A, s2;
	p2 =	seq.s32 @!p0 s5, $0x0  }
0x1f: {  	s9 =	smul.u32 $0xF7A, s1;
	s8 =	simm.s32 @!p0 $0x1BF5;
	p2 =	por !p2, p0  }
0x20: {  	[sflag:s8] =	ssyncset.s32 @!p0 $0xFFFFF086;
	s6 =	sadd.s32 @!p0 s3, s7;
	s7 =	simm.s32 @!p0 $0x108  }
0x21: {  	s3 =	sadd.s32 s3, s9;
	s6 =	sadd.s32 @!p0 $0x88, s6;
	s7 =	simm.s32 @p2 $0x1082  }
0x22: {  	[simem:s7], [sflag:s8] =	dma.local @!p0 [hbm:s6], $0xF7A  }
0x23: {  	s9 =	sor.u32 $0xD0000000, s2;
	s6 =	simm.s32 $0x108;
	_ =	swait.ge @!p0 [sflag:s8], $0x0  }
0x24: {  	s3 =	sadd.s32 $0x88, s3;
	s6 =	simm.s32 @!p1 $0x1082;
	[sflag:s4] =	ssyncset.s32 $0xFFFFF086  }
0x25: {  	[simem:s6], [sflag:s4] =	dma.local [hbm:s3], $0xF7A  }
0x26: {  	[smem:$0x3F93] =	sst s1;
	(tag) =	ssettag s2;
	_ =	strace s9  }
0x27: {  	s1 =	sld [smem:$0x3FA3]  }
0x28: {  	s2 =	sld [smem:$0x3FA4]  }
0x29: {  	s4 =	sld [smem:$0x3FA6]  }
0x2a: {  	p0 =	seq.s32 s5, $0x0;
	s5 =	sld [smem:$0x3FA7]  }
0x2b: {  	s6 =	sld [smem:$0x3FA8]  }
0x2c: {  	s7 =	sld [smem:$0x3FA9]  }
0x2d: {  	s3 =	simm.s32 $0x108;
	s8 =	sld [smem:$0x3FAA]  }
0x2e: {  	s3 =	simm.s32 @!p0 $0x1082;
	s9 =	sld [smem:$0x3FAB]  }
0x2f: {  	lr =	sadd.s32 s0, s3;
	s0 =	sld [smem:$0x3FA2]  }
0x30: {  	s3 =	sld [smem:$0x3FA5]  }
0x31: {  	[smem:$0x3FAE] =	sst s10  }
0x32: {  	s10 =	sld [smem:$0x3FAC];
	_ =	sdelay $0x3  }
0x33: {  	p0 =	seq.s32 s10, $0x1;
	s10 =	sld [smem:$0x3FAE];
	_ =	sdelay $0x3  }
0x34: {  	[smem:$0x3FAE] =	sst s10  }
0x35: {  	s10 =	sld [smem:$0x3FAD];
	_ =	sdelay $0x3  }
0x36: {  	p1 =	seq.s32 s10, $0x1;
	s10 =	sld [smem:$0x3FAE];
	_ =	sdelay $0x3  }
0x37: {  	[smem:$0x3FAE] =	sst s10  }
0x38: {  	s10 =	sld [smem:$0x3FAF]  }
0x39: {  	_ = 	snop;
	(pc) =	sbr.ind lr, $3  }
0x3a: {  	_ = 	snop  }
0x3b: {  	_ = 	snop  }
0x3c: {  	p2 =	seq.s32 s10, $0x1;
	s10 =	sld [smem:$0x3FAE]  }
0x3d: {  	_ =	shalt  }
0x3e: {  	_ =	shalt  }
0x3f: {  	_ =	shalt  }
0x40: {  	_ =	shalt  }
0x41: {  	_ =	shalt  }
0x42: {  	_ =	shalt  }
0x43: {  	_ =	shalt  }
0x44: {  	_ =	shalt  }
0x45: {  	_ =	shalt  }
0x46: {  	_ =	shalt  }
0x47: {  	_ =	shalt  }
0x48: {  	_ =	shalt  }
0x49: {  	_ =	shalt  }
0x4a: {  	_ =	shalt  }
0x4b: {  	_ =	shalt  }
0x4c: {  	_ =	shalt  }
0x4d: {  	_ =	shalt  }
0x4e: {  	_ =	shalt  }
0x4f: {  	_ =	shalt  }
0x50: {  	_ =	shalt  }
0x51: {  	_ =	shalt  }
0x52: {  	_ =	shalt  }
0x53: {  	_ =	shalt  }
0x54: {  	_ =	shalt  }
0x55: {  	_ =	shalt  }
0x56: {  	_ =	shalt  }
0x57: {  	_ =	shalt  }
0x58: {  	_ =	shalt  }
0x59: {  	_ =	shalt  }
0x5a: {  	_ =	shalt  }
0x5b: {  	_ =	shalt  }
0x5c: {  	_ =	shalt  }
0x5d: {  	_ =	shalt  }
0x5e: {  	_ =	shalt  }
0x5f: {  	_ =	shalt  }
0x60: {  	_ =	shalt  }
0x61: {  	_ =	shalt  }
0x62: {  	_ =	shalt  }
0x63: {  	_ =	shalt  }
0x64: {  	_ =	shalt  }
0x65: {  	_ =	shalt  }
0x66: {  	_ =	shalt  }
0x67: {  	_ =	shalt  }
0x68: {  	_ =	shalt  }
0x69: {  	_ =	shalt  }
0x6a: {  	_ =	shalt  }
0x6b: {  	_ =	shalt  }
0x6c: {  	_ =	shalt  }
0x6d: {  	_ =	shalt  }
0x6e: {  	_ =	shalt  }
0x6f: {  	_ =	shalt  }
0x70: {  	_ =	shalt  }
0x71: {  	_ =	shalt  }
0x72: {  	_ =	shalt  }
0x73: {  	_ =	shalt  }
0x74: {  	_ =	shalt  }
0x75: {  	_ =	shalt  }
0x76: {  	_ =	shalt  }
0x77: {  	_ =	shalt  }
0x78: {  	_ =	shalt  }
0x79: {  	_ =	shalt  }
0x7a: {  	_ =	shalt  }
0x7b: {  	_ =	shalt  }
0x7c: {  	_ =	shalt  }
0x7d: {  	_ =	shalt  }
0x7e: {  	_ =	shalt  }
0x7f: {  	_ =	shalt  }
0x80: {  	_ =	shalt  }
0x81: {  	_ =	shalt  }
0x82: {  	_ =	shalt  }
0x83: {  	_ =	shalt  }
0x84: {  	_ =	shalt  }
0x85: {  	_ =	shalt  }
0x86: {  	_ =	shalt  }
0x87: {  	_ =	shalt  }
.Lfunc_end0:
.L_simem_size_0:
called_computation_lowered:
.L_overlay_start_0:
0x88: {  	s2 =	sld [smem:$0x3FD9]  }
0x89: {  	s3 =	sld [smem:$0x3FFE];
	_ =	sdelay $0x1  }
0x8a: {  	s1 =	srdreg.scid  }
0x8b: {  	s0 =	sand.u32 $0x1, s1  }
0x8c: {  	s17 =	sshll.u32 s0, $0xA;
	s2 =	sadd.s32 s3, s2  }
0x8d: {  	s2 =	sadd.s32 s2, s17  }
0x8e: {  	[smem:$0x3FBA] =	sst s2  }
0x8f: {  	_ = 	snop  }
0x90: {  	s2 =	sld [smem:$0x3FD0];
	(tm) =	ssettm $0x1  }
0x91: {  	s18 =	sld [smem:$0x3FFB];
	_ =	sdelay $0x3  }
0x92: {  	_ =	strace s18  }
0x93: {  	s3 =	sld [smem:$0x3FFC];
	_ =	sdelay $0x3  }
0x94: {  	_ =	strace s3  }
0x95: {  	s3 =	sld [smem:$0x3FFD];
	_ =	sdelay $0x3  }
0x96: {  	_ =	strace s3  }
0x97: {  	_ =	strace $0x8FFFFFFF  }
0x98: {  	s19 =	sld [smem:$0x3FDB];
	_ =	sdelay $0x1  }
0x99: {  	s4 =	simm.s32 $_scs_section_size  }
0x9a: {  	s5 =	simm.s32 $_size__tile_overlayer_lowered;
	s6 =	simm.s32 $_tile_overlayer_lowered  }
0x9b: {  	s22 =	simm.s32 $0x1BFF;
	s21 =	sshll.u32 s6, $0x1;
	s3 =	sadd.s32 s4, s19  }
0x9c: {  	s7 =	simm.s32 $0x0;
	s20 =	sshll.u32 s5, $0x1;
	s5 =	sadd.s32 s21, s3  }
0x9d: {  	[timem:s7], [sflag:s22] =	dma.local [hbm:s5], s20  }
0x9e: {  	_ =	swait.ge [sflag:s22], s20  }
0x9f: {  	s4 =	ssub.s32 $0x0, s20;
	[sflag:s22] =	ssyncset.done $0x0  }
0xa0: {  	[sflag:s22] =	ssyncadd.s32 s4;
	_ =	sdelay $0x1  }
0xa1: {  	s23 =	simm.s32 $0x1B8B  }
0xa2: {  	_ =	swait.ge [sflag:s23], $0x1  }
0xa3: {  	[sflag:s23] =	ssyncset.done $0x0  }
0xa4: {  	s25 =	simm.s32 $0x1B8E;
	s24 =	sld [smem:$0x3FFE];
	[sflag:s23] =	ssyncadd.s32 $0xFFFFFFFF  }
0xa5: {  	s26 =	simm.s32 $execute0_lowered;
	[smem:$0x3FD2] =	sst s25  }
0xa6: {  	s5 =	sshll.u32 s26, $0x1;
	_ =	strace $0x80000046;
	[dreg:$0x1] =	wrdreg $0xFFFFFFFF  }
0xa7: {  	s28 =	simm.s32 $_size_execute0_lowered;
	s3 =	sadd.s32 s3, s5;
	[dreg:$0x0] =	wrdreg $0x0  }
0xa8: {  	s5 =	sshll.u32 s28, $0x1;
	[dreg:$0x2] =	wrdreg s3  }
0xa9: {  	[dreg:$0x3] =	wrdreg s5  }
0xaa: {  	[dreg:$0x4] =	wrdreg $0xC0  }
0xab: {  	_ =	task [dreg:s7], $0x5FFFF  }
0xac: {  	[dreg:$0x1] =	wrdreg $0xFFFFFFFF  }
0xad: {  	[dreg:$0x0] =	wrdreg $0x60  }
0xae: {  	[dreg:$0x2] =	wrdreg s24  }
0xaf: {  	[dreg:$0x3] =	wrdreg s2  }
0xb0: {  	[dreg:$0x4] =	wrdreg $0x3BA00  }
0xb1: {  	[dreg:$0x5] =	wrdreg $0x9  }
0xb2: {  	_ =	task.clear_ibuf [dreg:s7], $0x6FFFF;
	_ =	strace $0x90000046  }
0xb3: {  	s29 =	simm.s32 $0x9;
	_ =	strace $0x80000048  }
0xb4: {  	_ =	swait.ge [sflag:s29], $0x1  }
0xb5: {  	[sflag:s29] =	ssyncadd.s32 $0xFFFFFFFF  }
0xb6: {  	_ =	strace $0x90000048  }
0xb7: {  	_ =	sfence  }
0xb8: {  	s30 =	sld [smem:$0x0];
	_ =	sdelay $0x2  }
0xb9: {  	s31 =	sshll.u32 s1, $0xD;
	s1 =	sshrl.u32 s1, $0x2  }
0xba: {  	s3 =	sand.u32 $0x4000, s31;
	s1 =	sadd.s32 s1, s30  }
0xbb: {  	s0 =	sor.u32 s3, s0;
	s1 =	sshll.u32 s1, $0x11  }
0xbc: {  	s0 =	sor.u32 s1, s0  }
0xbd: {  	s0 =	sadd.s32 $0x8F2B, s0  }
0xbe: {  	[sflag:s0] =	ssyncadd.remote.s32 $0x1  }
0xbf: {  	_ =	sfence.sel $0xFFFF  }
0xc0: {  	[dreg:$0x0] =	wrdreg $0xFFFFFFFF;
	(pc) =	sbr.abs _section_cstart, $3  }
0xc1: {  	[dreg:$0x1] =	wrdreg $0xFFFFFFFF  }
0xc2: {  	_ =	task.clear_ibuf [dreg:s7], $0x2FFFF;
	_ =	strace $0x9FFFFFFF  }
0xc3: {  	(tm) =	ssettm $0x7FFFFFFF  }
tec
execute0_lowered:
.L_overlay_start_1:
0x0: {  	(tag) =	ssettag $0x1  }
0x1: {  	s8 =	rddreg [dreg:$0x0]  }
0x2: {  	s2 =	rddreg [dreg:$0x1];
	s0 =	srdreg.scid  }
0x3: {  	s3 =	rddreg [dreg:$0x2];
	s1 =	stileid.u32  }
0x4: {  	s4 =	simm.s32 $0x0;
	s14 =	simm.s32 $0xA0;
	s15 =	simm.s32 $0x2DA0  }
0x5: {  	s16 =	simm.s32 $0x1;
	s17 =	simm.s32 $0x2;
	s7 =	smul.u32 $0x900, s1  }
0x6: {  	s9 =	sand.u32 $0x1, s0;
	s0 =	rddreg [dreg:$0x3];
	s12 =	smul.u32 $0x2400, s1  }
0x7: {  	[smem:$0x7FF] =	sst s4;
	s5 =	sadd.s32 $0x2200, s8;
	s6 =	smul.u32 $0x15F900, s9  }
0x8: {  	_ =	strace $0x80000047;
	s11 =	ssub.s32 $0x2, s9;
	s9 =	sshll.u32 s9, $0x4  }
0x9: {  	s29 =	sshrl.u32 s11, $0x1;
	s9 =	sor.u32 s1, s9;
	s31 =	sshrl.u32 s12, $0x2  }
0xa: {  	s12 =	simm.s32 $0x3;
	s10 =	sadd.s32 s7, s6;
	s6 =	sadd.s32 $0x2E200, s8  }
0xb: {  	s7 =	sadd.s32 $0x33200, s8;
	s30 =	ssub.s32 s11, s29;
	s10 =	sshrl.u32 s10, $0x3  }
0xc: {  	s13 =	sadd.s32 s10, s8;
	s8 =	smul.u32 $0x2710, s9;
	s9 =	smax.u32 s30, $0x1  }
0xd: {  	v0 =	vimm.f32 $0.0e+00;
	s10 =	sadd.s32 s31, s3;
	s11 =	sadd.s32 $0x3D000, s13;
	s13 =	simm.s32 $0x50  }
.LBB2_1:
0xe: {  	[tilespmem:$0x32A0] =	vst v0  }
0xf: {  	[tilespmem:$0x32B0] =	vst v0  }
0x10: {  	[tilespmem:$0x32C0] =	vst v0  }
0x11: {  	[tilespmem:$0x32D0] =	vst v0  }
0x12: {  	[tilespmem:$0x32E0] =	vst v0  }
0x13: {  	[tilespmem:$0x32F0] =	vst v0  }
0x14: {  	[tilespmem:$0x3300] =	vst v0  }
0x15: {  	[tilespmem:$0x3310] =	vst v0  }
0x16: {  	[tilespmem:$0x3320] =	vst v0  }
0x17: {  	[tilespmem:$0x3330] =	vst v0  }
0x18: {  	[tilespmem:$0x3340] =	vst v0  }
0x19: {  	[tilespmem:$0x3350] =	vst v0  }
0x1a: {  	[tilespmem:$0x3360] =	vst v0  }
0x1b: {  	[tilespmem:$0x3370] =	vst v0  }
0x1c: {  	[tilespmem:$0x3380] =	vst v0  }
0x1d: {  	[tilespmem:$0x3390] =	vst v0  }
0x1e: {  	[tilespmem:$0x33A0] =	vst v0  }
0x1f: {  	[tilespmem:$0x33B0] =	vst v0  }
0x20: {  	[tilespmem:$0x33C0] =	vst v0  }
0x21: {  	[tilespmem:$0x33D0] =	vst v0  }
0x22: {  	[tilespmem:$0x33E0] =	vst v0  }
0x23: {  	[tilespmem:$0x33F0] =	vst v0  }
0x24: {  	[tilespmem:$0x3400] =	vst v0  }
0x25: {  	[tilespmem:$0x3410] =	vst v0  }
0x26: {  	[tilespmem:$0x3420] =	vst v0  }
0x27: {  	[tilespmem:$0x3430] =	vst v0  }
0x28: {  	[tilespmem:$0x3440] =	vst v0  }
0x29: {  	[tilespmem:$0x3450] =	vst v0  }
0x2a: {  	[tilespmem:$0x3460] =	vst v0  }
0x2b: {  	[tilespmem:$0x3470] =	vst v0  }
0x2c: {  	[tilespmem:$0x3480] =	vst v0  }
0x2d: {  	[tilespmem:$0x3490] =	vst v0  }
0x2e: {  	[tilespmem:$0x34A0] =	vst v0  }
0x2f: {  	[tilespmem:$0x34B0] =	vst v0  }
0x30: {  	[tilespmem:$0x34C0] =	vst v0  }
0x31: {  	[tilespmem:$0x34D0] =	vst v0  }
0x32: {  	[tilespmem:$0x34E0] =	vst v0  }
0x33: {  	[tilespmem:$0x34F0] =	vst v0  }
0x34: {  	[tilespmem:$0x3500] =	vst v0  }
0x35: {  	[tilespmem:$0x3510] =	vst v0  }
0x36: {  	[tilespmem:$0x3520] =	vst v0  }
0x37: {  	[tilespmem:$0x3530] =	vst v0  }
0x38: {  	[tilespmem:$0x3540] =	vst v0  }
0x39: {  	[tilespmem:$0x3550] =	vst v0  }
0x3a: {  	[tilespmem:$0x3560] =	vst v0  }
0x3b: {  	[tilespmem:$0x3570] =	vst v0  }
0x3c: {  	[tilespmem:$0x3580] =	vst v0  }
0x3d: {  	[tilespmem:$0x3590] =	vst v0  }
0x3e: {  	[tilespmem:$0x35A0] =	vst v0  }
0x3f: {  	[tilespmem:$0x35B0] =	vst v0  }
0x40: {  	[tilespmem:$0x35C0] =	vst v0  }
0x41: {  	[tilespmem:$0x35D0] =	vst v0  }
0x42: {  	[tilespmem:$0x35E0] =	vst v0  }
0x43: {  	[tilespmem:$0x35F0] =	vst v0  }
0x44: {  	[tilespmem:$0x3600] =	vst v0  }
0x45: {  	[tilespmem:$0x3610] =	vst v0  }
0x46: {  	[tilespmem:$0x3620] =	vst v0  }
0x47: {  	[tilespmem:$0x3630] =	vst v0  }
0x48: {  	[tilespmem:$0x3640] =	vst v0  }
0x49: {  	[tilespmem:$0x3650] =	vst v0  }
0x4a: {  	[tilespmem:$0x3660] =	vst v0  }
0x4b: {  	[tilespmem:$0x3670] =	vst v0  }
0x4c: {  	[tilespmem:$0x3680] =	vst v0  }
0x4d: {  	[tilespmem:$0x3690] =	vst v0  }
0x4e: {  	[tilespmem:$0x36A0] =	vst v0  }
0x4f: {  	[tilespmem:$0x36B0] =	vst v0  }
0x50: {  	[tilespmem:$0x36C0] =	vst v0  }
0x51: {  	[tilespmem:$0x36D0] =	vst v0  }
0x52: {  	[tilespmem:$0x36E0] =	vst v0  }
0x53: {  	[tilespmem:$0x36F0] =	vst v0  }
0x54: {  	[tilespmem:$0x3700] =	vst v0  }
0x55: {  	[tilespmem:$0x3710] =	vst v0  }
0x56: {  	[tilespmem:$0x3720] =	vst v0  }
0x57: {  	[tilespmem:$0x3730] =	vst v0  }
0x58: {  	[tilespmem:$0x3740] =	vst v0  }
0x59: {  	[tilespmem:$0x3750] =	vst v0  }
0x5a: {  	[tilespmem:$0x3760] =	vst v0  }
0x5b: {  	[tilespmem:$0x3770] =	vst v0  }
0x5c: {  	[tilespmem:$0x3780] =	vst v0  }
0x5d: {  	[tilespmem:$0x3790] =	vst v0  }
0x5e: {  	[tilespmem:$0x37A0] =	vst v0  }
0x5f: {  	[tilespmem:$0x37B0] =	vst v0  }
0x60: {  	[tilespmem:$0x37C0] =	vst v0  }
0x61: {  	[tilespmem:$0x37D0] =	vst v0  }
0x62: {  	[tilespmem:$0x37E0] =	vst v0  }
0x63: {  	[tilespmem:$0x37F0] =	vst v0  }
0x64: {  	[tilespmem:$0x3800] =	vst v0  }
0x65: {  	[tilespmem:$0x3810] =	vst v0  }
0x66: {  	[tilespmem:$0x3820] =	vst v0  }
0x67: {  	[tilespmem:$0x3830] =	vst v0  }
0x68: {  	[tilespmem:$0x3840] =	vst v0  }
0x69: {  	[tilespmem:$0x3850] =	vst v0  }
0x6a: {  	[tilespmem:$0x3860] =	vst v0  }
0x6b: {  	[tilespmem:$0x3870] =	vst v0  }
0x6c: {  	[tilespmem:$0x3880] =	vst v0  }
0x6d: {  	[tilespmem:$0x3890] =	vst v0  }
0x6e: {  	[tilespmem:$0x38A0] =	vst v0  }
0x6f: {  	[tilespmem:$0x38B0] =	vst v0  }
0x70: {  	[tilespmem:$0x38C0] =	vst v0  }
0x71: {  	[tilespmem:$0x38D0] =	vst v0  }
0x72: {  	[tilespmem:$0x38E0] =	vst v0  }
0x73: {  	[tilespmem:$0x38F0] =	vst v0  }
0x74: {  	[tilespmem:$0x3900] =	vst v0  }
0x75: {  	[tilespmem:$0x3910] =	vst v0  }
0x76: {  	[tilespmem:$0x3920] =	vst v0  }
0x77: {  	[tilespmem:$0x3930] =	vst v0  }
0x78: {  	[tilespmem:$0x3940] =	vst v0  }
0x79: {  	[tilespmem:$0x3950] =	vst v0  }
0x7a: {  	[tilespmem:$0x3960] =	vst v0  }
0x7b: {  	[tilespmem:$0x3970] =	vst v0  }
0x7c: {  	[tilespmem:$0x3980] =	vst v0  }
0x7d: {  	[tilespmem:$0x3990] =	vst v0  }
0x7e: {  	[tilespmem:$0x39A0] =	vst v0  }
0x7f: {  	[tilespmem:$0x39B0] =	vst v0  }
0x80: {  	[tilespmem:$0x39C0] =	vst v0  }
0x81: {  	[tilespmem:$0x39D0] =	vst v0  }
0x82: {  	[tilespmem:$0x39E0] =	vst v0  }
0x83: {  	[tilespmem:$0x39F0] =	vst v0  }
0x84: {  	[tilespmem:$0x3A00] =	vst v0  }
0x85: {  	[tilespmem:$0x3A10] =	vst v0  }
0x86: {  	[tilespmem:$0x3A20] =	vst v0  }
0x87: {  	[tilespmem:$0x3A30] =	vst v0  }
0x88: {  	[tilespmem:$0x3A40] =	vst v0  }
0x89: {  	[tilespmem:$0x3A50] =	vst v0  }
0x8a: {  	[tilespmem:$0x3A60] =	vst v0  }
0x8b: {  	[tilespmem:$0x3A70] =	vst v0  }
0x8c: {  	[tilespmem:$0x3A80] =	vst v0  }
0x8d: {  	[tilespmem:$0x3A90] =	vst v0  }
0x8e: {  	[tilespmem:$0x3AA0] =	vst v0  }
0x8f: {  	[tilespmem:$0x3AB0] =	vst v0  }
0x90: {  	[tilespmem:$0x3AC0] =	vst v0  }
0x91: {  	[tilespmem:$0x3AD0] =	vst v0  }
0x92: {  	[tilespmem:$0x3AE0] =	vst v0  }
0x93: {  	[tilespmem:$0x3AF0] =	vst v0  }
0x94: {  	[tilespmem:$0x3B00] =	vst v0  }
0x95: {  	[tilespmem:$0x3B10] =	vst v0  }
0x96: {  	[tilespmem:$0x3B20] =	vst v0  }
0x97: {  	[tilespmem:$0x3B30] =	vst v0  }
0x98: {  	[tilespmem:$0x3B40] =	vst v0  }
0x99: {  	[tilespmem:$0x3B50] =	vst v0  }
0x9a: {  	[tilespmem:$0x3B60] =	vst v0  }
0x9b: {  	[tilespmem:$0x3B70] =	vst v0;
	s18 =	sadd.s32 $0x0, s1  }
0x9c: {  	[tilespmem:$0x3B80] =	vst v0;
	p0 =	sgt.u32 s18, $0x270  }
0x9d: {  	[tilespmem:$0x3B90] =	vst v0;
	s18 =	simm.s32 @!p0 $0x32A0;
	s21 =	simm.s32 @!p0 $0x3  }
0x9e: {  	[spmem:s10] =	stream.linear.scatter @!p0 [tilespmem:s18], [sflag:$0x3], $0x900, $0x38;
	[tilespmem:$0x19B30] =	vst v63  }
0x9f: {  	s19 =	simm.s32 $0x10;
	_ =	swait.ge @!p0 [sflag:s21], $0x900  }
0xa0: {  	s20 =	simm.s32 $0x20;
	s18 =	sadd.s32 $0x9000, s10;
	[sflag:s21] =	ssyncset.done @!p0 $0x0  }
.LBB2_2:
0xa1: {  	s22 =	sadd.s32 s19, s1;
	s19 =	smov.u32 s20;
	s20 =	sadd.s32 $0x10, s20  }
0xa2: {  	[sflag:s21] =	ssyncadd.s32 @!p0 $0xFFFFF700;
	p1 =	sne.s32 s20, $0x280  }
.Ltmp0:
0xa3: {  	p0 =	sgt.u32 s22, $0x270;
	(pc) =	sbr.rel @p1 .LBB2_2-.Ltmp0, $4  }
0xa4: {  	s22 =	simm.s32 @!p0 $0x32A0;
	s21 =	simm.s32 @!p0 $0x3  }
0xa5: {  	[spmem:s18] =	stream.linear.scatter @!p0 [tilespmem:s22], [sflag:$0x3], $0x900, $0x38;
	[tilespmem:$0x19B30] =	vst v63  }
0xa6: {  	_ =	swait.ge @!p0 [sflag:s21], $0x900  }
0xa7: {  	s18 =	sadd.s32 $0x9000, s18;
	[sflag:s21] =	ssyncset.done @!p0 $0x0  }
0xa8: {  	s19 =	sadd.s32 s19, s1  }
0xa9: {  	p1 =	sgt.u32 s19, $0x270  }
0xaa: {  	[sflag:s21] =	ssyncadd.s32 @!p0 $0xFFFFF700;
	s19 =	simm.s32 @!p1 $0x32A0;
	s20 =	simm.s32 @!p1 $0x3  }
0xab: {  	[spmem:s18] =	stream.linear.scatter @!p1 [tilespmem:s19], [sflag:$0x3], $0x900, $0x38;
	[tilespmem:$0x19B30] =	vst v63  }
0xac: {  	_ =	swait.ge @!p1 [sflag:s20], $0x900  }
0xad: {  	[sflag:s20] =	ssyncset.done @!p1 $0x0  }
0xae: {  	[sflag:s20] =	ssyncadd.s32 @!p1 $0xFFFFF700  }
0xaf: {  	s18 =	simm.s32 $0x0;
	s19 =	simm.s32 $0x0;
	[bflag:$0x0] =	sbarrier.arrive $0xFFFF  }
.LBB2_4:
0xb0: {  	s20 =	smul.u32 $0x50, s19;
	_ =	sdelay $0x1  }
0xb1: {  	s20 =	sadd.s32 s8, s20  }
0xb2: {  	s20 =	sshrl.u32 s20, $0x3  }
0xb3: {  	s21 =	sadd.s32 s7, s20  }
0xb4: {  	[tilespmem:s18], [sflag:$0x3] =	stream.linear.gather [hbm4b:s21+s18], $0x50, $0x38;
	[tilespmem:$0x19B30] =	vst v63  }
0xb5: {  	_ =	swait.ge [sflag:s12], $0x50  }
0xb6: {  	[sflag:s12] =	ssyncset.done $0x0  }
0xb7: {  	s20 =	sadd.s32 s2, s20;
	[sflag:s12] =	ssyncadd.s32 $0xFFFFFFB0  }
0xb8: {  	[tilespmem:s13], [sflag:$0x3] =	stream.linear.gather [hbm4b:s20+s18], $0x50, $0x38;
	[tilespmem:$0x19B30] =	vst v63  }
0xb9: {  	_ =	swait.ge [sflag:s12], $0x50  }
0xba: {  	[sflag:s12] =	ssyncset.done $0x0  }
0xbb: {  	[sflag:s12] =	ssyncadd.s32 $0xFFFFFFB0  }
0xbc: {  	[tilespmem:s14], [sflag:$0x1] =	stream.indirect.gather [hbm4b:s5+s13], $0x90, s18, s13, $0xb8;
	[tilespmem:$0x19B30] =	vst v63  }
0xbd: {  	_ = 	snop  }
0xbe: {  	[tilespmem:s15], [sflag:$0x2] =	stream.indirect.gather [hbm4b:s6+s13], $0x10, s13, s13, $0xb8;
	[tilespmem:$0x19B30] =	vst v63  }
0xbf: {  	_ =	swait.ge [sflag:s16], $0x2D00  }
0xc0: {  	[sflag:s16] =	ssyncset.done $0x0  }
0xc1: {  	[sflag:s16] =	ssyncadd.s32 $0xFFFFD300  }
0xc2: {  	_ =	swait.ge [sflag:s17], $0x500  }
0xc3: {  	[sflag:s17] =	ssyncset.done $0x0  }
0xc4: {  	s20 =	simm.s32 $0xE0;
	[sflag:s17] =	ssyncadd.s32 $0xFFFFFB00  }
0xc5: {  	s23 =	simm.s32 $0x0;
	s22 =	simm.s32 $0x40;
	s21 =	simm.s32 $0xE0;
	v1 =	vld [tilespmem:s20+$0x40]  }
.LBB2_5:
0xc6: {  	p0 =	sne.s32 s22, $0x13C0;
	v2 =	vld [tilespmem:s23+$0x2DA0];
	_ =	sdelay $0x4  }
0xc7: {  	v1 =	vadd.f32 v2, v1;
	_ =	sdelay $0x1  }
0xc8: {  	v2 =	vmul.f32 $2.000000030e-01, v1  }
0xc9: {  	vm0 =	vge.f32 v1, $0.0e+00  }
0xca: {  	v1 =	vsel vm0, v1, v2  }
0xcb: {  	v1 =	vmul.f32 $1.442695020e+00, v1;
	_ =	sdelay $0x1  }
0xcc: {  	(erf) = vpow2.f32 v1;
	_ =	sdelay $0x2  }
0xcd: {  	v1 =	vld [tilespmem:s20+$0xFFFFFFF0]  }
0xce: {  	v2 =	vld [tilespmem:s20+$0x30]  }
0xcf: {  	v3 =	vld [tilespmem:s20+$0x20]  }
0xd0: {  	v4 =	vld [tilespmem:s20+$0x10]  }
0xd1: {  	v5 =	vld [tilespmem:s20+$0x0]  }
0xd2: {  	v6 =	vld [tilespmem:s20+$0xFFFFFFE0]  }
0xd3: {  	v7 =	vld [tilespmem:s20+$0xFFFFFFD0];
	v8 =	vpop (erf)  }
0xd4: {  	[tilespmem:s20+$0x40] =	vst v8;
	v9 =	vld [tilespmem:s20+$0xFFFFFFC0];
	v10 =	vbroadcast v8, $0x2;
	v11 =	vbroadcast v8, $0x3  }
0xd5: {  	v12 =	vbroadcast v8, $0x0;
	v8 =	vbroadcast v8, $0x1  }
0xd6: {  	v3 =	vmul.f32 v3, v11;
	v2 =	vmul.f32 v2, v11  }
0xd7: {  	v5 =	vmul.f32 v5, v10;
	v4 =	vmul.f32 v4, v10  }
0xd8: {  	v1 =	vmul.f32 v1, v8;
	v6 =	vmul.f32 v8, v6;
	[tilespmem:s20+$0x30] =	vst v2  }
0xd9: {  	v7 =	vmul.f32 v12, v7;
	v2 =	vmul.f32 v12, v9;
	[tilespmem:s20+$0x20] =	vst v3  }
0xda: {  	[tilespmem:s20+$0x10] =	vst v4  }
.Ltmp1:
0xdb: {  	[tilespmem:s20+$0x0] =	vst v5;
	(pc) =	sbr.rel @p0 .LBB2_5-.Ltmp1, $4  }
0xdc: {  	[tilespmem:s20+$0xFFFFFFF0] =	vst v1  }
0xdd: {  	[tilespmem:s20+$0xFFFFFFE0] =	vst v6  }
0xde: {  	s20 =	sadd.s32 $0x90, s20;
	[tilespmem:s21+$0xFFFFFFD0] =	vst v7  }
0xdf: {  	s23 =	sshra.s32 s22, $0x2;
	s22 =	sadd.s32 $0x40, s22;
	v1 =	vld [tilespmem:s20+$0x40];
	[tilespmem:s21+$0xFFFFFFC0] =	vst v2;
	s21 =	smov.u32 s20  }
0xe0: {  	v2 =	vld [tilespmem:s23+$0x2DA0];
	_ =	sdelay $0x4  }
0xe1: {  	v1 =	vadd.f32 v2, v1;
	_ =	sdelay $0x1  }
0xe2: {  	v2 =	vmul.f32 $2.000000030e-01, v1  }
0xe3: {  	vm0 =	vge.f32 v1, $0.0e+00  }
0xe4: {  	v1 =	vsel vm0, v1, v2  }
0xe5: {  	v1 =	vmul.f32 $1.442695020e+00, v1;
	_ =	sdelay $0x1  }
0xe6: {  	(erf) = vpow2.f32 v1;
	_ =	sdelay $0x6  }
0xe7: {  	v1 =	vld [tilespmem:s20+$0x30]  }
0xe8: {  	v2 =	vld [tilespmem:s20+$0x20]  }
0xe9: {  	v3 =	vld [tilespmem:s20+$0x10];
	v4 =	vpop (erf)  }
0xea: {  	v7 =	vld [tilespmem:s20+$0xFFFFFFF0];
	v6 =	vbroadcast v4, $0x3  }
0xeb: {  	v5 =	vld [tilespmem:s20+$0x0]  }
0xec: {  	v8 =	vld [tilespmem:s20+$0xFFFFFFE0];
	v9 =	vbroadcast v4, $0x2;
	v1 =	vmul.f32 v1, v6  }
0xed: {  	v10 =	vld [tilespmem:s20+$0xFFFFFFD0];
	[tilespmem:s20+$0x40] =	vst v4;
	v11 =	vbroadcast v4, $0x1;
	v2 =	vmul.f32 v2, v6  }
0xee: {  	v62 =	vld [tilespmem:s20+$0xFFFFFFC0];
	v3 =	vmul.f32 v3, v9;
	[tilespmem:s20+$0x30] =	vst v1  }
0xef: {  	v63 =	vmul.f32 v7, v11;
	[tilespmem:s20+$0x20] =	vst v2  }
0xf0: {  	v1 =	vmul.f32 v5, v9;
	v2 =	vbroadcast v4, $0x0;
	[tilespmem:s20+$0x10] =	vst v3  }
0xf1: {  	v3 =	vmul.f32 v11, v8;
	[tilespmem:s20+$0xFFFFFFF0] =	vst v63  }
0xf2: {  	[tilespmem:s20+$0x0] =	vst v1;
	v1 =	vmul.f32 v2, v10  }
0xf3: {  	s19 =	sadd.s32 $0x1, s19;
	v2 =	vmul.f32 v2, v62;
	[tilespmem:s20+$0xFFFFFFE0] =	vst v3  }
0xf4: {  	p0 =	sne.s32 s19, $0x7D;
	[tilespmem:s21+$0xFFFFFFD0] =	vst v1  }
.Ltmp2:
0xf5: {  	[tilespmem:s21+$0xFFFFFFC0] =	vst v2;
	(pc) =	sbr.rel @p0 .LBB2_4-.Ltmp2, $4  }
0xf6: {  	[spmem:s3] =	stream.indirect.scatter.add.f32 [tilespmem:s14], [sflag:$0x3], $0x90, s13, s13, $0xb8;
	[tilespmem:$0x19B30] =	vst v63  }
0xf7: {  	_ =	swait.ge [sflag:s12], $0x2D00  }
0xf8: {  	[sflag:s12] =	ssyncset.done $0x0  }
0xf9: {  	[sflag:s12] =	ssyncadd.s32 $0xFFFFD300  }
0xfa: {  	s18 =	sadd.s32 $0x0, s1  }
0xfb: {  	[bflag:$0x0] =	sbarrier.arrive $0xFFFF;
	p0 =	sgt.u32 s18, $0x270  }
0xfc: {  	s18 =	simm.s32 @!p0 $0x32A0;
	s20 =	simm.s32 @!p0 $0x4;
	p0 =	por p0, p0  }
0xfd: {  	[tilespmem:s18], [sflag:$0x4] =	stream.linear.gather @!p0 [spmem:s10], $0x900, $0x38;
	[tilespmem:$0x19B30] =	vst v63  }
0xfe: {  	_ =	swait.ge @!p0 [sflag:s20], $0x900  }
0xff: {  	s31 =	sadd.s32 $0x10, s1;
	[sflag:s20] =	ssyncset.done @!p0 $0x0  }
0x100: {  	s21 =	simm.s32 @!p0 $0x3;
	[sflag:s20] =	ssyncadd.s32 @!p0 $0xFFFFF700;
	s20 =	simm.s32 @!p0 $0x0  }
0x101: {  	[hbm4b:s11+s20] =	stream.linear.scatter @!p0 [tilespmem:s18], [sflag:$0x3], $0x900, $0x38;
	[tilespmem:$0x19B30] =	vst v63  }
0x102: {  	s19 =	simm.s32 $0x20;
	p1 =	sgt.u32 s31, $0x270;
	_ =	swait.ge @!p0 [sflag:s21], $0x900  }
0x103: {  	s18 =	sadd.s32 $0x1200, s11;
	s20 =	sadd.s32 $0x9000, s10;
	[sflag:s21] =	ssyncset.done @!p0 $0x0  }
.LBB2_8:
0x104: {  	s22 =	simm.s32 @!p1 $0x32A0;
	s23 =	simm.s32 @!p1 $0x4;
	[sflag:s21] =	ssyncadd.s32 @!p0 $0xFFFFF700  }
0x105: {  	s24 =	smov.u32 s19;
	p0 =	por p1, p1;
	s19 =	sadd.s32 $0x10, s19  }
0x106: {  	[tilespmem:s22], [sflag:$0x4] =	stream.linear.gather @!p0 [spmem:s20], $0x900, $0x38;
	[tilespmem:$0x19B30] =	vst v63  }
0x107: {  	p2 =	sne.s32 s19, $0x280;
	_ =	swait.ge @!p0 [sflag:s23], $0x900  }
.Ltmp3:
0x108: {  	[sflag:s23] =	ssyncset.done @!p0 $0x0;
	(pc) =	sbr.rel @p2 .LBB2_8-.Ltmp3, $4  }
0x109: {  	s21 =	simm.s32 @!p0 $0x3;
	[sflag:s23] =	ssyncadd.s32 @!p0 $0xFFFFF700;
	s23 =	simm.s32 @!p0 $0x0  }
0x10a: {  	[hbm4b:s18+s23] =	stream.linear.scatter @!p0 [tilespmem:s22], [sflag:$0x3], $0x900, $0x38;
	[tilespmem:$0x19B30] =	vst v63  }
0x10b: {  	s22 =	sadd.s32 s24, s1;
	s18 =	sadd.s32 $0x1200, s18;
	_ =	swait.ge @!p0 [sflag:s21], $0x900  }
0x10c: {  	s20 =	sadd.s32 $0x9000, s20;
	p1 =	sgt.u32 s22, $0x270;
	[sflag:s21] =	ssyncset.done @!p0 $0x0  }
0x10d: {  	s19 =	simm.s32 @!p1 $0x32A0  }
0x10e: {  	s22 =	simm.s32 @!p1 $0x4;
	[sflag:s21] =	ssyncadd.s32 @!p0 $0xFFFFF700;
	p0 =	por p1, p1  }
0x10f: {  	[tilespmem:s19], [sflag:$0x4] =	stream.linear.gather @!p0 [spmem:s20], $0x900, $0x38;
	[tilespmem:$0x19B30] =	vst v63  }
0x110: {  	s4 =	sadd.s32 $0x1, s4;
	_ =	swait.ge @!p0 [sflag:s22], $0x900  }
0x111: {  	s20 =	simm.s32 @!p0 $0x0;
	p1 =	sne.s32 s4, s9;
	[sflag:s22] =	ssyncset.done @!p0 $0x0  }
.Ltmp4:
0x112: {  	s21 =	simm.s32 @!p0 $0x3;
	[sflag:s22] =	ssyncadd.s32 @!p0 $0xFFFFF700;
	(pc) =	sbr.rel @p1 .LBB2_1-.Ltmp4, $4  }
0x113: {  	[hbm4b:s18+s20] =	stream.linear.scatter @!p0 [tilespmem:s19], [sflag:$0x3], $0x900, $0x38;
	[tilespmem:$0x19B30] =	vst v63  }
0x114: {  	_ =	swait.ge @!p0 [sflag:s21], $0x900  }
0x115: {  	[sflag:s21] =	ssyncset.done @!p0 $0x0  }
0x116: {  	[sflag:s21] =	ssyncadd.s32 @!p0 $0xFFFFF700  }
0x117: {  	_ =	sfence.sel $0x180000  }
0x118: {  	[bflag:$0x0] =	sbarrier.arrive $0xFFFF  }
0x119: {  	p0 =	sne.s32 s1, $0x0;
	_ =	strace $0x90000047  }
0x11a: {  	s0 =	sadd.s32 @!p0 $0x100000, s0;
	[bflag:$0x2] =	sbarrier.arrive $0xFFFF  }
0x11b: {  	[sflag:s0] =	ssyncadd.tile.s32 @!p0 $0x1;
	_ =	shalt  }
.Lfunc_end2:
_tile_overlayer_lowered:
.L_overlay_start_2:
0x11c: {  	(tag) =	ssettag $0x2  }
0x11d: {  	s0 =	rddreg [dreg:$0x0];
	s2 =	stileid.u32  }
0x11e: {  	s1 =	rddreg [dreg:$0x1];
	p0 =	sne.s32 s2, $0x0  }
0x11f: {  	s3 =	rddreg [dreg:$0x2];
	[bflag:$0x3] =	sbarrier.arrive $0xFFFF;
	s2 =	simm.s32 @!p0 $0x1C03  }
0x120: {  	[timem:s3], [sflag:s2] =	dma.local @!p0 [hbm:s0], s1  }
0x121: {  	s0 =	simm.s32 @!p0 $0x3  }
0x122: {  	_ =	swait.ge @!p0 [sflag:s0], s1  }
0x123: {  	s1 =	ssub.s32 @!p0 $0x0, s1;
	[sflag:s0] =	ssyncset.done @!p0 $0x0  }
0x124: {  	[sflag:s0] =	ssyncadd.s32 @!p0 s1  }
0x125: {  	[bflag:$0x3] =	sbarrier.arrive $0xFFFF  }
0x126: {  	_ =	shalt  }

</sc_bundles>
